<compile_context>
chip_gen: v7x
topology: tpu7x:2x2x1
jax: 0.10.2.dev20260603
libtpu: 0.0.44.dev20260713+nightly
codegen_flags: <defaults>
</compile_context>

<pallas_src>
import functools

import jax
import jax.numpy as jnp
from jax import lax
from jax.experimental import pallas as pl
from jax.experimental.pallas import tpu as pltpu
from jax.experimental.pallas import tpu_sc as plsc

_LEVELS = 16
_F = 8
_RES = [2 * i + 1 for i in range(2, _LEVELS + 2)]
_GBASE = [0]
for _r in _RES:
    _GBASE.append(_GBASE[-1] + _r)
_TOT_ROWS = _GBASE[-1]
_ROWS_PAD = _TOT_ROWS + 8
_SPAD_WORDS = _F * _ROWS_PAD

_N = 1_000_000
_NT = 32
_VPT = 1953
_PER_TILE = _VPT * 16
_CH_V = 9
_CH_P = _CH_V * 16
_NCH = _VPT // _CH_V
_TAIL_BASE = _NT * _PER_TILE
_OUT_W = _LEVELS * _F
_OSTRIDE = _OUT_W + 8
_OWIN = 15 * _OSTRIDE + _F


def _level_lerp(xv, rm1, gb, rowbase8, c_v, o_pad, lane_f):
    scaled = xv * rm1
    i0 = scaled.astype(jnp.int32)
    frac = scaled - i0.astype(jnp.float32)
    idx0 = i0 + gb
    for f in range(_F):
        w = plsc.load_gather(c_v.at[pl.ds(f * _ROWS_PAD, _ROWS_PAD)], [idx0])
        s0 = plsc.bitcast(w, jnp.float32)
        d = plsc.bitcast(w << 16, jnp.float32)
        o = s0 + frac * d
        plsc.store_scatter(o_pad.at[pl.ds(rowbase8, _OWIN)], [lane_f[f]], o)


def _chunk_compute(x_vk, o_pad, c_v, lane_f, nv):
    @plsc.parallel_loop(0, nv * _LEVELS, unroll=4)
    def _work(i):
        v = i >> 4
        l = i & (_LEVELS - 1)
        xv = x_vk[pl.ds(v * 16, 16)]
        rm1 = (2 * l + 4).astype(jnp.float32)
        gb = l * (l + 4)
        _level_lerp(xv, rm1, gb, v * (16 * _OSTRIDE) + l * _F, c_v, o_pad, lane_f)


def _compact(o_pad, o_dk, nrows):
    @plsc.parallel_loop(0, nrows, unroll=2)
    def _rows(r):
        vals = [o_pad[pl.ds(r * _OSTRIDE + 16 * k, 16)] for k in range(8)]
        for k in range(8):
            o_dk[r, pl.ds(16 * k, 16)] = vals[k]


def _sc_body(x_hbm, c_hbm, out_hbm, c_v, x_v0, x_v1, o_pad, o_d0, o_d1, so0, so1):
    wid = lax.axis_index("c") * 16 + lax.axis_index("s")
    base_pt = wid * _PER_TILE
    pltpu.sync_copy(c_hbm, c_v)
    lane_base = lax.iota(jnp.int32, 16) * _OSTRIDE
    lane_f = [lane_base + f for f in range(_F)]
    chunk_words = _CH_P * _OUT_W

    def sub_iter(c, x_vk, o_dk, sok):
        cbase = base_pt + c * _CH_P
        pltpu.sync_copy(x_hbm.at[pl.ds(cbase, _CH_P)], x_vk)
        _chunk_compute(x_vk, o_pad, c_v, lane_f, _CH_V)

        @pl.when(c >= 2)
        def _drain():
            pltpu.make_async_copy(
                o_dk, out_hbm.at[pl.ds(0, _CH_P)], sok
            ).wait()

        _compact(o_pad, o_dk, _CH_P)
        pltpu.async_copy(
            o_dk, out_hbm.at[pl.ds(cbase, _CH_P)], sok
        )

    def pair_body(p, carry):
        sub_iter(2 * p, x_v0, o_d0, so0)

        @pl.when(2 * p + 1 < _NCH)
        def _b():
            sub_iter(2 * p + 1, x_v1, o_d1, so1)

        return carry

    lax.fori_loop(0, (_NCH + 1) // 2, pair_body, 0)
    pltpu.make_async_copy(o_d0, out_hbm.at[pl.ds(0, _CH_P)], so0).wait()
    pltpu.make_async_copy(o_d1, out_hbm.at[pl.ds(0, _CH_P)], so1).wait()

    @pl.when(wid < 4)
    def _tail():
        tbase = _TAIL_BASE + wid * 16
        pltpu.sync_copy(x_hbm.at[pl.ds(tbase, 16)], x_v0.at[pl.ds(0, 16)])
        xv = x_v0[pl.ds(0, 16)]
        for l in range(_LEVELS):
            _level_lerp(
                xv,
                jnp.float32(_RES[l] - 1),
                jnp.int32(_GBASE[l]),
                l * _F,
                c_v,
                o_pad,
                lane_f,
            )
        _compact(o_pad, o_d0, 16)
        pltpu.sync_copy(
            o_d0.at[pl.ds(0, 16)], out_hbm.at[pl.ds(tbase, 16)]
        )


def _pack_table(storages):
    s_cat = jnp.concatenate(storages, axis=0)
    s_next = jnp.concatenate([s_cat[1:], jnp.zeros((1, _F), jnp.float32)], axis=0)
    d = s_next - s_cat
    db = lax.bitcast_convert_type(d.astype(jnp.bfloat16), jnp.uint16).astype(
        jnp.uint32
    )
    sbits = lax.bitcast_convert_type(s_cat, jnp.uint32)
    t = sbits + jnp.uint32(0x8000)
    hb = jnp.where(t >= db, (t - db) >> 16, jnp.uint32(0))
    neg = sbits >= jnp.uint32(0x80000000)
    lo = jnp.where(neg, jnp.uint32(0x8000), jnp.uint32(0))
    hi = jnp.where(neg, jnp.uint32(0xFFFF), jnp.uint32(0x7FFF))
    hb = jnp.clip(hb, lo, hi)
    w = lax.bitcast_convert_type((hb << 16) | db, jnp.int32)
    wt = jnp.zeros((_F, _ROWS_PAD), jnp.int32).at[:, : _TOT_ROWS].set(w.T)
    return wt.reshape(-1)


def kernel(input, storages):
    n = input.shape[0]
    assert n == _N, n
    x = input.reshape(n)
    c_packed = _pack_table(storages)

    mesh = plsc.VectorSubcoreMesh(core_axis_name="c", subcore_axis_name="s")
    f = pl.kernel(
        _sc_body,
        out_type=jax.ShapeDtypeStruct((n, _OUT_W), jnp.float32),
        mesh=mesh,
        compiler_params=pltpu.CompilerParams(needs_layout_passes=False),
        scratch_types=[
            pltpu.VMEM((_SPAD_WORDS,), jnp.int32),
            pltpu.VMEM((_CH_P,), jnp.float32),
            pltpu.VMEM((_CH_P,), jnp.float32),
            pltpu.VMEM((_CH_V * 16 * _OSTRIDE,), jnp.float32),
            pltpu.VMEM((_CH_P, _OUT_W), jnp.float32),
            pltpu.VMEM((_CH_P, _OUT_W), jnp.float32),
            pltpu.SemaphoreType.DMA,
            pltpu.SemaphoreType.DMA,
        ],
    )
    out = f(x, c_packed)
    return out.reshape(n, _LEVELS, _F)

# --- scband reference (transcript-rebuilt; emitter-appended) ---
"""Pipeline reference for scband-dense-grid-63806034149465 (READ-ONLY COPY).

The authoritative reference and input builder live on the scoring server;
editing this copy changes nothing except your own understanding.
"""

import jax, jax.numpy as jnp
import numpy as np

LEVELS = 16
FEATURES = 8
RESOLUTIONS = [2 * i + 1 for i in range(2, LEVELS + 2)]
N_POINTS = 1000000


def setup_inputs(seed: int = 0) -> dict:
    key = jax.random.key(seed)
    keys = jax.random.split(key, LEVELS + 1)
    inp = jax.random.uniform(keys[0], (N_POINTS, 1), dtype=jnp.float32)
    storages = tuple(
        jax.random.normal(keys[1 + lvl], (RESOLUTIONS[lvl], FEATURES), dtype=jnp.float32)
        for lvl in range(LEVELS)
    )
    return {"input": inp, "storages": storages}


def reference(input, storages):
    # input: float32[N, 1] with dim == 1 (only 1D path in the torch module)
    outputs = []
    for level in range(LEVELS):
        storage = storages[level]
        scaled = input * (RESOLUTIONS[level] - 1)            # [N, 1]
        i0 = jnp.floor(scaled).astype(jnp.int32)              # [N, 1]
        i1 = jnp.ceil(scaled).astype(jnp.int32)               # [N, 1]
        t = (1.0 - (scaled - i0.astype(scaled.dtype)))[..., None]  # [N, 1, 1]
        out = t * storage[i0] + (1.0 - t) * storage[i1]       # gather -> [N, 1, F]
        outputs.append(out)
    return jnp.concatenate(outputs, axis=1)                   # [N, LEVELS, F]

if __name__ == "__main__":
    import jax
    _d = setup_inputs()
    print(jax.jit(kernel)(*tuple(_d.values())))

</pallas_src>

<mosaic_0001>
#map = affine_map<(d0, d1) -> (0)>
#map1 = affine_map<(d0, d1) -> (0, 0)>
module attributes {stable_mosaic.version = 14 : i64} {
  func.func @_sc_body(%arg0: i32, %arg1: i32, %arg2: memref<1000000xf32, #tpu.memory_space<hbm>>, %arg3: memref<2624xi32, #tpu.memory_space<hbm>>, %arg4: memref<1000000x128xf32, #tpu.memory_space<hbm>>, %arg5: memref<2624xi32, #tpu.memory_space<vmem>>, %arg6: memref<144xf32, #tpu.memory_space<vmem>>, %arg7: memref<144xf32, #tpu.memory_space<vmem>>, %arg8: memref<19584xf32, #tpu.memory_space<vmem>>, %arg9: memref<144x128xf32, #tpu.memory_space<vmem>>, %arg10: memref<144x128xf32, #tpu.memory_space<vmem>>, %arg11: memref<!tpu.dma_semaphore, #tpu.memory_space<semaphore_mem>>, %arg12: memref<!tpu.dma_semaphore, #tpu.memory_space<semaphore_mem>>) attributes {dimension_semantics = [#tpu.dimension_semantics<core_parallel>, #tpu.dimension_semantics<subcore_parallel>], iteration_bounds = array<i64: 2, 16>, scalar_prefetch = 0 : i64, scratch_operands = 8 : i64, tpu.core_type = #tpu.core_type<sc_vector_subcore>, window_params = [{transform_indices = #map}, {transform_indices = #map}, {transform_indices = #map1}]} {
    %mul3A = arith.constant 16 : i32
    %mul3A_0 = arith.muli %arg0, %mul3A : i32
    %add3A = arith.addi %mul3A_0, %arg1 : i32
    %mul3A_1 = arith.constant 31248 : i32
    %mul3A_2 = arith.muli %add3A, %mul3A_1 : i32
    "tpu.region"() ({
      %run_scoped3A = tpu.sem_alloc : memref<!tpu.dma_semaphore, #tpu.memory_space<semaphore_mem>>
      tpu.enqueue_dma source(%arg3 : memref<2624xi32, #tpu.memory_space<hbm>>) target(%arg5 : memref<2624xi32, #tpu.memory_space<vmem>>) target_semaphore(%run_scoped3A : memref<!tpu.dma_semaphore, #tpu.memory_space<semaphore_mem>>)
      tpu.wait_dma2 semaphore(%run_scoped3A : memref<!tpu.dma_semaphore, #tpu.memory_space<semaphore_mem>>) src(%arg3 : memref<2624xi32, #tpu.memory_space<hbm>>) dst(%arg5 : memref<2624xi32, #tpu.memory_space<vmem>>)
      tpu.yield
    }) : () -> ()
    %iota3A = tpu.iota {dimensions = array<i32: 0>} : vector<16xi32>
    %mul3A_3 = arith.constant 136 : i32
    %mul3A_4 = vector.broadcast %mul3A_3 : i32 to vector<16xi32>
    %mul3A_5 = arith.muli %iota3A, %mul3A_4 : vector<16xi32>
    %add3A_6 = arith.constant 0 : i32
    %add3A_7 = vector.broadcast %add3A_6 : i32 to vector<16xi32>
    %add3A_8 = arith.addi %mul3A_5, %add3A_7 : vector<16xi32>
    %add3A_9 = arith.constant 1 : i32
    %add3A_10 = vector.broadcast %add3A_9 : i32 to vector<16xi32>
    %add3A_11 = arith.addi %mul3A_5, %add3A_10 : vector<16xi32>
    %add3A_12 = arith.constant 2 : i32
    %add3A_13 = vector.broadcast %add3A_12 : i32 to vector<16xi32>
    %add3A_14 = arith.addi %mul3A_5, %add3A_13 : vector<16xi32>
    %add3A_15 = arith.constant 3 : i32
    %add3A_16 = vector.broadcast %add3A_15 : i32 to vector<16xi32>
    %add3A_17 = arith.addi %mul3A_5, %add3A_16 : vector<16xi32>
    %add3A_18 = arith.constant 4 : i32
    %add3A_19 = vector.broadcast %add3A_18 : i32 to vector<16xi32>
    %add3A_20 = arith.addi %mul3A_5, %add3A_19 : vector<16xi32>
    %add3A_21 = arith.constant 5 : i32
    %add3A_22 = vector.broadcast %add3A_21 : i32 to vector<16xi32>
    %add3A_23 = arith.addi %mul3A_5, %add3A_22 : vector<16xi32>
    %add3A_24 = arith.constant 6 : i32
    %add3A_25 = vector.broadcast %add3A_24 : i32 to vector<16xi32>
    %add3A_26 = arith.addi %mul3A_5, %add3A_25 : vector<16xi32>
    %add3A_27 = arith.constant 7 : i32
    %add3A_28 = vector.broadcast %add3A_27 : i32 to vector<16xi32>
    %add3A_29 = arith.addi %mul3A_5, %add3A_28 : vector<16xi32>
    %scan3A = arith.constant 0 : i32
    %scan3A_30 = arith.constant 0 : i32
    %scan3A_31 = arith.constant 109 : i32
    %scan3A_32 = arith.addi %scan3A_30, %scan3A_31 : i32
    %scan3A_33 = arith.constant 1 : i32
    scf.for %scan3A_48 = %scan3A_30 to %scan3A_32 step %scan3A_33  : i32 {
      %mul3A_49 = arith.constant 2 : i32
      %mul3A_50 = arith.muli %mul3A_49, %scan3A_48 : i32
      %mul3A_51 = arith.constant 144 : i32
      %mul3A_52 = arith.muli %mul3A_50, %mul3A_51 : i32
      %add3A_53 = arith.addi %mul3A_2, %mul3A_52 : i32
      "tpu.region"() ({
        %run_scoped3A = tpu.sem_alloc : memref<!tpu.dma_semaphore, #tpu.memory_space<semaphore_mem>>
        %dma_start3A_75 = tpu.memref_slice %arg2[%add3A_53] : memref<1000000xf32, #tpu.memory_space<hbm>> -> memref<144xf32, #tpu.memory_space<hbm>>
        %dma_start3A_76 = tpu.memref_slice %arg2[%add3A_53] : memref<1000000xf32, #tpu.memory_space<hbm>> -> memref<144xf32, #tpu.memory_space<hbm>>
        tpu.enqueue_dma source(%dma_start3A_76 : memref<144xf32, #tpu.memory_space<hbm>>) target(%arg6 : memref<144xf32, #tpu.memory_space<vmem>>) target_semaphore(%run_scoped3A : memref<!tpu.dma_semaphore, #tpu.memory_space<semaphore_mem>>)
        %dma_wait3A_77 = tpu.memref_slice %arg2[%add3A_53] : memref<1000000xf32, #tpu.memory_space<hbm>> -> memref<144xf32, #tpu.memory_space<hbm>>
        %dma_wait3A_78 = tpu.memref_slice %arg2[%add3A_53] : memref<1000000xf32, #tpu.memory_space<hbm>> -> memref<144xf32, #tpu.memory_space<hbm>>
        tpu.wait_dma2 semaphore(%run_scoped3A : memref<!tpu.dma_semaphore, #tpu.memory_space<semaphore_mem>>) src(%dma_wait3A_78 : memref<144xf32, #tpu.memory_space<hbm>>) dst(%arg6 : memref<144xf32, #tpu.memory_space<vmem>>)
        tpu.yield
      }) : () -> ()
      %parallel_loop3A = arith.constant 0 : i32
      %parallel_loop3A_54 = arith.constant 144 : i32
      %parallel_loop3A_55 = arith.constant 1 : i32
      scf.for %parallel_loop3A_75 = %parallel_loop3A to %parallel_loop3A_54 step %parallel_loop3A_55  : i32 {
        %parallel_loop3A_76 = arith.constant 4 : i32
        %parallel_loop3A_77 = arith.shrsi %parallel_loop3A_75, %parallel_loop3A_76 : i32
        %parallel_loop3A_78 = arith.constant 15 : i32
        %parallel_loop3A_79 = arith.andi %parallel_loop3A_75, %parallel_loop3A_78 : i32
        %parallel_loop3A_80 = arith.constant 16 : i32
        %parallel_loop3A_81 = arith.muli %parallel_loop3A_77, %parallel_loop3A_80 : i32
        %parallel_loop3A_82 = arith.index_cast %parallel_loop3A_81 : i32 to index
        %parallel_loop3A_83 = tpu.vector_load %arg6[%parallel_loop3A_82] {strides = array<i32>} : memref<144xf32, #tpu.memory_space<vmem>>, vector<16xf32>,
        %parallel_loop3A_84 = arith.constant 2 : i32
        %parallel_loop3A_85 = arith.muli %parallel_loop3A_84, %parallel_loop3A_79 : i32
        %parallel_loop3A_86 = arith.constant 4 : i32
        %parallel_loop3A_87 = arith.addi %parallel_loop3A_85, %parallel_loop3A_86 : i32
        %parallel_loop3A_88 = arith.sitofp %parallel_loop3A_87 : i32 to f32
        %parallel_loop3A_89 = arith.constant 4 : i32
        %parallel_loop3A_90 = arith.addi %parallel_loop3A_79, %parallel_loop3A_89 : i32
        %parallel_loop3A_91 = arith.muli %parallel_loop3A_79, %parallel_loop3A_90 : i32
        %parallel_loop3A_92 = arith.constant 2176 : i32
        %parallel_loop3A_93 = arith.muli %parallel_loop3A_77, %parallel_loop3A_92 : i32
        %parallel_loop3A_94 = arith.constant 8 : i32
        %parallel_loop3A_95 = arith.muli %parallel_loop3A_79, %parallel_loop3A_94 : i32
        %parallel_loop3A_96 = arith.addi %parallel_loop3A_93, %parallel_loop3A_95 : i32
        %parallel_loop3A_97 = vector.broadcast %parallel_loop3A_88 : f32 to vector<16xf32>
        %parallel_loop3A_98 = arith.mulf %parallel_loop3A_83, %parallel_loop3A_97 : vector<16xf32>
        %parallel_loop3A_99 = arith.fptosi %parallel_loop3A_98 : vector<16xf32> to vector<16xi32>
        %parallel_loop3A_100 = arith.sitofp %parallel_loop3A_99 : vector<16xi32> to vector<16xf32>
        %parallel_loop3A_101 = arith.subf %parallel_loop3A_98, %parallel_loop3A_100 : vector<16xf32>
        %parallel_loop3A_102 = vector.broadcast %parallel_loop3A_91 : i32 to vector<16xi32>
        %parallel_loop3A_103 = arith.addi %parallel_loop3A_99, %parallel_loop3A_102 : vector<16xi32>
        %parallel_loop3A_104 = arith.constant 0 : i32
        %parallel_loop3A_105 = tpu.memref_slice %arg5[%parallel_loop3A_104] : memref<2624xi32, #tpu.memory_space<vmem>> -> memref<328xi32, #tpu.memory_space<vmem>>
        %parallel_loop3A_106 = tpu.vector_load_idx %parallel_loop3A_105[%parallel_loop3A_103] : memref<328xi32, #tpu.memory_space<vmem>>[vector<16xi32>], vector<16xi32>,
        %parallel_loop3A_107 = vector.bitcast %parallel_loop3A_106 : vector<16xi32> to vector<16xf32>
        %parallel_loop3A_108 = arith.constant 16 : i32
        %parallel_loop3A_109 = vector.broadcast %parallel_loop3A_108 : i32 to vector<16xi32>
        %parallel_loop3A_110 = arith.shli %parallel_loop3A_106, %parallel_loop3A_109 : vector<16xi32>
        %parallel_loop3A_111 = vector.bitcast %parallel_loop3A_110 : vector<16xi32> to vector<16xf32>
        %parallel_loop3A_112 = arith.mulf %parallel_loop3A_101, %parallel_loop3A_111 : vector<16xf32>
        %parallel_loop3A_113 = arith.addf %parallel_loop3A_107, %parallel_loop3A_112 : vector<16xf32>
        %parallel_loop3A_114 = tpu.memref_slice %arg8[%parallel_loop3A_96] : memref<19584xf32, #tpu.memory_space<vmem>> -> memref<2048xf32, #tpu.memory_space<vmem>>
        tpu.vector_store_idx %parallel_loop3A_114[%add3A_8], %parallel_loop3A_113 : memref<2048xf32, #tpu.memory_space<vmem>>[vector<16xi32>], vector<16xf32>,
        %parallel_loop3A_115 = arith.constant 328 : i32
        %parallel_loop3A_116 = tpu.memref_slice %arg5[%parallel_loop3A_115] : memref<2624xi32, #tpu.memory_space<vmem>> -> memref<328xi32, #tpu.memory_space<vmem>>
        %parallel_loop3A_117 = tpu.vector_load_idx %parallel_loop3A_116[%parallel_loop3A_103] : memref<328xi32, #tpu.memory_space<vmem>>[vector<16xi32>], vector<16xi32>,
        %parallel_loop3A_118 = vector.bitcast %parallel_loop3A_117 : vector<16xi32> to vector<16xf32>
        %parallel_loop3A_119 = arith.constant 16 : i32
        %parallel_loop3A_120 = vector.broadcast %parallel_loop3A_119 : i32 to vector<16xi32>
        %parallel_loop3A_121 = arith.shli %parallel_loop3A_117, %parallel_loop3A_120 : vector<16xi32>
        %parallel_loop3A_122 = vector.bitcast %parallel_loop3A_121 : vector<16xi32> to vector<16xf32>
        %parallel_loop3A_123 = arith.mulf %parallel_loop3A_101, %parallel_loop3A_122 : vector<16xf32>
        %parallel_loop3A_124 = arith.addf %parallel_loop3A_118, %parallel_loop3A_123 : vector<16xf32>
        %parallel_loop3A_125 = tpu.memref_slice %arg8[%parallel_loop3A_96] : memref<19584xf32, #tpu.memory_space<vmem>> -> memref<2048xf32, #tpu.memory_space<vmem>>
        tpu.vector_store_idx %parallel_loop3A_125[%add3A_11], %parallel_loop3A_124 : memref<2048xf32, #tpu.memory_space<vmem>>[vector<16xi32>], vector<16xf32>,
        %parallel_loop3A_126 = arith.constant 656 : i32
        %parallel_loop3A_127 = tpu.memref_slice %arg5[%parallel_loop3A_126] : memref<2624xi32, #tpu.memory_space<vmem>> -> memref<328xi32, #tpu.memory_space<vmem>>
        %parallel_loop3A_128 = tpu.vector_load_idx %parallel_loop3A_127[%parallel_loop3A_103] : memref<328xi32, #tpu.memory_space<vmem>>[vector<16xi32>], vector<16xi32>,
        %parallel_loop3A_129 = vector.bitcast %parallel_loop3A_128 : vector<16xi32> to vector<16xf32>
        %parallel_loop3A_130 = arith.constant 16 : i32
        %parallel_loop3A_131 = vector.broadcast %parallel_loop3A_130 : i32 to vector<16xi32>
        %parallel_loop3A_132 = arith.shli %parallel_loop3A_128, %parallel_loop3A_131 : vector<16xi32>
        %parallel_loop3A_133 = vector.bitcast %parallel_loop3A_132 : vector<16xi32> to vector<16xf32>
        %parallel_loop3A_134 = arith.mulf %parallel_loop3A_101, %parallel_loop3A_133 : vector<16xf32>
        %parallel_loop3A_135 = arith.addf %parallel_loop3A_129, %parallel_loop3A_134 : vector<16xf32>
        %parallel_loop3A_136 = tpu.memref_slice %arg8[%parallel_loop3A_96] : memref<19584xf32, #tpu.memory_space<vmem>> -> memref<2048xf32, #tpu.memory_space<vmem>>
        tpu.vector_store_idx %parallel_loop3A_136[%add3A_14], %parallel_loop3A_135 : memref<2048xf32, #tpu.memory_space<vmem>>[vector<16xi32>], vector<16xf32>,
        %parallel_loop3A_137 = arith.constant 984 : i32
        %parallel_loop3A_138 = tpu.memref_slice %arg5[%parallel_loop3A_137] : memref<2624xi32, #tpu.memory_space<vmem>> -> memref<328xi32, #tpu.memory_space<vmem>>
        %parallel_loop3A_139 = tpu.vector_load_idx %parallel_loop3A_138[%parallel_loop3A_103] : memref<328xi32, #tpu.memory_space<vmem>>[vector<16xi32>], vector<16xi32>,
        %parallel_loop3A_140 = vector.bitcast %parallel_loop3A_139 : vector<16xi32> to vector<16xf32>
        %parallel_loop3A_141 = arith.constant 16 : i32
        %parallel_loop3A_142 = vector.broadcast %parallel_loop3A_141 : i32 to vector<16xi32>
        %parallel_loop3A_143 = arith.shli %parallel_loop3A_139, %parallel_loop3A_142 : vector<16xi32>
        %parallel_loop3A_144 = vector.bitcast %parallel_loop3A_143 : vector<16xi32> to vector<16xf32>
        %parallel_loop3A_145 = arith.mulf %parallel_loop3A_101, %parallel_loop3A_144 : vector<16xf32>
        %parallel_loop3A_146 = arith.addf %parallel_loop3A_140, %parallel_loop3A_145 : vector<16xf32>
        %parallel_loop3A_147 = tpu.memref_slice %arg8[%parallel_loop3A_96] : memref<19584xf32, #tpu.memory_space<vmem>> -> memref<2048xf32, #tpu.memory_space<vmem>>
        tpu.vector_store_idx %parallel_loop3A_147[%add3A_17], %parallel_loop3A_146 : memref<2048xf32, #tpu.memory_space<vmem>>[vector<16xi32>], vector<16xf32>,
        %parallel_loop3A_148 = arith.constant 1312 : i32
        %parallel_loop3A_149 = tpu.memref_slice %arg5[%parallel_loop3A_148] : memref<2624xi32, #tpu.memory_space<vmem>> -> memref<328xi32, #tpu.memory_space<vmem>>
        %parallel_loop3A_150 = tpu.vector_load_idx %parallel_loop3A_149[%parallel_loop3A_103] : memref<328xi32, #tpu.memory_space<vmem>>[vector<16xi32>], vector<16xi32>,
        %parallel_loop3A_151 = vector.bitcast %parallel_loop3A_150 : vector<16xi32> to vector<16xf32>
        %parallel_loop3A_152 = arith.constant 16 : i32
        %parallel_loop3A_153 = vector.broadcast %parallel_loop3A_152 : i32 to vector<16xi32>
        %parallel_loop3A_154 = arith.shli %parallel_loop3A_150, %parallel_loop3A_153 : vector<16xi32>
        %parallel_loop3A_155 = vector.bitcast %parallel_loop3A_154 : vector<16xi32> to vector<16xf32>
        %parallel_loop3A_156 = arith.mulf %parallel_loop3A_101, %parallel_loop3A_155 : vector<16xf32>
        %parallel_loop3A_157 = arith.addf %parallel_loop3A_151, %parallel_loop3A_156 : vector<16xf32>
        %parallel_loop3A_158 = tpu.memref_slice %arg8[%parallel_loop3A_96] : memref<19584xf32, #tpu.memory_space<vmem>> -> memref<2048xf32, #tpu.memory_space<vmem>>
        tpu.vector_store_idx %parallel_loop3A_158[%add3A_20], %parallel_loop3A_157 : memref<2048xf32, #tpu.memory_space<vmem>>[vector<16xi32>], vector<16xf32>,
        %parallel_loop3A_159 = arith.constant 1640 : i32
        %parallel_loop3A_160 = tpu.memref_slice %arg5[%parallel_loop3A_159] : memref<2624xi32, #tpu.memory_space<vmem>> -> memref<328xi32, #tpu.memory_space<vmem>>
        %parallel_loop3A_161 = tpu.vector_load_idx %parallel_loop3A_160[%parallel_loop3A_103] : memref<328xi32, #tpu.memory_space<vmem>>[vector<16xi32>], vector<16xi32>,
        %parallel_loop3A_162 = vector.bitcast %parallel_loop3A_161 : vector<16xi32> to vector<16xf32>
        %parallel_loop3A_163 = arith.constant 16 : i32
        %parallel_loop3A_164 = vector.broadcast %parallel_loop3A_163 : i32 to vector<16xi32>
        %parallel_loop3A_165 = arith.shli %parallel_loop3A_161, %parallel_loop3A_164 : vector<16xi32>
        %parallel_loop3A_166 = vector.bitcast %parallel_loop3A_165 : vector<16xi32> to vector<16xf32>
        %parallel_loop3A_167 = arith.mulf %parallel_loop3A_101, %parallel_loop3A_166 : vector<16xf32>
        %parallel_loop3A_168 = arith.addf %parallel_loop3A_162, %parallel_loop3A_167 : vector<16xf32>
        %parallel_loop3A_169 = tpu.memref_slice %arg8[%parallel_loop3A_96] : memref<19584xf32, #tpu.memory_space<vmem>> -> memref<2048xf32, #tpu.memory_space<vmem>>
        tpu.vector_store_idx %parallel_loop3A_169[%add3A_23], %parallel_loop3A_168 : memref<2048xf32, #tpu.memory_space<vmem>>[vector<16xi32>], vector<16xf32>,
        %parallel_loop3A_170 = arith.constant 1968 : i32
        %parallel_loop3A_171 = tpu.memref_slice %arg5[%parallel_loop3A_170] : memref<2624xi32, #tpu.memory_space<vmem>> -> memref<328xi32, #tpu.memory_space<vmem>>
        %parallel_loop3A_172 = tpu.vector_load_idx %parallel_loop3A_171[%parallel_loop3A_103] : memref<328xi32, #tpu.memory_space<vmem>>[vector<16xi32>], vector<16xi32>,
        %parallel_loop3A_173 = vector.bitcast %parallel_loop3A_172 : vector<16xi32> to vector<16xf32>
        %parallel_loop3A_174 = arith.constant 16 : i32
        %parallel_loop3A_175 = vector.broadcast %parallel_loop3A_174 : i32 to vector<16xi32>
        %parallel_loop3A_176 = arith.shli %parallel_loop3A_172, %parallel_loop3A_175 : vector<16xi32>
        %parallel_loop3A_177 = vector.bitcast %parallel_loop3A_176 : vector<16xi32> to vector<16xf32>
        %parallel_loop3A_178 = arith.mulf %parallel_loop3A_101, %parallel_loop3A_177 : vector<16xf32>
        %parallel_loop3A_179 = arith.addf %parallel_loop3A_173, %parallel_loop3A_178 : vector<16xf32>
        %parallel_loop3A_180 = tpu.memref_slice %arg8[%parallel_loop3A_96] : memref<19584xf32, #tpu.memory_space<vmem>> -> memref<2048xf32, #tpu.memory_space<vmem>>
        tpu.vector_store_idx %parallel_loop3A_180[%add3A_26], %parallel_loop3A_179 : memref<2048xf32, #tpu.memory_space<vmem>>[vector<16xi32>], vector<16xf32>,
        %parallel_loop3A_181 = arith.constant 2296 : i32
        %parallel_loop3A_182 = tpu.memref_slice %arg5[%parallel_loop3A_181] : memref<2624xi32, #tpu.memory_space<vmem>> -> memref<328xi32, #tpu.memory_space<vmem>>
        %parallel_loop3A_183 = tpu.vector_load_idx %parallel_loop3A_182[%parallel_loop3A_103] : memref<328xi32, #tpu.memory_space<vmem>>[vector<16xi32>], vector<16xi32>,
        %parallel_loop3A_184 = vector.bitcast %parallel_loop3A_183 : vector<16xi32> to vector<16xf32>
        %parallel_loop3A_185 = arith.constant 16 : i32
        %parallel_loop3A_186 = vector.broadcast %parallel_loop3A_185 : i32 to vector<16xi32>
        %parallel_loop3A_187 = arith.shli %parallel_loop3A_183, %parallel_loop3A_186 : vector<16xi32>
        %parallel_loop3A_188 = vector.bitcast %parallel_loop3A_187 : vector<16xi32> to vector<16xf32>
        %parallel_loop3A_189 = arith.mulf %parallel_loop3A_101, %parallel_loop3A_188 : vector<16xf32>
        %parallel_loop3A_190 = arith.addf %parallel_loop3A_184, %parallel_loop3A_189 : vector<16xf32>
        %parallel_loop3A_191 = tpu.memref_slice %arg8[%parallel_loop3A_96] : memref<19584xf32, #tpu.memory_space<vmem>> -> memref<2048xf32, #tpu.memory_space<vmem>>
        tpu.vector_store_idx %parallel_loop3A_191[%add3A_29], %parallel_loop3A_190 : memref<2048xf32, #tpu.memory_space<vmem>>[vector<16xi32>], vector<16xf32>,
      } {sc.loop_unroll_factor = 4 : i64, sc.parallel_access}
      %ge3A = arith.constant 2 : i32
      %ge3A_56 = arith.cmpi sge, %mul3A_50, %ge3A : i32
      %convert_element_type3A_57 = arith.extui %ge3A_56 : i1 to i32
      %cond3A_58 = arith.constant 0 : i32
      %cond3A_59 = arith.cmpi ne, %convert_element_type3A_57, %cond3A_58 : i32
      scf.if %cond3A_59 {
        %dma_wait3A_75 = arith.constant 0 : i32
        %dma_wait3A_76 = arith.constant 0 : i32
        %dma_wait3A_77 = tpu.memref_slice %arg4[%dma_wait3A_75, %dma_wait3A_76] : memref<1000000x128xf32, #tpu.memory_space<hbm>> -> memref<144x128xf32, #tpu.memory_space<hbm>>
        %dma_wait3A_78 = arith.constant 0 : i32
        %dma_wait3A_79 = arith.constant 0 : i32
        %dma_wait3A_80 = tpu.memref_slice %arg4[%dma_wait3A_78, %dma_wait3A_79] : memref<1000000x128xf32, #tpu.memory_space<hbm>> -> memref<144x128xf32, #tpu.memory_space<hbm>>
        tpu.wait_dma2 semaphore(%arg11 : memref<!tpu.dma_semaphore, #tpu.memory_space<semaphore_mem>>) src(%arg9 : memref<144x128xf32, #tpu.memory_space<vmem>>) dst(%dma_wait3A_80 : memref<144x128xf32, #tpu.memory_space<hbm>>)
      } else {
      }
      %parallel_loop3A_60 = arith.constant 0 : i32
      %parallel_loop3A_61 = arith.constant 144 : i32
      %parallel_loop3A_62 = arith.constant 1 : i32
      scf.for %parallel_loop3A_75 = %parallel_loop3A_60 to %parallel_loop3A_61 step %parallel_loop3A_62  : i32 {
        %parallel_loop3A_76 = arith.constant 136 : i32
        %parallel_loop3A_77 = arith.muli %parallel_loop3A_75, %parallel_loop3A_76 : i32
        %parallel_loop3A_78 = arith.constant 0 : i32
        %parallel_loop3A_79 = arith.addi %parallel_loop3A_77, %parallel_loop3A_78 : i32
        %parallel_loop3A_80 = arith.index_cast %parallel_loop3A_79 : i32 to index
        %parallel_loop3A_81 = tpu.vector_load %arg8[%parallel_loop3A_80] {strides = array<i32>} : memref<19584xf32, #tpu.memory_space<vmem>>, vector<16xf32>,
        %parallel_loop3A_82 = arith.constant 136 : i32
        %parallel_loop3A_83 = arith.muli %parallel_loop3A_75, %parallel_loop3A_82 : i32
        %parallel_loop3A_84 = arith.constant 16 : i32
        %parallel_loop3A_85 = arith.addi %parallel_loop3A_83, %parallel_loop3A_84 : i32
        %parallel_loop3A_86 = arith.index_cast %parallel_loop3A_85 : i32 to index
        %parallel_loop3A_87 = tpu.vector_load %arg8[%parallel_loop3A_86] {strides = array<i32>} : memref<19584xf32, #tpu.memory_space<vmem>>, vector<16xf32>,
        %parallel_loop3A_88 = arith.constant 136 : i32
        %parallel_loop3A_89 = arith.muli %parallel_loop3A_75, %parallel_loop3A_88 : i32
        %parallel_loop3A_90 = arith.constant 32 : i32
        %parallel_loop3A_91 = arith.addi %parallel_loop3A_89, %parallel_loop3A_90 : i32
        %parallel_loop3A_92 = arith.index_cast %parallel_loop3A_91 : i32 to index
        %parallel_loop3A_93 = tpu.vector_load %arg8[%parallel_loop3A_92] {strides = array<i32>} : memref<19584xf32, #tpu.memory_space<vmem>>, vector<16xf32>,
        %parallel_loop3A_94 = arith.constant 136 : i32
        %parallel_loop3A_95 = arith.muli %parallel_loop3A_75, %parallel_loop3A_94 : i32
        %parallel_loop3A_96 = arith.constant 48 : i32
        %parallel_loop3A_97 = arith.addi %parallel_loop3A_95, %parallel_loop3A_96 : i32
        %parallel_loop3A_98 = arith.index_cast %parallel_loop3A_97 : i32 to index
        %parallel_loop3A_99 = tpu.vector_load %arg8[%parallel_loop3A_98] {strides = array<i32>} : memref<19584xf32, #tpu.memory_space<vmem>>, vector<16xf32>,
        %parallel_loop3A_100 = arith.constant 136 : i32
        %parallel_loop3A_101 = arith.muli %parallel_loop3A_75, %parallel_loop3A_100 : i32
        %parallel_loop3A_102 = arith.constant 64 : i32
        %parallel_loop3A_103 = arith.addi %parallel_loop3A_101, %parallel_loop3A_102 : i32
        %parallel_loop3A_104 = arith.index_cast %parallel_loop3A_103 : i32 to index
        %parallel_loop3A_105 = tpu.vector_load %arg8[%parallel_loop3A_104] {strides = array<i32>} : memref<19584xf32, #tpu.memory_space<vmem>>, vector<16xf32>,
        %parallel_loop3A_106 = arith.constant 136 : i32
        %parallel_loop3A_107 = arith.muli %parallel_loop3A_75, %parallel_loop3A_106 : i32
        %parallel_loop3A_108 = arith.constant 80 : i32
        %parallel_loop3A_109 = arith.addi %parallel_loop3A_107, %parallel_loop3A_108 : i32
        %parallel_loop3A_110 = arith.index_cast %parallel_loop3A_109 : i32 to index
        %parallel_loop3A_111 = tpu.vector_load %arg8[%parallel_loop3A_110] {strides = array<i32>} : memref<19584xf32, #tpu.memory_space<vmem>>, vector<16xf32>,
        %parallel_loop3A_112 = arith.constant 136 : i32
        %parallel_loop3A_113 = arith.muli %parallel_loop3A_75, %parallel_loop3A_112 : i32
        %parallel_loop3A_114 = arith.constant 96 : i32
        %parallel_loop3A_115 = arith.addi %parallel_loop3A_113, %parallel_loop3A_114 : i32
        %parallel_loop3A_116 = arith.index_cast %parallel_loop3A_115 : i32 to index
        %parallel_loop3A_117 = tpu.vector_load %arg8[%parallel_loop3A_116] {strides = array<i32>} : memref<19584xf32, #tpu.memory_space<vmem>>, vector<16xf32>,
        %parallel_loop3A_118 = arith.constant 136 : i32
        %parallel_loop3A_119 = arith.muli %parallel_loop3A_75, %parallel_loop3A_118 : i32
        %parallel_loop3A_120 = arith.constant 112 : i32
        %parallel_loop3A_121 = arith.addi %parallel_loop3A_119, %parallel_loop3A_120 : i32
        %parallel_loop3A_122 = arith.index_cast %parallel_loop3A_121 : i32 to index
        %parallel_loop3A_123 = tpu.vector_load %arg8[%parallel_loop3A_122] {strides = array<i32>} : memref<19584xf32, #tpu.memory_space<vmem>>, vector<16xf32>,
        %parallel_loop3A_124 = arith.index_cast %parallel_loop3A_75 : i32 to index
        %parallel_loop3A_125 = arith.constant 0 : index
        %parallel_loop3A_126 = tpu.vector_load %arg9[%parallel_loop3A_124, %parallel_loop3A_125] {strides = array<i32>} : memref<144x128xf32, #tpu.memory_space<vmem>>, vector<16xf32>,
        tpu.vector_store %arg9[%parallel_loop3A_124, %parallel_loop3A_125], %parallel_loop3A_81 {strides = array<i32>} : memref<144x128xf32, #tpu.memory_space<vmem>>, vector<16xf32>,
        %parallel_loop3A_127 = arith.index_cast %parallel_loop3A_75 : i32 to index
        %parallel_loop3A_128 = arith.constant 16 : index
        %parallel_loop3A_129 = tpu.vector_load %arg9[%parallel_loop3A_127, %parallel_loop3A_128] {strides = array<i32>} : memref<144x128xf32, #tpu.memory_space<vmem>>, vector<16xf32>,
        tpu.vector_store %arg9[%parallel_loop3A_127, %parallel_loop3A_128], %parallel_loop3A_87 {strides = array<i32>} : memref<144x128xf32, #tpu.memory_space<vmem>>, vector<16xf32>,
        %parallel_loop3A_130 = arith.index_cast %parallel_loop3A_75 : i32 to index
        %parallel_loop3A_131 = arith.constant 32 : index
        %parallel_loop3A_132 = tpu.vector_load %arg9[%parallel_loop3A_130, %parallel_loop3A_131] {strides = array<i32>} : memref<144x128xf32, #tpu.memory_space<vmem>>, vector<16xf32>,
        tpu.vector_store %arg9[%parallel_loop3A_130, %parallel_loop3A_131], %parallel_loop3A_93 {strides = array<i32>} : memref<144x128xf32, #tpu.memory_space<vmem>>, vector<16xf32>,
        %parallel_loop3A_133 = arith.index_cast %parallel_loop3A_75 : i32 to index
        %parallel_loop3A_134 = arith.constant 48 : index
        %parallel_loop3A_135 = tpu.vector_load %arg9[%parallel_loop3A_133, %parallel_loop3A_134] {strides = array<i32>} : memref<144x128xf32, #tpu.memory_space<vmem>>, vector<16xf32>,
        tpu.vector_store %arg9[%parallel_loop3A_133, %parallel_loop3A_134], %parallel_loop3A_99 {strides = array<i32>} : memref<144x128xf32, #tpu.memory_space<vmem>>, vector<16xf32>,
        %parallel_loop3A_136 = arith.index_cast %parallel_loop3A_75 : i32 to index
        %parallel_loop3A_137 = arith.constant 64 : index
        %parallel_loop3A_138 = tpu.vector_load %arg9[%parallel_loop3A_136, %parallel_loop3A_137] {strides = array<i32>} : memref<144x128xf32, #tpu.memory_space<vmem>>, vector<16xf32>,
        tpu.vector_store %arg9[%parallel_loop3A_136, %parallel_loop3A_137], %parallel_loop3A_105 {strides = array<i32>} : memref<144x128xf32, #tpu.memory_space<vmem>>, vector<16xf32>,
        %parallel_loop3A_139 = arith.index_cast %parallel_loop3A_75 : i32 to index
        %parallel_loop3A_140 = arith.constant 80 : index
        %parallel_loop3A_141 = tpu.vector_load %arg9[%parallel_loop3A_139, %parallel_loop3A_140] {strides = array<i32>} : memref<144x128xf32, #tpu.memory_space<vmem>>, vector<16xf32>,
        tpu.vector_store %arg9[%parallel_loop3A_139, %parallel_loop3A_140], %parallel_loop3A_111 {strides = array<i32>} : memref<144x128xf32, #tpu.memory_space<vmem>>, vector<16xf32>,
        %parallel_loop3A_142 = arith.index_cast %parallel_loop3A_75 : i32 to index
        %parallel_loop3A_143 = arith.constant 96 : index
        %parallel_loop3A_144 = tpu.vector_load %arg9[%parallel_loop3A_142, %parallel_loop3A_143] {strides = array<i32>} : memref<144x128xf32, #tpu.memory_space<vmem>>, vector<16xf32>,
        tpu.vector_store %arg9[%parallel_loop3A_142, %parallel_loop3A_143], %parallel_loop3A_117 {strides = array<i32>} : memref<144x128xf32, #tpu.memory_space<vmem>>, vector<16xf32>,
        %parallel_loop3A_145 = arith.index_cast %parallel_loop3A_75 : i32 to index
        %parallel_loop3A_146 = arith.constant 112 : index
        %parallel_loop3A_147 = tpu.vector_load %arg9[%parallel_loop3A_145, %parallel_loop3A_146] {strides = array<i32>} : memref<144x128xf32, #tpu.memory_space<vmem>>, vector<16xf32>,
        tpu.vector_store %arg9[%parallel_loop3A_145, %parallel_loop3A_146], %parallel_loop3A_123 {strides = array<i32>} : memref<144x128xf32, #tpu.memory_space<vmem>>, vector<16xf32>,
      } {sc.loop_unroll_factor = 2 : i64, sc.parallel_access}
      %dma_start3A = arith.constant 0 : i32
      %dma_start3A_63 = tpu.memref_slice %arg4[%add3A_53, %dma_start3A] : memref<1000000x128xf32, #tpu.memory_space<hbm>> -> memref<144x128xf32, #tpu.memory_space<hbm>>
      %dma_start3A_64 = arith.constant 0 : i32
      %dma_start3A_65 = tpu.memref_slice %arg4[%add3A_53, %dma_start3A_64] : memref<1000000x128xf32, #tpu.memory_space<hbm>> -> memref<144x128xf32, #tpu.memory_space<hbm>>
      tpu.enqueue_dma source(%arg9 : memref<144x128xf32, #tpu.memory_space<vmem>>) target(%dma_start3A_65 : memref<144x128xf32, #tpu.memory_space<hbm>>) target_semaphore(%arg11 : memref<!tpu.dma_semaphore, #tpu.memory_space<semaphore_mem>>)
      %mul3A_66 = arith.constant 2 : i32
      %mul3A_67 = arith.muli %mul3A_66, %scan3A_48 : i32
      %add3A_68 = arith.constant 1 : i32
      %add3A_69 = arith.addi %mul3A_67, %add3A_68 : i32
      %lt3A_70 = arith.constant 217 : i32
      %lt3A_71 = arith.cmpi slt, %add3A_69, %lt3A_70 : i32
      %convert_element_type3A_72 = arith.extui %lt3A_71 : i1 to i32
      %cond3A_73 = arith.constant 0 : i32
      %cond3A_74 = arith.cmpi ne, %convert_element_type3A_72, %cond3A_73 : i32
      scf.if %cond3A_74 {
        %mul3A_75 = arith.constant 2 : i32
        %mul3A_76 = arith.muli %mul3A_75, %scan3A_48 : i32
        %add3A_77 = arith.constant 1 : i32
        %add3A_78 = arith.addi %mul3A_76, %add3A_77 : i32
        %mul3A_79 = arith.constant 144 : i32
        %mul3A_80 = arith.muli %add3A_78, %mul3A_79 : i32
        %add3A_81 = arith.addi %mul3A_2, %mul3A_80 : i32
        "tpu.region"() ({
          %run_scoped3A = tpu.sem_alloc : memref<!tpu.dma_semaphore, #tpu.memory_space<semaphore_mem>>
          %dma_start3A_97 = tpu.memref_slice %arg2[%add3A_81] : memref<1000000xf32, #tpu.memory_space<hbm>> -> memref<144xf32, #tpu.memory_space<hbm>>
          %dma_start3A_98 = tpu.memref_slice %arg2[%add3A_81] : memref<1000000xf32, #tpu.memory_space<hbm>> -> memref<144xf32, #tpu.memory_space<hbm>>
          tpu.enqueue_dma source(%dma_start3A_98 : memref<144xf32, #tpu.memory_space<hbm>>) target(%arg7 : memref<144xf32, #tpu.memory_space<vmem>>) target_semaphore(%run_scoped3A : memref<!tpu.dma_semaphore, #tpu.memory_space<semaphore_mem>>)
          %dma_wait3A_99 = tpu.memref_slice %arg2[%add3A_81] : memref<1000000xf32, #tpu.memory_space<hbm>> -> memref<144xf32, #tpu.memory_space<hbm>>
          %dma_wait3A_100 = tpu.memref_slice %arg2[%add3A_81] : memref<1000000xf32, #tpu.memory_space<hbm>> -> memref<144xf32, #tpu.memory_space<hbm>>
          tpu.wait_dma2 semaphore(%run_scoped3A : memref<!tpu.dma_semaphore, #tpu.memory_space<semaphore_mem>>) src(%dma_wait3A_100 : memref<144xf32, #tpu.memory_space<hbm>>) dst(%arg7 : memref<144xf32, #tpu.memory_space<vmem>>)
          tpu.yield
        }) : () -> ()
        %parallel_loop3A_82 = arith.constant 0 : i32
        %parallel_loop3A_83 = arith.constant 144 : i32
        %parallel_loop3A_84 = arith.constant 1 : i32
        scf.for %parallel_loop3A_97 = %parallel_loop3A_82 to %parallel_loop3A_83 step %parallel_loop3A_84  : i32 {
          %parallel_loop3A_98 = arith.constant 4 : i32
          %parallel_loop3A_99 = arith.shrsi %parallel_loop3A_97, %parallel_loop3A_98 : i32
          %parallel_loop3A_100 = arith.constant 15 : i32
          %parallel_loop3A_101 = arith.andi %parallel_loop3A_97, %parallel_loop3A_100 : i32
          %parallel_loop3A_102 = arith.constant 16 : i32
          %parallel_loop3A_103 = arith.muli %parallel_loop3A_99, %parallel_loop3A_102 : i32
          %parallel_loop3A_104 = arith.index_cast %parallel_loop3A_103 : i32 to index
          %parallel_loop3A_105 = tpu.vector_load %arg7[%parallel_loop3A_104] {strides = array<i32>} : memref<144xf32, #tpu.memory_space<vmem>>, vector<16xf32>,
          %parallel_loop3A_106 = arith.constant 2 : i32
          %parallel_loop3A_107 = arith.muli %parallel_loop3A_106, %parallel_loop3A_101 : i32
          %parallel_loop3A_108 = arith.constant 4 : i32
          %parallel_loop3A_109 = arith.addi %parallel_loop3A_107, %parallel_loop3A_108 : i32
          %parallel_loop3A_110 = arith.sitofp %parallel_loop3A_109 : i32 to f32
          %parallel_loop3A_111 = arith.constant 4 : i32
          %parallel_loop3A_112 = arith.addi %parallel_loop3A_101, %parallel_loop3A_111 : i32
          %parallel_loop3A_113 = arith.muli %parallel_loop3A_101, %parallel_loop3A_112 : i32
          %parallel_loop3A_114 = arith.constant 2176 : i32
          %parallel_loop3A_115 = arith.muli %parallel_loop3A_99, %parallel_loop3A_114 : i32
          %parallel_loop3A_116 = arith.constant 8 : i32
          %parallel_loop3A_117 = arith.muli %parallel_loop3A_101, %parallel_loop3A_116 : i32
          %parallel_loop3A_118 = arith.addi %parallel_loop3A_115, %parallel_loop3A_117 : i32
          %parallel_loop3A_119 = vector.broadcast %parallel_loop3A_110 : f32 to vector<16xf32>
          %parallel_loop3A_120 = arith.mulf %parallel_loop3A_105, %parallel_loop3A_119 : vector<16xf32>
          %parallel_loop3A_121 = arith.fptosi %parallel_loop3A_120 : vector<16xf32> to vector<16xi32>
          %parallel_loop3A_122 = arith.sitofp %parallel_loop3A_121 : vector<16xi32> to vector<16xf32>
          %parallel_loop3A_123 = arith.subf %parallel_loop3A_120, %parallel_loop3A_122 : vector<16xf32>
          %parallel_loop3A_124 = vector.broadcast %parallel_loop3A_113 : i32 to vector<16xi32>
          %parallel_loop3A_125 = arith.addi %parallel_loop3A_121, %parallel_loop3A_124 : vector<16xi32>
          %parallel_loop3A_126 = arith.constant 0 : i32
          %parallel_loop3A_127 = tpu.memref_slice %arg5[%parallel_loop3A_126] : memref<2624xi32, #tpu.memory_space<vmem>> -> memref<328xi32, #tpu.memory_space<vmem>>
          %parallel_loop3A_128 = tpu.vector_load_idx %parallel_loop3A_127[%parallel_loop3A_125] : memref<328xi32, #tpu.memory_space<vmem>>[vector<16xi32>], vector<16xi32>,
          %parallel_loop3A_129 = vector.bitcast %parallel_loop3A_128 : vector<16xi32> to vector<16xf32>
          %parallel_loop3A_130 = arith.constant 16 : i32
          %parallel_loop3A_131 = vector.broadcast %parallel_loop3A_130 : i32 to vector<16xi32>
          %parallel_loop3A_132 = arith.shli %parallel_loop3A_128, %parallel_loop3A_131 : vector<16xi32>
          %parallel_loop3A_133 = vector.bitcast %parallel_loop3A_132 : vector<16xi32> to vector<16xf32>
          %parallel_loop3A_134 = arith.mulf %parallel_loop3A_123, %parallel_loop3A_133 : vector<16xf32>
          %parallel_loop3A_135 = arith.addf %parallel_loop3A_129, %parallel_loop3A_134 : vector<16xf32>
          %parallel_loop3A_136 = tpu.memref_slice %arg8[%parallel_loop3A_118] : memref<19584xf32, #tpu.memory_space<vmem>> -> memref<2048xf32, #tpu.memory_space<vmem>>
          tpu.vector_store_idx %parallel_loop3A_136[%add3A_8], %parallel_loop3A_135 : memref<2048xf32, #tpu.memory_space<vmem>>[vector<16xi32>], vector<16xf32>,
          %parallel_loop3A_137 = arith.constant 328 : i32
          %parallel_loop3A_138 = tpu.memref_slice %arg5[%parallel_loop3A_137] : memref<2624xi32, #tpu.memory_space<vmem>> -> memref<328xi32, #tpu.memory_space<vmem>>
          %parallel_loop3A_139 = tpu.vector_load_idx %parallel_loop3A_138[%parallel_loop3A_125] : memref<328xi32, #tpu.memory_space<vmem>>[vector<16xi32>], vector<16xi32>,
          %parallel_loop3A_140 = vector.bitcast %parallel_loop3A_139 : vector<16xi32> to vector<16xf32>
          %parallel_loop3A_141 = arith.constant 16 : i32
          %parallel_loop3A_142 = vector.broadcast %parallel_loop3A_141 : i32 to vector<16xi32>
          %parallel_loop3A_143 = arith.shli %parallel_loop3A_139, %parallel_loop3A_142 : vector<16xi32>
          %parallel_loop3A_144 = vector.bitcast %parallel_loop3A_143 : vector<16xi32> to vector<16xf32>
          %parallel_loop3A_145 = arith.mulf %parallel_loop3A_123, %parallel_loop3A_144 : vector<16xf32>
          %parallel_loop3A_146 = arith.addf %parallel_loop3A_140, %parallel_loop3A_145 : vector<16xf32>
          %parallel_loop3A_147 = tpu.memref_slice %arg8[%parallel_loop3A_118] : memref<19584xf32, #tpu.memory_space<vmem>> -> memref<2048xf32, #tpu.memory_space<vmem>>
          tpu.vector_store_idx %parallel_loop3A_147[%add3A_11], %parallel_loop3A_146 : memref<2048xf32, #tpu.memory_space<vmem>>[vector<16xi32>], vector<16xf32>,
          %parallel_loop3A_148 = arith.constant 656 : i32
          %parallel_loop3A_149 = tpu.memref_slice %arg5[%parallel_loop3A_148] : memref<2624xi32, #tpu.memory_space<vmem>> -> memref<328xi32, #tpu.memory_space<vmem>>
          %parallel_loop3A_150 = tpu.vector_load_idx %parallel_loop3A_149[%parallel_loop3A_125] : memref<328xi32, #tpu.memory_space<vmem>>[vector<16xi32>], vector<16xi32>,
          %parallel_loop3A_151 = vector.bitcast %parallel_loop3A_150 : vector<16xi32> to vector<16xf32>
          %parallel_loop3A_152 = arith.constant 16 : i32
          %parallel_loop3A_153 = vector.broadcast %parallel_loop3A_152 : i32 to vector<16xi32>
          %parallel_loop3A_154 = arith.shli %parallel_loop3A_150, %parallel_loop3A_153 : vector<16xi32>
          %parallel_loop3A_155 = vector.bitcast %parallel_loop3A_154 : vector<16xi32> to vector<16xf32>
          %parallel_loop3A_156 = arith.mulf %parallel_loop3A_123, %parallel_loop3A_155 : vector<16xf32>
          %parallel_loop3A_157 = arith.addf %parallel_loop3A_151, %parallel_loop3A_156 : vector<16xf32>
          %parallel_loop3A_158 = tpu.memref_slice %arg8[%parallel_loop3A_118] : memref<19584xf32, #tpu.memory_space<vmem>> -> memref<2048xf32, #tpu.memory_space<vmem>>
          tpu.vector_store_idx %parallel_loop3A_158[%add3A_14], %parallel_loop3A_157 : memref<2048xf32, #tpu.memory_space<vmem>>[vector<16xi32>], vector<16xf32>,
          %parallel_loop3A_159 = arith.constant 984 : i32
          %parallel_loop3A_160 = tpu.memref_slice %arg5[%parallel_loop3A_159] : memref<2624xi32, #tpu.memory_space<vmem>> -> memref<328xi32, #tpu.memory_space<vmem>>
          %parallel_loop3A_161 = tpu.vector_load_idx %parallel_loop3A_160[%parallel_loop3A_125] : memref<328xi32, #tpu.memory_space<vmem>>[vector<16xi32>], vector<16xi32>,
          %parallel_loop3A_162 = vector.bitcast %parallel_loop3A_161 : vector<16xi32> to vector<16xf32>
          %parallel_loop3A_163 = arith.constant 16 : i32
          %parallel_loop3A_164 = vector.broadcast %parallel_loop3A_163 : i32 to vector<16xi32>
          %parallel_loop3A_165 = arith.shli %parallel_loop3A_161, %parallel_loop3A_164 : vector<16xi32>
          %parallel_loop3A_166 = vector.bitcast %parallel_loop3A_165 : vector<16xi32> to vector<16xf32>
          %parallel_loop3A_167 = arith.mulf %parallel_loop3A_123, %parallel_loop3A_166 : vector<16xf32>
          %parallel_loop3A_168 = arith.addf %parallel_loop3A_162, %parallel_loop3A_167 : vector<16xf32>
          %parallel_loop3A_169 = tpu.memref_slice %arg8[%parallel_loop3A_118] : memref<19584xf32, #tpu.memory_space<vmem>> -> memref<2048xf32, #tpu.memory_space<vmem>>
          tpu.vector_store_idx %parallel_loop3A_169[%add3A_17], %parallel_loop3A_168 : memref<2048xf32, #tpu.memory_space<vmem>>[vector<16xi32>], vector<16xf32>,
          %parallel_loop3A_170 = arith.constant 1312 : i32
          %parallel_loop3A_171 = tpu.memref_slice %arg5[%parallel_loop3A_170] : memref<2624xi32, #tpu.memory_space<vmem>> -> memref<328xi32, #tpu.memory_space<vmem>>
          %parallel_loop3A_172 = tpu.vector_load_idx %parallel_loop3A_171[%parallel_loop3A_125] : memref<328xi32, #tpu.memory_space<vmem>>[vector<16xi32>], vector<16xi32>,
          %parallel_loop3A_173 = vector.bitcast %parallel_loop3A_172 : vector<16xi32> to vector<16xf32>
          %parallel_loop3A_174 = arith.constant 16 : i32
          %parallel_loop3A_175 = vector.broadcast %parallel_loop3A_174 : i32 to vector<16xi32>
          %parallel_loop3A_176 = arith.shli %parallel_loop3A_172, %parallel_loop3A_175 : vector<16xi32>
          %parallel_loop3A_177 = vector.bitcast %parallel_loop3A_176 : vector<16xi32> to vector<16xf32>
          %parallel_loop3A_178 = arith.mulf %parallel_loop3A_123, %parallel_loop3A_177 : vector<16xf32>
          %parallel_loop3A_179 = arith.addf %parallel_loop3A_173, %parallel_loop3A_178 : vector<16xf32>
          %parallel_loop3A_180 = tpu.memref_slice %arg8[%parallel_loop3A_118] : memref<19584xf32, #tpu.memory_space<vmem>> -> memref<2048xf32, #tpu.memory_space<vmem>>
          tpu.vector_store_idx %parallel_loop3A_180[%add3A_20], %parallel_loop3A_179 : memref<2048xf32, #tpu.memory_space<vmem>>[vector<16xi32>], vector<16xf32>,
          %parallel_loop3A_181 = arith.constant 1640 : i32
          %parallel_loop3A_182 = tpu.memref_slice %arg5[%parallel_loop3A_181] : memref<2624xi32, #tpu.memory_space<vmem>> -> memref<328xi32, #tpu.memory_space<vmem>>
          %parallel_loop3A_183 = tpu.vector_load_idx %parallel_loop3A_182[%parallel_loop3A_125] : memref<328xi32, #tpu.memory_space<vmem>>[vector<16xi32>], vector<16xi32>,
          %parallel_loop3A_184 = vector.bitcast %parallel_loop3A_183 : vector<16xi32> to vector<16xf32>
          %parallel_loop3A_185 = arith.constant 16 : i32
          %parallel_loop3A_186 = vector.broadcast %parallel_loop3A_185 : i32 to vector<16xi32>
          %parallel_loop3A_187 = arith.shli %parallel_loop3A_183, %parallel_loop3A_186 : vector<16xi32>
          %parallel_loop3A_188 = vector.bitcast %parallel_loop3A_187 : vector<16xi32> to vector<16xf32>
          %parallel_loop3A_189 = arith.mulf %parallel_loop3A_123, %parallel_loop3A_188 : vector<16xf32>
          %parallel_loop3A_190 = arith.addf %parallel_loop3A_184, %parallel_loop3A_189 : vector<16xf32>
          %parallel_loop3A_191 = tpu.memref_slice %arg8[%parallel_loop3A_118] : memref<19584xf32, #tpu.memory_space<vmem>> -> memref<2048xf32, #tpu.memory_space<vmem>>
          tpu.vector_store_idx %parallel_loop3A_191[%add3A_23], %parallel_loop3A_190 : memref<2048xf32, #tpu.memory_space<vmem>>[vector<16xi32>], vector<16xf32>,
          %parallel_loop3A_192 = arith.constant 1968 : i32
          %parallel_loop3A_193 = tpu.memref_slice %arg5[%parallel_loop3A_192] : memref<2624xi32, #tpu.memory_space<vmem>> -> memref<328xi32, #tpu.memory_space<vmem>>
          %parallel_loop3A_194 = tpu.vector_load_idx %parallel_loop3A_193[%parallel_loop3A_125] : memref<328xi32, #tpu.memory_space<vmem>>[vector<16xi32>], vector<16xi32>,
          %parallel_loop3A_195 = vector.bitcast %parallel_loop3A_194 : vector<16xi32> to vector<16xf32>
          %parallel_loop3A_196 = arith.constant 16 : i32
          %parallel_loop3A_197 = vector.broadcast %parallel_loop3A_196 : i32 to vector<16xi32>
          %parallel_loop3A_198 = arith.shli %parallel_loop3A_194, %parallel_loop3A_197 : vector<16xi32>
          %parallel_loop3A_199 = vector.bitcast %parallel_loop3A_198 : vector<16xi32> to vector<16xf32>
          %parallel_loop3A_200 = arith.mulf %parallel_loop3A_123, %parallel_loop3A_199 : vector<16xf32>
          %parallel_loop3A_201 = arith.addf %parallel_loop3A_195, %parallel_loop3A_200 : vector<16xf32>
          %parallel_loop3A_202 = tpu.memref_slice %arg8[%parallel_loop3A_118] : memref<19584xf32, #tpu.memory_space<vmem>> -> memref<2048xf32, #tpu.memory_space<vmem>>
          tpu.vector_store_idx %parallel_loop3A_202[%add3A_26], %parallel_loop3A_201 : memref<2048xf32, #tpu.memory_space<vmem>>[vector<16xi32>], vector<16xf32>,
          %parallel_loop3A_203 = arith.constant 2296 : i32
          %parallel_loop3A_204 = tpu.memref_slice %arg5[%parallel_loop3A_203] : memref<2624xi32, #tpu.memory_space<vmem>> -> memref<328xi32, #tpu.memory_space<vmem>>
          %parallel_loop3A_205 = tpu.vector_load_idx %parallel_loop3A_204[%parallel_loop3A_125] : memref<328xi32, #tpu.memory_space<vmem>>[vector<16xi32>], vector<16xi32>,
          %parallel_loop3A_206 = vector.bitcast %parallel_loop3A_205 : vector<16xi32> to vector<16xf32>
          %parallel_loop3A_207 = arith.constant 16 : i32
          %parallel_loop3A_208 = vector.broadcast %parallel_loop3A_207 : i32 to vector<16xi32>
          %parallel_loop3A_209 = arith.shli %parallel_loop3A_205, %parallel_loop3A_208 : vector<16xi32>
          %parallel_loop3A_210 = vector.bitcast %parallel_loop3A_209 : vector<16xi32> to vector<16xf32>
          %parallel_loop3A_211 = arith.mulf %parallel_loop3A_123, %parallel_loop3A_210 : vector<16xf32>
          %parallel_loop3A_212 = arith.addf %parallel_loop3A_206, %parallel_loop3A_211 : vector<16xf32>
          %parallel_loop3A_213 = tpu.memref_slice %arg8[%parallel_loop3A_118] : memref<19584xf32, #tpu.memory_space<vmem>> -> memref<2048xf32, #tpu.memory_space<vmem>>
          tpu.vector_store_idx %parallel_loop3A_213[%add3A_29], %parallel_loop3A_212 : memref<2048xf32, #tpu.memory_space<vmem>>[vector<16xi32>], vector<16xf32>,
        } {sc.loop_unroll_factor = 4 : i64, sc.parallel_access}
        %ge3A_85 = arith.constant 2 : i32
        %ge3A_86 = arith.cmpi sge, %add3A_78, %ge3A_85 : i32
        %convert_element_type3A_87 = arith.extui %ge3A_86 : i1 to i32
        %cond3A_88 = arith.constant 0 : i32
        %cond3A_89 = arith.cmpi ne, %convert_element_type3A_87, %cond3A_88 : i32
        scf.if %cond3A_89 {
          %dma_wait3A_97 = arith.constant 0 : i32
          %dma_wait3A_98 = arith.constant 0 : i32
          %dma_wait3A_99 = tpu.memref_slice %arg4[%dma_wait3A_97, %dma_wait3A_98] : memref<1000000x128xf32, #tpu.memory_space<hbm>> -> memref<144x128xf32, #tpu.memory_space<hbm>>
          %dma_wait3A_100 = arith.constant 0 : i32
          %dma_wait3A_101 = arith.constant 0 : i32
          %dma_wait3A_102 = tpu.memref_slice %arg4[%dma_wait3A_100, %dma_wait3A_101] : memref<1000000x128xf32, #tpu.memory_space<hbm>> -> memref<144x128xf32, #tpu.memory_space<hbm>>
          tpu.wait_dma2 semaphore(%arg12 : memref<!tpu.dma_semaphore, #tpu.memory_space<semaphore_mem>>) src(%arg10 : memref<144x128xf32, #tpu.memory_space<vmem>>) dst(%dma_wait3A_102 : memref<144x128xf32, #tpu.memory_space<hbm>>)
        } else {
        }
        %parallel_loop3A_90 = arith.constant 0 : i32
        %parallel_loop3A_91 = arith.constant 144 : i32
        %parallel_loop3A_92 = arith.constant 1 : i32
        scf.for %parallel_loop3A_97 = %parallel_loop3A_90 to %parallel_loop3A_91 step %parallel_loop3A_92  : i32 {
          %parallel_loop3A_98 = arith.constant 136 : i32
          %parallel_loop3A_99 = arith.muli %parallel_loop3A_97, %parallel_loop3A_98 : i32
          %parallel_loop3A_100 = arith.constant 0 : i32
          %parallel_loop3A_101 = arith.addi %parallel_loop3A_99, %parallel_loop3A_100 : i32
          %parallel_loop3A_102 = arith.index_cast %parallel_loop3A_101 : i32 to index
          %parallel_loop3A_103 = tpu.vector_load %arg8[%parallel_loop3A_102] {strides = array<i32>} : memref<19584xf32, #tpu.memory_space<vmem>>, vector<16xf32>,
          %parallel_loop3A_104 = arith.constant 136 : i32
          %parallel_loop3A_105 = arith.muli %parallel_loop3A_97, %parallel_loop3A_104 : i32
          %parallel_loop3A_106 = arith.constant 16 : i32
          %parallel_loop3A_107 = arith.addi %parallel_loop3A_105, %parallel_loop3A_106 : i32
          %parallel_loop3A_108 = arith.index_cast %parallel_loop3A_107 : i32 to index
          %parallel_loop3A_109 = tpu.vector_load %arg8[%parallel_loop3A_108] {strides = array<i32>} : memref<19584xf32, #tpu.memory_space<vmem>>, vector<16xf32>,
          %parallel_loop3A_110 = arith.constant 136 : i32
          %parallel_loop3A_111 = arith.muli %parallel_loop3A_97, %parallel_loop3A_110 : i32
          %parallel_loop3A_112 = arith.constant 32 : i32
          %parallel_loop3A_113 = arith.addi %parallel_loop3A_111, %parallel_loop3A_112 : i32
          %parallel_loop3A_114 = arith.index_cast %parallel_loop3A_113 : i32 to index
          %parallel_loop3A_115 = tpu.vector_load %arg8[%parallel_loop3A_114] {strides = array<i32>} : memref<19584xf32, #tpu.memory_space<vmem>>, vector<16xf32>,
          %parallel_loop3A_116 = arith.constant 136 : i32
          %parallel_loop3A_117 = arith.muli %parallel_loop3A_97, %parallel_loop3A_116 : i32
          %parallel_loop3A_118 = arith.constant 48 : i32
          %parallel_loop3A_119 = arith.addi %parallel_loop3A_117, %parallel_loop3A_118 : i32
          %parallel_loop3A_120 = arith.index_cast %parallel_loop3A_119 : i32 to index
          %parallel_loop3A_121 = tpu.vector_load %arg8[%parallel_loop3A_120] {strides = array<i32>} : memref<19584xf32, #tpu.memory_space<vmem>>, vector<16xf32>,
          %parallel_loop3A_122 = arith.constant 136 : i32
          %parallel_loop3A_123 = arith.muli %parallel_loop3A_97, %parallel_loop3A_122 : i32
          %parallel_loop3A_124 = arith.constant 64 : i32
          %parallel_loop3A_125 = arith.addi %parallel_loop3A_123, %parallel_loop3A_124 : i32
          %parallel_loop3A_126 = arith.index_cast %parallel_loop3A_125 : i32 to index
          %parallel_loop3A_127 = tpu.vector_load %arg8[%parallel_loop3A_126] {strides = array<i32>} : memref<19584xf32, #tpu.memory_space<vmem>>, vector<16xf32>,
          %parallel_loop3A_128 = arith.constant 136 : i32
          %parallel_loop3A_129 = arith.muli %parallel_loop3A_97, %parallel_loop3A_128 : i32
          %parallel_loop3A_130 = arith.constant 80 : i32
          %parallel_loop3A_131 = arith.addi %parallel_loop3A_129, %parallel_loop3A_130 : i32
          %parallel_loop3A_132 = arith.index_cast %parallel_loop3A_131 : i32 to index
          %parallel_loop3A_133 = tpu.vector_load %arg8[%parallel_loop3A_132] {strides = array<i32>} : memref<19584xf32, #tpu.memory_space<vmem>>, vector<16xf32>,
          %parallel_loop3A_134 = arith.constant 136 : i32
          %parallel_loop3A_135 = arith.muli %parallel_loop3A_97, %parallel_loop3A_134 : i32
          %parallel_loop3A_136 = arith.constant 96 : i32
          %parallel_loop3A_137 = arith.addi %parallel_loop3A_135, %parallel_loop3A_136 : i32
          %parallel_loop3A_138 = arith.index_cast %parallel_loop3A_137 : i32 to index
          %parallel_loop3A_139 = tpu.vector_load %arg8[%parallel_loop3A_138] {strides = array<i32>} : memref<19584xf32, #tpu.memory_space<vmem>>, vector<16xf32>,
          %parallel_loop3A_140 = arith.constant 136 : i32
          %parallel_loop3A_141 = arith.muli %parallel_loop3A_97, %parallel_loop3A_140 : i32
          %parallel_loop3A_142 = arith.constant 112 : i32
          %parallel_loop3A_143 = arith.addi %parallel_loop3A_141, %parallel_loop3A_142 : i32
          %parallel_loop3A_144 = arith.index_cast %parallel_loop3A_143 : i32 to index
          %parallel_loop3A_145 = tpu.vector_load %arg8[%parallel_loop3A_144] {strides = array<i32>} : memref<19584xf32, #tpu.memory_space<vmem>>, vector<16xf32>,
          %parallel_loop3A_146 = arith.index_cast %parallel_loop3A_97 : i32 to index
          %parallel_loop3A_147 = arith.constant 0 : index
          %parallel_loop3A_148 = tpu.vector_load %arg10[%parallel_loop3A_146, %parallel_loop3A_147] {strides = array<i32>} : memref<144x128xf32, #tpu.memory_space<vmem>>, vector<16xf32>,
          tpu.vector_store %arg10[%parallel_loop3A_146, %parallel_loop3A_147], %parallel_loop3A_103 {strides = array<i32>} : memref<144x128xf32, #tpu.memory_space<vmem>>, vector<16xf32>,
          %parallel_loop3A_149 = arith.index_cast %parallel_loop3A_97 : i32 to index
          %parallel_loop3A_150 = arith.constant 16 : index
          %parallel_loop3A_151 = tpu.vector_load %arg10[%parallel_loop3A_149, %parallel_loop3A_150] {strides = array<i32>} : memref<144x128xf32, #tpu.memory_space<vmem>>, vector<16xf32>,
          tpu.vector_store %arg10[%parallel_loop3A_149, %parallel_loop3A_150], %parallel_loop3A_109 {strides = array<i32>} : memref<144x128xf32, #tpu.memory_space<vmem>>, vector<16xf32>,
          %parallel_loop3A_152 = arith.index_cast %parallel_loop3A_97 : i32 to index
          %parallel_loop3A_153 = arith.constant 32 : index
          %parallel_loop3A_154 = tpu.vector_load %arg10[%parallel_loop3A_152, %parallel_loop3A_153] {strides = array<i32>} : memref<144x128xf32, #tpu.memory_space<vmem>>, vector<16xf32>,
          tpu.vector_store %arg10[%parallel_loop3A_152, %parallel_loop3A_153], %parallel_loop3A_115 {strides = array<i32>} : memref<144x128xf32, #tpu.memory_space<vmem>>, vector<16xf32>,
          %parallel_loop3A_155 = arith.index_cast %parallel_loop3A_97 : i32 to index
          %parallel_loop3A_156 = arith.constant 48 : index
          %parallel_loop3A_157 = tpu.vector_load %arg10[%parallel_loop3A_155, %parallel_loop3A_156] {strides = array<i32>} : memref<144x128xf32, #tpu.memory_space<vmem>>, vector<16xf32>,
          tpu.vector_store %arg10[%parallel_loop3A_155, %parallel_loop3A_156], %parallel_loop3A_121 {strides = array<i32>} : memref<144x128xf32, #tpu.memory_space<vmem>>, vector<16xf32>,
          %parallel_loop3A_158 = arith.index_cast %parallel_loop3A_97 : i32 to index
          %parallel_loop3A_159 = arith.constant 64 : index
          %parallel_loop3A_160 = tpu.vector_load %arg10[%parallel_loop3A_158, %parallel_loop3A_159] {strides = array<i32>} : memref<144x128xf32, #tpu.memory_space<vmem>>, vector<16xf32>,
          tpu.vector_store %arg10[%parallel_loop3A_158, %parallel_loop3A_159], %parallel_loop3A_127 {strides = array<i32>} : memref<144x128xf32, #tpu.memory_space<vmem>>, vector<16xf32>,
          %parallel_loop3A_161 = arith.index_cast %parallel_loop3A_97 : i32 to index
          %parallel_loop3A_162 = arith.constant 80 : index
          %parallel_loop3A_163 = tpu.vector_load %arg10[%parallel_loop3A_161, %parallel_loop3A_162] {strides = array<i32>} : memref<144x128xf32, #tpu.memory_space<vmem>>, vector<16xf32>,
          tpu.vector_store %arg10[%parallel_loop3A_161, %parallel_loop3A_162], %parallel_loop3A_133 {strides = array<i32>} : memref<144x128xf32, #tpu.memory_space<vmem>>, vector<16xf32>,
          %parallel_loop3A_164 = arith.index_cast %parallel_loop3A_97 : i32 to index
          %parallel_loop3A_165 = arith.constant 96 : index
          %parallel_loop3A_166 = tpu.vector_load %arg10[%parallel_loop3A_164, %parallel_loop3A_165] {strides = array<i32>} : memref<144x128xf32, #tpu.memory_space<vmem>>, vector<16xf32>,
          tpu.vector_store %arg10[%parallel_loop3A_164, %parallel_loop3A_165], %parallel_loop3A_139 {strides = array<i32>} : memref<144x128xf32, #tpu.memory_space<vmem>>, vector<16xf32>,
          %parallel_loop3A_167 = arith.index_cast %parallel_loop3A_97 : i32 to index
          %parallel_loop3A_168 = arith.constant 112 : index
          %parallel_loop3A_169 = tpu.vector_load %arg10[%parallel_loop3A_167, %parallel_loop3A_168] {strides = array<i32>} : memref<144x128xf32, #tpu.memory_space<vmem>>, vector<16xf32>,
          tpu.vector_store %arg10[%parallel_loop3A_167, %parallel_loop3A_168], %parallel_loop3A_145 {strides = array<i32>} : memref<144x128xf32, #tpu.memory_space<vmem>>, vector<16xf32>,
        } {sc.loop_unroll_factor = 2 : i64, sc.parallel_access}
        %dma_start3A_93 = arith.constant 0 : i32
        %dma_start3A_94 = tpu.memref_slice %arg4[%add3A_81, %dma_start3A_93] : memref<1000000x128xf32, #tpu.memory_space<hbm>> -> memref<144x128xf32, #tpu.memory_space<hbm>>
        %dma_start3A_95 = arith.constant 0 : i32
        %dma_start3A_96 = tpu.memref_slice %arg4[%add3A_81, %dma_start3A_95] : memref<1000000x128xf32, #tpu.memory_space<hbm>> -> memref<144x128xf32, #tpu.memory_space<hbm>>
        tpu.enqueue_dma source(%arg10 : memref<144x128xf32, #tpu.memory_space<vmem>>) target(%dma_start3A_96 : memref<144x128xf32, #tpu.memory_space<hbm>>) target_semaphore(%arg12 : memref<!tpu.dma_semaphore, #tpu.memory_space<semaphore_mem>>)
      } else {
      }
    }
    %scan3A_34 = arith.constant 109 : i32
    %dma_wait3A = arith.constant 0 : i32
    %dma_wait3A_35 = arith.constant 0 : i32
    %dma_wait3A_36 = tpu.memref_slice %arg4[%dma_wait3A, %dma_wait3A_35] : memref<1000000x128xf32, #tpu.memory_space<hbm>> -> memref<144x128xf32, #tpu.memory_space<hbm>>
    %dma_wait3A_37 = arith.constant 0 : i32
    %dma_wait3A_38 = arith.constant 0 : i32
    %dma_wait3A_39 = tpu.memref_slice %arg4[%dma_wait3A_37, %dma_wait3A_38] : memref<1000000x128xf32, #tpu.memory_space<hbm>> -> memref<144x128xf32, #tpu.memory_space<hbm>>
    tpu.wait_dma2 semaphore(%arg11 : memref<!tpu.dma_semaphore, #tpu.memory_space<semaphore_mem>>) src(%arg9 : memref<144x128xf32, #tpu.memory_space<vmem>>) dst(%dma_wait3A_39 : memref<144x128xf32, #tpu.memory_space<hbm>>)
    %dma_wait3A_40 = arith.constant 0 : i32
    %dma_wait3A_41 = arith.constant 0 : i32
    %dma_wait3A_42 = tpu.memref_slice %arg4[%dma_wait3A_40, %dma_wait3A_41] : memref<1000000x128xf32, #tpu.memory_space<hbm>> -> memref<144x128xf32, #tpu.memory_space<hbm>>
    %dma_wait3A_43 = arith.constant 0 : i32
    %dma_wait3A_44 = arith.constant 0 : i32
    %dma_wait3A_45 = tpu.memref_slice %arg4[%dma_wait3A_43, %dma_wait3A_44] : memref<1000000x128xf32, #tpu.memory_space<hbm>> -> memref<144x128xf32, #tpu.memory_space<hbm>>
    tpu.wait_dma2 semaphore(%arg12 : memref<!tpu.dma_semaphore, #tpu.memory_space<semaphore_mem>>) src(%arg10 : memref<144x128xf32, #tpu.memory_space<vmem>>) dst(%dma_wait3A_45 : memref<144x128xf32, #tpu.memory_space<hbm>>)
    %lt3A = arith.constant 4 : i32
    %lt3A_46 = arith.cmpi slt, %add3A, %lt3A : i32
    %convert_element_type3A = arith.extui %lt3A_46 : i1 to i32
    %cond3A = arith.constant 0 : i32
    %cond3A_47 = arith.cmpi ne, %convert_element_type3A, %cond3A : i32
    scf.if %cond3A_47 {
      %mul3A_48 = arith.constant 16 : i32
      %mul3A_49 = arith.muli %add3A, %mul3A_48 : i32
      %add3A_50 = arith.constant 999936 : i32
      %add3A_51 = arith.addi %add3A_50, %mul3A_49 : i32
      "tpu.region"() ({
        %run_scoped3A = tpu.sem_alloc : memref<!tpu.dma_semaphore, #tpu.memory_space<semaphore_mem>>
        %dma_start3A = arith.constant 0 : i32
        %dma_start3A_1730 = tpu.memref_slice %arg6[%dma_start3A] : memref<144xf32, #tpu.memory_space<vmem>> -> memref<16xf32, #tpu.memory_space<vmem>>
        %dma_start3A_1731 = tpu.memref_slice %arg2[%add3A_51] : memref<1000000xf32, #tpu.memory_space<hbm>> -> memref<16xf32, #tpu.memory_space<hbm>>
        %dma_start3A_1732 = arith.constant 0 : i32
        %dma_start3A_1733 = tpu.memref_slice %arg6[%dma_start3A_1732] : memref<144xf32, #tpu.memory_space<vmem>> -> memref<16xf32, #tpu.memory_space<vmem>>
        %dma_start3A_1734 = tpu.memref_slice %arg2[%add3A_51] : memref<1000000xf32, #tpu.memory_space<hbm>> -> memref<16xf32, #tpu.memory_space<hbm>>
        tpu.enqueue_dma source(%dma_start3A_1734 : memref<16xf32, #tpu.memory_space<hbm>>) target(%dma_start3A_1733 : memref<16xf32, #tpu.memory_space<vmem>>) target_semaphore(%run_scoped3A : memref<!tpu.dma_semaphore, #tpu.memory_space<semaphore_mem>>)
        %dma_wait3A_1735 = arith.constant 0 : i32
        %dma_wait3A_1736 = tpu.memref_slice %arg6[%dma_wait3A_1735] : memref<144xf32, #tpu.memory_space<vmem>> -> memref<16xf32, #tpu.memory_space<vmem>>
        %dma_wait3A_1737 = tpu.memref_slice %arg2[%add3A_51] : memref<1000000xf32, #tpu.memory_space<hbm>> -> memref<16xf32, #tpu.memory_space<hbm>>
        %dma_wait3A_1738 = arith.constant 0 : i32
        %dma_wait3A_1739 = tpu.memref_slice %arg6[%dma_wait3A_1738] : memref<144xf32, #tpu.memory_space<vmem>> -> memref<16xf32, #tpu.memory_space<vmem>>
        %dma_wait3A_1740 = tpu.memref_slice %arg2[%add3A_51] : memref<1000000xf32, #tpu.memory_space<hbm>> -> memref<16xf32, #tpu.memory_space<hbm>>
        tpu.wait_dma2 semaphore(%run_scoped3A : memref<!tpu.dma_semaphore, #tpu.memory_space<semaphore_mem>>) src(%dma_wait3A_1740 : memref<16xf32, #tpu.memory_space<hbm>>) dst(%dma_wait3A_1739 : memref<16xf32, #tpu.memory_space<vmem>>)
        tpu.yield
      }) : () -> ()
      %get3A = arith.constant 0 : index
      %get3A_52 = tpu.vector_load %arg6[%get3A] {strides = array<i32>} : memref<144xf32, #tpu.memory_space<vmem>>, vector<16xf32>,
      %mul3A_53 = arith.constant 4.000000e+00 : f32
      %mul3A_54 = vector.broadcast %mul3A_53 : f32 to vector<16xf32>
      %mul3A_55 = arith.mulf %get3A_52, %mul3A_54 : vector<16xf32>
      %convert_element_type3A_56 = arith.fptosi %mul3A_55 : vector<16xf32> to vector<16xi32>
      %convert_element_type3A_57 = arith.sitofp %convert_element_type3A_56 : vector<16xi32> to vector<16xf32>
      %sub3A = arith.subf %mul3A_55, %convert_element_type3A_57 : vector<16xf32>
      %add3A_58 = arith.constant 0 : i32
      %add3A_59 = vector.broadcast %add3A_58 : i32 to vector<16xi32>
      %add3A_60 = arith.addi %convert_element_type3A_56, %add3A_59 : vector<16xi32>
      %gather3A = arith.constant 0 : i32
      %gather3A_61 = tpu.memref_slice %arg5[%gather3A] : memref<2624xi32, #tpu.memory_space<vmem>> -> memref<328xi32, #tpu.memory_space<vmem>>
      %gather3A_62 = tpu.vector_load_idx %gather3A_61[%add3A_60] : memref<328xi32, #tpu.memory_space<vmem>>[vector<16xi32>], vector<16xi32>,
      %bitcast3A = vector.bitcast %gather3A_62 : vector<16xi32> to vector<16xf32>
      %shift_left3A = arith.constant 16 : i32
      %shift_left3A_63 = vector.broadcast %shift_left3A : i32 to vector<16xi32>
      %shift_left3A_64 = arith.shli %gather3A_62, %shift_left3A_63 : vector<16xi32>
      %bitcast3A_65 = vector.bitcast %shift_left3A_64 : vector<16xi32> to vector<16xf32>
      %mul3A_66 = arith.mulf %sub3A, %bitcast3A_65 : vector<16xf32>
      %add3A_67 = arith.addf %bitcast3A, %mul3A_66 : vector<16xf32>
      %scatter3A = arith.constant 0 : i32
      %scatter3A_68 = tpu.memref_slice %arg8[%scatter3A] : memref<19584xf32, #tpu.memory_space<vmem>> -> memref<2048xf32, #tpu.memory_space<vmem>>
      tpu.vector_store_idx %scatter3A_68[%add3A_8], %add3A_67 : memref<2048xf32, #tpu.memory_space<vmem>>[vector<16xi32>], vector<16xf32>,
      %gather3A_69 = arith.constant 328 : i32
      %gather3A_70 = tpu.memref_slice %arg5[%gather3A_69] : memref<2624xi32, #tpu.memory_space<vmem>> -> memref<328xi32, #tpu.memory_space<vmem>>
      %gather3A_71 = tpu.vector_load_idx %gather3A_70[%add3A_60] : memref<328xi32, #tpu.memory_space<vmem>>[vector<16xi32>], vector<16xi32>,
      %bitcast3A_72 = vector.bitcast %gather3A_71 : vector<16xi32> to vector<16xf32>
      %shift_left3A_73 = arith.constant 16 : i32
      %shift_left3A_74 = vector.broadcast %shift_left3A_73 : i32 to vector<16xi32>
      %shift_left3A_75 = arith.shli %gather3A_71, %shift_left3A_74 : vector<16xi32>
      %bitcast3A_76 = vector.bitcast %shift_left3A_75 : vector<16xi32> to vector<16xf32>
      %mul3A_77 = arith.mulf %sub3A, %bitcast3A_76 : vector<16xf32>
      %add3A_78 = arith.addf %bitcast3A_72, %mul3A_77 : vector<16xf32>
      %scatter3A_79 = arith.constant 0 : i32
      %scatter3A_80 = tpu.memref_slice %arg8[%scatter3A_79] : memref<19584xf32, #tpu.memory_space<vmem>> -> memref<2048xf32, #tpu.memory_space<vmem>>
      tpu.vector_store_idx %scatter3A_80[%add3A_11], %add3A_78 : memref<2048xf32, #tpu.memory_space<vmem>>[vector<16xi32>], vector<16xf32>,
      %gather3A_81 = arith.constant 656 : i32
      %gather3A_82 = tpu.memref_slice %arg5[%gather3A_81] : memref<2624xi32, #tpu.memory_space<vmem>> -> memref<328xi32, #tpu.memory_space<vmem>>
      %gather3A_83 = tpu.vector_load_idx %gather3A_82[%add3A_60] : memref<328xi32, #tpu.memory_space<vmem>>[vector<16xi32>], vector<16xi32>,
      %bitcast3A_84 = vector.bitcast %gather3A_83 : vector<16xi32> to vector<16xf32>
      %shift_left3A_85 = arith.constant 16 : i32
      %shift_left3A_86 = vector.broadcast %shift_left3A_85 : i32 to vector<16xi32>
      %shift_left3A_87 = arith.shli %gather3A_83, %shift_left3A_86 : vector<16xi32>
      %bitcast3A_88 = vector.bitcast %shift_left3A_87 : vector<16xi32> to vector<16xf32>
      %mul3A_89 = arith.mulf %sub3A, %bitcast3A_88 : vector<16xf32>
      %add3A_90 = arith.addf %bitcast3A_84, %mul3A_89 : vector<16xf32>
      %scatter3A_91 = arith.constant 0 : i32
      %scatter3A_92 = tpu.memref_slice %arg8[%scatter3A_91] : memref<19584xf32, #tpu.memory_space<vmem>> -> memref<2048xf32, #tpu.memory_space<vmem>>
      tpu.vector_store_idx %scatter3A_92[%add3A_14], %add3A_90 : memref<2048xf32, #tpu.memory_space<vmem>>[vector<16xi32>], vector<16xf32>,
      %gather3A_93 = arith.constant 984 : i32
      %gather3A_94 = tpu.memref_slice %arg5[%gather3A_93] : memref<2624xi32, #tpu.memory_space<vmem>> -> memref<328xi32, #tpu.memory_space<vmem>>
      %gather3A_95 = tpu.vector_load_idx %gather3A_94[%add3A_60] : memref<328xi32, #tpu.memory_space<vmem>>[vector<16xi32>], vector<16xi32>,
      %bitcast3A_96 = vector.bitcast %gather3A_95 : vector<16xi32> to vector<16xf32>
      %shift_left3A_97 = arith.constant 16 : i32
      %shift_left3A_98 = vector.broadcast %shift_left3A_97 : i32 to vector<16xi32>
      %shift_left3A_99 = arith.shli %gather3A_95, %shift_left3A_98 : vector<16xi32>
      %bitcast3A_100 = vector.bitcast %shift_left3A_99 : vector<16xi32> to vector<16xf32>
      %mul3A_101 = arith.mulf %sub3A, %bitcast3A_100 : vector<16xf32>
      %add3A_102 = arith.addf %bitcast3A_96, %mul3A_101 : vector<16xf32>
      %scatter3A_103 = arith.constant 0 : i32
      %scatter3A_104 = tpu.memref_slice %arg8[%scatter3A_103] : memref<19584xf32, #tpu.memory_space<vmem>> -> memref<2048xf32, #tpu.memory_space<vmem>>
      tpu.vector_store_idx %scatter3A_104[%add3A_17], %add3A_102 : memref<2048xf32, #tpu.memory_space<vmem>>[vector<16xi32>], vector<16xf32>,
      %gather3A_105 = arith.constant 1312 : i32
      %gather3A_106 = tpu.memref_slice %arg5[%gather3A_105] : memref<2624xi32, #tpu.memory_space<vmem>> -> memref<328xi32, #tpu.memory_space<vmem>>
      %gather3A_107 = tpu.vector_load_idx %gather3A_106[%add3A_60] : memref<328xi32, #tpu.memory_space<vmem>>[vector<16xi32>], vector<16xi32>,
      %bitcast3A_108 = vector.bitcast %gather3A_107 : vector<16xi32> to vector<16xf32>
      %shift_left3A_109 = arith.constant 16 : i32
      %shift_left3A_110 = vector.broadcast %shift_left3A_109 : i32 to vector<16xi32>
      %shift_left3A_111 = arith.shli %gather3A_107, %shift_left3A_110 : vector<16xi32>
      %bitcast3A_112 = vector.bitcast %shift_left3A_111 : vector<16xi32> to vector<16xf32>
      %mul3A_113 = arith.mulf %sub3A, %bitcast3A_112 : vector<16xf32>
      %add3A_114 = arith.addf %bitcast3A_108, %mul3A_113 : vector<16xf32>
      %scatter3A_115 = arith.constant 0 : i32
      %scatter3A_116 = tpu.memref_slice %arg8[%scatter3A_115] : memref<19584xf32, #tpu.memory_space<vmem>> -> memref<2048xf32, #tpu.memory_space<vmem>>
      tpu.vector_store_idx %scatter3A_116[%add3A_20], %add3A_114 : memref<2048xf32, #tpu.memory_space<vmem>>[vector<16xi32>], vector<16xf32>,
      %gather3A_117 = arith.constant 1640 : i32
      %gather3A_118 = tpu.memref_slice %arg5[%gather3A_117] : memref<2624xi32, #tpu.memory_space<vmem>> -> memref<328xi32, #tpu.memory_space<vmem>>
      %gather3A_119 = tpu.vector_load_idx %gather3A_118[%add3A_60] : memref<328xi32, #tpu.memory_space<vmem>>[vector<16xi32>], vector<16xi32>,
      %bitcast3A_120 = vector.bitcast %gather3A_119 : vector<16xi32> to vector<16xf32>
      %shift_left3A_121 = arith.constant 16 : i32
      %shift_left3A_122 = vector.broadcast %shift_left3A_121 : i32 to vector<16xi32>
      %shift_left3A_123 = arith.shli %gather3A_119, %shift_left3A_122 : vector<16xi32>
      %bitcast3A_124 = vector.bitcast %shift_left3A_123 : vector<16xi32> to vector<16xf32>
      %mul3A_125 = arith.mulf %sub3A, %bitcast3A_124 : vector<16xf32>
      %add3A_126 = arith.addf %bitcast3A_120, %mul3A_125 : vector<16xf32>
      %scatter3A_127 = arith.constant 0 : i32
      %scatter3A_128 = tpu.memref_slice %arg8[%scatter3A_127] : memref<19584xf32, #tpu.memory_space<vmem>> -> memref<2048xf32, #tpu.memory_space<vmem>>
      tpu.vector_store_idx %scatter3A_128[%add3A_23], %add3A_126 : memref<2048xf32, #tpu.memory_space<vmem>>[vector<16xi32>], vector<16xf32>,
      %gather3A_129 = arith.constant 1968 : i32
      %gather3A_130 = tpu.memref_slice %arg5[%gather3A_129] : memref<2624xi32, #tpu.memory_space<vmem>> -> memref<328xi32, #tpu.memory_space<vmem>>
      %gather3A_131 = tpu.vector_load_idx %gather3A_130[%add3A_60] : memref<328xi32, #tpu.memory_space<vmem>>[vector<16xi32>], vector<16xi32>,
      %bitcast3A_132 = vector.bitcast %gather3A_131 : vector<16xi32> to vector<16xf32>
      %shift_left3A_133 = arith.constant 16 : i32
      %shift_left3A_134 = vector.broadcast %shift_left3A_133 : i32 to vector<16xi32>
      %shift_left3A_135 = arith.shli %gather3A_131, %shift_left3A_134 : vector<16xi32>
      %bitcast3A_136 = vector.bitcast %shift_left3A_135 : vector<16xi32> to vector<16xf32>
      %mul3A_137 = arith.mulf %sub3A, %bitcast3A_136 : vector<16xf32>
      %add3A_138 = arith.addf %bitcast3A_132, %mul3A_137 : vector<16xf32>
      %scatter3A_139 = arith.constant 0 : i32
      %scatter3A_140 = tpu.memref_slice %arg8[%scatter3A_139] : memref<19584xf32, #tpu.memory_space<vmem>> -> memref<2048xf32, #tpu.memory_space<vmem>>
      tpu.vector_store_idx %scatter3A_140[%add3A_26], %add3A_138 : memref<2048xf32, #tpu.memory_space<vmem>>[vector<16xi32>], vector<16xf32>,
      %gather3A_141 = arith.constant 2296 : i32
      %gather3A_142 = tpu.memref_slice %arg5[%gather3A_141] : memref<2624xi32, #tpu.memory_space<vmem>> -> memref<328xi32, #tpu.memory_space<vmem>>
      %gather3A_143 = tpu.vector_load_idx %gather3A_142[%add3A_60] : memref<328xi32, #tpu.memory_space<vmem>>[vector<16xi32>], vector<16xi32>,
      %bitcast3A_144 = vector.bitcast %gather3A_143 : vector<16xi32> to vector<16xf32>
      %shift_left3A_145 = arith.constant 16 : i32
      %shift_left3A_146 = vector.broadcast %shift_left3A_145 : i32 to vector<16xi32>
      %shift_left3A_147 = arith.shli %gather3A_143, %shift_left3A_146 : vector<16xi32>
      %bitcast3A_148 = vector.bitcast %shift_left3A_147 : vector<16xi32> to vector<16xf32>
      %mul3A_149 = arith.mulf %sub3A, %bitcast3A_148 : vector<16xf32>
      %add3A_150 = arith.addf %bitcast3A_144, %mul3A_149 : vector<16xf32>
      %scatter3A_151 = arith.constant 0 : i32
      %scatter3A_152 = tpu.memref_slice %arg8[%scatter3A_151] : memref<19584xf32, #tpu.memory_space<vmem>> -> memref<2048xf32, #tpu.memory_space<vmem>>
      tpu.vector_store_idx %scatter3A_152[%add3A_29], %add3A_150 : memref<2048xf32, #tpu.memory_space<vmem>>[vector<16xi32>], vector<16xf32>,
      %mul3A_153 = arith.constant 6.000000e+00 : f32
      %mul3A_154 = vector.broadcast %mul3A_153 : f32 to vector<16xf32>
      %mul3A_155 = arith.mulf %get3A_52, %mul3A_154 : vector<16xf32>
      %convert_element_type3A_156 = arith.fptosi %mul3A_155 : vector<16xf32> to vector<16xi32>
      %convert_element_type3A_157 = arith.sitofp %convert_element_type3A_156 : vector<16xi32> to vector<16xf32>
      %sub3A_158 = arith.subf %mul3A_155, %convert_element_type3A_157 : vector<16xf32>
      %add3A_159 = arith.constant 5 : i32
      %add3A_160 = vector.broadcast %add3A_159 : i32 to vector<16xi32>
      %add3A_161 = arith.addi %convert_element_type3A_156, %add3A_160 : vector<16xi32>
      %gather3A_162 = arith.constant 0 : i32
      %gather3A_163 = tpu.memref_slice %arg5[%gather3A_162] : memref<2624xi32, #tpu.memory_space<vmem>> -> memref<328xi32, #tpu.memory_space<vmem>>
      %gather3A_164 = tpu.vector_load_idx %gather3A_163[%add3A_161] : memref<328xi32, #tpu.memory_space<vmem>>[vector<16xi32>], vector<16xi32>,
      %bitcast3A_165 = vector.bitcast %gather3A_164 : vector<16xi32> to vector<16xf32>
      %shift_left3A_166 = arith.constant 16 : i32
      %shift_left3A_167 = vector.broadcast %shift_left3A_166 : i32 to vector<16xi32>
      %shift_left3A_168 = arith.shli %gather3A_164, %shift_left3A_167 : vector<16xi32>
      %bitcast3A_169 = vector.bitcast %shift_left3A_168 : vector<16xi32> to vector<16xf32>
      %mul3A_170 = arith.mulf %sub3A_158, %bitcast3A_169 : vector<16xf32>
      %add3A_171 = arith.addf %bitcast3A_165, %mul3A_170 : vector<16xf32>
      %scatter3A_172 = arith.constant 8 : i32
      %scatter3A_173 = tpu.memref_slice %arg8[%scatter3A_172] : memref<19584xf32, #tpu.memory_space<vmem>> -> memref<2048xf32, #tpu.memory_space<vmem>>
      tpu.vector_store_idx %scatter3A_173[%add3A_8], %add3A_171 : memref<2048xf32, #tpu.memory_space<vmem>>[vector<16xi32>], vector<16xf32>,
      %gather3A_174 = arith.constant 328 : i32
      %gather3A_175 = tpu.memref_slice %arg5[%gather3A_174] : memref<2624xi32, #tpu.memory_space<vmem>> -> memref<328xi32, #tpu.memory_space<vmem>>
      %gather3A_176 = tpu.vector_load_idx %gather3A_175[%add3A_161] : memref<328xi32, #tpu.memory_space<vmem>>[vector<16xi32>], vector<16xi32>,
      %bitcast3A_177 = vector.bitcast %gather3A_176 : vector<16xi32> to vector<16xf32>
      %shift_left3A_178 = arith.constant 16 : i32
      %shift_left3A_179 = vector.broadcast %shift_left3A_178 : i32 to vector<16xi32>
      %shift_left3A_180 = arith.shli %gather3A_176, %shift_left3A_179 : vector<16xi32>
      %bitcast3A_181 = vector.bitcast %shift_left3A_180 : vector<16xi32> to vector<16xf32>
      %mul3A_182 = arith.mulf %sub3A_158, %bitcast3A_181 : vector<16xf32>
      %add3A_183 = arith.addf %bitcast3A_177, %mul3A_182 : vector<16xf32>
      %scatter3A_184 = arith.constant 8 : i32
      %scatter3A_185 = tpu.memref_slice %arg8[%scatter3A_184] : memref<19584xf32, #tpu.memory_space<vmem>> -> memref<2048xf32, #tpu.memory_space<vmem>>
      tpu.vector_store_idx %scatter3A_185[%add3A_11], %add3A_183 : memref<2048xf32, #tpu.memory_space<vmem>>[vector<16xi32>], vector<16xf32>,
      %gather3A_186 = arith.constant 656 : i32
      %gather3A_187 = tpu.memref_slice %arg5[%gather3A_186] : memref<2624xi32, #tpu.memory_space<vmem>> -> memref<328xi32, #tpu.memory_space<vmem>>
      %gather3A_188 = tpu.vector_load_idx %gather3A_187[%add3A_161] : memref<328xi32, #tpu.memory_space<vmem>>[vector<16xi32>], vector<16xi32>,
      %bitcast3A_189 = vector.bitcast %gather3A_188 : vector<16xi32> to vector<16xf32>
      %shift_left3A_190 = arith.constant 16 : i32
      %shift_left3A_191 = vector.broadcast %shift_left3A_190 : i32 to vector<16xi32>
      %shift_left3A_192 = arith.shli %gather3A_188, %shift_left3A_191 : vector<16xi32>
      %bitcast3A_193 = vector.bitcast %shift_left3A_192 : vector<16xi32> to vector<16xf32>
      %mul3A_194 = arith.mulf %sub3A_158, %bitcast3A_193 : vector<16xf32>
      %add3A_195 = arith.addf %bitcast3A_189, %mul3A_194 : vector<16xf32>
      %scatter3A_196 = arith.constant 8 : i32
      %scatter3A_197 = tpu.memref_slice %arg8[%scatter3A_196] : memref<19584xf32, #tpu.memory_space<vmem>> -> memref<2048xf32, #tpu.memory_space<vmem>>
      tpu.vector_store_idx %scatter3A_197[%add3A_14], %add3A_195 : memref<2048xf32, #tpu.memory_space<vmem>>[vector<16xi32>], vector<16xf32>,
      %gather3A_198 = arith.constant 984 : i32
      %gather3A_199 = tpu.memref_slice %arg5[%gather3A_198] : memref<2624xi32, #tpu.memory_space<vmem>> -> memref<328xi32, #tpu.memory_space<vmem>>
      %gather3A_200 = tpu.vector_load_idx %gather3A_199[%add3A_161] : memref<328xi32, #tpu.memory_space<vmem>>[vector<16xi32>], vector<16xi32>,
      %bitcast3A_201 = vector.bitcast %gather3A_200 : vector<16xi32> to vector<16xf32>
      %shift_left3A_202 = arith.constant 16 : i32
      %shift_left3A_203 = vector.broadcast %shift_left3A_202 : i32 to vector<16xi32>
      %shift_left3A_204 = arith.shli %gather3A_200, %shift_left3A_203 : vector<16xi32>
      %bitcast3A_205 = vector.bitcast %shift_left3A_204 : vector<16xi32> to vector<16xf32>
      %mul3A_206 = arith.mulf %sub3A_158, %bitcast3A_205 : vector<16xf32>
      %add3A_207 = arith.addf %bitcast3A_201, %mul3A_206 : vector<16xf32>
      %scatter3A_208 = arith.constant 8 : i32
      %scatter3A_209 = tpu.memref_slice %arg8[%scatter3A_208] : memref<19584xf32, #tpu.memory_space<vmem>> -> memref<2048xf32, #tpu.memory_space<vmem>>
      tpu.vector_store_idx %scatter3A_209[%add3A_17], %add3A_207 : memref<2048xf32, #tpu.memory_space<vmem>>[vector<16xi32>], vector<16xf32>,
      %gather3A_210 = arith.constant 1312 : i32
      %gather3A_211 = tpu.memref_slice %arg5[%gather3A_210] : memref<2624xi32, #tpu.memory_space<vmem>> -> memref<328xi32, #tpu.memory_space<vmem>>
      %gather3A_212 = tpu.vector_load_idx %gather3A_211[%add3A_161] : memref<328xi32, #tpu.memory_space<vmem>>[vector<16xi32>], vector<16xi32>,
      %bitcast3A_213 = vector.bitcast %gather3A_212 : vector<16xi32> to vector<16xf32>
      %shift_left3A_214 = arith.constant 16 : i32
      %shift_left3A_215 = vector.broadcast %shift_left3A_214 : i32 to vector<16xi32>
      %shift_left3A_216 = arith.shli %gather3A_212, %shift_left3A_215 : vector<16xi32>
      %bitcast3A_217 = vector.bitcast %shift_left3A_216 : vector<16xi32> to vector<16xf32>
      %mul3A_218 = arith.mulf %sub3A_158, %bitcast3A_217 : vector<16xf32>
      %add3A_219 = arith.addf %bitcast3A_213, %mul3A_218 : vector<16xf32>
      %scatter3A_220 = arith.constant 8 : i32
      %scatter3A_221 = tpu.memref_slice %arg8[%scatter3A_220] : memref<19584xf32, #tpu.memory_space<vmem>> -> memref<2048xf32, #tpu.memory_space<vmem>>
      tpu.vector_store_idx %scatter3A_221[%add3A_20], %add3A_219 : memref<2048xf32, #tpu.memory_space<vmem>>[vector<16xi32>], vector<16xf32>,
      %gather3A_222 = arith.constant 1640 : i32
      %gather3A_223 = tpu.memref_slice %arg5[%gather3A_222] : memref<2624xi32, #tpu.memory_space<vmem>> -> memref<328xi32, #tpu.memory_space<vmem>>
      %gather3A_224 = tpu.vector_load_idx %gather3A_223[%add3A_161] : memref<328xi32, #tpu.memory_space<vmem>>[vector<16xi32>], vector<16xi32>,
      %bitcast3A_225 = vector.bitcast %gather3A_224 : vector<16xi32> to vector<16xf32>
      %shift_left3A_226 = arith.constant 16 : i32
      %shift_left3A_227 = vector.broadcast %shift_left3A_226 : i32 to vector<16xi32>
      %shift_left3A_228 = arith.shli %gather3A_224, %shift_left3A_227 : vector<16xi32>
      %bitcast3A_229 = vector.bitcast %shift_left3A_228 : vector<16xi32> to vector<16xf32>
      %mul3A_230 = arith.mulf %sub3A_158, %bitcast3A_229 : vector<16xf32>
      %add3A_231 = arith.addf %bitcast3A_225, %mul3A_230 : vector<16xf32>
      %scatter3A_232 = arith.constant 8 : i32
      %scatter3A_233 = tpu.memref_slice %arg8[%scatter3A_232] : memref<19584xf32, #tpu.memory_space<vmem>> -> memref<2048xf32, #tpu.memory_space<vmem>>
      tpu.vector_store_idx %scatter3A_233[%add3A_23], %add3A_231 : memref<2048xf32, #tpu.memory_space<vmem>>[vector<16xi32>], vector<16xf32>,
      %gather3A_234 = arith.constant 1968 : i32
      %gather3A_235 = tpu.memref_slice %arg5[%gather3A_234] : memref<2624xi32, #tpu.memory_space<vmem>> -> memref<328xi32, #tpu.memory_space<vmem>>
      %gather3A_236 = tpu.vector_load_idx %gather3A_235[%add3A_161] : memref<328xi32, #tpu.memory_space<vmem>>[vector<16xi32>], vector<16xi32>,
      %bitcast3A_237 = vector.bitcast %gather3A_236 : vector<16xi32> to vector<16xf32>
      %shift_left3A_238 = arith.constant 16 : i32
      %shift_left3A_239 = vector.broadcast %shift_left3A_238 : i32 to vector<16xi32>
      %shift_left3A_240 = arith.shli %gather3A_236, %shift_left3A_239 : vector<16xi32>
      %bitcast3A_241 = vector.bitcast %shift_left3A_240 : vector<16xi32> to vector<16xf32>
      %mul3A_242 = arith.mulf %sub3A_158, %bitcast3A_241 : vector<16xf32>
      %add3A_243 = arith.addf %bitcast3A_237, %mul3A_242 : vector<16xf32>
      %scatter3A_244 = arith.constant 8 : i32
      %scatter3A_245 = tpu.memref_slice %arg8[%scatter3A_244] : memref<19584xf32, #tpu.memory_space<vmem>> -> memref<2048xf32, #tpu.memory_space<vmem>>
      tpu.vector_store_idx %scatter3A_245[%add3A_26], %add3A_243 : memref<2048xf32, #tpu.memory_space<vmem>>[vector<16xi32>], vector<16xf32>,
      %gather3A_246 = arith.constant 2296 : i32
      %gather3A_247 = tpu.memref_slice %arg5[%gather3A_246] : memref<2624xi32, #tpu.memory_space<vmem>> -> memref<328xi32, #tpu.memory_space<vmem>>
      %gather3A_248 = tpu.vector_load_idx %gather3A_247[%add3A_161] : memref<328xi32, #tpu.memory_space<vmem>>[vector<16xi32>], vector<16xi32>,
      %bitcast3A_249 = vector.bitcast %gather3A_248 : vector<16xi32> to vector<16xf32>
      %shift_left3A_250 = arith.constant 16 : i32
      %shift_left3A_251 = vector.broadcast %shift_left3A_250 : i32 to vector<16xi32>
      %shift_left3A_252 = arith.shli %gather3A_248, %shift_left3A_251 : vector<16xi32>
      %bitcast3A_253 = vector.bitcast %shift_left3A_252 : vector<16xi32> to vector<16xf32>
      %mul3A_254 = arith.mulf %sub3A_158, %bitcast3A_253 : vector<16xf32>
      %add3A_255 = arith.addf %bitcast3A_249, %mul3A_254 : vector<16xf32>
      %scatter3A_256 = arith.constant 8 : i32
      %scatter3A_257 = tpu.memref_slice %arg8[%scatter3A_256] : memref<19584xf32, #tpu.memory_space<vmem>> -> memref<2048xf32, #tpu.memory_space<vmem>>
      tpu.vector_store_idx %scatter3A_257[%add3A_29], %add3A_255 : memref<2048xf32, #tpu.memory_space<vmem>>[vector<16xi32>], vector<16xf32>,
      %mul3A_258 = arith.constant 8.000000e+00 : f32
      %mul3A_259 = vector.broadcast %mul3A_258 : f32 to vector<16xf32>
      %mul3A_260 = arith.mulf %get3A_52, %mul3A_259 : vector<16xf32>
      %convert_element_type3A_261 = arith.fptosi %mul3A_260 : vector<16xf32> to vector<16xi32>
      %convert_element_type3A_262 = arith.sitofp %convert_element_type3A_261 : vector<16xi32> to vector<16xf32>
      %sub3A_263 = arith.subf %mul3A_260, %convert_element_type3A_262 : vector<16xf32>
      %add3A_264 = arith.constant 12 : i32
      %add3A_265 = vector.broadcast %add3A_264 : i32 to vector<16xi32>
      %add3A_266 = arith.addi %convert_element_type3A_261, %add3A_265 : vector<16xi32>
      %gather3A_267 = arith.constant 0 : i32
      %gather3A_268 = tpu.memref_slice %arg5[%gather3A_267] : memref<2624xi32, #tpu.memory_space<vmem>> -> memref<328xi32, #tpu.memory_space<vmem>>
      %gather3A_269 = tpu.vector_load_idx %gather3A_268[%add3A_266] : memref<328xi32, #tpu.memory_space<vmem>>[vector<16xi32>], vector<16xi32>,
      %bitcast3A_270 = vector.bitcast %gather3A_269 : vector<16xi32> to vector<16xf32>
      %shift_left3A_271 = arith.constant 16 : i32
      %shift_left3A_272 = vector.broadcast %shift_left3A_271 : i32 to vector<16xi32>
      %shift_left3A_273 = arith.shli %gather3A_269, %shift_left3A_272 : vector<16xi32>
      %bitcast3A_274 = vector.bitcast %shift_left3A_273 : vector<16xi32> to vector<16xf32>
      %mul3A_275 = arith.mulf %sub3A_263, %bitcast3A_274 : vector<16xf32>
      %add3A_276 = arith.addf %bitcast3A_270, %mul3A_275 : vector<16xf32>
      %scatter3A_277 = arith.constant 16 : i32
      %scatter3A_278 = tpu.memref_slice %arg8[%scatter3A_277] : memref<19584xf32, #tpu.memory_space<vmem>> -> memref<2048xf32, #tpu.memory_space<vmem>>
      tpu.vector_store_idx %scatter3A_278[%add3A_8], %add3A_276 : memref<2048xf32, #tpu.memory_space<vmem>>[vector<16xi32>], vector<16xf32>,
      %gather3A_279 = arith.constant 328 : i32
      %gather3A_280 = tpu.memref_slice %arg5[%gather3A_279] : memref<2624xi32, #tpu.memory_space<vmem>> -> memref<328xi32, #tpu.memory_space<vmem>>
      %gather3A_281 = tpu.vector_load_idx %gather3A_280[%add3A_266] : memref<328xi32, #tpu.memory_space<vmem>>[vector<16xi32>], vector<16xi32>,
      %bitcast3A_282 = vector.bitcast %gather3A_281 : vector<16xi32> to vector<16xf32>
      %shift_left3A_283 = arith.constant 16 : i32
      %shift_left3A_284 = vector.broadcast %shift_left3A_283 : i32 to vector<16xi32>
      %shift_left3A_285 = arith.shli %gather3A_281, %shift_left3A_284 : vector<16xi32>
      %bitcast3A_286 = vector.bitcast %shift_left3A_285 : vector<16xi32> to vector<16xf32>
      %mul3A_287 = arith.mulf %sub3A_263, %bitcast3A_286 : vector<16xf32>
      %add3A_288 = arith.addf %bitcast3A_282, %mul3A_287 : vector<16xf32>
      %scatter3A_289 = arith.constant 16 : i32
      %scatter3A_290 = tpu.memref_slice %arg8[%scatter3A_289] : memref<19584xf32, #tpu.memory_space<vmem>> -> memref<2048xf32, #tpu.memory_space<vmem>>
      tpu.vector_store_idx %scatter3A_290[%add3A_11], %add3A_288 : memref<2048xf32, #tpu.memory_space<vmem>>[vector<16xi32>], vector<16xf32>,
      %gather3A_291 = arith.constant 656 : i32
      %gather3A_292 = tpu.memref_slice %arg5[%gather3A_291] : memref<2624xi32, #tpu.memory_space<vmem>> -> memref<328xi32, #tpu.memory_space<vmem>>
      %gather3A_293 = tpu.vector_load_idx %gather3A_292[%add3A_266] : memref<328xi32, #tpu.memory_space<vmem>>[vector<16xi32>], vector<16xi32>,
      %bitcast3A_294 = vector.bitcast %gather3A_293 : vector<16xi32> to vector<16xf32>
      %shift_left3A_295 = arith.constant 16 : i32
      %shift_left3A_296 = vector.broadcast %shift_left3A_295 : i32 to vector<16xi32>
      %shift_left3A_297 = arith.shli %gather3A_293, %shift_left3A_296 : vector<16xi32>
      %bitcast3A_298 = vector.bitcast %shift_left3A_297 : vector<16xi32> to vector<16xf32>
      %mul3A_299 = arith.mulf %sub3A_263, %bitcast3A_298 : vector<16xf32>
      %add3A_300 = arith.addf %bitcast3A_294, %mul3A_299 : vector<16xf32>
      %scatter3A_301 = arith.constant 16 : i32
      %scatter3A_302 = tpu.memref_slice %arg8[%scatter3A_301] : memref<19584xf32, #tpu.memory_space<vmem>> -> memref<2048xf32, #tpu.memory_space<vmem>>
      tpu.vector_store_idx %scatter3A_302[%add3A_14], %add3A_300 : memref<2048xf32, #tpu.memory_space<vmem>>[vector<16xi32>], vector<16xf32>,
      %gather3A_303 = arith.constant 984 : i32
      %gather3A_304 = tpu.memref_slice %arg5[%gather3A_303] : memref<2624xi32, #tpu.memory_space<vmem>> -> memref<328xi32, #tpu.memory_space<vmem>>
      %gather3A_305 = tpu.vector_load_idx %gather3A_304[%add3A_266] : memref<328xi32, #tpu.memory_space<vmem>>[vector<16xi32>], vector<16xi32>,
      %bitcast3A_306 = vector.bitcast %gather3A_305 : vector<16xi32> to vector<16xf32>
      %shift_left3A_307 = arith.constant 16 : i32
      %shift_left3A_308 = vector.broadcast %shift_left3A_307 : i32 to vector<16xi32>
      %shift_left3A_309 = arith.shli %gather3A_305, %shift_left3A_308 : vector<16xi32>
      %bitcast3A_310 = vector.bitcast %shift_left3A_309 : vector<16xi32> to vector<16xf32>
      %mul3A_311 = arith.mulf %sub3A_263, %bitcast3A_310 : vector<16xf32>
      %add3A_312 = arith.addf %bitcast3A_306, %mul3A_311 : vector<16xf32>
      %scatter3A_313 = arith.constant 16 : i32
      %scatter3A_314 = tpu.memref_slice %arg8[%scatter3A_313] : memref<19584xf32, #tpu.memory_space<vmem>> -> memref<2048xf32, #tpu.memory_space<vmem>>
      tpu.vector_store_idx %scatter3A_314[%add3A_17], %add3A_312 : memref<2048xf32, #tpu.memory_space<vmem>>[vector<16xi32>], vector<16xf32>,
      %gather3A_315 = arith.constant 1312 : i32
      %gather3A_316 = tpu.memref_slice %arg5[%gather3A_315] : memref<2624xi32, #tpu.memory_space<vmem>> -> memref<328xi32, #tpu.memory_space<vmem>>
      %gather3A_317 = tpu.vector_load_idx %gather3A_316[%add3A_266] : memref<328xi32, #tpu.memory_space<vmem>>[vector<16xi32>], vector<16xi32>,
      %bitcast3A_318 = vector.bitcast %gather3A_317 : vector<16xi32> to vector<16xf32>
      %shift_left3A_319 = arith.constant 16 : i32
      %shift_left3A_320 = vector.broadcast %shift_left3A_319 : i32 to vector<16xi32>
      %shift_left3A_321 = arith.shli %gather3A_317, %shift_left3A_320 : vector<16xi32>
      %bitcast3A_322 = vector.bitcast %shift_left3A_321 : vector<16xi32> to vector<16xf32>
      %mul3A_323 = arith.mulf %sub3A_263, %bitcast3A_322 : vector<16xf32>
      %add3A_324 = arith.addf %bitcast3A_318, %mul3A_323 : vector<16xf32>
      %scatter3A_325 = arith.constant 16 : i32
      %scatter3A_326 = tpu.memref_slice %arg8[%scatter3A_325] : memref<19584xf32, #tpu.memory_space<vmem>> -> memref<2048xf32, #tpu.memory_space<vmem>>
      tpu.vector_store_idx %scatter3A_326[%add3A_20], %add3A_324 : memref<2048xf32, #tpu.memory_space<vmem>>[vector<16xi32>], vector<16xf32>,
      %gather3A_327 = arith.constant 1640 : i32
      %gather3A_328 = tpu.memref_slice %arg5[%gather3A_327] : memref<2624xi32, #tpu.memory_space<vmem>> -> memref<328xi32, #tpu.memory_space<vmem>>
      %gather3A_329 = tpu.vector_load_idx %gather3A_328[%add3A_266] : memref<328xi32, #tpu.memory_space<vmem>>[vector<16xi32>], vector<16xi32>,
      %bitcast3A_330 = vector.bitcast %gather3A_329 : vector<16xi32> to vector<16xf32>
      %shift_left3A_331 = arith.constant 16 : i32
      %shift_left3A_332 = vector.broadcast %shift_left3A_331 : i32 to vector<16xi32>
      %shift_left3A_333 = arith.shli %gather3A_329, %shift_left3A_332 : vector<16xi32>
      %bitcast3A_334 = vector.bitcast %shift_left3A_333 : vector<16xi32> to vector<16xf32>
      %mul3A_335 = arith.mulf %sub3A_263, %bitcast3A_334 : vector<16xf32>
      %add3A_336 = arith.addf %bitcast3A_330, %mul3A_335 : vector<16xf32>
      %scatter3A_337 = arith.constant 16 : i32
      %scatter3A_338 = tpu.memref_slice %arg8[%scatter3A_337] : memref<19584xf32, #tpu.memory_space<vmem>> -> memref<2048xf32, #tpu.memory_space<vmem>>
      tpu.vector_store_idx %scatter3A_338[%add3A_23], %add3A_336 : memref<2048xf32, #tpu.memory_space<vmem>>[vector<16xi32>], vector<16xf32>,
      %gather3A_339 = arith.constant 1968 : i32
      %gather3A_340 = tpu.memref_slice %arg5[%gather3A_339] : memref<2624xi32, #tpu.memory_space<vmem>> -> memref<328xi32, #tpu.memory_space<vmem>>
      %gather3A_341 = tpu.vector_load_idx %gather3A_340[%add3A_266] : memref<328xi32, #tpu.memory_space<vmem>>[vector<16xi32>], vector<16xi32>,
      %bitcast3A_342 = vector.bitcast %gather3A_341 : vector<16xi32> to vector<16xf32>
      %shift_left3A_343 = arith.constant 16 : i32
      %shift_left3A_344 = vector.broadcast %shift_left3A_343 : i32 to vector<16xi32>
      %shift_left3A_345 = arith.shli %gather3A_341, %shift_left3A_344 : vector<16xi32>
      %bitcast3A_346 = vector.bitcast %shift_left3A_345 : vector<16xi32> to vector<16xf32>
      %mul3A_347 = arith.mulf %sub3A_263, %bitcast3A_346 : vector<16xf32>
      %add3A_348 = arith.addf %bitcast3A_342, %mul3A_347 : vector<16xf32>
      %scatter3A_349 = arith.constant 16 : i32
      %scatter3A_350 = tpu.memref_slice %arg8[%scatter3A_349] : memref<19584xf32, #tpu.memory_space<vmem>> -> memref<2048xf32, #tpu.memory_space<vmem>>
      tpu.vector_store_idx %scatter3A_350[%add3A_26], %add3A_348 : memref<2048xf32, #tpu.memory_space<vmem>>[vector<16xi32>], vector<16xf32>,
      %gather3A_351 = arith.constant 2296 : i32
      %gather3A_352 = tpu.memref_slice %arg5[%gather3A_351] : memref<2624xi32, #tpu.memory_space<vmem>> -> memref<328xi32, #tpu.memory_space<vmem>>
      %gather3A_353 = tpu.vector_load_idx %gather3A_352[%add3A_266] : memref<328xi32, #tpu.memory_space<vmem>>[vector<16xi32>], vector<16xi32>,
      %bitcast3A_354 = vector.bitcast %gather3A_353 : vector<16xi32> to vector<16xf32>
      %shift_left3A_355 = arith.constant 16 : i32
      %shift_left3A_356 = vector.broadcast %shift_left3A_355 : i32 to vector<16xi32>
      %shift_left3A_357 = arith.shli %gather3A_353, %shift_left3A_356 : vector<16xi32>
      %bitcast3A_358 = vector.bitcast %shift_left3A_357 : vector<16xi32> to vector<16xf32>
      %mul3A_359 = arith.mulf %sub3A_263, %bitcast3A_358 : vector<16xf32>
      %add3A_360 = arith.addf %bitcast3A_354, %mul3A_359 : vector<16xf32>
      %scatter3A_361 = arith.constant 16 : i32
      %scatter3A_362 = tpu.memref_slice %arg8[%scatter3A_361] : memref<19584xf32, #tpu.memory_space<vmem>> -> memref<2048xf32, #tpu.memory_space<vmem>>
      tpu.vector_store_idx %scatter3A_362[%add3A_29], %add3A_360 : memref<2048xf32, #tpu.memory_space<vmem>>[vector<16xi32>], vector<16xf32>,
      %mul3A_363 = arith.constant 1.000000e+01 : f32
      %mul3A_364 = vector.broadcast %mul3A_363 : f32 to vector<16xf32>
      %mul3A_365 = arith.mulf %get3A_52, %mul3A_364 : vector<16xf32>
      %convert_element_type3A_366 = arith.fptosi %mul3A_365 : vector<16xf32> to vector<16xi32>
      %convert_element_type3A_367 = arith.sitofp %convert_element_type3A_366 : vector<16xi32> to vector<16xf32>
      %sub3A_368 = arith.subf %mul3A_365, %convert_element_type3A_367 : vector<16xf32>
      %add3A_369 = arith.constant 21 : i32
      %add3A_370 = vector.broadcast %add3A_369 : i32 to vector<16xi32>
      %add3A_371 = arith.addi %convert_element_type3A_366, %add3A_370 : vector<16xi32>
      %gather3A_372 = arith.constant 0 : i32
      %gather3A_373 = tpu.memref_slice %arg5[%gather3A_372] : memref<2624xi32, #tpu.memory_space<vmem>> -> memref<328xi32, #tpu.memory_space<vmem>>
      %gather3A_374 = tpu.vector_load_idx %gather3A_373[%add3A_371] : memref<328xi32, #tpu.memory_space<vmem>>[vector<16xi32>], vector<16xi32>,
      %bitcast3A_375 = vector.bitcast %gather3A_374 : vector<16xi32> to vector<16xf32>
      %shift_left3A_376 = arith.constant 16 : i32
      %shift_left3A_377 = vector.broadcast %shift_left3A_376 : i32 to vector<16xi32>
      %shift_left3A_378 = arith.shli %gather3A_374, %shift_left3A_377 : vector<16xi32>
      %bitcast3A_379 = vector.bitcast %shift_left3A_378 : vector<16xi32> to vector<16xf32>
      %mul3A_380 = arith.mulf %sub3A_368, %bitcast3A_379 : vector<16xf32>
      %add3A_381 = arith.addf %bitcast3A_375, %mul3A_380 : vector<16xf32>
      %scatter3A_382 = arith.constant 24 : i32
      %scatter3A_383 = tpu.memref_slice %arg8[%scatter3A_382] : memref<19584xf32, #tpu.memory_space<vmem>> -> memref<2048xf32, #tpu.memory_space<vmem>>
      tpu.vector_store_idx %scatter3A_383[%add3A_8], %add3A_381 : memref<2048xf32, #tpu.memory_space<vmem>>[vector<16xi32>], vector<16xf32>,
      %gather3A_384 = arith.constant 328 : i32
      %gather3A_385 = tpu.memref_slice %arg5[%gather3A_384] : memref<2624xi32, #tpu.memory_space<vmem>> -> memref<328xi32, #tpu.memory_space<vmem>>
      %gather3A_386 = tpu.vector_load_idx %gather3A_385[%add3A_371] : memref<328xi32, #tpu.memory_space<vmem>>[vector<16xi32>], vector<16xi32>,
      %bitcast3A_387 = vector.bitcast %gather3A_386 : vector<16xi32> to vector<16xf32>
      %shift_left3A_388 = arith.constant 16 : i32
      %shift_left3A_389 = vector.broadcast %shift_left3A_388 : i32 to vector<16xi32>
      %shift_left3A_390 = arith.shli %gather3A_386, %shift_left3A_389 : vector<16xi32>
      %bitcast3A_391 = vector.bitcast %shift_left3A_390 : vector<16xi32> to vector<16xf32>
      %mul3A_392 = arith.mulf %sub3A_368, %bitcast3A_391 : vector<16xf32>
      %add3A_393 = arith.addf %bitcast3A_387, %mul3A_392 : vector<16xf32>
      %scatter3A_394 = arith.constant 24 : i32
      %scatter3A_395 = tpu.memref_slice %arg8[%scatter3A_394] : memref<19584xf32, #tpu.memory_space<vmem>> -> memref<2048xf32, #tpu.memory_space<vmem>>
      tpu.vector_store_idx %scatter3A_395[%add3A_11], %add3A_393 : memref<2048xf32, #tpu.memory_space<vmem>>[vector<16xi32>], vector<16xf32>,
      %gather3A_396 = arith.constant 656 : i32
      %gather3A_397 = tpu.memref_slice %arg5[%gather3A_396] : memref<2624xi32, #tpu.memory_space<vmem>> -> memref<328xi32, #tpu.memory_space<vmem>>
      %gather3A_398 = tpu.vector_load_idx %gather3A_397[%add3A_371] : memref<328xi32, #tpu.memory_space<vmem>>[vector<16xi32>], vector<16xi32>,
      %bitcast3A_399 = vector.bitcast %gather3A_398 : vector<16xi32> to vector<16xf32>
      %shift_left3A_400 = arith.constant 16 : i32
      %shift_left3A_401 = vector.broadcast %shift_left3A_400 : i32 to vector<16xi32>
      %shift_left3A_402 = arith.shli %gather3A_398, %shift_left3A_401 : vector<16xi32>
      %bitcast3A_403 = vector.bitcast %shift_left3A_402 : vector<16xi32> to vector<16xf32>
      %mul3A_404 = arith.mulf %sub3A_368, %bitcast3A_403 : vector<16xf32>
      %add3A_405 = arith.addf %bitcast3A_399, %mul3A_404 : vector<16xf32>
      %scatter3A_406 = arith.constant 24 : i32
      %scatter3A_407 = tpu.memref_slice %arg8[%scatter3A_406] : memref<19584xf32, #tpu.memory_space<vmem>> -> memref<2048xf32, #tpu.memory_space<vmem>>
      tpu.vector_store_idx %scatter3A_407[%add3A_14], %add3A_405 : memref<2048xf32, #tpu.memory_space<vmem>>[vector<16xi32>], vector<16xf32>,
      %gather3A_408 = arith.constant 984 : i32
      %gather3A_409 = tpu.memref_slice %arg5[%gather3A_408] : memref<2624xi32, #tpu.memory_space<vmem>> -> memref<328xi32, #tpu.memory_space<vmem>>
      %gather3A_410 = tpu.vector_load_idx %gather3A_409[%add3A_371] : memref<328xi32, #tpu.memory_space<vmem>>[vector<16xi32>], vector<16xi32>,
      %bitcast3A_411 = vector.bitcast %gather3A_410 : vector<16xi32> to vector<16xf32>
      %shift_left3A_412 = arith.constant 16 : i32
      %shift_left3A_413 = vector.broadcast %shift_left3A_412 : i32 to vector<16xi32>
      %shift_left3A_414 = arith.shli %gather3A_410, %shift_left3A_413 : vector<16xi32>
      %bitcast3A_415 = vector.bitcast %shift_left3A_414 : vector<16xi32> to vector<16xf32>
      %mul3A_416 = arith.mulf %sub3A_368, %bitcast3A_415 : vector<16xf32>
      %add3A_417 = arith.addf %bitcast3A_411, %mul3A_416 : vector<16xf32>
      %scatter3A_418 = arith.constant 24 : i32
      %scatter3A_419 = tpu.memref_slice %arg8[%scatter3A_418] : memref<19584xf32, #tpu.memory_space<vmem>> -> memref<2048xf32, #tpu.memory_space<vmem>>
      tpu.vector_store_idx %scatter3A_419[%add3A_17], %add3A_417 : memref<2048xf32, #tpu.memory_space<vmem>>[vector<16xi32>], vector<16xf32>,
      %gather3A_420 = arith.constant 1312 : i32
      %gather3A_421 = tpu.memref_slice %arg5[%gather3A_420] : memref<2624xi32, #tpu.memory_space<vmem>> -> memref<328xi32, #tpu.memory_space<vmem>>
      %gather3A_422 = tpu.vector_load_idx %gather3A_421[%add3A_371] : memref<328xi32, #tpu.memory_space<vmem>>[vector<16xi32>], vector<16xi32>,
      %bitcast3A_423 = vector.bitcast %gather3A_422 : vector<16xi32> to vector<16xf32>
      %shift_left3A_424 = arith.constant 16 : i32
      %shift_left3A_425 = vector.broadcast %shift_left3A_424 : i32 to vector<16xi32>
      %shift_left3A_426 = arith.shli %gather3A_422, %shift_left3A_425 : vector<16xi32>
      %bitcast3A_427 = vector.bitcast %shift_left3A_426 : vector<16xi32> to vector<16xf32>
      %mul3A_428 = arith.mulf %sub3A_368, %bitcast3A_427 : vector<16xf32>
      %add3A_429 = arith.addf %bitcast3A_423, %mul3A_428 : vector<16xf32>
      %scatter3A_430 = arith.constant 24 : i32
      %scatter3A_431 = tpu.memref_slice %arg8[%scatter3A_430] : memref<19584xf32, #tpu.memory_space<vmem>> -> memref<2048xf32, #tpu.memory_space<vmem>>
      tpu.vector_store_idx %scatter3A_431[%add3A_20], %add3A_429 : memref<2048xf32, #tpu.memory_space<vmem>>[vector<16xi32>], vector<16xf32>,
      %gather3A_432 = arith.constant 1640 : i32
      %gather3A_433 = tpu.memref_slice %arg5[%gather3A_432] : memref<2624xi32, #tpu.memory_space<vmem>> -> memref<328xi32, #tpu.memory_space<vmem>>
      %gather3A_434 = tpu.vector_load_idx %gather3A_433[%add3A_371] : memref<328xi32, #tpu.memory_space<vmem>>[vector<16xi32>], vector<16xi32>,
      %bitcast3A_435 = vector.bitcast %gather3A_434 : vector<16xi32> to vector<16xf32>
      %shift_left3A_436 = arith.constant 16 : i32
      %shift_left3A_437 = vector.broadcast %shift_left3A_436 : i32 to vector<16xi32>
      %shift_left3A_438 = arith.shli %gather3A_434, %shift_left3A_437 : vector<16xi32>
      %bitcast3A_439 = vector.bitcast %shift_left3A_438 : vector<16xi32> to vector<16xf32>
      %mul3A_440 = arith.mulf %sub3A_368, %bitcast3A_439 : vector<16xf32>
      %add3A_441 = arith.addf %bitcast3A_435, %mul3A_440 : vector<16xf32>
      %scatter3A_442 = arith.constant 24 : i32
      %scatter3A_443 = tpu.memref_slice %arg8[%scatter3A_442] : memref<19584xf32, #tpu.memory_space<vmem>> -> memref<2048xf32, #tpu.memory_space<vmem>>
      tpu.vector_store_idx %scatter3A_443[%add3A_23], %add3A_441 : memref<2048xf32, #tpu.memory_space<vmem>>[vector<16xi32>], vector<16xf32>,
      %gather3A_444 = arith.constant 1968 : i32
      %gather3A_445 = tpu.memref_slice %arg5[%gather3A_444] : memref<2624xi32, #tpu.memory_space<vmem>> -> memref<328xi32, #tpu.memory_space<vmem>>
      %gather3A_446 = tpu.vector_load_idx %gather3A_445[%add3A_371] : memref<328xi32, #tpu.memory_space<vmem>>[vector<16xi32>], vector<16xi32>,
      %bitcast3A_447 = vector.bitcast %gather3A_446 : vector<16xi32> to vector<16xf32>
      %shift_left3A_448 = arith.constant 16 : i32
      %shift_left3A_449 = vector.broadcast %shift_left3A_448 : i32 to vector<16xi32>
      %shift_left3A_450 = arith.shli %gather3A_446, %shift_left3A_449 : vector<16xi32>
      %bitcast3A_451 = vector.bitcast %shift_left3A_450 : vector<16xi32> to vector<16xf32>
      %mul3A_452 = arith.mulf %sub3A_368, %bitcast3A_451 : vector<16xf32>
      %add3A_453 = arith.addf %bitcast3A_447, %mul3A_452 : vector<16xf32>
      %scatter3A_454 = arith.constant 24 : i32
      %scatter3A_455 = tpu.memref_slice %arg8[%scatter3A_454] : memref<19584xf32, #tpu.memory_space<vmem>> -> memref<2048xf32, #tpu.memory_space<vmem>>
      tpu.vector_store_idx %scatter3A_455[%add3A_26], %add3A_453 : memref<2048xf32, #tpu.memory_space<vmem>>[vector<16xi32>], vector<16xf32>,
      %gather3A_456 = arith.constant 2296 : i32
      %gather3A_457 = tpu.memref_slice %arg5[%gather3A_456] : memref<2624xi32, #tpu.memory_space<vmem>> -> memref<328xi32, #tpu.memory_space<vmem>>
      %gather3A_458 = tpu.vector_load_idx %gather3A_457[%add3A_371] : memref<328xi32, #tpu.memory_space<vmem>>[vector<16xi32>], vector<16xi32>,
      %bitcast3A_459 = vector.bitcast %gather3A_458 : vector<16xi32> to vector<16xf32>
      %shift_left3A_460 = arith.constant 16 : i32
      %shift_left3A_461 = vector.broadcast %shift_left3A_460 : i32 to vector<16xi32>
      %shift_left3A_462 = arith.shli %gather3A_458, %shift_left3A_461 : vector<16xi32>
      %bitcast3A_463 = vector.bitcast %shift_left3A_462 : vector<16xi32> to vector<16xf32>
      %mul3A_464 = arith.mulf %sub3A_368, %bitcast3A_463 : vector<16xf32>
      %add3A_465 = arith.addf %bitcast3A_459, %mul3A_464 : vector<16xf32>
      %scatter3A_466 = arith.constant 24 : i32
      %scatter3A_467 = tpu.memref_slice %arg8[%scatter3A_466] : memref<19584xf32, #tpu.memory_space<vmem>> -> memref<2048xf32, #tpu.memory_space<vmem>>
      tpu.vector_store_idx %scatter3A_467[%add3A_29], %add3A_465 : memref<2048xf32, #tpu.memory_space<vmem>>[vector<16xi32>], vector<16xf32>,
      %mul3A_468 = arith.constant 1.200000e+01 : f32
      %mul3A_469 = vector.broadcast %mul3A_468 : f32 to vector<16xf32>
      %mul3A_470 = arith.mulf %get3A_52, %mul3A_469 : vector<16xf32>
      %convert_element_type3A_471 = arith.fptosi %mul3A_470 : vector<16xf32> to vector<16xi32>
      %convert_element_type3A_472 = arith.sitofp %convert_element_type3A_471 : vector<16xi32> to vector<16xf32>
      %sub3A_473 = arith.subf %mul3A_470, %convert_element_type3A_472 : vector<16xf32>
      %add3A_474 = arith.constant 32 : i32
      %add3A_475 = vector.broadcast %add3A_474 : i32 to vector<16xi32>
      %add3A_476 = arith.addi %convert_element_type3A_471, %add3A_475 : vector<16xi32>
      %gather3A_477 = arith.constant 0 : i32
      %gather3A_478 = tpu.memref_slice %arg5[%gather3A_477] : memref<2624xi32, #tpu.memory_space<vmem>> -> memref<328xi32, #tpu.memory_space<vmem>>
      %gather3A_479 = tpu.vector_load_idx %gather3A_478[%add3A_476] : memref<328xi32, #tpu.memory_space<vmem>>[vector<16xi32>], vector<16xi32>,
      %bitcast3A_480 = vector.bitcast %gather3A_479 : vector<16xi32> to vector<16xf32>
      %shift_left3A_481 = arith.constant 16 : i32
      %shift_left3A_482 = vector.broadcast %shift_left3A_481 : i32 to vector<16xi32>
      %shift_left3A_483 = arith.shli %gather3A_479, %shift_left3A_482 : vector<16xi32>
      %bitcast3A_484 = vector.bitcast %shift_left3A_483 : vector<16xi32> to vector<16xf32>
      %mul3A_485 = arith.mulf %sub3A_473, %bitcast3A_484 : vector<16xf32>
      %add3A_486 = arith.addf %bitcast3A_480, %mul3A_485 : vector<16xf32>
      %scatter3A_487 = arith.constant 32 : i32
      %scatter3A_488 = tpu.memref_slice %arg8[%scatter3A_487] : memref<19584xf32, #tpu.memory_space<vmem>> -> memref<2048xf32, #tpu.memory_space<vmem>>
      tpu.vector_store_idx %scatter3A_488[%add3A_8], %add3A_486 : memref<2048xf32, #tpu.memory_space<vmem>>[vector<16xi32>], vector<16xf32>,
      %gather3A_489 = arith.constant 328 : i32
      %gather3A_490 = tpu.memref_slice %arg5[%gather3A_489] : memref<2624xi32, #tpu.memory_space<vmem>> -> memref<328xi32, #tpu.memory_space<vmem>>
      %gather3A_491 = tpu.vector_load_idx %gather3A_490[%add3A_476] : memref<328xi32, #tpu.memory_space<vmem>>[vector<16xi32>], vector<16xi32>,
      %bitcast3A_492 = vector.bitcast %gather3A_491 : vector<16xi32> to vector<16xf32>
      %shift_left3A_493 = arith.constant 16 : i32
      %shift_left3A_494 = vector.broadcast %shift_left3A_493 : i32 to vector<16xi32>
      %shift_left3A_495 = arith.shli %gather3A_491, %shift_left3A_494 : vector<16xi32>
      %bitcast3A_496 = vector.bitcast %shift_left3A_495 : vector<16xi32> to vector<16xf32>
      %mul3A_497 = arith.mulf %sub3A_473, %bitcast3A_496 : vector<16xf32>
      %add3A_498 = arith.addf %bitcast3A_492, %mul3A_497 : vector<16xf32>
      %scatter3A_499 = arith.constant 32 : i32
      %scatter3A_500 = tpu.memref_slice %arg8[%scatter3A_499] : memref<19584xf32, #tpu.memory_space<vmem>> -> memref<2048xf32, #tpu.memory_space<vmem>>
      tpu.vector_store_idx %scatter3A_500[%add3A_11], %add3A_498 : memref<2048xf32, #tpu.memory_space<vmem>>[vector<16xi32>], vector<16xf32>,
      %gather3A_501 = arith.constant 656 : i32
      %gather3A_502 = tpu.memref_slice %arg5[%gather3A_501] : memref<2624xi32, #tpu.memory_space<vmem>> -> memref<328xi32, #tpu.memory_space<vmem>>
      %gather3A_503 = tpu.vector_load_idx %gather3A_502[%add3A_476] : memref<328xi32, #tpu.memory_space<vmem>>[vector<16xi32>], vector<16xi32>,
      %bitcast3A_504 = vector.bitcast %gather3A_503 : vector<16xi32> to vector<16xf32>
      %shift_left3A_505 = arith.constant 16 : i32
      %shift_left3A_506 = vector.broadcast %shift_left3A_505 : i32 to vector<16xi32>
      %shift_left3A_507 = arith.shli %gather3A_503, %shift_left3A_506 : vector<16xi32>
      %bitcast3A_508 = vector.bitcast %shift_left3A_507 : vector<16xi32> to vector<16xf32>
      %mul3A_509 = arith.mulf %sub3A_473, %bitcast3A_508 : vector<16xf32>
      %add3A_510 = arith.addf %bitcast3A_504, %mul3A_509 : vector<16xf32>
      %scatter3A_511 = arith.constant 32 : i32
      %scatter3A_512 = tpu.memref_slice %arg8[%scatter3A_511] : memref<19584xf32, #tpu.memory_space<vmem>> -> memref<2048xf32, #tpu.memory_space<vmem>>
      tpu.vector_store_idx %scatter3A_512[%add3A_14], %add3A_510 : memref<2048xf32, #tpu.memory_space<vmem>>[vector<16xi32>], vector<16xf32>,
      %gather3A_513 = arith.constant 984 : i32
      %gather3A_514 = tpu.memref_slice %arg5[%gather3A_513] : memref<2624xi32, #tpu.memory_space<vmem>> -> memref<328xi32, #tpu.memory_space<vmem>>
      %gather3A_515 = tpu.vector_load_idx %gather3A_514[%add3A_476] : memref<328xi32, #tpu.memory_space<vmem>>[vector<16xi32>], vector<16xi32>,
      %bitcast3A_516 = vector.bitcast %gather3A_515 : vector<16xi32> to vector<16xf32>
      %shift_left3A_517 = arith.constant 16 : i32
      %shift_left3A_518 = vector.broadcast %shift_left3A_517 : i32 to vector<16xi32>
      %shift_left3A_519 = arith.shli %gather3A_515, %shift_left3A_518 : vector<16xi32>
      %bitcast3A_520 = vector.bitcast %shift_left3A_519 : vector<16xi32> to vector<16xf32>
      %mul3A_521 = arith.mulf %sub3A_473, %bitcast3A_520 : vector<16xf32>
      %add3A_522 = arith.addf %bitcast3A_516, %mul3A_521 : vector<16xf32>
      %scatter3A_523 = arith.constant 32 : i32
      %scatter3A_524 = tpu.memref_slice %arg8[%scatter3A_523] : memref<19584xf32, #tpu.memory_space<vmem>> -> memref<2048xf32, #tpu.memory_space<vmem>>
      tpu.vector_store_idx %scatter3A_524[%add3A_17], %add3A_522 : memref<2048xf32, #tpu.memory_space<vmem>>[vector<16xi32>], vector<16xf32>,
      %gather3A_525 = arith.constant 1312 : i32
      %gather3A_526 = tpu.memref_slice %arg5[%gather3A_525] : memref<2624xi32, #tpu.memory_space<vmem>> -> memref<328xi32, #tpu.memory_space<vmem>>
      %gather3A_527 = tpu.vector_load_idx %gather3A_526[%add3A_476] : memref<328xi32, #tpu.memory_space<vmem>>[vector<16xi32>], vector<16xi32>,
      %bitcast3A_528 = vector.bitcast %gather3A_527 : vector<16xi32> to vector<16xf32>
      %shift_left3A_529 = arith.constant 16 : i32
      %shift_left3A_530 = vector.broadcast %shift_left3A_529 : i32 to vector<16xi32>
      %shift_left3A_531 = arith.shli %gather3A_527, %shift_left3A_530 : vector<16xi32>
      %bitcast3A_532 = vector.bitcast %shift_left3A_531 : vector<16xi32> to vector<16xf32>
      %mul3A_533 = arith.mulf %sub3A_473, %bitcast3A_532 : vector<16xf32>
      %add3A_534 = arith.addf %bitcast3A_528, %mul3A_533 : vector<16xf32>
      %scatter3A_535 = arith.constant 32 : i32
      %scatter3A_536 = tpu.memref_slice %arg8[%scatter3A_535] : memref<19584xf32, #tpu.memory_space<vmem>> -> memref<2048xf32, #tpu.memory_space<vmem>>
      tpu.vector_store_idx %scatter3A_536[%add3A_20], %add3A_534 : memref<2048xf32, #tpu.memory_space<vmem>>[vector<16xi32>], vector<16xf32>,
      %gather3A_537 = arith.constant 1640 : i32
      %gather3A_538 = tpu.memref_slice %arg5[%gather3A_537] : memref<2624xi32, #tpu.memory_space<vmem>> -> memref<328xi32, #tpu.memory_space<vmem>>
      %gather3A_539 = tpu.vector_load_idx %gather3A_538[%add3A_476] : memref<328xi32, #tpu.memory_space<vmem>>[vector<16xi32>], vector<16xi32>,
      %bitcast3A_540 = vector.bitcast %gather3A_539 : vector<16xi32> to vector<16xf32>
      %shift_left3A_541 = arith.constant 16 : i32
      %shift_left3A_542 = vector.broadcast %shift_left3A_541 : i32 to vector<16xi32>
      %shift_left3A_543 = arith.shli %gather3A_539, %shift_left3A_542 : vector<16xi32>
      %bitcast3A_544 = vector.bitcast %shift_left3A_543 : vector<16xi32> to vector<16xf32>
      %mul3A_545 = arith.mulf %sub3A_473, %bitcast3A_544 : vector<16xf32>
      %add3A_546 = arith.addf %bitcast3A_540, %mul3A_545 : vector<16xf32>
      %scatter3A_547 = arith.constant 32 : i32
      %scatter3A_548 = tpu.memref_slice %arg8[%scatter3A_547] : memref<19584xf32, #tpu.memory_space<vmem>> -> memref<2048xf32, #tpu.memory_space<vmem>>
      tpu.vector_store_idx %scatter3A_548[%add3A_23], %add3A_546 : memref<2048xf32, #tpu.memory_space<vmem>>[vector<16xi32>], vector<16xf32>,
      %gather3A_549 = arith.constant 1968 : i32
      %gather3A_550 = tpu.memref_slice %arg5[%gather3A_549] : memref<2624xi32, #tpu.memory_space<vmem>> -> memref<328xi32, #tpu.memory_space<vmem>>
      %gather3A_551 = tpu.vector_load_idx %gather3A_550[%add3A_476] : memref<328xi32, #tpu.memory_space<vmem>>[vector<16xi32>], vector<16xi32>,
      %bitcast3A_552 = vector.bitcast %gather3A_551 : vector<16xi32> to vector<16xf32>
      %shift_left3A_553 = arith.constant 16 : i32
      %shift_left3A_554 = vector.broadcast %shift_left3A_553 : i32 to vector<16xi32>
      %shift_left3A_555 = arith.shli %gather3A_551, %shift_left3A_554 : vector<16xi32>
      %bitcast3A_556 = vector.bitcast %shift_left3A_555 : vector<16xi32> to vector<16xf32>
      %mul3A_557 = arith.mulf %sub3A_473, %bitcast3A_556 : vector<16xf32>
      %add3A_558 = arith.addf %bitcast3A_552, %mul3A_557 : vector<16xf32>
      %scatter3A_559 = arith.constant 32 : i32
      %scatter3A_560 = tpu.memref_slice %arg8[%scatter3A_559] : memref<19584xf32, #tpu.memory_space<vmem>> -> memref<2048xf32, #tpu.memory_space<vmem>>
      tpu.vector_store_idx %scatter3A_560[%add3A_26], %add3A_558 : memref<2048xf32, #tpu.memory_space<vmem>>[vector<16xi32>], vector<16xf32>,
      %gather3A_561 = arith.constant 2296 : i32
      %gather3A_562 = tpu.memref_slice %arg5[%gather3A_561] : memref<2624xi32, #tpu.memory_space<vmem>> -> memref<328xi32, #tpu.memory_space<vmem>>
      %gather3A_563 = tpu.vector_load_idx %gather3A_562[%add3A_476] : memref<328xi32, #tpu.memory_space<vmem>>[vector<16xi32>], vector<16xi32>,
      %bitcast3A_564 = vector.bitcast %gather3A_563 : vector<16xi32> to vector<16xf32>
      %shift_left3A_565 = arith.constant 16 : i32
      %shift_left3A_566 = vector.broadcast %shift_left3A_565 : i32 to vector<16xi32>
      %shift_left3A_567 = arith.shli %gather3A_563, %shift_left3A_566 : vector<16xi32>
      %bitcast3A_568 = vector.bitcast %shift_left3A_567 : vector<16xi32> to vector<16xf32>
      %mul3A_569 = arith.mulf %sub3A_473, %bitcast3A_568 : vector<16xf32>
      %add3A_570 = arith.addf %bitcast3A_564, %mul3A_569 : vector<16xf32>
      %scatter3A_571 = arith.constant 32 : i32
      %scatter3A_572 = tpu.memref_slice %arg8[%scatter3A_571] : memref<19584xf32, #tpu.memory_space<vmem>> -> memref<2048xf32, #tpu.memory_space<vmem>>
      tpu.vector_store_idx %scatter3A_572[%add3A_29], %add3A_570 : memref<2048xf32, #tpu.memory_space<vmem>>[vector<16xi32>], vector<16xf32>,
      %mul3A_573 = arith.constant 1.400000e+01 : f32
      %mul3A_574 = vector.broadcast %mul3A_573 : f32 to vector<16xf32>
      %mul3A_575 = arith.mulf %get3A_52, %mul3A_574 : vector<16xf32>
      %convert_element_type3A_576 = arith.fptosi %mul3A_575 : vector<16xf32> to vector<16xi32>
      %convert_element_type3A_577 = arith.sitofp %convert_element_type3A_576 : vector<16xi32> to vector<16xf32>
      %sub3A_578 = arith.subf %mul3A_575, %convert_element_type3A_577 : vector<16xf32>
      %add3A_579 = arith.constant 45 : i32
      %add3A_580 = vector.broadcast %add3A_579 : i32 to vector<16xi32>
      %add3A_581 = arith.addi %convert_element_type3A_576, %add3A_580 : vector<16xi32>
      %gather3A_582 = arith.constant 0 : i32
      %gather3A_583 = tpu.memref_slice %arg5[%gather3A_582] : memref<2624xi32, #tpu.memory_space<vmem>> -> memref<328xi32, #tpu.memory_space<vmem>>
      %gather3A_584 = tpu.vector_load_idx %gather3A_583[%add3A_581] : memref<328xi32, #tpu.memory_space<vmem>>[vector<16xi32>], vector<16xi32>,
      %bitcast3A_585 = vector.bitcast %gather3A_584 : vector<16xi32> to vector<16xf32>
      %shift_left3A_586 = arith.constant 16 : i32
      %shift_left3A_587 = vector.broadcast %shift_left3A_586 : i32 to vector<16xi32>
      %shift_left3A_588 = arith.shli %gather3A_584, %shift_left3A_587 : vector<16xi32>
      %bitcast3A_589 = vector.bitcast %shift_left3A_588 : vector<16xi32> to vector<16xf32>
      %mul3A_590 = arith.mulf %sub3A_578, %bitcast3A_589 : vector<16xf32>
      %add3A_591 = arith.addf %bitcast3A_585, %mul3A_590 : vector<16xf32>
      %scatter3A_592 = arith.constant 40 : i32
      %scatter3A_593 = tpu.memref_slice %arg8[%scatter3A_592] : memref<19584xf32, #tpu.memory_space<vmem>> -> memref<2048xf32, #tpu.memory_space<vmem>>
      tpu.vector_store_idx %scatter3A_593[%add3A_8], %add3A_591 : memref<2048xf32, #tpu.memory_space<vmem>>[vector<16xi32>], vector<16xf32>,
      %gather3A_594 = arith.constant 328 : i32
      %gather3A_595 = tpu.memref_slice %arg5[%gather3A_594] : memref<2624xi32, #tpu.memory_space<vmem>> -> memref<328xi32, #tpu.memory_space<vmem>>
      %gather3A_596 = tpu.vector_load_idx %gather3A_595[%add3A_581] : memref<328xi32, #tpu.memory_space<vmem>>[vector<16xi32>], vector<16xi32>,
      %bitcast3A_597 = vector.bitcast %gather3A_596 : vector<16xi32> to vector<16xf32>
      %shift_left3A_598 = arith.constant 16 : i32
      %shift_left3A_599 = vector.broadcast %shift_left3A_598 : i32 to vector<16xi32>
      %shift_left3A_600 = arith.shli %gather3A_596, %shift_left3A_599 : vector<16xi32>
      %bitcast3A_601 = vector.bitcast %shift_left3A_600 : vector<16xi32> to vector<16xf32>
      %mul3A_602 = arith.mulf %sub3A_578, %bitcast3A_601 : vector<16xf32>
      %add3A_603 = arith.addf %bitcast3A_597, %mul3A_602 : vector<16xf32>
      %scatter3A_604 = arith.constant 40 : i32
      %scatter3A_605 = tpu.memref_slice %arg8[%scatter3A_604] : memref<19584xf32, #tpu.memory_space<vmem>> -> memref<2048xf32, #tpu.memory_space<vmem>>
      tpu.vector_store_idx %scatter3A_605[%add3A_11], %add3A_603 : memref<2048xf32, #tpu.memory_space<vmem>>[vector<16xi32>], vector<16xf32>,
      %gather3A_606 = arith.constant 656 : i32
      %gather3A_607 = tpu.memref_slice %arg5[%gather3A_606] : memref<2624xi32, #tpu.memory_space<vmem>> -> memref<328xi32, #tpu.memory_space<vmem>>
      %gather3A_608 = tpu.vector_load_idx %gather3A_607[%add3A_581] : memref<328xi32, #tpu.memory_space<vmem>>[vector<16xi32>], vector<16xi32>,
      %bitcast3A_609 = vector.bitcast %gather3A_608 : vector<16xi32> to vector<16xf32>
      %shift_left3A_610 = arith.constant 16 : i32
      %shift_left3A_611 = vector.broadcast %shift_left3A_610 : i32 to vector<16xi32>
      %shift_left3A_612 = arith.shli %gather3A_608, %shift_left3A_611 : vector<16xi32>
      %bitcast3A_613 = vector.bitcast %shift_left3A_612 : vector<16xi32> to vector<16xf32>
      %mul3A_614 = arith.mulf %sub3A_578, %bitcast3A_613 : vector<16xf32>
      %add3A_615 = arith.addf %bitcast3A_609, %mul3A_614 : vector<16xf32>
      %scatter3A_616 = arith.constant 40 : i32
      %scatter3A_617 = tpu.memref_slice %arg8[%scatter3A_616] : memref<19584xf32, #tpu.memory_space<vmem>> -> memref<2048xf32, #tpu.memory_space<vmem>>
      tpu.vector_store_idx %scatter3A_617[%add3A_14], %add3A_615 : memref<2048xf32, #tpu.memory_space<vmem>>[vector<16xi32>], vector<16xf32>,
      %gather3A_618 = arith.constant 984 : i32
      %gather3A_619 = tpu.memref_slice %arg5[%gather3A_618] : memref<2624xi32, #tpu.memory_space<vmem>> -> memref<328xi32, #tpu.memory_space<vmem>>
      %gather3A_620 = tpu.vector_load_idx %gather3A_619[%add3A_581] : memref<328xi32, #tpu.memory_space<vmem>>[vector<16xi32>], vector<16xi32>,
      %bitcast3A_621 = vector.bitcast %gather3A_620 : vector<16xi32> to vector<16xf32>
      %shift_left3A_622 = arith.constant 16 : i32
      %shift_left3A_623 = vector.broadcast %shift_left3A_622 : i32 to vector<16xi32>
      %shift_left3A_624 = arith.shli %gather3A_620, %shift_left3A_623 : vector<16xi32>
      %bitcast3A_625 = vector.bitcast %shift_left3A_624 : vector<16xi32> to vector<16xf32>
      %mul3A_626 = arith.mulf %sub3A_578, %bitcast3A_625 : vector<16xf32>
      %add3A_627 = arith.addf %bitcast3A_621, %mul3A_626 : vector<16xf32>
      %scatter3A_628 = arith.constant 40 : i32
      %scatter3A_629 = tpu.memref_slice %arg8[%scatter3A_628] : memref<19584xf32, #tpu.memory_space<vmem>> -> memref<2048xf32, #tpu.memory_space<vmem>>
      tpu.vector_store_idx %scatter3A_629[%add3A_17], %add3A_627 : memref<2048xf32, #tpu.memory_space<vmem>>[vector<16xi32>], vector<16xf32>,
      %gather3A_630 = arith.constant 1312 : i32
      %gather3A_631 = tpu.memref_slice %arg5[%gather3A_630] : memref<2624xi32, #tpu.memory_space<vmem>> -> memref<328xi32, #tpu.memory_space<vmem>>
      %gather3A_632 = tpu.vector_load_idx %gather3A_631[%add3A_581] : memref<328xi32, #tpu.memory_space<vmem>>[vector<16xi32>], vector<16xi32>,
      %bitcast3A_633 = vector.bitcast %gather3A_632 : vector<16xi32> to vector<16xf32>
      %shift_left3A_634 = arith.constant 16 : i32
      %shift_left3A_635 = vector.broadcast %shift_left3A_634 : i32 to vector<16xi32>
      %shift_left3A_636 = arith.shli %gather3A_632, %shift_left3A_635 : vector<16xi32>
      %bitcast3A_637 = vector.bitcast %shift_left3A_636 : vector<16xi32> to vector<16xf32>
      %mul3A_638 = arith.mulf %sub3A_578, %bitcast3A_637 : vector<16xf32>
      %add3A_639 = arith.addf %bitcast3A_633, %mul3A_638 : vector<16xf32>
      %scatter3A_640 = arith.constant 40 : i32
      %scatter3A_641 = tpu.memref_slice %arg8[%scatter3A_640] : memref<19584xf32, #tpu.memory_space<vmem>> -> memref<2048xf32, #tpu.memory_space<vmem>>
      tpu.vector_store_idx %scatter3A_641[%add3A_20], %add3A_639 : memref<2048xf32, #tpu.memory_space<vmem>>[vector<16xi32>], vector<16xf32>,
      %gather3A_642 = arith.constant 1640 : i32
      %gather3A_643 = tpu.memref_slice %arg5[%gather3A_642] : memref<2624xi32, #tpu.memory_space<vmem>> -> memref<328xi32, #tpu.memory_space<vmem>>
      %gather3A_644 = tpu.vector_load_idx %gather3A_643[%add3A_581] : memref<328xi32, #tpu.memory_space<vmem>>[vector<16xi32>], vector<16xi32>,
      %bitcast3A_645 = vector.bitcast %gather3A_644 : vector<16xi32> to vector<16xf32>
      %shift_left3A_646 = arith.constant 16 : i32
      %shift_left3A_647 = vector.broadcast %shift_left3A_646 : i32 to vector<16xi32>
      %shift_left3A_648 = arith.shli %gather3A_644, %shift_left3A_647 : vector<16xi32>
      %bitcast3A_649 = vector.bitcast %shift_left3A_648 : vector<16xi32> to vector<16xf32>
      %mul3A_650 = arith.mulf %sub3A_578, %bitcast3A_649 : vector<16xf32>
      %add3A_651 = arith.addf %bitcast3A_645, %mul3A_650 : vector<16xf32>
      %scatter3A_652 = arith.constant 40 : i32
      %scatter3A_653 = tpu.memref_slice %arg8[%scatter3A_652] : memref<19584xf32, #tpu.memory_space<vmem>> -> memref<2048xf32, #tpu.memory_space<vmem>>
      tpu.vector_store_idx %scatter3A_653[%add3A_23], %add3A_651 : memref<2048xf32, #tpu.memory_space<vmem>>[vector<16xi32>], vector<16xf32>,
      %gather3A_654 = arith.constant 1968 : i32
      %gather3A_655 = tpu.memref_slice %arg5[%gather3A_654] : memref<2624xi32, #tpu.memory_space<vmem>> -> memref<328xi32, #tpu.memory_space<vmem>>
      %gather3A_656 = tpu.vector_load_idx %gather3A_655[%add3A_581] : memref<328xi32, #tpu.memory_space<vmem>>[vector<16xi32>], vector<16xi32>,
      %bitcast3A_657 = vector.bitcast %gather3A_656 : vector<16xi32> to vector<16xf32>
      %shift_left3A_658 = arith.constant 16 : i32
      %shift_left3A_659 = vector.broadcast %shift_left3A_658 : i32 to vector<16xi32>
      %shift_left3A_660 = arith.shli %gather3A_656, %shift_left3A_659 : vector<16xi32>
      %bitcast3A_661 = vector.bitcast %shift_left3A_660 : vector<16xi32> to vector<16xf32>
      %mul3A_662 = arith.mulf %sub3A_578, %bitcast3A_661 : vector<16xf32>
      %add3A_663 = arith.addf %bitcast3A_657, %mul3A_662 : vector<16xf32>
      %scatter3A_664 = arith.constant 40 : i32
      %scatter3A_665 = tpu.memref_slice %arg8[%scatter3A_664] : memref<19584xf32, #tpu.memory_space<vmem>> -> memref<2048xf32, #tpu.memory_space<vmem>>
      tpu.vector_store_idx %scatter3A_665[%add3A_26], %add3A_663 : memref<2048xf32, #tpu.memory_space<vmem>>[vector<16xi32>], vector<16xf32>,
      %gather3A_666 = arith.constant 2296 : i32
      %gather3A_667 = tpu.memref_slice %arg5[%gather3A_666] : memref<2624xi32, #tpu.memory_space<vmem>> -> memref<328xi32, #tpu.memory_space<vmem>>
      %gather3A_668 = tpu.vector_load_idx %gather3A_667[%add3A_581] : memref<328xi32, #tpu.memory_space<vmem>>[vector<16xi32>], vector<16xi32>,
      %bitcast3A_669 = vector.bitcast %gather3A_668 : vector<16xi32> to vector<16xf32>
      %shift_left3A_670 = arith.constant 16 : i32
      %shift_left3A_671 = vector.broadcast %shift_left3A_670 : i32 to vector<16xi32>
      %shift_left3A_672 = arith.shli %gather3A_668, %shift_left3A_671 : vector<16xi32>
      %bitcast3A_673 = vector.bitcast %shift_left3A_672 : vector<16xi32> to vector<16xf32>
      %mul3A_674 = arith.mulf %sub3A_578, %bitcast3A_673 : vector<16xf32>
      %add3A_675 = arith.addf %bitcast3A_669, %mul3A_674 : vector<16xf32>
      %scatter3A_676 = arith.constant 40 : i32
      %scatter3A_677 = tpu.memref_slice %arg8[%scatter3A_676] : memref<19584xf32, #tpu.memory_space<vmem>> -> memref<2048xf32, #tpu.memory_space<vmem>>
      tpu.vector_store_idx %scatter3A_677[%add3A_29], %add3A_675 : memref<2048xf32, #tpu.memory_space<vmem>>[vector<16xi32>], vector<16xf32>,
      %mul3A_678 = arith.constant 1.600000e+01 : f32
      %mul3A_679 = vector.broadcast %mul3A_678 : f32 to vector<16xf32>
      %mul3A_680 = arith.mulf %get3A_52, %mul3A_679 : vector<16xf32>
      %convert_element_type3A_681 = arith.fptosi %mul3A_680 : vector<16xf32> to vector<16xi32>
      %convert_element_type3A_682 = arith.sitofp %convert_element_type3A_681 : vector<16xi32> to vector<16xf32>
      %sub3A_683 = arith.subf %mul3A_680, %convert_element_type3A_682 : vector<16xf32>
      %add3A_684 = arith.constant 60 : i32
      %add3A_685 = vector.broadcast %add3A_684 : i32 to vector<16xi32>
      %add3A_686 = arith.addi %convert_element_type3A_681, %add3A_685 : vector<16xi32>
      %gather3A_687 = arith.constant 0 : i32
      %gather3A_688 = tpu.memref_slice %arg5[%gather3A_687] : memref<2624xi32, #tpu.memory_space<vmem>> -> memref<328xi32, #tpu.memory_space<vmem>>
      %gather3A_689 = tpu.vector_load_idx %gather3A_688[%add3A_686] : memref<328xi32, #tpu.memory_space<vmem>>[vector<16xi32>], vector<16xi32>,
      %bitcast3A_690 = vector.bitcast %gather3A_689 : vector<16xi32> to vector<16xf32>
      %shift_left3A_691 = arith.constant 16 : i32
      %shift_left3A_692 = vector.broadcast %shift_left3A_691 : i32 to vector<16xi32>
      %shift_left3A_693 = arith.shli %gather3A_689, %shift_left3A_692 : vector<16xi32>
      %bitcast3A_694 = vector.bitcast %shift_left3A_693 : vector<16xi32> to vector<16xf32>
      %mul3A_695 = arith.mulf %sub3A_683, %bitcast3A_694 : vector<16xf32>
      %add3A_696 = arith.addf %bitcast3A_690, %mul3A_695 : vector<16xf32>
      %scatter3A_697 = arith.constant 48 : i32
      %scatter3A_698 = tpu.memref_slice %arg8[%scatter3A_697] : memref<19584xf32, #tpu.memory_space<vmem>> -> memref<2048xf32, #tpu.memory_space<vmem>>
      tpu.vector_store_idx %scatter3A_698[%add3A_8], %add3A_696 : memref<2048xf32, #tpu.memory_space<vmem>>[vector<16xi32>], vector<16xf32>,
      %gather3A_699 = arith.constant 328 : i32
      %gather3A_700 = tpu.memref_slice %arg5[%gather3A_699] : memref<2624xi32, #tpu.memory_space<vmem>> -> memref<328xi32, #tpu.memory_space<vmem>>
      %gather3A_701 = tpu.vector_load_idx %gather3A_700[%add3A_686] : memref<328xi32, #tpu.memory_space<vmem>>[vector<16xi32>], vector<16xi32>,
      %bitcast3A_702 = vector.bitcast %gather3A_701 : vector<16xi32> to vector<16xf32>
      %shift_left3A_703 = arith.constant 16 : i32
      %shift_left3A_704 = vector.broadcast %shift_left3A_703 : i32 to vector<16xi32>
      %shift_left3A_705 = arith.shli %gather3A_701, %shift_left3A_704 : vector<16xi32>
      %bitcast3A_706 = vector.bitcast %shift_left3A_705 : vector<16xi32> to vector<16xf32>
      %mul3A_707 = arith.mulf %sub3A_683, %bitcast3A_706 : vector<16xf32>
      %add3A_708 = arith.addf %bitcast3A_702, %mul3A_707 : vector<16xf32>
      %scatter3A_709 = arith.constant 48 : i32
      %scatter3A_710 = tpu.memref_slice %arg8[%scatter3A_709] : memref<19584xf32, #tpu.memory_space<vmem>> -> memref<2048xf32, #tpu.memory_space<vmem>>
      tpu.vector_store_idx %scatter3A_710[%add3A_11], %add3A_708 : memref<2048xf32, #tpu.memory_space<vmem>>[vector<16xi32>], vector<16xf32>,
      %gather3A_711 = arith.constant 656 : i32
      %gather3A_712 = tpu.memref_slice %arg5[%gather3A_711] : memref<2624xi32, #tpu.memory_space<vmem>> -> memref<328xi32, #tpu.memory_space<vmem>>
      %gather3A_713 = tpu.vector_load_idx %gather3A_712[%add3A_686] : memref<328xi32, #tpu.memory_space<vmem>>[vector<16xi32>], vector<16xi32>,
      %bitcast3A_714 = vector.bitcast %gather3A_713 : vector<16xi32> to vector<16xf32>
      %shift_left3A_715 = arith.constant 16 : i32
      %shift_left3A_716 = vector.broadcast %shift_left3A_715 : i32 to vector<16xi32>
      %shift_left3A_717 = arith.shli %gather3A_713, %shift_left3A_716 : vector<16xi32>
      %bitcast3A_718 = vector.bitcast %shift_left3A_717 : vector<16xi32> to vector<16xf32>
      %mul3A_719 = arith.mulf %sub3A_683, %bitcast3A_718 : vector<16xf32>
      %add3A_720 = arith.addf %bitcast3A_714, %mul3A_719 : vector<16xf32>
      %scatter3A_721 = arith.constant 48 : i32
      %scatter3A_722 = tpu.memref_slice %arg8[%scatter3A_721] : memref<19584xf32, #tpu.memory_space<vmem>> -> memref<2048xf32, #tpu.memory_space<vmem>>
      tpu.vector_store_idx %scatter3A_722[%add3A_14], %add3A_720 : memref<2048xf32, #tpu.memory_space<vmem>>[vector<16xi32>], vector<16xf32>,
      %gather3A_723 = arith.constant 984 : i32
      %gather3A_724 = tpu.memref_slice %arg5[%gather3A_723] : memref<2624xi32, #tpu.memory_space<vmem>> -> memref<328xi32, #tpu.memory_space<vmem>>
      %gather3A_725 = tpu.vector_load_idx %gather3A_724[%add3A_686] : memref<328xi32, #tpu.memory_space<vmem>>[vector<16xi32>], vector<16xi32>,
      %bitcast3A_726 = vector.bitcast %gather3A_725 : vector<16xi32> to vector<16xf32>
      %shift_left3A_727 = arith.constant 16 : i32
      %shift_left3A_728 = vector.broadcast %shift_left3A_727 : i32 to vector<16xi32>
      %shift_left3A_729 = arith.shli %gather3A_725, %shift_left3A_728 : vector<16xi32>
      %bitcast3A_730 = vector.bitcast %shift_left3A_729 : vector<16xi32> to vector<16xf32>
      %mul3A_731 = arith.mulf %sub3A_683, %bitcast3A_730 : vector<16xf32>
      %add3A_732 = arith.addf %bitcast3A_726, %mul3A_731 : vector<16xf32>
      %scatter3A_733 = arith.constant 48 : i32
      %scatter3A_734 = tpu.memref_slice %arg8[%scatter3A_733] : memref<19584xf32, #tpu.memory_space<vmem>> -> memref<2048xf32, #tpu.memory_space<vmem>>
      tpu.vector_store_idx %scatter3A_734[%add3A_17], %add3A_732 : memref<2048xf32, #tpu.memory_space<vmem>>[vector<16xi32>], vector<16xf32>,
      %gather3A_735 = arith.constant 1312 : i32
      %gather3A_736 = tpu.memref_slice %arg5[%gather3A_735] : memref<2624xi32, #tpu.memory_space<vmem>> -> memref<328xi32, #tpu.memory_space<vmem>>
      %gather3A_737 = tpu.vector_load_idx %gather3A_736[%add3A_686] : memref<328xi32, #tpu.memory_space<vmem>>[vector<16xi32>], vector<16xi32>,
      %bitcast3A_738 = vector.bitcast %gather3A_737 : vector<16xi32> to vector<16xf32>
      %shift_left3A_739 = arith.constant 16 : i32
      %shift_left3A_740 = vector.broadcast %shift_left3A_739 : i32 to vector<16xi32>
      %shift_left3A_741 = arith.shli %gather3A_737, %shift_left3A_740 : vector<16xi32>
      %bitcast3A_742 = vector.bitcast %shift_left3A_741 : vector<16xi32> to vector<16xf32>
      %mul3A_743 = arith.mulf %sub3A_683, %bitcast3A_742 : vector<16xf32>
      %add3A_744 = arith.addf %bitcast3A_738, %mul3A_743 : vector<16xf32>
      %scatter3A_745 = arith.constant 48 : i32
      %scatter3A_746 = tpu.memref_slice %arg8[%scatter3A_745] : memref<19584xf32, #tpu.memory_space<vmem>> -> memref<2048xf32, #tpu.memory_space<vmem>>
      tpu.vector_store_idx %scatter3A_746[%add3A_20], %add3A_744 : memref<2048xf32, #tpu.memory_space<vmem>>[vector<16xi32>], vector<16xf32>,
      %gather3A_747 = arith.constant 1640 : i32
      %gather3A_748 = tpu.memref_slice %arg5[%gather3A_747] : memref<2624xi32, #tpu.memory_space<vmem>> -> memref<328xi32, #tpu.memory_space<vmem>>
      %gather3A_749 = tpu.vector_load_idx %gather3A_748[%add3A_686] : memref<328xi32, #tpu.memory_space<vmem>>[vector<16xi32>], vector<16xi32>,
      %bitcast3A_750 = vector.bitcast %gather3A_749 : vector<16xi32> to vector<16xf32>
      %shift_left3A_751 = arith.constant 16 : i32
      %shift_left3A_752 = vector.broadcast %shift_left3A_751 : i32 to vector<16xi32>
      %shift_left3A_753 = arith.shli %gather3A_749, %shift_left3A_752 : vector<16xi32>
      %bitcast3A_754 = vector.bitcast %shift_left3A_753 : vector<16xi32> to vector<16xf32>
      %mul3A_755 = arith.mulf %sub3A_683, %bitcast3A_754 : vector<16xf32>
      %add3A_756 = arith.addf %bitcast3A_750, %mul3A_755 : vector<16xf32>
      %scatter3A_757 = arith.constant 48 : i32
      %scatter3A_758 = tpu.memref_slice %arg8[%scatter3A_757] : memref<19584xf32, #tpu.memory_space<vmem>> -> memref<2048xf32, #tpu.memory_space<vmem>>
      tpu.vector_store_idx %scatter3A_758[%add3A_23], %add3A_756 : memref<2048xf32, #tpu.memory_space<vmem>>[vector<16xi32>], vector<16xf32>,
      %gather3A_759 = arith.constant 1968 : i32
      %gather3A_760 = tpu.memref_slice %arg5[%gather3A_759] : memref<2624xi32, #tpu.memory_space<vmem>> -> memref<328xi32, #tpu.memory_space<vmem>>
      %gather3A_761 = tpu.vector_load_idx %gather3A_760[%add3A_686] : memref<328xi32, #tpu.memory_space<vmem>>[vector<16xi32>], vector<16xi32>,
      %bitcast3A_762 = vector.bitcast %gather3A_761 : vector<16xi32> to vector<16xf32>
      %shift_left3A_763 = arith.constant 16 : i32
      %shift_left3A_764 = vector.broadcast %shift_left3A_763 : i32 to vector<16xi32>
      %shift_left3A_765 = arith.shli %gather3A_761, %shift_left3A_764 : vector<16xi32>
      %bitcast3A_766 = vector.bitcast %shift_left3A_765 : vector<16xi32> to vector<16xf32>
      %mul3A_767 = arith.mulf %sub3A_683, %bitcast3A_766 : vector<16xf32>
      %add3A_768 = arith.addf %bitcast3A_762, %mul3A_767 : vector<16xf32>
      %scatter3A_769 = arith.constant 48 : i32
      %scatter3A_770 = tpu.memref_slice %arg8[%scatter3A_769] : memref<19584xf32, #tpu.memory_space<vmem>> -> memref<2048xf32, #tpu.memory_space<vmem>>
      tpu.vector_store_idx %scatter3A_770[%add3A_26], %add3A_768 : memref<2048xf32, #tpu.memory_space<vmem>>[vector<16xi32>], vector<16xf32>,
      %gather3A_771 = arith.constant 2296 : i32
      %gather3A_772 = tpu.memref_slice %arg5[%gather3A_771] : memref<2624xi32, #tpu.memory_space<vmem>> -> memref<328xi32, #tpu.memory_space<vmem>>
      %gather3A_773 = tpu.vector_load_idx %gather3A_772[%add3A_686] : memref<328xi32, #tpu.memory_space<vmem>>[vector<16xi32>], vector<16xi32>,
      %bitcast3A_774 = vector.bitcast %gather3A_773 : vector<16xi32> to vector<16xf32>
      %shift_left3A_775 = arith.constant 16 : i32
      %shift_left3A_776 = vector.broadcast %shift_left3A_775 : i32 to vector<16xi32>
      %shift_left3A_777 = arith.shli %gather3A_773, %shift_left3A_776 : vector<16xi32>
      %bitcast3A_778 = vector.bitcast %shift_left3A_777 : vector<16xi32> to vector<16xf32>
      %mul3A_779 = arith.mulf %sub3A_683, %bitcast3A_778 : vector<16xf32>
      %add3A_780 = arith.addf %bitcast3A_774, %mul3A_779 : vector<16xf32>
      %scatter3A_781 = arith.constant 48 : i32
      %scatter3A_782 = tpu.memref_slice %arg8[%scatter3A_781] : memref<19584xf32, #tpu.memory_space<vmem>> -> memref<2048xf32, #tpu.memory_space<vmem>>
      tpu.vector_store_idx %scatter3A_782[%add3A_29], %add3A_780 : memref<2048xf32, #tpu.memory_space<vmem>>[vector<16xi32>], vector<16xf32>,
      %mul3A_783 = arith.constant 1.800000e+01 : f32
      %mul3A_784 = vector.broadcast %mul3A_783 : f32 to vector<16xf32>
      %mul3A_785 = arith.mulf %get3A_52, %mul3A_784 : vector<16xf32>
      %convert_element_type3A_786 = arith.fptosi %mul3A_785 : vector<16xf32> to vector<16xi32>
      %convert_element_type3A_787 = arith.sitofp %convert_element_type3A_786 : vector<16xi32> to vector<16xf32>
      %sub3A_788 = arith.subf %mul3A_785, %convert_element_type3A_787 : vector<16xf32>
      %add3A_789 = arith.constant 77 : i32
      %add3A_790 = vector.broadcast %add3A_789 : i32 to vector<16xi32>
      %add3A_791 = arith.addi %convert_element_type3A_786, %add3A_790 : vector<16xi32>
      %gather3A_792 = arith.constant 0 : i32
      %gather3A_793 = tpu.memref_slice %arg5[%gather3A_792] : memref<2624xi32, #tpu.memory_space<vmem>> -> memref<328xi32, #tpu.memory_space<vmem>>
      %gather3A_794 = tpu.vector_load_idx %gather3A_793[%add3A_791] : memref<328xi32, #tpu.memory_space<vmem>>[vector<16xi32>], vector<16xi32>,
      %bitcast3A_795 = vector.bitcast %gather3A_794 : vector<16xi32> to vector<16xf32>
      %shift_left3A_796 = arith.constant 16 : i32
      %shift_left3A_797 = vector.broadcast %shift_left3A_796 : i32 to vector<16xi32>
      %shift_left3A_798 = arith.shli %gather3A_794, %shift_left3A_797 : vector<16xi32>
      %bitcast3A_799 = vector.bitcast %shift_left3A_798 : vector<16xi32> to vector<16xf32>
      %mul3A_800 = arith.mulf %sub3A_788, %bitcast3A_799 : vector<16xf32>
      %add3A_801 = arith.addf %bitcast3A_795, %mul3A_800 : vector<16xf32>
      %scatter3A_802 = arith.constant 56 : i32
      %scatter3A_803 = tpu.memref_slice %arg8[%scatter3A_802] : memref<19584xf32, #tpu.memory_space<vmem>> -> memref<2048xf32, #tpu.memory_space<vmem>>
      tpu.vector_store_idx %scatter3A_803[%add3A_8], %add3A_801 : memref<2048xf32, #tpu.memory_space<vmem>>[vector<16xi32>], vector<16xf32>,
      %gather3A_804 = arith.constant 328 : i32
      %gather3A_805 = tpu.memref_slice %arg5[%gather3A_804] : memref<2624xi32, #tpu.memory_space<vmem>> -> memref<328xi32, #tpu.memory_space<vmem>>
      %gather3A_806 = tpu.vector_load_idx %gather3A_805[%add3A_791] : memref<328xi32, #tpu.memory_space<vmem>>[vector<16xi32>], vector<16xi32>,
      %bitcast3A_807 = vector.bitcast %gather3A_806 : vector<16xi32> to vector<16xf32>
      %shift_left3A_808 = arith.constant 16 : i32
      %shift_left3A_809 = vector.broadcast %shift_left3A_808 : i32 to vector<16xi32>
      %shift_left3A_810 = arith.shli %gather3A_806, %shift_left3A_809 : vector<16xi32>
      %bitcast3A_811 = vector.bitcast %shift_left3A_810 : vector<16xi32> to vector<16xf32>
      %mul3A_812 = arith.mulf %sub3A_788, %bitcast3A_811 : vector<16xf32>
      %add3A_813 = arith.addf %bitcast3A_807, %mul3A_812 : vector<16xf32>
      %scatter3A_814 = arith.constant 56 : i32
      %scatter3A_815 = tpu.memref_slice %arg8[%scatter3A_814] : memref<19584xf32, #tpu.memory_space<vmem>> -> memref<2048xf32, #tpu.memory_space<vmem>>
      tpu.vector_store_idx %scatter3A_815[%add3A_11], %add3A_813 : memref<2048xf32, #tpu.memory_space<vmem>>[vector<16xi32>], vector<16xf32>,
      %gather3A_816 = arith.constant 656 : i32
      %gather3A_817 = tpu.memref_slice %arg5[%gather3A_816] : memref<2624xi32, #tpu.memory_space<vmem>> -> memref<328xi32, #tpu.memory_space<vmem>>
      %gather3A_818 = tpu.vector_load_idx %gather3A_817[%add3A_791] : memref<328xi32, #tpu.memory_space<vmem>>[vector<16xi32>], vector<16xi32>,
      %bitcast3A_819 = vector.bitcast %gather3A_818 : vector<16xi32> to vector<16xf32>
      %shift_left3A_820 = arith.constant 16 : i32
      %shift_left3A_821 = vector.broadcast %shift_left3A_820 : i32 to vector<16xi32>
      %shift_left3A_822 = arith.shli %gather3A_818, %shift_left3A_821 : vector<16xi32>
      %bitcast3A_823 = vector.bitcast %shift_left3A_822 : vector<16xi32> to vector<16xf32>
      %mul3A_824 = arith.mulf %sub3A_788, %bitcast3A_823 : vector<16xf32>
      %add3A_825 = arith.addf %bitcast3A_819, %mul3A_824 : vector<16xf32>
      %scatter3A_826 = arith.constant 56 : i32
      %scatter3A_827 = tpu.memref_slice %arg8[%scatter3A_826] : memref<19584xf32, #tpu.memory_space<vmem>> -> memref<2048xf32, #tpu.memory_space<vmem>>
      tpu.vector_store_idx %scatter3A_827[%add3A_14], %add3A_825 : memref<2048xf32, #tpu.memory_space<vmem>>[vector<16xi32>], vector<16xf32>,
      %gather3A_828 = arith.constant 984 : i32
      %gather3A_829 = tpu.memref_slice %arg5[%gather3A_828] : memref<2624xi32, #tpu.memory_space<vmem>> -> memref<328xi32, #tpu.memory_space<vmem>>
      %gather3A_830 = tpu.vector_load_idx %gather3A_829[%add3A_791] : memref<328xi32, #tpu.memory_space<vmem>>[vector<16xi32>], vector<16xi32>,
      %bitcast3A_831 = vector.bitcast %gather3A_830 : vector<16xi32> to vector<16xf32>
      %shift_left3A_832 = arith.constant 16 : i32
      %shift_left3A_833 = vector.broadcast %shift_left3A_832 : i32 to vector<16xi32>
      %shift_left3A_834 = arith.shli %gather3A_830, %shift_left3A_833 : vector<16xi32>
      %bitcast3A_835 = vector.bitcast %shift_left3A_834 : vector<16xi32> to vector<16xf32>
      %mul3A_836 = arith.mulf %sub3A_788, %bitcast3A_835 : vector<16xf32>
      %add3A_837 = arith.addf %bitcast3A_831, %mul3A_836 : vector<16xf32>
      %scatter3A_838 = arith.constant 56 : i32
      %scatter3A_839 = tpu.memref_slice %arg8[%scatter3A_838] : memref<19584xf32, #tpu.memory_space<vmem>> -> memref<2048xf32, #tpu.memory_space<vmem>>
      tpu.vector_store_idx %scatter3A_839[%add3A_17], %add3A_837 : memref<2048xf32, #tpu.memory_space<vmem>>[vector<16xi32>], vector<16xf32>,
      %gather3A_840 = arith.constant 1312 : i32
      %gather3A_841 = tpu.memref_slice %arg5[%gather3A_840] : memref<2624xi32, #tpu.memory_space<vmem>> -> memref<328xi32, #tpu.memory_space<vmem>>
      %gather3A_842 = tpu.vector_load_idx %gather3A_841[%add3A_791] : memref<328xi32, #tpu.memory_space<vmem>>[vector<16xi32>], vector<16xi32>,
      %bitcast3A_843 = vector.bitcast %gather3A_842 : vector<16xi32> to vector<16xf32>
      %shift_left3A_844 = arith.constant 16 : i32
      %shift_left3A_845 = vector.broadcast %shift_left3A_844 : i32 to vector<16xi32>
      %shift_left3A_846 = arith.shli %gather3A_842, %shift_left3A_845 : vector<16xi32>
      %bitcast3A_847 = vector.bitcast %shift_left3A_846 : vector<16xi32> to vector<16xf32>
      %mul3A_848 = arith.mulf %sub3A_788, %bitcast3A_847 : vector<16xf32>
      %add3A_849 = arith.addf %bitcast3A_843, %mul3A_848 : vector<16xf32>
      %scatter3A_850 = arith.constant 56 : i32
      %scatter3A_851 = tpu.memref_slice %arg8[%scatter3A_850] : memref<19584xf32, #tpu.memory_space<vmem>> -> memref<2048xf32, #tpu.memory_space<vmem>>
      tpu.vector_store_idx %scatter3A_851[%add3A_20], %add3A_849 : memref<2048xf32, #tpu.memory_space<vmem>>[vector<16xi32>], vector<16xf32>,
      %gather3A_852 = arith.constant 1640 : i32
      %gather3A_853 = tpu.memref_slice %arg5[%gather3A_852] : memref<2624xi32, #tpu.memory_space<vmem>> -> memref<328xi32, #tpu.memory_space<vmem>>
      %gather3A_854 = tpu.vector_load_idx %gather3A_853[%add3A_791] : memref<328xi32, #tpu.memory_space<vmem>>[vector<16xi32>], vector<16xi32>,
      %bitcast3A_855 = vector.bitcast %gather3A_854 : vector<16xi32> to vector<16xf32>
      %shift_left3A_856 = arith.constant 16 : i32
      %shift_left3A_857 = vector.broadcast %shift_left3A_856 : i32 to vector<16xi32>
      %shift_left3A_858 = arith.shli %gather3A_854, %shift_left3A_857 : vector<16xi32>
      %bitcast3A_859 = vector.bitcast %shift_left3A_858 : vector<16xi32> to vector<16xf32>
      %mul3A_860 = arith.mulf %sub3A_788, %bitcast3A_859 : vector<16xf32>
      %add3A_861 = arith.addf %bitcast3A_855, %mul3A_860 : vector<16xf32>
      %scatter3A_862 = arith.constant 56 : i32
      %scatter3A_863 = tpu.memref_slice %arg8[%scatter3A_862] : memref<19584xf32, #tpu.memory_space<vmem>> -> memref<2048xf32, #tpu.memory_space<vmem>>
      tpu.vector_store_idx %scatter3A_863[%add3A_23], %add3A_861 : memref<2048xf32, #tpu.memory_space<vmem>>[vector<16xi32>], vector<16xf32>,
      %gather3A_864 = arith.constant 1968 : i32
      %gather3A_865 = tpu.memref_slice %arg5[%gather3A_864] : memref<2624xi32, #tpu.memory_space<vmem>> -> memref<328xi32, #tpu.memory_space<vmem>>
      %gather3A_866 = tpu.vector_load_idx %gather3A_865[%add3A_791] : memref<328xi32, #tpu.memory_space<vmem>>[vector<16xi32>], vector<16xi32>,
      %bitcast3A_867 = vector.bitcast %gather3A_866 : vector<16xi32> to vector<16xf32>
      %shift_left3A_868 = arith.constant 16 : i32
      %shift_left3A_869 = vector.broadcast %shift_left3A_868 : i32 to vector<16xi32>
      %shift_left3A_870 = arith.shli %gather3A_866, %shift_left3A_869 : vector<16xi32>
      %bitcast3A_871 = vector.bitcast %shift_left3A_870 : vector<16xi32> to vector<16xf32>
      %mul3A_872 = arith.mulf %sub3A_788, %bitcast3A_871 : vector<16xf32>
      %add3A_873 = arith.addf %bitcast3A_867, %mul3A_872 : vector<16xf32>
      %scatter3A_874 = arith.constant 56 : i32
      %scatter3A_875 = tpu.memref_slice %arg8[%scatter3A_874] : memref<19584xf32, #tpu.memory_space<vmem>> -> memref<2048xf32, #tpu.memory_space<vmem>>
      tpu.vector_store_idx %scatter3A_875[%add3A_26], %add3A_873 : memref<2048xf32, #tpu.memory_space<vmem>>[vector<16xi32>], vector<16xf32>,
      %gather3A_876 = arith.constant 2296 : i32
      %gather3A_877 = tpu.memref_slice %arg5[%gather3A_876] : memref<2624xi32, #tpu.memory_space<vmem>> -> memref<328xi32, #tpu.memory_space<vmem>>
      %gather3A_878 = tpu.vector_load_idx %gather3A_877[%add3A_791] : memref<328xi32, #tpu.memory_space<vmem>>[vector<16xi32>], vector<16xi32>,
      %bitcast3A_879 = vector.bitcast %gather3A_878 : vector<16xi32> to vector<16xf32>
      %shift_left3A_880 = arith.constant 16 : i32
      %shift_left3A_881 = vector.broadcast %shift_left3A_880 : i32 to vector<16xi32>
      %shift_left3A_882 = arith.shli %gather3A_878, %shift_left3A_881 : vector<16xi32>
      %bitcast3A_883 = vector.bitcast %shift_left3A_882 : vector<16xi32> to vector<16xf32>
      %mul3A_884 = arith.mulf %sub3A_788, %bitcast3A_883 : vector<16xf32>
      %add3A_885 = arith.addf %bitcast3A_879, %mul3A_884 : vector<16xf32>
      %scatter3A_886 = arith.constant 56 : i32
      %scatter3A_887 = tpu.memref_slice %arg8[%scatter3A_886] : memref<19584xf32, #tpu.memory_space<vmem>> -> memref<2048xf32, #tpu.memory_space<vmem>>
      tpu.vector_store_idx %scatter3A_887[%add3A_29], %add3A_885 : memref<2048xf32, #tpu.memory_space<vmem>>[vector<16xi32>], vector<16xf32>,
      %mul3A_888 = arith.constant 2.000000e+01 : f32
      %mul3A_889 = vector.broadcast %mul3A_888 : f32 to vector<16xf32>
      %mul3A_890 = arith.mulf %get3A_52, %mul3A_889 : vector<16xf32>
      %convert_element_type3A_891 = arith.fptosi %mul3A_890 : vector<16xf32> to vector<16xi32>
      %convert_element_type3A_892 = arith.sitofp %convert_element_type3A_891 : vector<16xi32> to vector<16xf32>
      %sub3A_893 = arith.subf %mul3A_890, %convert_element_type3A_892 : vector<16xf32>
      %add3A_894 = arith.constant 96 : i32
      %add3A_895 = vector.broadcast %add3A_894 : i32 to vector<16xi32>
      %add3A_896 = arith.addi %convert_element_type3A_891, %add3A_895 : vector<16xi32>
      %gather3A_897 = arith.constant 0 : i32
      %gather3A_898 = tpu.memref_slice %arg5[%gather3A_897] : memref<2624xi32, #tpu.memory_space<vmem>> -> memref<328xi32, #tpu.memory_space<vmem>>
      %gather3A_899 = tpu.vector_load_idx %gather3A_898[%add3A_896] : memref<328xi32, #tpu.memory_space<vmem>>[vector<16xi32>], vector<16xi32>,
      %bitcast3A_900 = vector.bitcast %gather3A_899 : vector<16xi32> to vector<16xf32>
      %shift_left3A_901 = arith.constant 16 : i32
      %shift_left3A_902 = vector.broadcast %shift_left3A_901 : i32 to vector<16xi32>
      %shift_left3A_903 = arith.shli %gather3A_899, %shift_left3A_902 : vector<16xi32>
      %bitcast3A_904 = vector.bitcast %shift_left3A_903 : vector<16xi32> to vector<16xf32>
      %mul3A_905 = arith.mulf %sub3A_893, %bitcast3A_904 : vector<16xf32>
      %add3A_906 = arith.addf %bitcast3A_900, %mul3A_905 : vector<16xf32>
      %scatter3A_907 = arith.constant 64 : i32
      %scatter3A_908 = tpu.memref_slice %arg8[%scatter3A_907] : memref<19584xf32, #tpu.memory_space<vmem>> -> memref<2048xf32, #tpu.memory_space<vmem>>
      tpu.vector_store_idx %scatter3A_908[%add3A_8], %add3A_906 : memref<2048xf32, #tpu.memory_space<vmem>>[vector<16xi32>], vector<16xf32>,
      %gather3A_909 = arith.constant 328 : i32
      %gather3A_910 = tpu.memref_slice %arg5[%gather3A_909] : memref<2624xi32, #tpu.memory_space<vmem>> -> memref<328xi32, #tpu.memory_space<vmem>>
      %gather3A_911 = tpu.vector_load_idx %gather3A_910[%add3A_896] : memref<328xi32, #tpu.memory_space<vmem>>[vector<16xi32>], vector<16xi32>,
      %bitcast3A_912 = vector.bitcast %gather3A_911 : vector<16xi32> to vector<16xf32>
      %shift_left3A_913 = arith.constant 16 : i32
      %shift_left3A_914 = vector.broadcast %shift_left3A_913 : i32 to vector<16xi32>
      %shift_left3A_915 = arith.shli %gather3A_911, %shift_left3A_914 : vector<16xi32>
      %bitcast3A_916 = vector.bitcast %shift_left3A_915 : vector<16xi32> to vector<16xf32>
      %mul3A_917 = arith.mulf %sub3A_893, %bitcast3A_916 : vector<16xf32>
      %add3A_918 = arith.addf %bitcast3A_912, %mul3A_917 : vector<16xf32>
      %scatter3A_919 = arith.constant 64 : i32
      %scatter3A_920 = tpu.memref_slice %arg8[%scatter3A_919] : memref<19584xf32, #tpu.memory_space<vmem>> -> memref<2048xf32, #tpu.memory_space<vmem>>
      tpu.vector_store_idx %scatter3A_920[%add3A_11], %add3A_918 : memref<2048xf32, #tpu.memory_space<vmem>>[vector<16xi32>], vector<16xf32>,
      %gather3A_921 = arith.constant 656 : i32
      %gather3A_922 = tpu.memref_slice %arg5[%gather3A_921] : memref<2624xi32, #tpu.memory_space<vmem>> -> memref<328xi32, #tpu.memory_space<vmem>>
      %gather3A_923 = tpu.vector_load_idx %gather3A_922[%add3A_896] : memref<328xi32, #tpu.memory_space<vmem>>[vector<16xi32>], vector<16xi32>,
      %bitcast3A_924 = vector.bitcast %gather3A_923 : vector<16xi32> to vector<16xf32>
      %shift_left3A_925 = arith.constant 16 : i32
      %shift_left3A_926 = vector.broadcast %shift_left3A_925 : i32 to vector<16xi32>
      %shift_left3A_927 = arith.shli %gather3A_923, %shift_left3A_926 : vector<16xi32>
      %bitcast3A_928 = vector.bitcast %shift_left3A_927 : vector<16xi32> to vector<16xf32>
      %mul3A_929 = arith.mulf %sub3A_893, %bitcast3A_928 : vector<16xf32>
      %add3A_930 = arith.addf %bitcast3A_924, %mul3A_929 : vector<16xf32>
      %scatter3A_931 = arith.constant 64 : i32
      %scatter3A_932 = tpu.memref_slice %arg8[%scatter3A_931] : memref<19584xf32, #tpu.memory_space<vmem>> -> memref<2048xf32, #tpu.memory_space<vmem>>
      tpu.vector_store_idx %scatter3A_932[%add3A_14], %add3A_930 : memref<2048xf32, #tpu.memory_space<vmem>>[vector<16xi32>], vector<16xf32>,
      %gather3A_933 = arith.constant 984 : i32
      %gather3A_934 = tpu.memref_slice %arg5[%gather3A_933] : memref<2624xi32, #tpu.memory_space<vmem>> -> memref<328xi32, #tpu.memory_space<vmem>>
      %gather3A_935 = tpu.vector_load_idx %gather3A_934[%add3A_896] : memref<328xi32, #tpu.memory_space<vmem>>[vector<16xi32>], vector<16xi32>,
      %bitcast3A_936 = vector.bitcast %gather3A_935 : vector<16xi32> to vector<16xf32>
      %shift_left3A_937 = arith.constant 16 : i32
      %shift_left3A_938 = vector.broadcast %shift_left3A_937 : i32 to vector<16xi32>
      %shift_left3A_939 = arith.shli %gather3A_935, %shift_left3A_938 : vector<16xi32>
      %bitcast3A_940 = vector.bitcast %shift_left3A_939 : vector<16xi32> to vector<16xf32>
      %mul3A_941 = arith.mulf %sub3A_893, %bitcast3A_940 : vector<16xf32>
      %add3A_942 = arith.addf %bitcast3A_936, %mul3A_941 : vector<16xf32>
      %scatter3A_943 = arith.constant 64 : i32
      %scatter3A_944 = tpu.memref_slice %arg8[%scatter3A_943] : memref<19584xf32, #tpu.memory_space<vmem>> -> memref<2048xf32, #tpu.memory_space<vmem>>
      tpu.vector_store_idx %scatter3A_944[%add3A_17], %add3A_942 : memref<2048xf32, #tpu.memory_space<vmem>>[vector<16xi32>], vector<16xf32>,
      %gather3A_945 = arith.constant 1312 : i32
      %gather3A_946 = tpu.memref_slice %arg5[%gather3A_945] : memref<2624xi32, #tpu.memory_space<vmem>> -> memref<328xi32, #tpu.memory_space<vmem>>
      %gather3A_947 = tpu.vector_load_idx %gather3A_946[%add3A_896] : memref<328xi32, #tpu.memory_space<vmem>>[vector<16xi32>], vector<16xi32>,
      %bitcast3A_948 = vector.bitcast %gather3A_947 : vector<16xi32> to vector<16xf32>
      %shift_left3A_949 = arith.constant 16 : i32
      %shift_left3A_950 = vector.broadcast %shift_left3A_949 : i32 to vector<16xi32>
      %shift_left3A_951 = arith.shli %gather3A_947, %shift_left3A_950 : vector<16xi32>
      %bitcast3A_952 = vector.bitcast %shift_left3A_951 : vector<16xi32> to vector<16xf32>
      %mul3A_953 = arith.mulf %sub3A_893, %bitcast3A_952 : vector<16xf32>
      %add3A_954 = arith.addf %bitcast3A_948, %mul3A_953 : vector<16xf32>
      %scatter3A_955 = arith.constant 64 : i32
      %scatter3A_956 = tpu.memref_slice %arg8[%scatter3A_955] : memref<19584xf32, #tpu.memory_space<vmem>> -> memref<2048xf32, #tpu.memory_space<vmem>>
      tpu.vector_store_idx %scatter3A_956[%add3A_20], %add3A_954 : memref<2048xf32, #tpu.memory_space<vmem>>[vector<16xi32>], vector<16xf32>,
      %gather3A_957 = arith.constant 1640 : i32
      %gather3A_958 = tpu.memref_slice %arg5[%gather3A_957] : memref<2624xi32, #tpu.memory_space<vmem>> -> memref<328xi32, #tpu.memory_space<vmem>>
      %gather3A_959 = tpu.vector_load_idx %gather3A_958[%add3A_896] : memref<328xi32, #tpu.memory_space<vmem>>[vector<16xi32>], vector<16xi32>,
      %bitcast3A_960 = vector.bitcast %gather3A_959 : vector<16xi32> to vector<16xf32>
      %shift_left3A_961 = arith.constant 16 : i32
      %shift_left3A_962 = vector.broadcast %shift_left3A_961 : i32 to vector<16xi32>
      %shift_left3A_963 = arith.shli %gather3A_959, %shift_left3A_962 : vector<16xi32>
      %bitcast3A_964 = vector.bitcast %shift_left3A_963 : vector<16xi32> to vector<16xf32>
      %mul3A_965 = arith.mulf %sub3A_893, %bitcast3A_964 : vector<16xf32>
      %add3A_966 = arith.addf %bitcast3A_960, %mul3A_965 : vector<16xf32>
      %scatter3A_967 = arith.constant 64 : i32
      %scatter3A_968 = tpu.memref_slice %arg8[%scatter3A_967] : memref<19584xf32, #tpu.memory_space<vmem>> -> memref<2048xf32, #tpu.memory_space<vmem>>
      tpu.vector_store_idx %scatter3A_968[%add3A_23], %add3A_966 : memref<2048xf32, #tpu.memory_space<vmem>>[vector<16xi32>], vector<16xf32>,
      %gather3A_969 = arith.constant 1968 : i32
      %gather3A_970 = tpu.memref_slice %arg5[%gather3A_969] : memref<2624xi32, #tpu.memory_space<vmem>> -> memref<328xi32, #tpu.memory_space<vmem>>
      %gather3A_971 = tpu.vector_load_idx %gather3A_970[%add3A_896] : memref<328xi32, #tpu.memory_space<vmem>>[vector<16xi32>], vector<16xi32>,
      %bitcast3A_972 = vector.bitcast %gather3A_971 : vector<16xi32> to vector<16xf32>
      %shift_left3A_973 = arith.constant 16 : i32
      %shift_left3A_974 = vector.broadcast %shift_left3A_973 : i32 to vector<16xi32>
      %shift_left3A_975 = arith.shli %gather3A_971, %shift_left3A_974 : vector<16xi32>
      %bitcast3A_976 = vector.bitcast %shift_left3A_975 : vector<16xi32> to vector<16xf32>
      %mul3A_977 = arith.mulf %sub3A_893, %bitcast3A_976 : vector<16xf32>
      %add3A_978 = arith.addf %bitcast3A_972, %mul3A_977 : vector<16xf32>
      %scatter3A_979 = arith.constant 64 : i32
      %scatter3A_980 = tpu.memref_slice %arg8[%scatter3A_979] : memref<19584xf32, #tpu.memory_space<vmem>> -> memref<2048xf32, #tpu.memory_space<vmem>>
      tpu.vector_store_idx %scatter3A_980[%add3A_26], %add3A_978 : memref<2048xf32, #tpu.memory_space<vmem>>[vector<16xi32>], vector<16xf32>,
      %gather3A_981 = arith.constant 2296 : i32
      %gather3A_982 = tpu.memref_slice %arg5[%gather3A_981] : memref<2624xi32, #tpu.memory_space<vmem>> -> memref<328xi32, #tpu.memory_space<vmem>>
      %gather3A_983 = tpu.vector_load_idx %gather3A_982[%add3A_896] : memref<328xi32, #tpu.memory_space<vmem>>[vector<16xi32>], vector<16xi32>,
      %bitcast3A_984 = vector.bitcast %gather3A_983 : vector<16xi32> to vector<16xf32>
      %shift_left3A_985 = arith.constant 16 : i32
      %shift_left3A_986 = vector.broadcast %shift_left3A_985 : i32 to vector<16xi32>
      %shift_left3A_987 = arith.shli %gather3A_983, %shift_left3A_986 : vector<16xi32>
      %bitcast3A_988 = vector.bitcast %shift_left3A_987 : vector<16xi32> to vector<16xf32>
      %mul3A_989 = arith.mulf %sub3A_893, %bitcast3A_988 : vector<16xf32>
      %add3A_990 = arith.addf %bitcast3A_984, %mul3A_989 : vector<16xf32>
      %scatter3A_991 = arith.constant 64 : i32
      %scatter3A_992 = tpu.memref_slice %arg8[%scatter3A_991] : memref<19584xf32, #tpu.memory_space<vmem>> -> memref<2048xf32, #tpu.memory_space<vmem>>
      tpu.vector_store_idx %scatter3A_992[%add3A_29], %add3A_990 : memref<2048xf32, #tpu.memory_space<vmem>>[vector<16xi32>], vector<16xf32>,
      %mul3A_993 = arith.constant 2.200000e+01 : f32
      %mul3A_994 = vector.broadcast %mul3A_993 : f32 to vector<16xf32>
      %mul3A_995 = arith.mulf %get3A_52, %mul3A_994 : vector<16xf32>
      %convert_element_type3A_996 = arith.fptosi %mul3A_995 : vector<16xf32> to vector<16xi32>
      %convert_element_type3A_997 = arith.sitofp %convert_element_type3A_996 : vector<16xi32> to vector<16xf32>
      %sub3A_998 = arith.subf %mul3A_995, %convert_element_type3A_997 : vector<16xf32>
      %add3A_999 = arith.constant 117 : i32
      %add3A_1000 = vector.broadcast %add3A_999 : i32 to vector<16xi32>
      %add3A_1001 = arith.addi %convert_element_type3A_996, %add3A_1000 : vector<16xi32>
      %gather3A_1002 = arith.constant 0 : i32
      %gather3A_1003 = tpu.memref_slice %arg5[%gather3A_1002] : memref<2624xi32, #tpu.memory_space<vmem>> -> memref<328xi32, #tpu.memory_space<vmem>>
      %gather3A_1004 = tpu.vector_load_idx %gather3A_1003[%add3A_1001] : memref<328xi32, #tpu.memory_space<vmem>>[vector<16xi32>], vector<16xi32>,
      %bitcast3A_1005 = vector.bitcast %gather3A_1004 : vector<16xi32> to vector<16xf32>
      %shift_left3A_1006 = arith.constant 16 : i32
      %shift_left3A_1007 = vector.broadcast %shift_left3A_1006 : i32 to vector<16xi32>
      %shift_left3A_1008 = arith.shli %gather3A_1004, %shift_left3A_1007 : vector<16xi32>
      %bitcast3A_1009 = vector.bitcast %shift_left3A_1008 : vector<16xi32> to vector<16xf32>
      %mul3A_1010 = arith.mulf %sub3A_998, %bitcast3A_1009 : vector<16xf32>
      %add3A_1011 = arith.addf %bitcast3A_1005, %mul3A_1010 : vector<16xf32>
      %scatter3A_1012 = arith.constant 72 : i32
      %scatter3A_1013 = tpu.memref_slice %arg8[%scatter3A_1012] : memref<19584xf32, #tpu.memory_space<vmem>> -> memref<2048xf32, #tpu.memory_space<vmem>>
      tpu.vector_store_idx %scatter3A_1013[%add3A_8], %add3A_1011 : memref<2048xf32, #tpu.memory_space<vmem>>[vector<16xi32>], vector<16xf32>,
      %gather3A_1014 = arith.constant 328 : i32
      %gather3A_1015 = tpu.memref_slice %arg5[%gather3A_1014] : memref<2624xi32, #tpu.memory_space<vmem>> -> memref<328xi32, #tpu.memory_space<vmem>>
      %gather3A_1016 = tpu.vector_load_idx %gather3A_1015[%add3A_1001] : memref<328xi32, #tpu.memory_space<vmem>>[vector<16xi32>], vector<16xi32>,
      %bitcast3A_1017 = vector.bitcast %gather3A_1016 : vector<16xi32> to vector<16xf32>
      %shift_left3A_1018 = arith.constant 16 : i32
      %shift_left3A_1019 = vector.broadcast %shift_left3A_1018 : i32 to vector<16xi32>
      %shift_left3A_1020 = arith.shli %gather3A_1016, %shift_left3A_1019 : vector<16xi32>
      %bitcast3A_1021 = vector.bitcast %shift_left3A_1020 : vector<16xi32> to vector<16xf32>
      %mul3A_1022 = arith.mulf %sub3A_998, %bitcast3A_1021 : vector<16xf32>
      %add3A_1023 = arith.addf %bitcast3A_1017, %mul3A_1022 : vector<16xf32>
      %scatter3A_1024 = arith.constant 72 : i32
      %scatter3A_1025 = tpu.memref_slice %arg8[%scatter3A_1024] : memref<19584xf32, #tpu.memory_space<vmem>> -> memref<2048xf32, #tpu.memory_space<vmem>>
      tpu.vector_store_idx %scatter3A_1025[%add3A_11], %add3A_1023 : memref<2048xf32, #tpu.memory_space<vmem>>[vector<16xi32>], vector<16xf32>,
      %gather3A_1026 = arith.constant 656 : i32
      %gather3A_1027 = tpu.memref_slice %arg5[%gather3A_1026] : memref<2624xi32, #tpu.memory_space<vmem>> -> memref<328xi32, #tpu.memory_space<vmem>>
      %gather3A_1028 = tpu.vector_load_idx %gather3A_1027[%add3A_1001] : memref<328xi32, #tpu.memory_space<vmem>>[vector<16xi32>], vector<16xi32>,
      %bitcast3A_1029 = vector.bitcast %gather3A_1028 : vector<16xi32> to vector<16xf32>
      %shift_left3A_1030 = arith.constant 16 : i32
      %shift_left3A_1031 = vector.broadcast %shift_left3A_1030 : i32 to vector<16xi32>
      %shift_left3A_1032 = arith.shli %gather3A_1028, %shift_left3A_1031 : vector<16xi32>
      %bitcast3A_1033 = vector.bitcast %shift_left3A_1032 : vector<16xi32> to vector<16xf32>
      %mul3A_1034 = arith.mulf %sub3A_998, %bitcast3A_1033 : vector<16xf32>
      %add3A_1035 = arith.addf %bitcast3A_1029, %mul3A_1034 : vector<16xf32>
      %scatter3A_1036 = arith.constant 72 : i32
      %scatter3A_1037 = tpu.memref_slice %arg8[%scatter3A_1036] : memref<19584xf32, #tpu.memory_space<vmem>> -> memref<2048xf32, #tpu.memory_space<vmem>>
      tpu.vector_store_idx %scatter3A_1037[%add3A_14], %add3A_1035 : memref<2048xf32, #tpu.memory_space<vmem>>[vector<16xi32>], vector<16xf32>,
      %gather3A_1038 = arith.constant 984 : i32
      %gather3A_1039 = tpu.memref_slice %arg5[%gather3A_1038] : memref<2624xi32, #tpu.memory_space<vmem>> -> memref<328xi32, #tpu.memory_space<vmem>>
      %gather3A_1040 = tpu.vector_load_idx %gather3A_1039[%add3A_1001] : memref<328xi32, #tpu.memory_space<vmem>>[vector<16xi32>], vector<16xi32>,
      %bitcast3A_1041 = vector.bitcast %gather3A_1040 : vector<16xi32> to vector<16xf32>
      %shift_left3A_1042 = arith.constant 16 : i32
      %shift_left3A_1043 = vector.broadcast %shift_left3A_1042 : i32 to vector<16xi32>
      %shift_left3A_1044 = arith.shli %gather3A_1040, %shift_left3A_1043 : vector<16xi32>
      %bitcast3A_1045 = vector.bitcast %shift_left3A_1044 : vector<16xi32> to vector<16xf32>
      %mul3A_1046 = arith.mulf %sub3A_998, %bitcast3A_1045 : vector<16xf32>
      %add3A_1047 = arith.addf %bitcast3A_1041, %mul3A_1046 : vector<16xf32>
      %scatter3A_1048 = arith.constant 72 : i32
      %scatter3A_1049 = tpu.memref_slice %arg8[%scatter3A_1048] : memref<19584xf32, #tpu.memory_space<vmem>> -> memref<2048xf32, #tpu.memory_space<vmem>>
      tpu.vector_store_idx %scatter3A_1049[%add3A_17], %add3A_1047 : memref<2048xf32, #tpu.memory_space<vmem>>[vector<16xi32>], vector<16xf32>,
      %gather3A_1050 = arith.constant 1312 : i32
      %gather3A_1051 = tpu.memref_slice %arg5[%gather3A_1050] : memref<2624xi32, #tpu.memory_space<vmem>> -> memref<328xi32, #tpu.memory_space<vmem>>
      %gather3A_1052 = tpu.vector_load_idx %gather3A_1051[%add3A_1001] : memref<328xi32, #tpu.memory_space<vmem>>[vector<16xi32>], vector<16xi32>,
      %bitcast3A_1053 = vector.bitcast %gather3A_1052 : vector<16xi32> to vector<16xf32>
      %shift_left3A_1054 = arith.constant 16 : i32
      %shift_left3A_1055 = vector.broadcast %shift_left3A_1054 : i32 to vector<16xi32>
      %shift_left3A_1056 = arith.shli %gather3A_1052, %shift_left3A_1055 : vector<16xi32>
      %bitcast3A_1057 = vector.bitcast %shift_left3A_1056 : vector<16xi32> to vector<16xf32>
      %mul3A_1058 = arith.mulf %sub3A_998, %bitcast3A_1057 : vector<16xf32>
      %add3A_1059 = arith.addf %bitcast3A_1053, %mul3A_1058 : vector<16xf32>
      %scatter3A_1060 = arith.constant 72 : i32
      %scatter3A_1061 = tpu.memref_slice %arg8[%scatter3A_1060] : memref<19584xf32, #tpu.memory_space<vmem>> -> memref<2048xf32, #tpu.memory_space<vmem>>
      tpu.vector_store_idx %scatter3A_1061[%add3A_20], %add3A_1059 : memref<2048xf32, #tpu.memory_space<vmem>>[vector<16xi32>], vector<16xf32>,
      %gather3A_1062 = arith.constant 1640 : i32
      %gather3A_1063 = tpu.memref_slice %arg5[%gather3A_1062] : memref<2624xi32, #tpu.memory_space<vmem>> -> memref<328xi32, #tpu.memory_space<vmem>>
      %gather3A_1064 = tpu.vector_load_idx %gather3A_1063[%add3A_1001] : memref<328xi32, #tpu.memory_space<vmem>>[vector<16xi32>], vector<16xi32>,
      %bitcast3A_1065 = vector.bitcast %gather3A_1064 : vector<16xi32> to vector<16xf32>
      %shift_left3A_1066 = arith.constant 16 : i32
      %shift_left3A_1067 = vector.broadcast %shift_left3A_1066 : i32 to vector<16xi32>
      %shift_left3A_1068 = arith.shli %gather3A_1064, %shift_left3A_1067 : vector<16xi32>
      %bitcast3A_1069 = vector.bitcast %shift_left3A_1068 : vector<16xi32> to vector<16xf32>
      %mul3A_1070 = arith.mulf %sub3A_998, %bitcast3A_1069 : vector<16xf32>
      %add3A_1071 = arith.addf %bitcast3A_1065, %mul3A_1070 : vector<16xf32>
      %scatter3A_1072 = arith.constant 72 : i32
      %scatter3A_1073 = tpu.memref_slice %arg8[%scatter3A_1072] : memref<19584xf32, #tpu.memory_space<vmem>> -> memref<2048xf32, #tpu.memory_space<vmem>>
      tpu.vector_store_idx %scatter3A_1073[%add3A_23], %add3A_1071 : memref<2048xf32, #tpu.memory_space<vmem>>[vector<16xi32>], vector<16xf32>,
      %gather3A_1074 = arith.constant 1968 : i32
      %gather3A_1075 = tpu.memref_slice %arg5[%gather3A_1074] : memref<2624xi32, #tpu.memory_space<vmem>> -> memref<328xi32, #tpu.memory_space<vmem>>
      %gather3A_1076 = tpu.vector_load_idx %gather3A_1075[%add3A_1001] : memref<328xi32, #tpu.memory_space<vmem>>[vector<16xi32>], vector<16xi32>,
      %bitcast3A_1077 = vector.bitcast %gather3A_1076 : vector<16xi32> to vector<16xf32>
      %shift_left3A_1078 = arith.constant 16 : i32
      %shift_left3A_1079 = vector.broadcast %shift_left3A_1078 : i32 to vector<16xi32>
      %shift_left3A_1080 = arith.shli %gather3A_1076, %shift_left3A_1079 : vector<16xi32>
      %bitcast3A_1081 = vector.bitcast %shift_left3A_1080 : vector<16xi32> to vector<16xf32>
      %mul3A_1082 = arith.mulf %sub3A_998, %bitcast3A_1081 : vector<16xf32>
      %add3A_1083 = arith.addf %bitcast3A_1077, %mul3A_1082 : vector<16xf32>
      %scatter3A_1084 = arith.constant 72 : i32
      %scatter3A_1085 = tpu.memref_slice %arg8[%scatter3A_1084] : memref<19584xf32, #tpu.memory_space<vmem>> -> memref<2048xf32, #tpu.memory_space<vmem>>
      tpu.vector_store_idx %scatter3A_1085[%add3A_26], %add3A_1083 : memref<2048xf32, #tpu.memory_space<vmem>>[vector<16xi32>], vector<16xf32>,
      %gather3A_1086 = arith.constant 2296 : i32
      %gather3A_1087 = tpu.memref_slice %arg5[%gather3A_1086] : memref<2624xi32, #tpu.memory_space<vmem>> -> memref<328xi32, #tpu.memory_space<vmem>>
      %gather3A_1088 = tpu.vector_load_idx %gather3A_1087[%add3A_1001] : memref<328xi32, #tpu.memory_space<vmem>>[vector<16xi32>], vector<16xi32>,
      %bitcast3A_1089 = vector.bitcast %gather3A_1088 : vector<16xi32> to vector<16xf32>
      %shift_left3A_1090 = arith.constant 16 : i32
      %shift_left3A_1091 = vector.broadcast %shift_left3A_1090 : i32 to vector<16xi32>
      %shift_left3A_1092 = arith.shli %gather3A_1088, %shift_left3A_1091 : vector<16xi32>
      %bitcast3A_1093 = vector.bitcast %shift_left3A_1092 : vector<16xi32> to vector<16xf32>
      %mul3A_1094 = arith.mulf %sub3A_998, %bitcast3A_1093 : vector<16xf32>
      %add3A_1095 = arith.addf %bitcast3A_1089, %mul3A_1094 : vector<16xf32>
      %scatter3A_1096 = arith.constant 72 : i32
      %scatter3A_1097 = tpu.memref_slice %arg8[%scatter3A_1096] : memref<19584xf32, #tpu.memory_space<vmem>> -> memref<2048xf32, #tpu.memory_space<vmem>>
      tpu.vector_store_idx %scatter3A_1097[%add3A_29], %add3A_1095 : memref<2048xf32, #tpu.memory_space<vmem>>[vector<16xi32>], vector<16xf32>,
      %mul3A_1098 = arith.constant 2.400000e+01 : f32
      %mul3A_1099 = vector.broadcast %mul3A_1098 : f32 to vector<16xf32>
      %mul3A_1100 = arith.mulf %get3A_52, %mul3A_1099 : vector<16xf32>
      %convert_element_type3A_1101 = arith.fptosi %mul3A_1100 : vector<16xf32> to vector<16xi32>
      %convert_element_type3A_1102 = arith.sitofp %convert_element_type3A_1101 : vector<16xi32> to vector<16xf32>
      %sub3A_1103 = arith.subf %mul3A_1100, %convert_element_type3A_1102 : vector<16xf32>
      %add3A_1104 = arith.constant 140 : i32
      %add3A_1105 = vector.broadcast %add3A_1104 : i32 to vector<16xi32>
      %add3A_1106 = arith.addi %convert_element_type3A_1101, %add3A_1105 : vector<16xi32>
      %gather3A_1107 = arith.constant 0 : i32
      %gather3A_1108 = tpu.memref_slice %arg5[%gather3A_1107] : memref<2624xi32, #tpu.memory_space<vmem>> -> memref<328xi32, #tpu.memory_space<vmem>>
      %gather3A_1109 = tpu.vector_load_idx %gather3A_1108[%add3A_1106] : memref<328xi32, #tpu.memory_space<vmem>>[vector<16xi32>], vector<16xi32>,
      %bitcast3A_1110 = vector.bitcast %gather3A_1109 : vector<16xi32> to vector<16xf32>
      %shift_left3A_1111 = arith.constant 16 : i32
      %shift_left3A_1112 = vector.broadcast %shift_left3A_1111 : i32 to vector<16xi32>
      %shift_left3A_1113 = arith.shli %gather3A_1109, %shift_left3A_1112 : vector<16xi32>
      %bitcast3A_1114 = vector.bitcast %shift_left3A_1113 : vector<16xi32> to vector<16xf32>
      %mul3A_1115 = arith.mulf %sub3A_1103, %bitcast3A_1114 : vector<16xf32>
      %add3A_1116 = arith.addf %bitcast3A_1110, %mul3A_1115 : vector<16xf32>
      %scatter3A_1117 = arith.constant 80 : i32
      %scatter3A_1118 = tpu.memref_slice %arg8[%scatter3A_1117] : memref<19584xf32, #tpu.memory_space<vmem>> -> memref<2048xf32, #tpu.memory_space<vmem>>
      tpu.vector_store_idx %scatter3A_1118[%add3A_8], %add3A_1116 : memref<2048xf32, #tpu.memory_space<vmem>>[vector<16xi32>], vector<16xf32>,
      %gather3A_1119 = arith.constant 328 : i32
      %gather3A_1120 = tpu.memref_slice %arg5[%gather3A_1119] : memref<2624xi32, #tpu.memory_space<vmem>> -> memref<328xi32, #tpu.memory_space<vmem>>
      %gather3A_1121 = tpu.vector_load_idx %gather3A_1120[%add3A_1106] : memref<328xi32, #tpu.memory_space<vmem>>[vector<16xi32>], vector<16xi32>,
      %bitcast3A_1122 = vector.bitcast %gather3A_1121 : vector<16xi32> to vector<16xf32>
      %shift_left3A_1123 = arith.constant 16 : i32
      %shift_left3A_1124 = vector.broadcast %shift_left3A_1123 : i32 to vector<16xi32>
      %shift_left3A_1125 = arith.shli %gather3A_1121, %shift_left3A_1124 : vector<16xi32>
      %bitcast3A_1126 = vector.bitcast %shift_left3A_1125 : vector<16xi32> to vector<16xf32>
      %mul3A_1127 = arith.mulf %sub3A_1103, %bitcast3A_1126 : vector<16xf32>
      %add3A_1128 = arith.addf %bitcast3A_1122, %mul3A_1127 : vector<16xf32>
      %scatter3A_1129 = arith.constant 80 : i32
      %scatter3A_1130 = tpu.memref_slice %arg8[%scatter3A_1129] : memref<19584xf32, #tpu.memory_space<vmem>> -> memref<2048xf32, #tpu.memory_space<vmem>>
      tpu.vector_store_idx %scatter3A_1130[%add3A_11], %add3A_1128 : memref<2048xf32, #tpu.memory_space<vmem>>[vector<16xi32>], vector<16xf32>,
      %gather3A_1131 = arith.constant 656 : i32
      %gather3A_1132 = tpu.memref_slice %arg5[%gather3A_1131] : memref<2624xi32, #tpu.memory_space<vmem>> -> memref<328xi32, #tpu.memory_space<vmem>>
      %gather3A_1133 = tpu.vector_load_idx %gather3A_1132[%add3A_1106] : memref<328xi32, #tpu.memory_space<vmem>>[vector<16xi32>], vector<16xi32>,
      %bitcast3A_1134 = vector.bitcast %gather3A_1133 : vector<16xi32> to vector<16xf32>
      %shift_left3A_1135 = arith.constant 16 : i32
      %shift_left3A_1136 = vector.broadcast %shift_left3A_1135 : i32 to vector<16xi32>
      %shift_left3A_1137 = arith.shli %gather3A_1133, %shift_left3A_1136 : vector<16xi32>
      %bitcast3A_1138 = vector.bitcast %shift_left3A_1137 : vector<16xi32> to vector<16xf32>
      %mul3A_1139 = arith.mulf %sub3A_1103, %bitcast3A_1138 : vector<16xf32>
      %add3A_1140 = arith.addf %bitcast3A_1134, %mul3A_1139 : vector<16xf32>
      %scatter3A_1141 = arith.constant 80 : i32
      %scatter3A_1142 = tpu.memref_slice %arg8[%scatter3A_1141] : memref<19584xf32, #tpu.memory_space<vmem>> -> memref<2048xf32, #tpu.memory_space<vmem>>
      tpu.vector_store_idx %scatter3A_1142[%add3A_14], %add3A_1140 : memref<2048xf32, #tpu.memory_space<vmem>>[vector<16xi32>], vector<16xf32>,
      %gather3A_1143 = arith.constant 984 : i32
      %gather3A_1144 = tpu.memref_slice %arg5[%gather3A_1143] : memref<2624xi32, #tpu.memory_space<vmem>> -> memref<328xi32, #tpu.memory_space<vmem>>
      %gather3A_1145 = tpu.vector_load_idx %gather3A_1144[%add3A_1106] : memref<328xi32, #tpu.memory_space<vmem>>[vector<16xi32>], vector<16xi32>,
      %bitcast3A_1146 = vector.bitcast %gather3A_1145 : vector<16xi32> to vector<16xf32>
      %shift_left3A_1147 = arith.constant 16 : i32
      %shift_left3A_1148 = vector.broadcast %shift_left3A_1147 : i32 to vector<16xi32>
      %shift_left3A_1149 = arith.shli %gather3A_1145, %shift_left3A_1148 : vector<16xi32>
      %bitcast3A_1150 = vector.bitcast %shift_left3A_1149 : vector<16xi32> to vector<16xf32>
      %mul3A_1151 = arith.mulf %sub3A_1103, %bitcast3A_1150 : vector<16xf32>
      %add3A_1152 = arith.addf %bitcast3A_1146, %mul3A_1151 : vector<16xf32>
      %scatter3A_1153 = arith.constant 80 : i32
      %scatter3A_1154 = tpu.memref_slice %arg8[%scatter3A_1153] : memref<19584xf32, #tpu.memory_space<vmem>> -> memref<2048xf32, #tpu.memory_space<vmem>>
      tpu.vector_store_idx %scatter3A_1154[%add3A_17], %add3A_1152 : memref<2048xf32, #tpu.memory_space<vmem>>[vector<16xi32>], vector<16xf32>,
      %gather3A_1155 = arith.constant 1312 : i32
      %gather3A_1156 = tpu.memref_slice %arg5[%gather3A_1155] : memref<2624xi32, #tpu.memory_space<vmem>> -> memref<328xi32, #tpu.memory_space<vmem>>
      %gather3A_1157 = tpu.vector_load_idx %gather3A_1156[%add3A_1106] : memref<328xi32, #tpu.memory_space<vmem>>[vector<16xi32>], vector<16xi32>,
      %bitcast3A_1158 = vector.bitcast %gather3A_1157 : vector<16xi32> to vector<16xf32>
      %shift_left3A_1159 = arith.constant 16 : i32
      %shift_left3A_1160 = vector.broadcast %shift_left3A_1159 : i32 to vector<16xi32>
      %shift_left3A_1161 = arith.shli %gather3A_1157, %shift_left3A_1160 : vector<16xi32>
      %bitcast3A_1162 = vector.bitcast %shift_left3A_1161 : vector<16xi32> to vector<16xf32>
      %mul3A_1163 = arith.mulf %sub3A_1103, %bitcast3A_1162 : vector<16xf32>
      %add3A_1164 = arith.addf %bitcast3A_1158, %mul3A_1163 : vector<16xf32>
      %scatter3A_1165 = arith.constant 80 : i32
      %scatter3A_1166 = tpu.memref_slice %arg8[%scatter3A_1165] : memref<19584xf32, #tpu.memory_space<vmem>> -> memref<2048xf32, #tpu.memory_space<vmem>>
      tpu.vector_store_idx %scatter3A_1166[%add3A_20], %add3A_1164 : memref<2048xf32, #tpu.memory_space<vmem>>[vector<16xi32>], vector<16xf32>,
      %gather3A_1167 = arith.constant 1640 : i32
      %gather3A_1168 = tpu.memref_slice %arg5[%gather3A_1167] : memref<2624xi32, #tpu.memory_space<vmem>> -> memref<328xi32, #tpu.memory_space<vmem>>
      %gather3A_1169 = tpu.vector_load_idx %gather3A_1168[%add3A_1106] : memref<328xi32, #tpu.memory_space<vmem>>[vector<16xi32>], vector<16xi32>,
      %bitcast3A_1170 = vector.bitcast %gather3A_1169 : vector<16xi32> to vector<16xf32>
      %shift_left3A_1171 = arith.constant 16 : i32
      %shift_left3A_1172 = vector.broadcast %shift_left3A_1171 : i32 to vector<16xi32>
      %shift_left3A_1173 = arith.shli %gather3A_1169, %shift_left3A_1172 : vector<16xi32>
      %bitcast3A_1174 = vector.bitcast %shift_left3A_1173 : vector<16xi32> to vector<16xf32>
      %mul3A_1175 = arith.mulf %sub3A_1103, %bitcast3A_1174 : vector<16xf32>
      %add3A_1176 = arith.addf %bitcast3A_1170, %mul3A_1175 : vector<16xf32>
      %scatter3A_1177 = arith.constant 80 : i32
      %scatter3A_1178 = tpu.memref_slice %arg8[%scatter3A_1177] : memref<19584xf32, #tpu.memory_space<vmem>> -> memref<2048xf32, #tpu.memory_space<vmem>>
      tpu.vector_store_idx %scatter3A_1178[%add3A_23], %add3A_1176 : memref<2048xf32, #tpu.memory_space<vmem>>[vector<16xi32>], vector<16xf32>,
      %gather3A_1179 = arith.constant 1968 : i32
      %gather3A_1180 = tpu.memref_slice %arg5[%gather3A_1179] : memref<2624xi32, #tpu.memory_space<vmem>> -> memref<328xi32, #tpu.memory_space<vmem>>
      %gather3A_1181 = tpu.vector_load_idx %gather3A_1180[%add3A_1106] : memref<328xi32, #tpu.memory_space<vmem>>[vector<16xi32>], vector<16xi32>,
      %bitcast3A_1182 = vector.bitcast %gather3A_1181 : vector<16xi32> to vector<16xf32>
      %shift_left3A_1183 = arith.constant 16 : i32
      %shift_left3A_1184 = vector.broadcast %shift_left3A_1183 : i32 to vector<16xi32>
      %shift_left3A_1185 = arith.shli %gather3A_1181, %shift_left3A_1184 : vector<16xi32>
      %bitcast3A_1186 = vector.bitcast %shift_left3A_1185 : vector<16xi32> to vector<16xf32>
      %mul3A_1187 = arith.mulf %sub3A_1103, %bitcast3A_1186 : vector<16xf32>
      %add3A_1188 = arith.addf %bitcast3A_1182, %mul3A_1187 : vector<16xf32>
      %scatter3A_1189 = arith.constant 80 : i32
      %scatter3A_1190 = tpu.memref_slice %arg8[%scatter3A_1189] : memref<19584xf32, #tpu.memory_space<vmem>> -> memref<2048xf32, #tpu.memory_space<vmem>>
      tpu.vector_store_idx %scatter3A_1190[%add3A_26], %add3A_1188 : memref<2048xf32, #tpu.memory_space<vmem>>[vector<16xi32>], vector<16xf32>,
      %gather3A_1191 = arith.constant 2296 : i32
      %gather3A_1192 = tpu.memref_slice %arg5[%gather3A_1191] : memref<2624xi32, #tpu.memory_space<vmem>> -> memref<328xi32, #tpu.memory_space<vmem>>
      %gather3A_1193 = tpu.vector_load_idx %gather3A_1192[%add3A_1106] : memref<328xi32, #tpu.memory_space<vmem>>[vector<16xi32>], vector<16xi32>,
      %bitcast3A_1194 = vector.bitcast %gather3A_1193 : vector<16xi32> to vector<16xf32>
      %shift_left3A_1195 = arith.constant 16 : i32
      %shift_left3A_1196 = vector.broadcast %shift_left3A_1195 : i32 to vector<16xi32>
      %shift_left3A_1197 = arith.shli %gather3A_1193, %shift_left3A_1196 : vector<16xi32>
      %bitcast3A_1198 = vector.bitcast %shift_left3A_1197 : vector<16xi32> to vector<16xf32>
      %mul3A_1199 = arith.mulf %sub3A_1103, %bitcast3A_1198 : vector<16xf32>
      %add3A_1200 = arith.addf %bitcast3A_1194, %mul3A_1199 : vector<16xf32>
      %scatter3A_1201 = arith.constant 80 : i32
      %scatter3A_1202 = tpu.memref_slice %arg8[%scatter3A_1201] : memref<19584xf32, #tpu.memory_space<vmem>> -> memref<2048xf32, #tpu.memory_space<vmem>>
      tpu.vector_store_idx %scatter3A_1202[%add3A_29], %add3A_1200 : memref<2048xf32, #tpu.memory_space<vmem>>[vector<16xi32>], vector<16xf32>,
      %mul3A_1203 = arith.constant 2.600000e+01 : f32
      %mul3A_1204 = vector.broadcast %mul3A_1203 : f32 to vector<16xf32>
      %mul3A_1205 = arith.mulf %get3A_52, %mul3A_1204 : vector<16xf32>
      %convert_element_type3A_1206 = arith.fptosi %mul3A_1205 : vector<16xf32> to vector<16xi32>
      %convert_element_type3A_1207 = arith.sitofp %convert_element_type3A_1206 : vector<16xi32> to vector<16xf32>
      %sub3A_1208 = arith.subf %mul3A_1205, %convert_element_type3A_1207 : vector<16xf32>
      %add3A_1209 = arith.constant 165 : i32
      %add3A_1210 = vector.broadcast %add3A_1209 : i32 to vector<16xi32>
      %add3A_1211 = arith.addi %convert_element_type3A_1206, %add3A_1210 : vector<16xi32>
      %gather3A_1212 = arith.constant 0 : i32
      %gather3A_1213 = tpu.memref_slice %arg5[%gather3A_1212] : memref<2624xi32, #tpu.memory_space<vmem>> -> memref<328xi32, #tpu.memory_space<vmem>>
      %gather3A_1214 = tpu.vector_load_idx %gather3A_1213[%add3A_1211] : memref<328xi32, #tpu.memory_space<vmem>>[vector<16xi32>], vector<16xi32>,
      %bitcast3A_1215 = vector.bitcast %gather3A_1214 : vector<16xi32> to vector<16xf32>
      %shift_left3A_1216 = arith.constant 16 : i32
      %shift_left3A_1217 = vector.broadcast %shift_left3A_1216 : i32 to vector<16xi32>
      %shift_left3A_1218 = arith.shli %gather3A_1214, %shift_left3A_1217 : vector<16xi32>
      %bitcast3A_1219 = vector.bitcast %shift_left3A_1218 : vector<16xi32> to vector<16xf32>
      %mul3A_1220 = arith.mulf %sub3A_1208, %bitcast3A_1219 : vector<16xf32>
      %add3A_1221 = arith.addf %bitcast3A_1215, %mul3A_1220 : vector<16xf32>
      %scatter3A_1222 = arith.constant 88 : i32
      %scatter3A_1223 = tpu.memref_slice %arg8[%scatter3A_1222] : memref<19584xf32, #tpu.memory_space<vmem>> -> memref<2048xf32, #tpu.memory_space<vmem>>
      tpu.vector_store_idx %scatter3A_1223[%add3A_8], %add3A_1221 : memref<2048xf32, #tpu.memory_space<vmem>>[vector<16xi32>], vector<16xf32>,
      %gather3A_1224 = arith.constant 328 : i32
      %gather3A_1225 = tpu.memref_slice %arg5[%gather3A_1224] : memref<2624xi32, #tpu.memory_space<vmem>> -> memref<328xi32, #tpu.memory_space<vmem>>
      %gather3A_1226 = tpu.vector_load_idx %gather3A_1225[%add3A_1211] : memref<328xi32, #tpu.memory_space<vmem>>[vector<16xi32>], vector<16xi32>,
      %bitcast3A_1227 = vector.bitcast %gather3A_1226 : vector<16xi32> to vector<16xf32>
      %shift_left3A_1228 = arith.constant 16 : i32
      %shift_left3A_1229 = vector.broadcast %shift_left3A_1228 : i32 to vector<16xi32>
      %shift_left3A_1230 = arith.shli %gather3A_1226, %shift_left3A_1229 : vector<16xi32>
      %bitcast3A_1231 = vector.bitcast %shift_left3A_1230 : vector<16xi32> to vector<16xf32>
      %mul3A_1232 = arith.mulf %sub3A_1208, %bitcast3A_1231 : vector<16xf32>
      %add3A_1233 = arith.addf %bitcast3A_1227, %mul3A_1232 : vector<16xf32>
      %scatter3A_1234 = arith.constant 88 : i32
      %scatter3A_1235 = tpu.memref_slice %arg8[%scatter3A_1234] : memref<19584xf32, #tpu.memory_space<vmem>> -> memref<2048xf32, #tpu.memory_space<vmem>>
      tpu.vector_store_idx %scatter3A_1235[%add3A_11], %add3A_1233 : memref<2048xf32, #tpu.memory_space<vmem>>[vector<16xi32>], vector<16xf32>,
      %gather3A_1236 = arith.constant 656 : i32
      %gather3A_1237 = tpu.memref_slice %arg5[%gather3A_1236] : memref<2624xi32, #tpu.memory_space<vmem>> -> memref<328xi32, #tpu.memory_space<vmem>>
      %gather3A_1238 = tpu.vector_load_idx %gather3A_1237[%add3A_1211] : memref<328xi32, #tpu.memory_space<vmem>>[vector<16xi32>], vector<16xi32>,
      %bitcast3A_1239 = vector.bitcast %gather3A_1238 : vector<16xi32> to vector<16xf32>
      %shift_left3A_1240 = arith.constant 16 : i32
      %shift_left3A_1241 = vector.broadcast %shift_left3A_1240 : i32 to vector<16xi32>
      %shift_left3A_1242 = arith.shli %gather3A_1238, %shift_left3A_1241 : vector<16xi32>
      %bitcast3A_1243 = vector.bitcast %shift_left3A_1242 : vector<16xi32> to vector<16xf32>
      %mul3A_1244 = arith.mulf %sub3A_1208, %bitcast3A_1243 : vector<16xf32>
      %add3A_1245 = arith.addf %bitcast3A_1239, %mul3A_1244 : vector<16xf32>
      %scatter3A_1246 = arith.constant 88 : i32
      %scatter3A_1247 = tpu.memref_slice %arg8[%scatter3A_1246] : memref<19584xf32, #tpu.memory_space<vmem>> -> memref<2048xf32, #tpu.memory_space<vmem>>
      tpu.vector_store_idx %scatter3A_1247[%add3A_14], %add3A_1245 : memref<2048xf32, #tpu.memory_space<vmem>>[vector<16xi32>], vector<16xf32>,
      %gather3A_1248 = arith.constant 984 : i32
      %gather3A_1249 = tpu.memref_slice %arg5[%gather3A_1248] : memref<2624xi32, #tpu.memory_space<vmem>> -> memref<328xi32, #tpu.memory_space<vmem>>
      %gather3A_1250 = tpu.vector_load_idx %gather3A_1249[%add3A_1211] : memref<328xi32, #tpu.memory_space<vmem>>[vector<16xi32>], vector<16xi32>,
      %bitcast3A_1251 = vector.bitcast %gather3A_1250 : vector<16xi32> to vector<16xf32>
      %shift_left3A_1252 = arith.constant 16 : i32
      %shift_left3A_1253 = vector.broadcast %shift_left3A_1252 : i32 to vector<16xi32>
      %shift_left3A_1254 = arith.shli %gather3A_1250, %shift_left3A_1253 : vector<16xi32>
      %bitcast3A_1255 = vector.bitcast %shift_left3A_1254 : vector<16xi32> to vector<16xf32>
      %mul3A_1256 = arith.mulf %sub3A_1208, %bitcast3A_1255 : vector<16xf32>
      %add3A_1257 = arith.addf %bitcast3A_1251, %mul3A_1256 : vector<16xf32>
      %scatter3A_1258 = arith.constant 88 : i32
      %scatter3A_1259 = tpu.memref_slice %arg8[%scatter3A_1258] : memref<19584xf32, #tpu.memory_space<vmem>> -> memref<2048xf32, #tpu.memory_space<vmem>>
      tpu.vector_store_idx %scatter3A_1259[%add3A_17], %add3A_1257 : memref<2048xf32, #tpu.memory_space<vmem>>[vector<16xi32>], vector<16xf32>,
      %gather3A_1260 = arith.constant 1312 : i32
      %gather3A_1261 = tpu.memref_slice %arg5[%gather3A_1260] : memref<2624xi32, #tpu.memory_space<vmem>> -> memref<328xi32, #tpu.memory_space<vmem>>
      %gather3A_1262 = tpu.vector_load_idx %gather3A_1261[%add3A_1211] : memref<328xi32, #tpu.memory_space<vmem>>[vector<16xi32>], vector<16xi32>,
      %bitcast3A_1263 = vector.bitcast %gather3A_1262 : vector<16xi32> to vector<16xf32>
      %shift_left3A_1264 = arith.constant 16 : i32
      %shift_left3A_1265 = vector.broadcast %shift_left3A_1264 : i32 to vector<16xi32>
      %shift_left3A_1266 = arith.shli %gather3A_1262, %shift_left3A_1265 : vector<16xi32>
      %bitcast3A_1267 = vector.bitcast %shift_left3A_1266 : vector<16xi32> to vector<16xf32>
      %mul3A_1268 = arith.mulf %sub3A_1208, %bitcast3A_1267 : vector<16xf32>
      %add3A_1269 = arith.addf %bitcast3A_1263, %mul3A_1268 : vector<16xf32>
      %scatter3A_1270 = arith.constant 88 : i32
      %scatter3A_1271 = tpu.memref_slice %arg8[%scatter3A_1270] : memref<19584xf32, #tpu.memory_space<vmem>> -> memref<2048xf32, #tpu.memory_space<vmem>>
      tpu.vector_store_idx %scatter3A_1271[%add3A_20], %add3A_1269 : memref<2048xf32, #tpu.memory_space<vmem>>[vector<16xi32>], vector<16xf32>,
      %gather3A_1272 = arith.constant 1640 : i32
      %gather3A_1273 = tpu.memref_slice %arg5[%gather3A_1272] : memref<2624xi32, #tpu.memory_space<vmem>> -> memref<328xi32, #tpu.memory_space<vmem>>
      %gather3A_1274 = tpu.vector_load_idx %gather3A_1273[%add3A_1211] : memref<328xi32, #tpu.memory_space<vmem>>[vector<16xi32>], vector<16xi32>,
      %bitcast3A_1275 = vector.bitcast %gather3A_1274 : vector<16xi32> to vector<16xf32>
      %shift_left3A_1276 = arith.constant 16 : i32
      %shift_left3A_1277 = vector.broadcast %shift_left3A_1276 : i32 to vector<16xi32>
      %shift_left3A_1278 = arith.shli %gather3A_1274, %shift_left3A_1277 : vector<16xi32>
      %bitcast3A_1279 = vector.bitcast %shift_left3A_1278 : vector<16xi32> to vector<16xf32>
      %mul3A_1280 = arith.mulf %sub3A_1208, %bitcast3A_1279 : vector<16xf32>
      %add3A_1281 = arith.addf %bitcast3A_1275, %mul3A_1280 : vector<16xf32>
      %scatter3A_1282 = arith.constant 88 : i32
      %scatter3A_1283 = tpu.memref_slice %arg8[%scatter3A_1282] : memref<19584xf32, #tpu.memory_space<vmem>> -> memref<2048xf32, #tpu.memory_space<vmem>>
      tpu.vector_store_idx %scatter3A_1283[%add3A_23], %add3A_1281 : memref<2048xf32, #tpu.memory_space<vmem>>[vector<16xi32>], vector<16xf32>,
      %gather3A_1284 = arith.constant 1968 : i32
      %gather3A_1285 = tpu.memref_slice %arg5[%gather3A_1284] : memref<2624xi32, #tpu.memory_space<vmem>> -> memref<328xi32, #tpu.memory_space<vmem>>
      %gather3A_1286 = tpu.vector_load_idx %gather3A_1285[%add3A_1211] : memref<328xi32, #tpu.memory_space<vmem>>[vector<16xi32>], vector<16xi32>,
      %bitcast3A_1287 = vector.bitcast %gather3A_1286 : vector<16xi32> to vector<16xf32>
      %shift_left3A_1288 = arith.constant 16 : i32
      %shift_left3A_1289 = vector.broadcast %shift_left3A_1288 : i32 to vector<16xi32>
      %shift_left3A_1290 = arith.shli %gather3A_1286, %shift_left3A_1289 : vector<16xi32>
      %bitcast3A_1291 = vector.bitcast %shift_left3A_1290 : vector<16xi32> to vector<16xf32>
      %mul3A_1292 = arith.mulf %sub3A_1208, %bitcast3A_1291 : vector<16xf32>
      %add3A_1293 = arith.addf %bitcast3A_1287, %mul3A_1292 : vector<16xf32>
      %scatter3A_1294 = arith.constant 88 : i32
      %scatter3A_1295 = tpu.memref_slice %arg8[%scatter3A_1294] : memref<19584xf32, #tpu.memory_space<vmem>> -> memref<2048xf32, #tpu.memory_space<vmem>>
      tpu.vector_store_idx %scatter3A_1295[%add3A_26], %add3A_1293 : memref<2048xf32, #tpu.memory_space<vmem>>[vector<16xi32>], vector<16xf32>,
      %gather3A_1296 = arith.constant 2296 : i32
      %gather3A_1297 = tpu.memref_slice %arg5[%gather3A_1296] : memref<2624xi32, #tpu.memory_space<vmem>> -> memref<328xi32, #tpu.memory_space<vmem>>
      %gather3A_1298 = tpu.vector_load_idx %gather3A_1297[%add3A_1211] : memref<328xi32, #tpu.memory_space<vmem>>[vector<16xi32>], vector<16xi32>,
      %bitcast3A_1299 = vector.bitcast %gather3A_1298 : vector<16xi32> to vector<16xf32>
      %shift_left3A_1300 = arith.constant 16 : i32
      %shift_left3A_1301 = vector.broadcast %shift_left3A_1300 : i32 to vector<16xi32>
      %shift_left3A_1302 = arith.shli %gather3A_1298, %shift_left3A_1301 : vector<16xi32>
      %bitcast3A_1303 = vector.bitcast %shift_left3A_1302 : vector<16xi32> to vector<16xf32>
      %mul3A_1304 = arith.mulf %sub3A_1208, %bitcast3A_1303 : vector<16xf32>
      %add3A_1305 = arith.addf %bitcast3A_1299, %mul3A_1304 : vector<16xf32>
      %scatter3A_1306 = arith.constant 88 : i32
      %scatter3A_1307 = tpu.memref_slice %arg8[%scatter3A_1306] : memref<19584xf32, #tpu.memory_space<vmem>> -> memref<2048xf32, #tpu.memory_space<vmem>>
      tpu.vector_store_idx %scatter3A_1307[%add3A_29], %add3A_1305 : memref<2048xf32, #tpu.memory_space<vmem>>[vector<16xi32>], vector<16xf32>,
      %mul3A_1308 = arith.constant 2.800000e+01 : f32
      %mul3A_1309 = vector.broadcast %mul3A_1308 : f32 to vector<16xf32>
      %mul3A_1310 = arith.mulf %get3A_52, %mul3A_1309 : vector<16xf32>
      %convert_element_type3A_1311 = arith.fptosi %mul3A_1310 : vector<16xf32> to vector<16xi32>
      %convert_element_type3A_1312 = arith.sitofp %convert_element_type3A_1311 : vector<16xi32> to vector<16xf32>
      %sub3A_1313 = arith.subf %mul3A_1310, %convert_element_type3A_1312 : vector<16xf32>
      %add3A_1314 = arith.constant 192 : i32
      %add3A_1315 = vector.broadcast %add3A_1314 : i32 to vector<16xi32>
      %add3A_1316 = arith.addi %convert_element_type3A_1311, %add3A_1315 : vector<16xi32>
      %gather3A_1317 = arith.constant 0 : i32
      %gather3A_1318 = tpu.memref_slice %arg5[%gather3A_1317] : memref<2624xi32, #tpu.memory_space<vmem>> -> memref<328xi32, #tpu.memory_space<vmem>>
      %gather3A_1319 = tpu.vector_load_idx %gather3A_1318[%add3A_1316] : memref<328xi32, #tpu.memory_space<vmem>>[vector<16xi32>], vector<16xi32>,
      %bitcast3A_1320 = vector.bitcast %gather3A_1319 : vector<16xi32> to vector<16xf32>
      %shift_left3A_1321 = arith.constant 16 : i32
      %shift_left3A_1322 = vector.broadcast %shift_left3A_1321 : i32 to vector<16xi32>
      %shift_left3A_1323 = arith.shli %gather3A_1319, %shift_left3A_1322 : vector<16xi32>
      %bitcast3A_1324 = vector.bitcast %shift_left3A_1323 : vector<16xi32> to vector<16xf32>
      %mul3A_1325 = arith.mulf %sub3A_1313, %bitcast3A_1324 : vector<16xf32>
      %add3A_1326 = arith.addf %bitcast3A_1320, %mul3A_1325 : vector<16xf32>
      %scatter3A_1327 = arith.constant 96 : i32
      %scatter3A_1328 = tpu.memref_slice %arg8[%scatter3A_1327] : memref<19584xf32, #tpu.memory_space<vmem>> -> memref<2048xf32, #tpu.memory_space<vmem>>
      tpu.vector_store_idx %scatter3A_1328[%add3A_8], %add3A_1326 : memref<2048xf32, #tpu.memory_space<vmem>>[vector<16xi32>], vector<16xf32>,
      %gather3A_1329 = arith.constant 328 : i32
      %gather3A_1330 = tpu.memref_slice %arg5[%gather3A_1329] : memref<2624xi32, #tpu.memory_space<vmem>> -> memref<328xi32, #tpu.memory_space<vmem>>
      %gather3A_1331 = tpu.vector_load_idx %gather3A_1330[%add3A_1316] : memref<328xi32, #tpu.memory_space<vmem>>[vector<16xi32>], vector<16xi32>,
      %bitcast3A_1332 = vector.bitcast %gather3A_1331 : vector<16xi32> to vector<16xf32>
      %shift_left3A_1333 = arith.constant 16 : i32
      %shift_left3A_1334 = vector.broadcast %shift_left3A_1333 : i32 to vector<16xi32>
      %shift_left3A_1335 = arith.shli %gather3A_1331, %shift_left3A_1334 : vector<16xi32>
      %bitcast3A_1336 = vector.bitcast %shift_left3A_1335 : vector<16xi32> to vector<16xf32>
      %mul3A_1337 = arith.mulf %sub3A_1313, %bitcast3A_1336 : vector<16xf32>
      %add3A_1338 = arith.addf %bitcast3A_1332, %mul3A_1337 : vector<16xf32>
      %scatter3A_1339 = arith.constant 96 : i32
      %scatter3A_1340 = tpu.memref_slice %arg8[%scatter3A_1339] : memref<19584xf32, #tpu.memory_space<vmem>> -> memref<2048xf32, #tpu.memory_space<vmem>>
      tpu.vector_store_idx %scatter3A_1340[%add3A_11], %add3A_1338 : memref<2048xf32, #tpu.memory_space<vmem>>[vector<16xi32>], vector<16xf32>,
      %gather3A_1341 = arith.constant 656 : i32
      %gather3A_1342 = tpu.memref_slice %arg5[%gather3A_1341] : memref<2624xi32, #tpu.memory_space<vmem>> -> memref<328xi32, #tpu.memory_space<vmem>>
      %gather3A_1343 = tpu.vector_load_idx %gather3A_1342[%add3A_1316] : memref<328xi32, #tpu.memory_space<vmem>>[vector<16xi32>], vector<16xi32>,
      %bitcast3A_1344 = vector.bitcast %gather3A_1343 : vector<16xi32> to vector<16xf32>
      %shift_left3A_1345 = arith.constant 16 : i32
      %shift_left3A_1346 = vector.broadcast %shift_left3A_1345 : i32 to vector<16xi32>
      %shift_left3A_1347 = arith.shli %gather3A_1343, %shift_left3A_1346 : vector<16xi32>
      %bitcast3A_1348 = vector.bitcast %shift_left3A_1347 : vector<16xi32> to vector<16xf32>
      %mul3A_1349 = arith.mulf %sub3A_1313, %bitcast3A_1348 : vector<16xf32>
      %add3A_1350 = arith.addf %bitcast3A_1344, %mul3A_1349 : vector<16xf32>
      %scatter3A_1351 = arith.constant 96 : i32
      %scatter3A_1352 = tpu.memref_slice %arg8[%scatter3A_1351] : memref<19584xf32, #tpu.memory_space<vmem>> -> memref<2048xf32, #tpu.memory_space<vmem>>
      tpu.vector_store_idx %scatter3A_1352[%add3A_14], %add3A_1350 : memref<2048xf32, #tpu.memory_space<vmem>>[vector<16xi32>], vector<16xf32>,
      %gather3A_1353 = arith.constant 984 : i32
      %gather3A_1354 = tpu.memref_slice %arg5[%gather3A_1353] : memref<2624xi32, #tpu.memory_space<vmem>> -> memref<328xi32, #tpu.memory_space<vmem>>
      %gather3A_1355 = tpu.vector_load_idx %gather3A_1354[%add3A_1316] : memref<328xi32, #tpu.memory_space<vmem>>[vector<16xi32>], vector<16xi32>,
      %bitcast3A_1356 = vector.bitcast %gather3A_1355 : vector<16xi32> to vector<16xf32>
      %shift_left3A_1357 = arith.constant 16 : i32
      %shift_left3A_1358 = vector.broadcast %shift_left3A_1357 : i32 to vector<16xi32>
      %shift_left3A_1359 = arith.shli %gather3A_1355, %shift_left3A_1358 : vector<16xi32>
      %bitcast3A_1360 = vector.bitcast %shift_left3A_1359 : vector<16xi32> to vector<16xf32>
      %mul3A_1361 = arith.mulf %sub3A_1313, %bitcast3A_1360 : vector<16xf32>
      %add3A_1362 = arith.addf %bitcast3A_1356, %mul3A_1361 : vector<16xf32>
      %scatter3A_1363 = arith.constant 96 : i32
      %scatter3A_1364 = tpu.memref_slice %arg8[%scatter3A_1363] : memref<19584xf32, #tpu.memory_space<vmem>> -> memref<2048xf32, #tpu.memory_space<vmem>>
      tpu.vector_store_idx %scatter3A_1364[%add3A_17], %add3A_1362 : memref<2048xf32, #tpu.memory_space<vmem>>[vector<16xi32>], vector<16xf32>,
      %gather3A_1365 = arith.constant 1312 : i32
      %gather3A_1366 = tpu.memref_slice %arg5[%gather3A_1365] : memref<2624xi32, #tpu.memory_space<vmem>> -> memref<328xi32, #tpu.memory_space<vmem>>
      %gather3A_1367 = tpu.vector_load_idx %gather3A_1366[%add3A_1316] : memref<328xi32, #tpu.memory_space<vmem>>[vector<16xi32>], vector<16xi32>,
      %bitcast3A_1368 = vector.bitcast %gather3A_1367 : vector<16xi32> to vector<16xf32>
      %shift_left3A_1369 = arith.constant 16 : i32
      %shift_left3A_1370 = vector.broadcast %shift_left3A_1369 : i32 to vector<16xi32>
      %shift_left3A_1371 = arith.shli %gather3A_1367, %shift_left3A_1370 : vector<16xi32>
      %bitcast3A_1372 = vector.bitcast %shift_left3A_1371 : vector<16xi32> to vector<16xf32>
      %mul3A_1373 = arith.mulf %sub3A_1313, %bitcast3A_1372 : vector<16xf32>
      %add3A_1374 = arith.addf %bitcast3A_1368, %mul3A_1373 : vector<16xf32>
      %scatter3A_1375 = arith.constant 96 : i32
      %scatter3A_1376 = tpu.memref_slice %arg8[%scatter3A_1375] : memref<19584xf32, #tpu.memory_space<vmem>> -> memref<2048xf32, #tpu.memory_space<vmem>>
      tpu.vector_store_idx %scatter3A_1376[%add3A_20], %add3A_1374 : memref<2048xf32, #tpu.memory_space<vmem>>[vector<16xi32>], vector<16xf32>,
      %gather3A_1377 = arith.constant 1640 : i32
      %gather3A_1378 = tpu.memref_slice %arg5[%gather3A_1377] : memref<2624xi32, #tpu.memory_space<vmem>> -> memref<328xi32, #tpu.memory_space<vmem>>
      %gather3A_1379 = tpu.vector_load_idx %gather3A_1378[%add3A_1316] : memref<328xi32, #tpu.memory_space<vmem>>[vector<16xi32>], vector<16xi32>,
      %bitcast3A_1380 = vector.bitcast %gather3A_1379 : vector<16xi32> to vector<16xf32>
      %shift_left3A_1381 = arith.constant 16 : i32
      %shift_left3A_1382 = vector.broadcast %shift_left3A_1381 : i32 to vector<16xi32>
      %shift_left3A_1383 = arith.shli %gather3A_1379, %shift_left3A_1382 : vector<16xi32>
      %bitcast3A_1384 = vector.bitcast %shift_left3A_1383 : vector<16xi32> to vector<16xf32>
      %mul3A_1385 = arith.mulf %sub3A_1313, %bitcast3A_1384 : vector<16xf32>
      %add3A_1386 = arith.addf %bitcast3A_1380, %mul3A_1385 : vector<16xf32>
      %scatter3A_1387 = arith.constant 96 : i32
      %scatter3A_1388 = tpu.memref_slice %arg8[%scatter3A_1387] : memref<19584xf32, #tpu.memory_space<vmem>> -> memref<2048xf32, #tpu.memory_space<vmem>>
      tpu.vector_store_idx %scatter3A_1388[%add3A_23], %add3A_1386 : memref<2048xf32, #tpu.memory_space<vmem>>[vector<16xi32>], vector<16xf32>,
      %gather3A_1389 = arith.constant 1968 : i32
      %gather3A_1390 = tpu.memref_slice %arg5[%gather3A_1389] : memref<2624xi32, #tpu.memory_space<vmem>> -> memref<328xi32, #tpu.memory_space<vmem>>
      %gather3A_1391 = tpu.vector_load_idx %gather3A_1390[%add3A_1316] : memref<328xi32, #tpu.memory_space<vmem>>[vector<16xi32>], vector<16xi32>,
      %bitcast3A_1392 = vector.bitcast %gather3A_1391 : vector<16xi32> to vector<16xf32>
      %shift_left3A_1393 = arith.constant 16 : i32
      %shift_left3A_1394 = vector.broadcast %shift_left3A_1393 : i32 to vector<16xi32>
      %shift_left3A_1395 = arith.shli %gather3A_1391, %shift_left3A_1394 : vector<16xi32>
      %bitcast3A_1396 = vector.bitcast %shift_left3A_1395 : vector<16xi32> to vector<16xf32>
      %mul3A_1397 = arith.mulf %sub3A_1313, %bitcast3A_1396 : vector<16xf32>
      %add3A_1398 = arith.addf %bitcast3A_1392, %mul3A_1397 : vector<16xf32>
      %scatter3A_1399 = arith.constant 96 : i32
      %scatter3A_1400 = tpu.memref_slice %arg8[%scatter3A_1399] : memref<19584xf32, #tpu.memory_space<vmem>> -> memref<2048xf32, #tpu.memory_space<vmem>>
      tpu.vector_store_idx %scatter3A_1400[%add3A_26], %add3A_1398 : memref<2048xf32, #tpu.memory_space<vmem>>[vector<16xi32>], vector<16xf32>,
      %gather3A_1401 = arith.constant 2296 : i32
      %gather3A_1402 = tpu.memref_slice %arg5[%gather3A_1401] : memref<2624xi32, #tpu.memory_space<vmem>> -> memref<328xi32, #tpu.memory_space<vmem>>
      %gather3A_1403 = tpu.vector_load_idx %gather3A_1402[%add3A_1316] : memref<328xi32, #tpu.memory_space<vmem>>[vector<16xi32>], vector<16xi32>,
      %bitcast3A_1404 = vector.bitcast %gather3A_1403 : vector<16xi32> to vector<16xf32>
      %shift_left3A_1405 = arith.constant 16 : i32
      %shift_left3A_1406 = vector.broadcast %shift_left3A_1405 : i32 to vector<16xi32>
      %shift_left3A_1407 = arith.shli %gather3A_1403, %shift_left3A_1406 : vector<16xi32>
      %bitcast3A_1408 = vector.bitcast %shift_left3A_1407 : vector<16xi32> to vector<16xf32>
      %mul3A_1409 = arith.mulf %sub3A_1313, %bitcast3A_1408 : vector<16xf32>
      %add3A_1410 = arith.addf %bitcast3A_1404, %mul3A_1409 : vector<16xf32>
      %scatter3A_1411 = arith.constant 96 : i32
      %scatter3A_1412 = tpu.memref_slice %arg8[%scatter3A_1411] : memref<19584xf32, #tpu.memory_space<vmem>> -> memref<2048xf32, #tpu.memory_space<vmem>>
      tpu.vector_store_idx %scatter3A_1412[%add3A_29], %add3A_1410 : memref<2048xf32, #tpu.memory_space<vmem>>[vector<16xi32>], vector<16xf32>,
      %mul3A_1413 = arith.constant 3.000000e+01 : f32
      %mul3A_1414 = vector.broadcast %mul3A_1413 : f32 to vector<16xf32>
      %mul3A_1415 = arith.mulf %get3A_52, %mul3A_1414 : vector<16xf32>
      %convert_element_type3A_1416 = arith.fptosi %mul3A_1415 : vector<16xf32> to vector<16xi32>
      %convert_element_type3A_1417 = arith.sitofp %convert_element_type3A_1416 : vector<16xi32> to vector<16xf32>
      %sub3A_1418 = arith.subf %mul3A_1415, %convert_element_type3A_1417 : vector<16xf32>
      %add3A_1419 = arith.constant 221 : i32
      %add3A_1420 = vector.broadcast %add3A_1419 : i32 to vector<16xi32>
      %add3A_1421 = arith.addi %convert_element_type3A_1416, %add3A_1420 : vector<16xi32>
      %gather3A_1422 = arith.constant 0 : i32
      %gather3A_1423 = tpu.memref_slice %arg5[%gather3A_1422] : memref<2624xi32, #tpu.memory_space<vmem>> -> memref<328xi32, #tpu.memory_space<vmem>>
      %gather3A_1424 = tpu.vector_load_idx %gather3A_1423[%add3A_1421] : memref<328xi32, #tpu.memory_space<vmem>>[vector<16xi32>], vector<16xi32>,
      %bitcast3A_1425 = vector.bitcast %gather3A_1424 : vector<16xi32> to vector<16xf32>
      %shift_left3A_1426 = arith.constant 16 : i32
      %shift_left3A_1427 = vector.broadcast %shift_left3A_1426 : i32 to vector<16xi32>
      %shift_left3A_1428 = arith.shli %gather3A_1424, %shift_left3A_1427 : vector<16xi32>
      %bitcast3A_1429 = vector.bitcast %shift_left3A_1428 : vector<16xi32> to vector<16xf32>
      %mul3A_1430 = arith.mulf %sub3A_1418, %bitcast3A_1429 : vector<16xf32>
      %add3A_1431 = arith.addf %bitcast3A_1425, %mul3A_1430 : vector<16xf32>
      %scatter3A_1432 = arith.constant 104 : i32
      %scatter3A_1433 = tpu.memref_slice %arg8[%scatter3A_1432] : memref<19584xf32, #tpu.memory_space<vmem>> -> memref<2048xf32, #tpu.memory_space<vmem>>
      tpu.vector_store_idx %scatter3A_1433[%add3A_8], %add3A_1431 : memref<2048xf32, #tpu.memory_space<vmem>>[vector<16xi32>], vector<16xf32>,
      %gather3A_1434 = arith.constant 328 : i32
      %gather3A_1435 = tpu.memref_slice %arg5[%gather3A_1434] : memref<2624xi32, #tpu.memory_space<vmem>> -> memref<328xi32, #tpu.memory_space<vmem>>
      %gather3A_1436 = tpu.vector_load_idx %gather3A_1435[%add3A_1421] : memref<328xi32, #tpu.memory_space<vmem>>[vector<16xi32>], vector<16xi32>,
      %bitcast3A_1437 = vector.bitcast %gather3A_1436 : vector<16xi32> to vector<16xf32>
      %shift_left3A_1438 = arith.constant 16 : i32
      %shift_left3A_1439 = vector.broadcast %shift_left3A_1438 : i32 to vector<16xi32>
      %shift_left3A_1440 = arith.shli %gather3A_1436, %shift_left3A_1439 : vector<16xi32>
      %bitcast3A_1441 = vector.bitcast %shift_left3A_1440 : vector<16xi32> to vector<16xf32>
      %mul3A_1442 = arith.mulf %sub3A_1418, %bitcast3A_1441 : vector<16xf32>
      %add3A_1443 = arith.addf %bitcast3A_1437, %mul3A_1442 : vector<16xf32>
      %scatter3A_1444 = arith.constant 104 : i32
      %scatter3A_1445 = tpu.memref_slice %arg8[%scatter3A_1444] : memref<19584xf32, #tpu.memory_space<vmem>> -> memref<2048xf32, #tpu.memory_space<vmem>>
      tpu.vector_store_idx %scatter3A_1445[%add3A_11], %add3A_1443 : memref<2048xf32, #tpu.memory_space<vmem>>[vector<16xi32>], vector<16xf32>,
      %gather3A_1446 = arith.constant 656 : i32
      %gather3A_1447 = tpu.memref_slice %arg5[%gather3A_1446] : memref<2624xi32, #tpu.memory_space<vmem>> -> memref<328xi32, #tpu.memory_space<vmem>>
      %gather3A_1448 = tpu.vector_load_idx %gather3A_1447[%add3A_1421] : memref<328xi32, #tpu.memory_space<vmem>>[vector<16xi32>], vector<16xi32>,
      %bitcast3A_1449 = vector.bitcast %gather3A_1448 : vector<16xi32> to vector<16xf32>
      %shift_left3A_1450 = arith.constant 16 : i32
      %shift_left3A_1451 = vector.broadcast %shift_left3A_1450 : i32 to vector<16xi32>
      %shift_left3A_1452 = arith.shli %gather3A_1448, %shift_left3A_1451 : vector<16xi32>
      %bitcast3A_1453 = vector.bitcast %shift_left3A_1452 : vector<16xi32> to vector<16xf32>
      %mul3A_1454 = arith.mulf %sub3A_1418, %bitcast3A_1453 : vector<16xf32>
      %add3A_1455 = arith.addf %bitcast3A_1449, %mul3A_1454 : vector<16xf32>
      %scatter3A_1456 = arith.constant 104 : i32
      %scatter3A_1457 = tpu.memref_slice %arg8[%scatter3A_1456] : memref<19584xf32, #tpu.memory_space<vmem>> -> memref<2048xf32, #tpu.memory_space<vmem>>
      tpu.vector_store_idx %scatter3A_1457[%add3A_14], %add3A_1455 : memref<2048xf32, #tpu.memory_space<vmem>>[vector<16xi32>], vector<16xf32>,
      %gather3A_1458 = arith.constant 984 : i32
      %gather3A_1459 = tpu.memref_slice %arg5[%gather3A_1458] : memref<2624xi32, #tpu.memory_space<vmem>> -> memref<328xi32, #tpu.memory_space<vmem>>
      %gather3A_1460 = tpu.vector_load_idx %gather3A_1459[%add3A_1421] : memref<328xi32, #tpu.memory_space<vmem>>[vector<16xi32>], vector<16xi32>,
      %bitcast3A_1461 = vector.bitcast %gather3A_1460 : vector<16xi32> to vector<16xf32>
      %shift_left3A_1462 = arith.constant 16 : i32
      %shift_left3A_1463 = vector.broadcast %shift_left3A_1462 : i32 to vector<16xi32>
      %shift_left3A_1464 = arith.shli %gather3A_1460, %shift_left3A_1463 : vector<16xi32>
      %bitcast3A_1465 = vector.bitcast %shift_left3A_1464 : vector<16xi32> to vector<16xf32>
      %mul3A_1466 = arith.mulf %sub3A_1418, %bitcast3A_1465 : vector<16xf32>
      %add3A_1467 = arith.addf %bitcast3A_1461, %mul3A_1466 : vector<16xf32>
      %scatter3A_1468 = arith.constant 104 : i32
      %scatter3A_1469 = tpu.memref_slice %arg8[%scatter3A_1468] : memref<19584xf32, #tpu.memory_space<vmem>> -> memref<2048xf32, #tpu.memory_space<vmem>>
      tpu.vector_store_idx %scatter3A_1469[%add3A_17], %add3A_1467 : memref<2048xf32, #tpu.memory_space<vmem>>[vector<16xi32>], vector<16xf32>,
      %gather3A_1470 = arith.constant 1312 : i32
      %gather3A_1471 = tpu.memref_slice %arg5[%gather3A_1470] : memref<2624xi32, #tpu.memory_space<vmem>> -> memref<328xi32, #tpu.memory_space<vmem>>
      %gather3A_1472 = tpu.vector_load_idx %gather3A_1471[%add3A_1421] : memref<328xi32, #tpu.memory_space<vmem>>[vector<16xi32>], vector<16xi32>,
      %bitcast3A_1473 = vector.bitcast %gather3A_1472 : vector<16xi32> to vector<16xf32>
      %shift_left3A_1474 = arith.constant 16 : i32
      %shift_left3A_1475 = vector.broadcast %shift_left3A_1474 : i32 to vector<16xi32>
      %shift_left3A_1476 = arith.shli %gather3A_1472, %shift_left3A_1475 : vector<16xi32>
      %bitcast3A_1477 = vector.bitcast %shift_left3A_1476 : vector<16xi32> to vector<16xf32>
      %mul3A_1478 = arith.mulf %sub3A_1418, %bitcast3A_1477 : vector<16xf32>
      %add3A_1479 = arith.addf %bitcast3A_1473, %mul3A_1478 : vector<16xf32>
      %scatter3A_1480 = arith.constant 104 : i32
      %scatter3A_1481 = tpu.memref_slice %arg8[%scatter3A_1480] : memref<19584xf32, #tpu.memory_space<vmem>> -> memref<2048xf32, #tpu.memory_space<vmem>>
      tpu.vector_store_idx %scatter3A_1481[%add3A_20], %add3A_1479 : memref<2048xf32, #tpu.memory_space<vmem>>[vector<16xi32>], vector<16xf32>,
      %gather3A_1482 = arith.constant 1640 : i32
      %gather3A_1483 = tpu.memref_slice %arg5[%gather3A_1482] : memref<2624xi32, #tpu.memory_space<vmem>> -> memref<328xi32, #tpu.memory_space<vmem>>
      %gather3A_1484 = tpu.vector_load_idx %gather3A_1483[%add3A_1421] : memref<328xi32, #tpu.memory_space<vmem>>[vector<16xi32>], vector<16xi32>,
      %bitcast3A_1485 = vector.bitcast %gather3A_1484 : vector<16xi32> to vector<16xf32>
      %shift_left3A_1486 = arith.constant 16 : i32
      %shift_left3A_1487 = vector.broadcast %shift_left3A_1486 : i32 to vector<16xi32>
      %shift_left3A_1488 = arith.shli %gather3A_1484, %shift_left3A_1487 : vector<16xi32>
      %bitcast3A_1489 = vector.bitcast %shift_left3A_1488 : vector<16xi32> to vector<16xf32>
      %mul3A_1490 = arith.mulf %sub3A_1418, %bitcast3A_1489 : vector<16xf32>
      %add3A_1491 = arith.addf %bitcast3A_1485, %mul3A_1490 : vector<16xf32>
      %scatter3A_1492 = arith.constant 104 : i32
      %scatter3A_1493 = tpu.memref_slice %arg8[%scatter3A_1492] : memref<19584xf32, #tpu.memory_space<vmem>> -> memref<2048xf32, #tpu.memory_space<vmem>>
      tpu.vector_store_idx %scatter3A_1493[%add3A_23], %add3A_1491 : memref<2048xf32, #tpu.memory_space<vmem>>[vector<16xi32>], vector<16xf32>,
      %gather3A_1494 = arith.constant 1968 : i32
      %gather3A_1495 = tpu.memref_slice %arg5[%gather3A_1494] : memref<2624xi32, #tpu.memory_space<vmem>> -> memref<328xi32, #tpu.memory_space<vmem>>
      %gather3A_1496 = tpu.vector_load_idx %gather3A_1495[%add3A_1421] : memref<328xi32, #tpu.memory_space<vmem>>[vector<16xi32>], vector<16xi32>,
      %bitcast3A_1497 = vector.bitcast %gather3A_1496 : vector<16xi32> to vector<16xf32>
      %shift_left3A_1498 = arith.constant 16 : i32
      %shift_left3A_1499 = vector.broadcast %shift_left3A_1498 : i32 to vector<16xi32>
      %shift_left3A_1500 = arith.shli %gather3A_1496, %shift_left3A_1499 : vector<16xi32>
      %bitcast3A_1501 = vector.bitcast %shift_left3A_1500 : vector<16xi32> to vector<16xf32>
      %mul3A_1502 = arith.mulf %sub3A_1418, %bitcast3A_1501 : vector<16xf32>
      %add3A_1503 = arith.addf %bitcast3A_1497, %mul3A_1502 : vector<16xf32>
      %scatter3A_1504 = arith.constant 104 : i32
      %scatter3A_1505 = tpu.memref_slice %arg8[%scatter3A_1504] : memref<19584xf32, #tpu.memory_space<vmem>> -> memref<2048xf32, #tpu.memory_space<vmem>>
      tpu.vector_store_idx %scatter3A_1505[%add3A_26], %add3A_1503 : memref<2048xf32, #tpu.memory_space<vmem>>[vector<16xi32>], vector<16xf32>,
      %gather3A_1506 = arith.constant 2296 : i32
      %gather3A_1507 = tpu.memref_slice %arg5[%gather3A_1506] : memref<2624xi32, #tpu.memory_space<vmem>> -> memref<328xi32, #tpu.memory_space<vmem>>
      %gather3A_1508 = tpu.vector_load_idx %gather3A_1507[%add3A_1421] : memref<328xi32, #tpu.memory_space<vmem>>[vector<16xi32>], vector<16xi32>,
      %bitcast3A_1509 = vector.bitcast %gather3A_1508 : vector<16xi32> to vector<16xf32>
      %shift_left3A_1510 = arith.constant 16 : i32
      %shift_left3A_1511 = vector.broadcast %shift_left3A_1510 : i32 to vector<16xi32>
      %shift_left3A_1512 = arith.shli %gather3A_1508, %shift_left3A_1511 : vector<16xi32>
      %bitcast3A_1513 = vector.bitcast %shift_left3A_1512 : vector<16xi32> to vector<16xf32>
      %mul3A_1514 = arith.mulf %sub3A_1418, %bitcast3A_1513 : vector<16xf32>
      %add3A_1515 = arith.addf %bitcast3A_1509, %mul3A_1514 : vector<16xf32>
      %scatter3A_1516 = arith.constant 104 : i32
      %scatter3A_1517 = tpu.memref_slice %arg8[%scatter3A_1516] : memref<19584xf32, #tpu.memory_space<vmem>> -> memref<2048xf32, #tpu.memory_space<vmem>>
      tpu.vector_store_idx %scatter3A_1517[%add3A_29], %add3A_1515 : memref<2048xf32, #tpu.memory_space<vmem>>[vector<16xi32>], vector<16xf32>,
      %mul3A_1518 = arith.constant 3.200000e+01 : f32
      %mul3A_1519 = vector.broadcast %mul3A_1518 : f32 to vector<16xf32>
      %mul3A_1520 = arith.mulf %get3A_52, %mul3A_1519 : vector<16xf32>
      %convert_element_type3A_1521 = arith.fptosi %mul3A_1520 : vector<16xf32> to vector<16xi32>
      %convert_element_type3A_1522 = arith.sitofp %convert_element_type3A_1521 : vector<16xi32> to vector<16xf32>
      %sub3A_1523 = arith.subf %mul3A_1520, %convert_element_type3A_1522 : vector<16xf32>
      %add3A_1524 = arith.constant 252 : i32
      %add3A_1525 = vector.broadcast %add3A_1524 : i32 to vector<16xi32>
      %add3A_1526 = arith.addi %convert_element_type3A_1521, %add3A_1525 : vector<16xi32>
      %gather3A_1527 = arith.constant 0 : i32
      %gather3A_1528 = tpu.memref_slice %arg5[%gather3A_1527] : memref<2624xi32, #tpu.memory_space<vmem>> -> memref<328xi32, #tpu.memory_space<vmem>>
      %gather3A_1529 = tpu.vector_load_idx %gather3A_1528[%add3A_1526] : memref<328xi32, #tpu.memory_space<vmem>>[vector<16xi32>], vector<16xi32>,
      %bitcast3A_1530 = vector.bitcast %gather3A_1529 : vector<16xi32> to vector<16xf32>
      %shift_left3A_1531 = arith.constant 16 : i32
      %shift_left3A_1532 = vector.broadcast %shift_left3A_1531 : i32 to vector<16xi32>
      %shift_left3A_1533 = arith.shli %gather3A_1529, %shift_left3A_1532 : vector<16xi32>
      %bitcast3A_1534 = vector.bitcast %shift_left3A_1533 : vector<16xi32> to vector<16xf32>
      %mul3A_1535 = arith.mulf %sub3A_1523, %bitcast3A_1534 : vector<16xf32>
      %add3A_1536 = arith.addf %bitcast3A_1530, %mul3A_1535 : vector<16xf32>
      %scatter3A_1537 = arith.constant 112 : i32
      %scatter3A_1538 = tpu.memref_slice %arg8[%scatter3A_1537] : memref<19584xf32, #tpu.memory_space<vmem>> -> memref<2048xf32, #tpu.memory_space<vmem>>
      tpu.vector_store_idx %scatter3A_1538[%add3A_8], %add3A_1536 : memref<2048xf32, #tpu.memory_space<vmem>>[vector<16xi32>], vector<16xf32>,
      %gather3A_1539 = arith.constant 328 : i32
      %gather3A_1540 = tpu.memref_slice %arg5[%gather3A_1539] : memref<2624xi32, #tpu.memory_space<vmem>> -> memref<328xi32, #tpu.memory_space<vmem>>
      %gather3A_1541 = tpu.vector_load_idx %gather3A_1540[%add3A_1526] : memref<328xi32, #tpu.memory_space<vmem>>[vector<16xi32>], vector<16xi32>,
      %bitcast3A_1542 = vector.bitcast %gather3A_1541 : vector<16xi32> to vector<16xf32>
      %shift_left3A_1543 = arith.constant 16 : i32
      %shift_left3A_1544 = vector.broadcast %shift_left3A_1543 : i32 to vector<16xi32>
      %shift_left3A_1545 = arith.shli %gather3A_1541, %shift_left3A_1544 : vector<16xi32>
      %bitcast3A_1546 = vector.bitcast %shift_left3A_1545 : vector<16xi32> to vector<16xf32>
      %mul3A_1547 = arith.mulf %sub3A_1523, %bitcast3A_1546 : vector<16xf32>
      %add3A_1548 = arith.addf %bitcast3A_1542, %mul3A_1547 : vector<16xf32>
      %scatter3A_1549 = arith.constant 112 : i32
      %scatter3A_1550 = tpu.memref_slice %arg8[%scatter3A_1549] : memref<19584xf32, #tpu.memory_space<vmem>> -> memref<2048xf32, #tpu.memory_space<vmem>>
      tpu.vector_store_idx %scatter3A_1550[%add3A_11], %add3A_1548 : memref<2048xf32, #tpu.memory_space<vmem>>[vector<16xi32>], vector<16xf32>,
      %gather3A_1551 = arith.constant 656 : i32
      %gather3A_1552 = tpu.memref_slice %arg5[%gather3A_1551] : memref<2624xi32, #tpu.memory_space<vmem>> -> memref<328xi32, #tpu.memory_space<vmem>>
      %gather3A_1553 = tpu.vector_load_idx %gather3A_1552[%add3A_1526] : memref<328xi32, #tpu.memory_space<vmem>>[vector<16xi32>], vector<16xi32>,
      %bitcast3A_1554 = vector.bitcast %gather3A_1553 : vector<16xi32> to vector<16xf32>
      %shift_left3A_1555 = arith.constant 16 : i32
      %shift_left3A_1556 = vector.broadcast %shift_left3A_1555 : i32 to vector<16xi32>
      %shift_left3A_1557 = arith.shli %gather3A_1553, %shift_left3A_1556 : vector<16xi32>
      %bitcast3A_1558 = vector.bitcast %shift_left3A_1557 : vector<16xi32> to vector<16xf32>
      %mul3A_1559 = arith.mulf %sub3A_1523, %bitcast3A_1558 : vector<16xf32>
      %add3A_1560 = arith.addf %bitcast3A_1554, %mul3A_1559 : vector<16xf32>
      %scatter3A_1561 = arith.constant 112 : i32
      %scatter3A_1562 = tpu.memref_slice %arg8[%scatter3A_1561] : memref<19584xf32, #tpu.memory_space<vmem>> -> memref<2048xf32, #tpu.memory_space<vmem>>
      tpu.vector_store_idx %scatter3A_1562[%add3A_14], %add3A_1560 : memref<2048xf32, #tpu.memory_space<vmem>>[vector<16xi32>], vector<16xf32>,
      %gather3A_1563 = arith.constant 984 : i32
      %gather3A_1564 = tpu.memref_slice %arg5[%gather3A_1563] : memref<2624xi32, #tpu.memory_space<vmem>> -> memref<328xi32, #tpu.memory_space<vmem>>
      %gather3A_1565 = tpu.vector_load_idx %gather3A_1564[%add3A_1526] : memref<328xi32, #tpu.memory_space<vmem>>[vector<16xi32>], vector<16xi32>,
      %bitcast3A_1566 = vector.bitcast %gather3A_1565 : vector<16xi32> to vector<16xf32>
      %shift_left3A_1567 = arith.constant 16 : i32
      %shift_left3A_1568 = vector.broadcast %shift_left3A_1567 : i32 to vector<16xi32>
      %shift_left3A_1569 = arith.shli %gather3A_1565, %shift_left3A_1568 : vector<16xi32>
      %bitcast3A_1570 = vector.bitcast %shift_left3A_1569 : vector<16xi32> to vector<16xf32>
      %mul3A_1571 = arith.mulf %sub3A_1523, %bitcast3A_1570 : vector<16xf32>
      %add3A_1572 = arith.addf %bitcast3A_1566, %mul3A_1571 : vector<16xf32>
      %scatter3A_1573 = arith.constant 112 : i32
      %scatter3A_1574 = tpu.memref_slice %arg8[%scatter3A_1573] : memref<19584xf32, #tpu.memory_space<vmem>> -> memref<2048xf32, #tpu.memory_space<vmem>>
      tpu.vector_store_idx %scatter3A_1574[%add3A_17], %add3A_1572 : memref<2048xf32, #tpu.memory_space<vmem>>[vector<16xi32>], vector<16xf32>,
      %gather3A_1575 = arith.constant 1312 : i32
      %gather3A_1576 = tpu.memref_slice %arg5[%gather3A_1575] : memref<2624xi32, #tpu.memory_space<vmem>> -> memref<328xi32, #tpu.memory_space<vmem>>
      %gather3A_1577 = tpu.vector_load_idx %gather3A_1576[%add3A_1526] : memref<328xi32, #tpu.memory_space<vmem>>[vector<16xi32>], vector<16xi32>,
      %bitcast3A_1578 = vector.bitcast %gather3A_1577 : vector<16xi32> to vector<16xf32>
      %shift_left3A_1579 = arith.constant 16 : i32
      %shift_left3A_1580 = vector.broadcast %shift_left3A_1579 : i32 to vector<16xi32>
      %shift_left3A_1581 = arith.shli %gather3A_1577, %shift_left3A_1580 : vector<16xi32>
      %bitcast3A_1582 = vector.bitcast %shift_left3A_1581 : vector<16xi32> to vector<16xf32>
      %mul3A_1583 = arith.mulf %sub3A_1523, %bitcast3A_1582 : vector<16xf32>
      %add3A_1584 = arith.addf %bitcast3A_1578, %mul3A_1583 : vector<16xf32>
      %scatter3A_1585 = arith.constant 112 : i32
      %scatter3A_1586 = tpu.memref_slice %arg8[%scatter3A_1585] : memref<19584xf32, #tpu.memory_space<vmem>> -> memref<2048xf32, #tpu.memory_space<vmem>>
      tpu.vector_store_idx %scatter3A_1586[%add3A_20], %add3A_1584 : memref<2048xf32, #tpu.memory_space<vmem>>[vector<16xi32>], vector<16xf32>,
      %gather3A_1587 = arith.constant 1640 : i32
      %gather3A_1588 = tpu.memref_slice %arg5[%gather3A_1587] : memref<2624xi32, #tpu.memory_space<vmem>> -> memref<328xi32, #tpu.memory_space<vmem>>
      %gather3A_1589 = tpu.vector_load_idx %gather3A_1588[%add3A_1526] : memref<328xi32, #tpu.memory_space<vmem>>[vector<16xi32>], vector<16xi32>,
      %bitcast3A_1590 = vector.bitcast %gather3A_1589 : vector<16xi32> to vector<16xf32>
      %shift_left3A_1591 = arith.constant 16 : i32
      %shift_left3A_1592 = vector.broadcast %shift_left3A_1591 : i32 to vector<16xi32>
      %shift_left3A_1593 = arith.shli %gather3A_1589, %shift_left3A_1592 : vector<16xi32>
      %bitcast3A_1594 = vector.bitcast %shift_left3A_1593 : vector<16xi32> to vector<16xf32>
      %mul3A_1595 = arith.mulf %sub3A_1523, %bitcast3A_1594 : vector<16xf32>
      %add3A_1596 = arith.addf %bitcast3A_1590, %mul3A_1595 : vector<16xf32>
      %scatter3A_1597 = arith.constant 112 : i32
      %scatter3A_1598 = tpu.memref_slice %arg8[%scatter3A_1597] : memref<19584xf32, #tpu.memory_space<vmem>> -> memref<2048xf32, #tpu.memory_space<vmem>>
      tpu.vector_store_idx %scatter3A_1598[%add3A_23], %add3A_1596 : memref<2048xf32, #tpu.memory_space<vmem>>[vector<16xi32>], vector<16xf32>,
      %gather3A_1599 = arith.constant 1968 : i32
      %gather3A_1600 = tpu.memref_slice %arg5[%gather3A_1599] : memref<2624xi32, #tpu.memory_space<vmem>> -> memref<328xi32, #tpu.memory_space<vmem>>
      %gather3A_1601 = tpu.vector_load_idx %gather3A_1600[%add3A_1526] : memref<328xi32, #tpu.memory_space<vmem>>[vector<16xi32>], vector<16xi32>,
      %bitcast3A_1602 = vector.bitcast %gather3A_1601 : vector<16xi32> to vector<16xf32>
      %shift_left3A_1603 = arith.constant 16 : i32
      %shift_left3A_1604 = vector.broadcast %shift_left3A_1603 : i32 to vector<16xi32>
      %shift_left3A_1605 = arith.shli %gather3A_1601, %shift_left3A_1604 : vector<16xi32>
      %bitcast3A_1606 = vector.bitcast %shift_left3A_1605 : vector<16xi32> to vector<16xf32>
      %mul3A_1607 = arith.mulf %sub3A_1523, %bitcast3A_1606 : vector<16xf32>
      %add3A_1608 = arith.addf %bitcast3A_1602, %mul3A_1607 : vector<16xf32>
      %scatter3A_1609 = arith.constant 112 : i32
      %scatter3A_1610 = tpu.memref_slice %arg8[%scatter3A_1609] : memref<19584xf32, #tpu.memory_space<vmem>> -> memref<2048xf32, #tpu.memory_space<vmem>>
      tpu.vector_store_idx %scatter3A_1610[%add3A_26], %add3A_1608 : memref<2048xf32, #tpu.memory_space<vmem>>[vector<16xi32>], vector<16xf32>,
      %gather3A_1611 = arith.constant 2296 : i32
      %gather3A_1612 = tpu.memref_slice %arg5[%gather3A_1611] : memref<2624xi32, #tpu.memory_space<vmem>> -> memref<328xi32, #tpu.memory_space<vmem>>
      %gather3A_1613 = tpu.vector_load_idx %gather3A_1612[%add3A_1526] : memref<328xi32, #tpu.memory_space<vmem>>[vector<16xi32>], vector<16xi32>,
      %bitcast3A_1614 = vector.bitcast %gather3A_1613 : vector<16xi32> to vector<16xf32>
      %shift_left3A_1615 = arith.constant 16 : i32
      %shift_left3A_1616 = vector.broadcast %shift_left3A_1615 : i32 to vector<16xi32>
      %shift_left3A_1617 = arith.shli %gather3A_1613, %shift_left3A_1616 : vector<16xi32>
      %bitcast3A_1618 = vector.bitcast %shift_left3A_1617 : vector<16xi32> to vector<16xf32>
      %mul3A_1619 = arith.mulf %sub3A_1523, %bitcast3A_1618 : vector<16xf32>
      %add3A_1620 = arith.addf %bitcast3A_1614, %mul3A_1619 : vector<16xf32>
      %scatter3A_1621 = arith.constant 112 : i32
      %scatter3A_1622 = tpu.memref_slice %arg8[%scatter3A_1621] : memref<19584xf32, #tpu.memory_space<vmem>> -> memref<2048xf32, #tpu.memory_space<vmem>>
      tpu.vector_store_idx %scatter3A_1622[%add3A_29], %add3A_1620 : memref<2048xf32, #tpu.memory_space<vmem>>[vector<16xi32>], vector<16xf32>,
      %mul3A_1623 = arith.constant 3.400000e+01 : f32
      %mul3A_1624 = vector.broadcast %mul3A_1623 : f32 to vector<16xf32>
      %mul3A_1625 = arith.mulf %get3A_52, %mul3A_1624 : vector<16xf32>
      %convert_element_type3A_1626 = arith.fptosi %mul3A_1625 : vector<16xf32> to vector<16xi32>
      %convert_element_type3A_1627 = arith.sitofp %convert_element_type3A_1626 : vector<16xi32> to vector<16xf32>
      %sub3A_1628 = arith.subf %mul3A_1625, %convert_element_type3A_1627 : vector<16xf32>
      %add3A_1629 = arith.constant 285 : i32
      %add3A_1630 = vector.broadcast %add3A_1629 : i32 to vector<16xi32>
      %add3A_1631 = arith.addi %convert_element_type3A_1626, %add3A_1630 : vector<16xi32>
      %gather3A_1632 = arith.constant 0 : i32
      %gather3A_1633 = tpu.memref_slice %arg5[%gather3A_1632] : memref<2624xi32, #tpu.memory_space<vmem>> -> memref<328xi32, #tpu.memory_space<vmem>>
      %gather3A_1634 = tpu.vector_load_idx %gather3A_1633[%add3A_1631] : memref<328xi32, #tpu.memory_space<vmem>>[vector<16xi32>], vector<16xi32>,
      %bitcast3A_1635 = vector.bitcast %gather3A_1634 : vector<16xi32> to vector<16xf32>
      %shift_left3A_1636 = arith.constant 16 : i32
      %shift_left3A_1637 = vector.broadcast %shift_left3A_1636 : i32 to vector<16xi32>
      %shift_left3A_1638 = arith.shli %gather3A_1634, %shift_left3A_1637 : vector<16xi32>
      %bitcast3A_1639 = vector.bitcast %shift_left3A_1638 : vector<16xi32> to vector<16xf32>
      %mul3A_1640 = arith.mulf %sub3A_1628, %bitcast3A_1639 : vector<16xf32>
      %add3A_1641 = arith.addf %bitcast3A_1635, %mul3A_1640 : vector<16xf32>
      %scatter3A_1642 = arith.constant 120 : i32
      %scatter3A_1643 = tpu.memref_slice %arg8[%scatter3A_1642] : memref<19584xf32, #tpu.memory_space<vmem>> -> memref<2048xf32, #tpu.memory_space<vmem>>
      tpu.vector_store_idx %scatter3A_1643[%add3A_8], %add3A_1641 : memref<2048xf32, #tpu.memory_space<vmem>>[vector<16xi32>], vector<16xf32>,
      %gather3A_1644 = arith.constant 328 : i32
      %gather3A_1645 = tpu.memref_slice %arg5[%gather3A_1644] : memref<2624xi32, #tpu.memory_space<vmem>> -> memref<328xi32, #tpu.memory_space<vmem>>
      %gather3A_1646 = tpu.vector_load_idx %gather3A_1645[%add3A_1631] : memref<328xi32, #tpu.memory_space<vmem>>[vector<16xi32>], vector<16xi32>,
      %bitcast3A_1647 = vector.bitcast %gather3A_1646 : vector<16xi32> to vector<16xf32>
      %shift_left3A_1648 = arith.constant 16 : i32
      %shift_left3A_1649 = vector.broadcast %shift_left3A_1648 : i32 to vector<16xi32>
      %shift_left3A_1650 = arith.shli %gather3A_1646, %shift_left3A_1649 : vector<16xi32>
      %bitcast3A_1651 = vector.bitcast %shift_left3A_1650 : vector<16xi32> to vector<16xf32>
      %mul3A_1652 = arith.mulf %sub3A_1628, %bitcast3A_1651 : vector<16xf32>
      %add3A_1653 = arith.addf %bitcast3A_1647, %mul3A_1652 : vector<16xf32>
      %scatter3A_1654 = arith.constant 120 : i32
      %scatter3A_1655 = tpu.memref_slice %arg8[%scatter3A_1654] : memref<19584xf32, #tpu.memory_space<vmem>> -> memref<2048xf32, #tpu.memory_space<vmem>>
      tpu.vector_store_idx %scatter3A_1655[%add3A_11], %add3A_1653 : memref<2048xf32, #tpu.memory_space<vmem>>[vector<16xi32>], vector<16xf32>,
      %gather3A_1656 = arith.constant 656 : i32
      %gather3A_1657 = tpu.memref_slice %arg5[%gather3A_1656] : memref<2624xi32, #tpu.memory_space<vmem>> -> memref<328xi32, #tpu.memory_space<vmem>>
      %gather3A_1658 = tpu.vector_load_idx %gather3A_1657[%add3A_1631] : memref<328xi32, #tpu.memory_space<vmem>>[vector<16xi32>], vector<16xi32>,
      %bitcast3A_1659 = vector.bitcast %gather3A_1658 : vector<16xi32> to vector<16xf32>
      %shift_left3A_1660 = arith.constant 16 : i32
      %shift_left3A_1661 = vector.broadcast %shift_left3A_1660 : i32 to vector<16xi32>
      %shift_left3A_1662 = arith.shli %gather3A_1658, %shift_left3A_1661 : vector<16xi32>
      %bitcast3A_1663 = vector.bitcast %shift_left3A_1662 : vector<16xi32> to vector<16xf32>
      %mul3A_1664 = arith.mulf %sub3A_1628, %bitcast3A_1663 : vector<16xf32>
      %add3A_1665 = arith.addf %bitcast3A_1659, %mul3A_1664 : vector<16xf32>
      %scatter3A_1666 = arith.constant 120 : i32
      %scatter3A_1667 = tpu.memref_slice %arg8[%scatter3A_1666] : memref<19584xf32, #tpu.memory_space<vmem>> -> memref<2048xf32, #tpu.memory_space<vmem>>
      tpu.vector_store_idx %scatter3A_1667[%add3A_14], %add3A_1665 : memref<2048xf32, #tpu.memory_space<vmem>>[vector<16xi32>], vector<16xf32>,
      %gather3A_1668 = arith.constant 984 : i32
      %gather3A_1669 = tpu.memref_slice %arg5[%gather3A_1668] : memref<2624xi32, #tpu.memory_space<vmem>> -> memref<328xi32, #tpu.memory_space<vmem>>
      %gather3A_1670 = tpu.vector_load_idx %gather3A_1669[%add3A_1631] : memref<328xi32, #tpu.memory_space<vmem>>[vector<16xi32>], vector<16xi32>,
      %bitcast3A_1671 = vector.bitcast %gather3A_1670 : vector<16xi32> to vector<16xf32>
      %shift_left3A_1672 = arith.constant 16 : i32
      %shift_left3A_1673 = vector.broadcast %shift_left3A_1672 : i32 to vector<16xi32>
      %shift_left3A_1674 = arith.shli %gather3A_1670, %shift_left3A_1673 : vector<16xi32>
      %bitcast3A_1675 = vector.bitcast %shift_left3A_1674 : vector<16xi32> to vector<16xf32>
      %mul3A_1676 = arith.mulf %sub3A_1628, %bitcast3A_1675 : vector<16xf32>
      %add3A_1677 = arith.addf %bitcast3A_1671, %mul3A_1676 : vector<16xf32>
      %scatter3A_1678 = arith.constant 120 : i32
      %scatter3A_1679 = tpu.memref_slice %arg8[%scatter3A_1678] : memref<19584xf32, #tpu.memory_space<vmem>> -> memref<2048xf32, #tpu.memory_space<vmem>>
      tpu.vector_store_idx %scatter3A_1679[%add3A_17], %add3A_1677 : memref<2048xf32, #tpu.memory_space<vmem>>[vector<16xi32>], vector<16xf32>,
      %gather3A_1680 = arith.constant 1312 : i32
      %gather3A_1681 = tpu.memref_slice %arg5[%gather3A_1680] : memref<2624xi32, #tpu.memory_space<vmem>> -> memref<328xi32, #tpu.memory_space<vmem>>
      %gather3A_1682 = tpu.vector_load_idx %gather3A_1681[%add3A_1631] : memref<328xi32, #tpu.memory_space<vmem>>[vector<16xi32>], vector<16xi32>,
      %bitcast3A_1683 = vector.bitcast %gather3A_1682 : vector<16xi32> to vector<16xf32>
      %shift_left3A_1684 = arith.constant 16 : i32
      %shift_left3A_1685 = vector.broadcast %shift_left3A_1684 : i32 to vector<16xi32>
      %shift_left3A_1686 = arith.shli %gather3A_1682, %shift_left3A_1685 : vector<16xi32>
      %bitcast3A_1687 = vector.bitcast %shift_left3A_1686 : vector<16xi32> to vector<16xf32>
      %mul3A_1688 = arith.mulf %sub3A_1628, %bitcast3A_1687 : vector<16xf32>
      %add3A_1689 = arith.addf %bitcast3A_1683, %mul3A_1688 : vector<16xf32>
      %scatter3A_1690 = arith.constant 120 : i32
      %scatter3A_1691 = tpu.memref_slice %arg8[%scatter3A_1690] : memref<19584xf32, #tpu.memory_space<vmem>> -> memref<2048xf32, #tpu.memory_space<vmem>>
      tpu.vector_store_idx %scatter3A_1691[%add3A_20], %add3A_1689 : memref<2048xf32, #tpu.memory_space<vmem>>[vector<16xi32>], vector<16xf32>,
      %gather3A_1692 = arith.constant 1640 : i32
      %gather3A_1693 = tpu.memref_slice %arg5[%gather3A_1692] : memref<2624xi32, #tpu.memory_space<vmem>> -> memref<328xi32, #tpu.memory_space<vmem>>
      %gather3A_1694 = tpu.vector_load_idx %gather3A_1693[%add3A_1631] : memref<328xi32, #tpu.memory_space<vmem>>[vector<16xi32>], vector<16xi32>,
      %bitcast3A_1695 = vector.bitcast %gather3A_1694 : vector<16xi32> to vector<16xf32>
      %shift_left3A_1696 = arith.constant 16 : i32
      %shift_left3A_1697 = vector.broadcast %shift_left3A_1696 : i32 to vector<16xi32>
      %shift_left3A_1698 = arith.shli %gather3A_1694, %shift_left3A_1697 : vector<16xi32>
      %bitcast3A_1699 = vector.bitcast %shift_left3A_1698 : vector<16xi32> to vector<16xf32>
      %mul3A_1700 = arith.mulf %sub3A_1628, %bitcast3A_1699 : vector<16xf32>
      %add3A_1701 = arith.addf %bitcast3A_1695, %mul3A_1700 : vector<16xf32>
      %scatter3A_1702 = arith.constant 120 : i32
      %scatter3A_1703 = tpu.memref_slice %arg8[%scatter3A_1702] : memref<19584xf32, #tpu.memory_space<vmem>> -> memref<2048xf32, #tpu.memory_space<vmem>>
      tpu.vector_store_idx %scatter3A_1703[%add3A_23], %add3A_1701 : memref<2048xf32, #tpu.memory_space<vmem>>[vector<16xi32>], vector<16xf32>,
      %gather3A_1704 = arith.constant 1968 : i32
      %gather3A_1705 = tpu.memref_slice %arg5[%gather3A_1704] : memref<2624xi32, #tpu.memory_space<vmem>> -> memref<328xi32, #tpu.memory_space<vmem>>
      %gather3A_1706 = tpu.vector_load_idx %gather3A_1705[%add3A_1631] : memref<328xi32, #tpu.memory_space<vmem>>[vector<16xi32>], vector<16xi32>,
      %bitcast3A_1707 = vector.bitcast %gather3A_1706 : vector<16xi32> to vector<16xf32>
      %shift_left3A_1708 = arith.constant 16 : i32
      %shift_left3A_1709 = vector.broadcast %shift_left3A_1708 : i32 to vector<16xi32>
      %shift_left3A_1710 = arith.shli %gather3A_1706, %shift_left3A_1709 : vector<16xi32>
      %bitcast3A_1711 = vector.bitcast %shift_left3A_1710 : vector<16xi32> to vector<16xf32>
      %mul3A_1712 = arith.mulf %sub3A_1628, %bitcast3A_1711 : vector<16xf32>
      %add3A_1713 = arith.addf %bitcast3A_1707, %mul3A_1712 : vector<16xf32>
      %scatter3A_1714 = arith.constant 120 : i32
      %scatter3A_1715 = tpu.memref_slice %arg8[%scatter3A_1714] : memref<19584xf32, #tpu.memory_space<vmem>> -> memref<2048xf32, #tpu.memory_space<vmem>>
      tpu.vector_store_idx %scatter3A_1715[%add3A_26], %add3A_1713 : memref<2048xf32, #tpu.memory_space<vmem>>[vector<16xi32>], vector<16xf32>,
      %gather3A_1716 = arith.constant 2296 : i32
      %gather3A_1717 = tpu.memref_slice %arg5[%gather3A_1716] : memref<2624xi32, #tpu.memory_space<vmem>> -> memref<328xi32, #tpu.memory_space<vmem>>
      %gather3A_1718 = tpu.vector_load_idx %gather3A_1717[%add3A_1631] : memref<328xi32, #tpu.memory_space<vmem>>[vector<16xi32>], vector<16xi32>,
      %bitcast3A_1719 = vector.bitcast %gather3A_1718 : vector<16xi32> to vector<16xf32>
      %shift_left3A_1720 = arith.constant 16 : i32
      %shift_left3A_1721 = vector.broadcast %shift_left3A_1720 : i32 to vector<16xi32>
      %shift_left3A_1722 = arith.shli %gather3A_1718, %shift_left3A_1721 : vector<16xi32>
      %bitcast3A_1723 = vector.bitcast %shift_left3A_1722 : vector<16xi32> to vector<16xf32>
      %mul3A_1724 = arith.mulf %sub3A_1628, %bitcast3A_1723 : vector<16xf32>
      %add3A_1725 = arith.addf %bitcast3A_1719, %mul3A_1724 : vector<16xf32>
      %scatter3A_1726 = arith.constant 120 : i32
      %scatter3A_1727 = tpu.memref_slice %arg8[%scatter3A_1726] : memref<19584xf32, #tpu.memory_space<vmem>> -> memref<2048xf32, #tpu.memory_space<vmem>>
      tpu.vector_store_idx %scatter3A_1727[%add3A_29], %add3A_1725 : memref<2048xf32, #tpu.memory_space<vmem>>[vector<16xi32>], vector<16xf32>,
      %parallel_loop3A = arith.constant 0 : i32
      %parallel_loop3A_1728 = arith.constant 16 : i32
      %parallel_loop3A_1729 = arith.constant 1 : i32
      scf.for %parallel_loop3A_1730 = %parallel_loop3A to %parallel_loop3A_1728 step %parallel_loop3A_1729  : i32 {
        %parallel_loop3A_1731 = arith.constant 136 : i32
        %parallel_loop3A_1732 = arith.muli %parallel_loop3A_1730, %parallel_loop3A_1731 : i32
        %parallel_loop3A_1733 = arith.constant 0 : i32
        %parallel_loop3A_1734 = arith.addi %parallel_loop3A_1732, %parallel_loop3A_1733 : i32
        %parallel_loop3A_1735 = arith.index_cast %parallel_loop3A_1734 : i32 to index
        %parallel_loop3A_1736 = tpu.vector_load %arg8[%parallel_loop3A_1735] {strides = array<i32>} : memref<19584xf32, #tpu.memory_space<vmem>>, vector<16xf32>,
        %parallel_loop3A_1737 = arith.constant 136 : i32
        %parallel_loop3A_1738 = arith.muli %parallel_loop3A_1730, %parallel_loop3A_1737 : i32
        %parallel_loop3A_1739 = arith.constant 16 : i32
        %parallel_loop3A_1740 = arith.addi %parallel_loop3A_1738, %parallel_loop3A_1739 : i32
        %parallel_loop3A_1741 = arith.index_cast %parallel_loop3A_1740 : i32 to index
        %parallel_loop3A_1742 = tpu.vector_load %arg8[%parallel_loop3A_1741] {strides = array<i32>} : memref<19584xf32, #tpu.memory_space<vmem>>, vector<16xf32>,
        %parallel_loop3A_1743 = arith.constant 136 : i32
        %parallel_loop3A_1744 = arith.muli %parallel_loop3A_1730, %parallel_loop3A_1743 : i32
        %parallel_loop3A_1745 = arith.constant 32 : i32
        %parallel_loop3A_1746 = arith.addi %parallel_loop3A_1744, %parallel_loop3A_1745 : i32
        %parallel_loop3A_1747 = arith.index_cast %parallel_loop3A_1746 : i32 to index
        %parallel_loop3A_1748 = tpu.vector_load %arg8[%parallel_loop3A_1747] {strides = array<i32>} : memref<19584xf32, #tpu.memory_space<vmem>>, vector<16xf32>,
        %parallel_loop3A_1749 = arith.constant 136 : i32
        %parallel_loop3A_1750 = arith.muli %parallel_loop3A_1730, %parallel_loop3A_1749 : i32
        %parallel_loop3A_1751 = arith.constant 48 : i32
        %parallel_loop3A_1752 = arith.addi %parallel_loop3A_1750, %parallel_loop3A_1751 : i32
        %parallel_loop3A_1753 = arith.index_cast %parallel_loop3A_1752 : i32 to index
        %parallel_loop3A_1754 = tpu.vector_load %arg8[%parallel_loop3A_1753] {strides = array<i32>} : memref<19584xf32, #tpu.memory_space<vmem>>, vector<16xf32>,
        %parallel_loop3A_1755 = arith.constant 136 : i32
        %parallel_loop3A_1756 = arith.muli %parallel_loop3A_1730, %parallel_loop3A_1755 : i32
        %parallel_loop3A_1757 = arith.constant 64 : i32
        %parallel_loop3A_1758 = arith.addi %parallel_loop3A_1756, %parallel_loop3A_1757 : i32
        %parallel_loop3A_1759 = arith.index_cast %parallel_loop3A_1758 : i32 to index
        %parallel_loop3A_1760 = tpu.vector_load %arg8[%parallel_loop3A_1759] {strides = array<i32>} : memref<19584xf32, #tpu.memory_space<vmem>>, vector<16xf32>,
        %parallel_loop3A_1761 = arith.constant 136 : i32
        %parallel_loop3A_1762 = arith.muli %parallel_loop3A_1730, %parallel_loop3A_1761 : i32
        %parallel_loop3A_1763 = arith.constant 80 : i32
        %parallel_loop3A_1764 = arith.addi %parallel_loop3A_1762, %parallel_loop3A_1763 : i32
        %parallel_loop3A_1765 = arith.index_cast %parallel_loop3A_1764 : i32 to index
        %parallel_loop3A_1766 = tpu.vector_load %arg8[%parallel_loop3A_1765] {strides = array<i32>} : memref<19584xf32, #tpu.memory_space<vmem>>, vector<16xf32>,
        %parallel_loop3A_1767 = arith.constant 136 : i32
        %parallel_loop3A_1768 = arith.muli %parallel_loop3A_1730, %parallel_loop3A_1767 : i32
        %parallel_loop3A_1769 = arith.constant 96 : i32
        %parallel_loop3A_1770 = arith.addi %parallel_loop3A_1768, %parallel_loop3A_1769 : i32
        %parallel_loop3A_1771 = arith.index_cast %parallel_loop3A_1770 : i32 to index
        %parallel_loop3A_1772 = tpu.vector_load %arg8[%parallel_loop3A_1771] {strides = array<i32>} : memref<19584xf32, #tpu.memory_space<vmem>>, vector<16xf32>,
        %parallel_loop3A_1773 = arith.constant 136 : i32
        %parallel_loop3A_1774 = arith.muli %parallel_loop3A_1730, %parallel_loop3A_1773 : i32
        %parallel_loop3A_1775 = arith.constant 112 : i32
        %parallel_loop3A_1776 = arith.addi %parallel_loop3A_1774, %parallel_loop3A_1775 : i32
        %parallel_loop3A_1777 = arith.index_cast %parallel_loop3A_1776 : i32 to index
        %parallel_loop3A_1778 = tpu.vector_load %arg8[%parallel_loop3A_1777] {strides = array<i32>} : memref<19584xf32, #tpu.memory_space<vmem>>, vector<16xf32>,
        %parallel_loop3A_1779 = arith.index_cast %parallel_loop3A_1730 : i32 to index
        %parallel_loop3A_1780 = arith.constant 0 : index
        %parallel_loop3A_1781 = tpu.vector_load %arg9[%parallel_loop3A_1779, %parallel_loop3A_1780] {strides = array<i32>} : memref<144x128xf32, #tpu.memory_space<vmem>>, vector<16xf32>,
        tpu.vector_store %arg9[%parallel_loop3A_1779, %parallel_loop3A_1780], %parallel_loop3A_1736 {strides = array<i32>} : memref<144x128xf32, #tpu.memory_space<vmem>>, vector<16xf32>,
        %parallel_loop3A_1782 = arith.index_cast %parallel_loop3A_1730 : i32 to index
        %parallel_loop3A_1783 = arith.constant 16 : index
        %parallel_loop3A_1784 = tpu.vector_load %arg9[%parallel_loop3A_1782, %parallel_loop3A_1783] {strides = array<i32>} : memref<144x128xf32, #tpu.memory_space<vmem>>, vector<16xf32>,
        tpu.vector_store %arg9[%parallel_loop3A_1782, %parallel_loop3A_1783], %parallel_loop3A_1742 {strides = array<i32>} : memref<144x128xf32, #tpu.memory_space<vmem>>, vector<16xf32>,
        %parallel_loop3A_1785 = arith.index_cast %parallel_loop3A_1730 : i32 to index
        %parallel_loop3A_1786 = arith.constant 32 : index
        %parallel_loop3A_1787 = tpu.vector_load %arg9[%parallel_loop3A_1785, %parallel_loop3A_1786] {strides = array<i32>} : memref<144x128xf32, #tpu.memory_space<vmem>>, vector<16xf32>,
        tpu.vector_store %arg9[%parallel_loop3A_1785, %parallel_loop3A_1786], %parallel_loop3A_1748 {strides = array<i32>} : memref<144x128xf32, #tpu.memory_space<vmem>>, vector<16xf32>,
        %parallel_loop3A_1788 = arith.index_cast %parallel_loop3A_1730 : i32 to index
        %parallel_loop3A_1789 = arith.constant 48 : index
        %parallel_loop3A_1790 = tpu.vector_load %arg9[%parallel_loop3A_1788, %parallel_loop3A_1789] {strides = array<i32>} : memref<144x128xf32, #tpu.memory_space<vmem>>, vector<16xf32>,
        tpu.vector_store %arg9[%parallel_loop3A_1788, %parallel_loop3A_1789], %parallel_loop3A_1754 {strides = array<i32>} : memref<144x128xf32, #tpu.memory_space<vmem>>, vector<16xf32>,
        %parallel_loop3A_1791 = arith.index_cast %parallel_loop3A_1730 : i32 to index
        %parallel_loop3A_1792 = arith.constant 64 : index
        %parallel_loop3A_1793 = tpu.vector_load %arg9[%parallel_loop3A_1791, %parallel_loop3A_1792] {strides = array<i32>} : memref<144x128xf32, #tpu.memory_space<vmem>>, vector<16xf32>,
        tpu.vector_store %arg9[%parallel_loop3A_1791, %parallel_loop3A_1792], %parallel_loop3A_1760 {strides = array<i32>} : memref<144x128xf32, #tpu.memory_space<vmem>>, vector<16xf32>,
        %parallel_loop3A_1794 = arith.index_cast %parallel_loop3A_1730 : i32 to index
        %parallel_loop3A_1795 = arith.constant 80 : index
        %parallel_loop3A_1796 = tpu.vector_load %arg9[%parallel_loop3A_1794, %parallel_loop3A_1795] {strides = array<i32>} : memref<144x128xf32, #tpu.memory_space<vmem>>, vector<16xf32>,
        tpu.vector_store %arg9[%parallel_loop3A_1794, %parallel_loop3A_1795], %parallel_loop3A_1766 {strides = array<i32>} : memref<144x128xf32, #tpu.memory_space<vmem>>, vector<16xf32>,
        %parallel_loop3A_1797 = arith.index_cast %parallel_loop3A_1730 : i32 to index
        %parallel_loop3A_1798 = arith.constant 96 : index
        %parallel_loop3A_1799 = tpu.vector_load %arg9[%parallel_loop3A_1797, %parallel_loop3A_1798] {strides = array<i32>} : memref<144x128xf32, #tpu.memory_space<vmem>>, vector<16xf32>,
        tpu.vector_store %arg9[%parallel_loop3A_1797, %parallel_loop3A_1798], %parallel_loop3A_1772 {strides = array<i32>} : memref<144x128xf32, #tpu.memory_space<vmem>>, vector<16xf32>,
        %parallel_loop3A_1800 = arith.index_cast %parallel_loop3A_1730 : i32 to index
        %parallel_loop3A_1801 = arith.constant 112 : index
        %parallel_loop3A_1802 = tpu.vector_load %arg9[%parallel_loop3A_1800, %parallel_loop3A_1801] {strides = array<i32>} : memref<144x128xf32, #tpu.memory_space<vmem>>, vector<16xf32>,
        tpu.vector_store %arg9[%parallel_loop3A_1800, %parallel_loop3A_1801], %parallel_loop3A_1778 {strides = array<i32>} : memref<144x128xf32, #tpu.memory_space<vmem>>, vector<16xf32>,
      } {sc.loop_unroll_factor = 2 : i64, sc.parallel_access}
      "tpu.region"() ({
        %run_scoped3A = tpu.sem_alloc : memref<!tpu.dma_semaphore, #tpu.memory_space<semaphore_mem>>
        %dma_start3A = arith.constant 0 : i32
        %dma_start3A_1730 = arith.constant 0 : i32
        %dma_start3A_1731 = tpu.memref_slice %arg9[%dma_start3A, %dma_start3A_1730] : memref<144x128xf32, #tpu.memory_space<vmem>> -> memref<16x128xf32, #tpu.memory_space<vmem>>
        %dma_start3A_1732 = arith.constant 0 : i32
        %dma_start3A_1733 = tpu.memref_slice %arg4[%add3A_51, %dma_start3A_1732] : memref<1000000x128xf32, #tpu.memory_space<hbm>> -> memref<16x128xf32, #tpu.memory_space<hbm>>
        %dma_start3A_1734 = arith.constant 0 : i32
        %dma_start3A_1735 = tpu.memref_slice %arg4[%add3A_51, %dma_start3A_1734] : memref<1000000x128xf32, #tpu.memory_space<hbm>> -> memref<16x128xf32, #tpu.memory_space<hbm>>
        %dma_start3A_1736 = arith.constant 0 : i32
        %dma_start3A_1737 = arith.constant 0 : i32
        %dma_start3A_1738 = tpu.memref_slice %arg9[%dma_start3A_1736, %dma_start3A_1737] : memref<144x128xf32, #tpu.memory_space<vmem>> -> memref<16x128xf32, #tpu.memory_space<vmem>>
        tpu.enqueue_dma source(%dma_start3A_1738 : memref<16x128xf32, #tpu.memory_space<vmem>>) target(%dma_start3A_1735 : memref<16x128xf32, #tpu.memory_space<hbm>>) target_semaphore(%run_scoped3A : memref<!tpu.dma_semaphore, #tpu.memory_space<semaphore_mem>>)
        %dma_wait3A_1739 = arith.constant 0 : i32
        %dma_wait3A_1740 = arith.constant 0 : i32
        %dma_wait3A_1741 = tpu.memref_slice %arg9[%dma_wait3A_1739, %dma_wait3A_1740] : memref<144x128xf32, #tpu.memory_space<vmem>> -> memref<16x128xf32, #tpu.memory_space<vmem>>
        %dma_wait3A_1742 = arith.constant 0 : i32
        %dma_wait3A_1743 = tpu.memref_slice %arg4[%add3A_51, %dma_wait3A_1742] : memref<1000000x128xf32, #tpu.memory_space<hbm>> -> memref<16x128xf32, #tpu.memory_space<hbm>>
        %dma_wait3A_1744 = arith.constant 0 : i32
        %dma_wait3A_1745 = tpu.memref_slice %arg4[%add3A_51, %dma_wait3A_1744] : memref<1000000x128xf32, #tpu.memory_space<hbm>> -> memref<16x128xf32, #tpu.memory_space<hbm>>
        %dma_wait3A_1746 = arith.constant 0 : i32
        %dma_wait3A_1747 = arith.constant 0 : i32
        %dma_wait3A_1748 = tpu.memref_slice %arg9[%dma_wait3A_1746, %dma_wait3A_1747] : memref<144x128xf32, #tpu.memory_space<vmem>> -> memref<16x128xf32, #tpu.memory_space<vmem>>
        tpu.wait_dma2 semaphore(%run_scoped3A : memref<!tpu.dma_semaphore, #tpu.memory_space<semaphore_mem>>) src(%dma_wait3A_1748 : memref<16x128xf32, #tpu.memory_space<vmem>>) dst(%dma_wait3A_1745 : memref<16x128xf32, #tpu.memory_space<hbm>>)
        tpu.yield
      }) : () -> ()
    } else {
    }
    return
  }
}

</mosaic_0001>

<sc_bundles>
// kernel: kernel.3.cloned.1.call-start
scs
__scs_entry_jumppad:
0x0: {  	(pc) =	sbr.rel $0x88, $3  }
0x1: {  	(tag) =	ssettag $0x0;
	lr =	simm.s32 $0x1  }
0x2: {  	[smem:$0x3F90] =	sst lr;
	_ =	strace $0xD0000000  }
0x3: {  	_ = 	snop  }
0x4: {  	_ = 	snop  }
0x5: {  	_ = 	snop  }
0x6: {  	_ = 	snop  }
0x7: {  	_ = 	snop  }
__scs_overlays_trampoline_lowered:
0x8: {  	[smem:$0x3F9F] =	sst s0  }
0x9: {  	[smem:$0x3FA0] =	sst s1  }
0xa: {  	[smem:$0x3FA1] =	sst s2  }
0xb: {  	[smem:$0x3FA2] =	sst s3  }
0xc: {  	[smem:$0x3FA3] =	sst s4  }
0xd: {  	[smem:$0x3FA4] =	sst s5  }
0xe: {  	[smem:$0x3FA5] =	sst s6  }
0xf: {  	[smem:$0x3FA6] =	sst s7  }
0x10: {  	[smem:$0x3FA7] =	sst s8  }
0x11: {  	[smem:$0x3FA8] =	sst s9;
	s0 =	simm.s32 @!p0 $0x0  }
0x12: {  	s1 =	sld [smem:$0x3F8E];
	s0 =	simm.s32 @p0 $0x1  }
0x13: {  	[smem:$0x3FA9] =	sst s0;
	s0 =	simm.s32 @!p1 $0x0  }
0x14: {  	s2 =	sld [smem:$0x3F8D];
	s0 =	simm.s32 @p1 $0x1  }
0x15: {  	[smem:$0x3FAA] =	sst s0;
	s0 =	simm.s32 @!p2 $0x0  }
0x16: {  	s3 =	sld [smem:$0x3FDB];
	s0 =	simm.s32 @p2 $0x1  }
0x17: {  	s4 =	simm.s32 $0x1BF5;
	[smem:$0x3FAC] =	sst s0  }
0x18: {  	s0 =	sld [smem:$0x3F8F];
	_ =	swait.ge [sflag:s4], $0x0  }
0x19: {  	s7 =	sld [smem:$0x3F90]  }
0x1a: {  	s8 =	sadd.s32 $0xFFFFE003, lr  }
0x1b: {  	s9 =	sadd.s32 $0xFFFFFEF7, lr;
	s5 =	simm.s32 $0xFFFFFFFF;
	p2 =	slt.u32 s8, $0xFFFFF086  }
0x1c: {  	p1 =	slt.u32 s9, $0xF7A;
	s5 =	simm.s32 @!p2 $0x0  }
0x1d: {  	s5 =	simm.s32 @p1 $0x1;
	p0 =	seq.s32 s7, s2  }
0x1e: {  	s7 =	smul.u32 @!p0 $0xF7A, s2;
	p2 =	seq.s32 @!p0 s5, $0x0  }
0x1f: {  	s9 =	smul.u32 $0xF7A, s1;
	s8 =	simm.s32 @!p0 $0x1BF5;
	p2 =	por !p2, p0  }
0x20: {  	[sflag:s8] =	ssyncset.s32 @!p0 $0xFFFFF086;
	s6 =	sadd.s32 @!p0 s3, s7;
	s7 =	simm.s32 @!p0 $0x108  }
0x21: {  	s3 =	sadd.s32 s3, s9;
	s6 =	sadd.s32 @!p0 $0x88, s6;
	s7 =	simm.s32 @p2 $0x1082  }
0x22: {  	[simem:s7], [sflag:s8] =	dma.local @!p0 [hbm:s6], $0xF7A  }
0x23: {  	s9 =	sor.u32 $0xD0000000, s2;
	s6 =	simm.s32 $0x108;
	_ =	swait.ge @!p0 [sflag:s8], $0x0  }
0x24: {  	s3 =	sadd.s32 $0x88, s3;
	s6 =	simm.s32 @!p1 $0x1082;
	[sflag:s4] =	ssyncset.s32 $0xFFFFF086  }
0x25: {  	[simem:s6], [sflag:s4] =	dma.local [hbm:s3], $0xF7A  }
0x26: {  	[smem:$0x3F90] =	sst s1;
	(tag) =	ssettag s2;
	_ =	strace s9  }
0x27: {  	s1 =	sld [smem:$0x3FA0]  }
0x28: {  	s2 =	sld [smem:$0x3FA1]  }
0x29: {  	s4 =	sld [smem:$0x3FA3]  }
0x2a: {  	p0 =	seq.s32 s5, $0x0;
	s5 =	sld [smem:$0x3FA4]  }
0x2b: {  	s6 =	sld [smem:$0x3FA5]  }
0x2c: {  	s7 =	sld [smem:$0x3FA6]  }
0x2d: {  	s3 =	simm.s32 $0x108;
	s8 =	sld [smem:$0x3FA7]  }
0x2e: {  	s3 =	simm.s32 @!p0 $0x1082;
	s9 =	sld [smem:$0x3FA8]  }
0x2f: {  	lr =	sadd.s32 s0, s3;
	s0 =	sld [smem:$0x3F9F]  }
0x30: {  	s3 =	sld [smem:$0x3FA2]  }
0x31: {  	[smem:$0x3FAB] =	sst s10  }
0x32: {  	s10 =	sld [smem:$0x3FA9];
	_ =	sdelay $0x3  }
0x33: {  	p0 =	seq.s32 s10, $0x1;
	s10 =	sld [smem:$0x3FAB];
	_ =	sdelay $0x3  }
0x34: {  	[smem:$0x3FAB] =	sst s10  }
0x35: {  	s10 =	sld [smem:$0x3FAA];
	_ =	sdelay $0x3  }
0x36: {  	p1 =	seq.s32 s10, $0x1;
	s10 =	sld [smem:$0x3FAB];
	_ =	sdelay $0x3  }
0x37: {  	[smem:$0x3FAB] =	sst s10  }
0x38: {  	s10 =	sld [smem:$0x3FAC]  }
0x39: {  	_ = 	snop;
	(pc) =	sbr.ind lr, $3  }
0x3a: {  	_ = 	snop  }
0x3b: {  	_ = 	snop  }
0x3c: {  	p2 =	seq.s32 s10, $0x1;
	s10 =	sld [smem:$0x3FAB]  }
0x3d: {  	_ =	shalt  }
0x3e: {  	_ =	shalt  }
0x3f: {  	_ =	shalt  }
0x40: {  	_ =	shalt  }
0x41: {  	_ =	shalt  }
0x42: {  	_ =	shalt  }
0x43: {  	_ =	shalt  }
0x44: {  	_ =	shalt  }
0x45: {  	_ =	shalt  }
0x46: {  	_ =	shalt  }
0x47: {  	_ =	shalt  }
0x48: {  	_ =	shalt  }
0x49: {  	_ =	shalt  }
0x4a: {  	_ =	shalt  }
0x4b: {  	_ =	shalt  }
0x4c: {  	_ =	shalt  }
0x4d: {  	_ =	shalt  }
0x4e: {  	_ =	shalt  }
0x4f: {  	_ =	shalt  }
0x50: {  	_ =	shalt  }
0x51: {  	_ =	shalt  }
0x52: {  	_ =	shalt  }
0x53: {  	_ =	shalt  }
0x54: {  	_ =	shalt  }
0x55: {  	_ =	shalt  }
0x56: {  	_ =	shalt  }
0x57: {  	_ =	shalt  }
0x58: {  	_ =	shalt  }
0x59: {  	_ =	shalt  }
0x5a: {  	_ =	shalt  }
0x5b: {  	_ =	shalt  }
0x5c: {  	_ =	shalt  }
0x5d: {  	_ =	shalt  }
0x5e: {  	_ =	shalt  }
0x5f: {  	_ =	shalt  }
0x60: {  	_ =	shalt  }
0x61: {  	_ =	shalt  }
0x62: {  	_ =	shalt  }
0x63: {  	_ =	shalt  }
0x64: {  	_ =	shalt  }
0x65: {  	_ =	shalt  }
0x66: {  	_ =	shalt  }
0x67: {  	_ =	shalt  }
0x68: {  	_ =	shalt  }
0x69: {  	_ =	shalt  }
0x6a: {  	_ =	shalt  }
0x6b: {  	_ =	shalt  }
0x6c: {  	_ =	shalt  }
0x6d: {  	_ =	shalt  }
0x6e: {  	_ =	shalt  }
0x6f: {  	_ =	shalt  }
0x70: {  	_ =	shalt  }
0x71: {  	_ =	shalt  }
0x72: {  	_ =	shalt  }
0x73: {  	_ =	shalt  }
0x74: {  	_ =	shalt  }
0x75: {  	_ =	shalt  }
0x76: {  	_ =	shalt  }
0x77: {  	_ =	shalt  }
0x78: {  	_ =	shalt  }
0x79: {  	_ =	shalt  }
0x7a: {  	_ =	shalt  }
0x7b: {  	_ =	shalt  }
0x7c: {  	_ =	shalt  }
0x7d: {  	_ =	shalt  }
0x7e: {  	_ =	shalt  }
0x7f: {  	_ =	shalt  }
0x80: {  	_ =	shalt  }
0x81: {  	_ =	shalt  }
0x82: {  	_ =	shalt  }
0x83: {  	_ =	shalt  }
0x84: {  	_ =	shalt  }
0x85: {  	_ =	shalt  }
0x86: {  	_ =	shalt  }
0x87: {  	_ =	shalt  }
.Lfunc_end0:
.L_simem_size_0:
called_computation_lowered:
.L_overlay_start_0:
0x88: {  	s2 =	sld [smem:$0x3FD9]  }
0x89: {  	s3 =	sld [smem:$0x3FFE];
	_ =	sdelay $0x1  }
0x8a: {  	s1 =	srdreg.scid  }
0x8b: {  	s0 =	sand.u32 $0x1, s1  }
0x8c: {  	s17 =	sshll.u32 s0, $0xA;
	s2 =	sadd.s32 s3, s2  }
0x8d: {  	s2 =	sadd.s32 s2, s17  }
0x8e: {  	[smem:$0x3FB7] =	sst s2  }
0x8f: {  	_ = 	snop  }
0x90: {  	s2 =	sld [smem:$0x3FD0];
	(tm) =	ssettm $0x1  }
0x91: {  	s18 =	sld [smem:$0x3FFB];
	_ =	sdelay $0x3  }
0x92: {  	_ =	strace s18  }
0x93: {  	s3 =	sld [smem:$0x3FFC];
	_ =	sdelay $0x3  }
0x94: {  	_ =	strace s3  }
0x95: {  	s3 =	sld [smem:$0x3FFD];
	_ =	sdelay $0x3  }
0x96: {  	_ =	strace s3  }
0x97: {  	_ =	strace $0x8FFFFFFF  }
0x98: {  	s19 =	sld [smem:$0x3FDB];
	_ =	sdelay $0x1  }
0x99: {  	s4 =	simm.s32 $_scs_section_size  }
0x9a: {  	s5 =	simm.s32 $_size__tile_overlayer_lowered;
	s6 =	simm.s32 $_tile_overlayer_lowered  }
0x9b: {  	s22 =	simm.s32 $0x1BFF;
	s21 =	sshll.u32 s6, $0x1;
	s3 =	sadd.s32 s4, s19  }
0x9c: {  	s7 =	simm.s32 $0x0;
	s20 =	sshll.u32 s5, $0x1;
	s5 =	sadd.s32 s21, s3  }
0x9d: {  	[timem:s7], [sflag:s22] =	dma.local [hbm:s5], s20  }
0x9e: {  	_ =	swait.ge [sflag:s22], s20  }
0x9f: {  	s4 =	ssub.s32 $0x0, s20;
	[sflag:s22] =	ssyncset.done $0x0  }
0xa0: {  	[sflag:s22] =	ssyncadd.s32 s4;
	_ =	sdelay $0x1  }
0xa1: {  	s23 =	simm.s32 $0x1B8B  }
0xa2: {  	_ =	swait.ge [sflag:s23], $0x1  }
0xa3: {  	[sflag:s23] =	ssyncset.done $0x0  }
0xa4: {  	s25 =	simm.s32 $0x1B8E;
	s24 =	sld [smem:$0x3FFE];
	[sflag:s23] =	ssyncadd.s32 $0xFFFFFFFF  }
0xa5: {  	s26 =	simm.s32 $execute0_lowered;
	[smem:$0x3FD2] =	sst s25  }
0xa6: {  	s5 =	sshll.u32 s26, $0x1;
	_ =	strace $0x80000046;
	[dreg:$0x1] =	wrdreg $0xFFFFFFFF  }
0xa7: {  	s28 =	simm.s32 $_size_execute0_lowered;
	s3 =	sadd.s32 s3, s5;
	[dreg:$0x0] =	wrdreg $0x0  }
0xa8: {  	s5 =	sshll.u32 s28, $0x1;
	[dreg:$0x2] =	wrdreg s3  }
0xa9: {  	[dreg:$0x3] =	wrdreg s5  }
0xaa: {  	[dreg:$0x4] =	wrdreg $0xC0  }
0xab: {  	_ =	task [dreg:s7], $0x5FFFF  }
0xac: {  	[dreg:$0x1] =	wrdreg $0xFFFFFFFF  }
0xad: {  	[dreg:$0x0] =	wrdreg $0x60  }
0xae: {  	[dreg:$0x2] =	wrdreg s2  }
0xaf: {  	[dreg:$0x3] =	wrdreg s24  }
0xb0: {  	[dreg:$0x4] =	wrdreg $0x9  }
0xb1: {  	_ =	task.clear_ibuf [dreg:s7], $0x5FFFF;
	_ =	strace $0x90000046  }
0xb2: {  	s29 =	simm.s32 $0x9;
	_ =	strace $0x80000048  }
0xb3: {  	_ =	swait.ge [sflag:s29], $0x1  }
0xb4: {  	[sflag:s29] =	ssyncadd.s32 $0xFFFFFFFF  }
0xb5: {  	_ =	strace $0x90000048  }
0xb6: {  	_ =	sfence  }
0xb7: {  	s30 =	sld [smem:$0x0];
	_ =	sdelay $0x2  }
0xb8: {  	s31 =	sshll.u32 s1, $0xD;
	s1 =	sshrl.u32 s1, $0x2  }
0xb9: {  	s3 =	sand.u32 $0x4000, s31;
	s1 =	sadd.s32 s1, s30  }
0xba: {  	s0 =	sor.u32 s3, s0;
	s1 =	sshll.u32 s1, $0x11  }
0xbb: {  	s0 =	sor.u32 s1, s0  }
0xbc: {  	s0 =	sadd.s32 $0x8F2B, s0  }
0xbd: {  	[sflag:s0] =	ssyncadd.remote.s32 $0x1  }
0xbe: {  	_ =	sfence.sel $0xFFFF  }
0xbf: {  	[dreg:$0x0] =	wrdreg $0xFFFFFFFF;
	(pc) =	sbr.abs _section_cstart, $3  }
0xc0: {  	[dreg:$0x1] =	wrdreg $0xFFFFFFFF  }
0xc1: {  	_ =	task.clear_ibuf [dreg:s7], $0x2FFFF;
	_ =	strace $0x9FFFFFFF  }
0xc2: {  	(tm) =	ssettm $0x7FFFFFFF  }
0xc3: {  	_ =	shalt  }
tec
execute0_lowered:
.L_overlay_start_1:
0x0: {  	(tag) =	ssettag $0x1  }
0x1: {  	s3 =	rddreg [dreg:$0x0]  }
0x2: {  	s2 =	rddreg [dreg:$0x1];
	s12 =	simm.s32 $0x0;
	s0 =	srdreg.scid  }
0x3: {  	s5 =	stileid.u32;
	s13 =	simm.s32 $0x148;
	s26 =	simm.s32 $0x290  }
0x4: {  	s14 =	simm.s32 $0x3D8;
	s15 =	simm.s32 $0x520;
	s16 =	simm.s32 $0x668  }
0x5: {  	[smem:$0x7FF] =	sst s12;
	s0 =	sand.u32 $0x1, s0;
	s6 =	sadd.s32 $0x200, s2  }
0x6: {  	v0 =	vlaneseq.u32;
	s4 =	sshll.u32 s5, $0x4;
	_ =	strace $0x80000047;
	s1 =	ssub.s32 $0x2, s0  }
0x7: {  	v0 =	vmul.u32 $0x88, v0;
	s0 =	sshll.u32 s0, $0x4;
	s31 =	sor.u32 $0xF4200, s4;
	[dreg:$0x3] =	wrdreg s6  }
0x8: {  	s30 =	sshrl.u32 s1, $0x1;
	s0 =	sor.u32 s5, s0;
	s4 =	sshrl.u32 s31, $0x3  }
.Ltmp0:
0x9: {  	s2 =	sshll.u32 s31, $0x4;
	v5 =	vor.u32 $0x5, v0;
	s3 =	sadd.s32 s3, s4;
	(pc) =	sbr.rel .LBB2_1-.Ltmp0, $4  }
0xa: {  	v1 =	vor.u32 $0x1, v0;
	s5 =	smul.u32 $0x7A10, s0;
	s2 =	sadd.s32 s6, s2;
	[dreg:$0x5] =	wrdreg s3  }
0xb: {  	s17 =	simm.s32 $0x7B0;
	v4 =	vor.u32 $0x4, v0;
	s1 =	ssub.s32 s1, s30;
	[dreg:$0x6] =	wrdreg s2  }
0xc: {  	s18 =	simm.s32 $0x8F8;
	v2 =	vor.u32 $0x2, v0;
	s1 =	smax.u32 s1, $0x1;
	[dreg:$0x4] =	wrdreg s5  }
0xd: {  	v3 =	vor.u32 $0x3, v0;
	v6 =	vor.u32 $0x6, v0;
	v7 =	vor.u32 $0x7, v0;
	p0 =	sgt.u32 s0, $0x3;
	[dreg:$0x7] =	wrdreg s1;
	s1 =	simm.s32 $0x0  }
.LBB2_17:
0xe: {  	s1 =	sadd.s32 $0x1, s1;
	s0 =	rddreg [dreg:$0x7]  }
0xf: {  	p1 =	sne.s32 s1, s0  }
.Ltmp1:
0x10: {  	_ = 	snop;
	(pc) =	sbr.rel @!p1 .LBB2_18-.Ltmp1, $1  }
0x11: {  	_ =	sdelay $0x3  }
.LBB2_1:
0x12: {  	[dreg:$0x8] =	wrdreg s1  }
.Ltmp2:
0x13: {  	s0 =	rddreg [dreg:$0x1];
	s31 =	simm.s32 $0x3;
	(pc) =	sbr.rel .LBB2_2-.Ltmp2, $4  }
0x14: {  	[tilespmem:s12], [sflag:$0x3] =	stream.linear.gather [hbm4b:s0+s12], $0xA80, $0x38;
	[tilespmem:$0xE900] =	vst v63  }
0x15: {  	_ =	swait.ge [sflag:s31], $0xA80  }
0x16: {  	[sflag:s31] =	ssyncset.done $0x0  }
0x17: {  	s3 =	simm.s32 $0x0;
	[sflag:s31] =	ssyncadd.s32 $0xFFFFF580  }
.LBB2_12:
0x18: {  	s3 =	sadd.s32 $0x1, s3  }
0x19: {  	p1 =	sne.s32 s3, $0x6D  }
.Ltmp3:
0x1a: {  	_ = 	snop;
	(pc) =	sbr.rel @!p1 .LBB2_13-.Ltmp3, $1  }
0x1b: {  	_ =	sdelay $0x3  }
.LBB2_2:
0x1c: {  	[dreg:$0x9] =	wrdreg s3;
	s0 =	smul.u32 $0x120, s3  }
0x1d: {  	s1 =	rddreg [dreg:$0x4]  }
0x1e: {  	s22 =	rddreg [dreg:$0x0];
	s0 =	sadd.s32 s1, s0  }
0x1f: {  	[dreg:$0xa] =	wrdreg s0;
	s0 =	sshrl.u32 s0, $0x3  }
0x20: {  	s23 =	simm.s32 $0xA80;
	s24 =	simm.s32 $0x3;
	s0 =	sadd.s32 s22, s0  }
0x21: {  	[tilespmem:s23], [sflag:$0x3] =	stream.linear.gather [hbm4b:s0+s12], $0x90, $0x38;
	[tilespmem:$0xE900] =	vst v63  }
0x22: {  	_ =	swait.ge [sflag:s24], $0x90  }
0x23: {  	s25 =	simm.s32 $0x0;
	[sflag:s24] =	ssyncset.done $0x0  }
0x24: {  	s28 =	sand.u32 $0xC, s25;
	s1 =	sand.u32 $0xF0, s25;
	[sflag:s24] =	ssyncadd.s32 $0xFFFFFF70  }
0x25: {  	s3 =	sor.u32 $0x3, s28;
	v8 =	vld [tilespmem:s1+$0xA80]  }
0x26: {  	s2 =	sshll.u32 s3, $0x1  }
0x27: {  	s2 =	sadd.s32 $0x4, s2  }
0x28: {  	s4 =	sor.u32 $0x1, s28;
	s5 =	sshll.u32 s28, $0x1;
	s2 =	scvt.s32.f32 s2  }
0x29: {  	s6 =	sshll.u32 s4, $0x1;
	s5 =	sor.u32 $0x4, s5  }
0x2a: {  	s6 =	sor.u32 $0x4, s6;
	s5 =	scvt.s32.f32 s5;
	v9 =	vmul.f32 s2, v8  }
0x2b: {  	s6 =	scvt.s32.f32 s6  }
0x2c: {  	s7 =	sadd.s32 $0x7, s28;
	v10 =	vmul.f32 s5, v8;
	v12 =	vtrunc.f32 v9  }
0x2d: {  	v11 =	vmul.f32 s6, v8;
	s2 =	smul.u32 s7, s3;
	v12 =	vcvt.f32.s32 v12  }
0x2e: {  	s8 =	sadd.s32 $0x4, s28;
	v13 =	vtrunc.f32 v10  }
0x2f: {  	s9 =	sadd.s32 $0x5, s28;
	s5 =	smul.u32 s28, s8;
	s7 =	sor.u32 $0x2, s28;
	v14 =	vtrunc.f32 v11;
	v13 =	vcvt.f32.s32 v13;
	v23 =	vadd.s32 s2, v12  }
0x30: {  	s6 =	smul.u32 s9, s4;
	s10 =	sshll.u32 s7, $0x1;
	v14 =	vcvt.f32.s32 v14  }
0x31: {  	v21 =	vadd.s32 s5, v13;
	s2 =	sadd.s32 $0x4, s10  }
0x32: {  	v25 =	vadd.s32 s6, v14;
	s2 =	scvt.s32.f32 s2;
	_ =	sdelay $0x1  }
0x33: {  	v8 =	vmul.f32 s2, v8;
	v15 =	vld.idx.msk [tilespmem:v23+s12+$0x0], $0xffff;
	_ =	sdelay $0x1  }
0x34: {  	s11 =	sadd.s32 $0x6, s28;
	v12 =	vcvt.s32.f32 v12;
	v16 =	vld.idx.msk [tilespmem:v21+s12+$0x0], $0xffff;
	v17 =	vtrunc.f32 v8  }
0x35: {  	s2 =	smul.u32 s11, s7;
	v18 =	vld.idx.msk [tilespmem:v25+s12+$0x0], $0xffff;
	v17 =	vcvt.f32.s32 v17  }
0x36: {  	s19 =	simm.s32 $0x0;
	v13 =	vcvt.s32.f32 v13;
	v22 =	vsub.f32 v9, v12  }
0x37: {  	s20 =	smul.u32 $0x2200, s19;
	v14 =	vcvt.s32.f32 v14;
	v28 =	vadd.s32 s2, v17;
	v9 =	vshll.u32 v15, $0x10  }
0x38: {  	v29 =	vsub.f32 v10, v13;
	v9 =	vmul.f32 v9, v22  }
0x39: {  	v24 =	vsub.f32 v11, v14;
	s2 =	sshra.s32 s20, $0x2;
	v10 =	vshll.u32 v16, $0x10  }
0x3a: {  	s1 =	sshll.u32 s3, $0x3;
	s2 =	sadd.s32 $0xC80, s2;
	v11 =	vshll.u32 v18, $0x10;
	v10 =	vmul.f32 v10, v29;
	v9 =	vadd.f32 v15, v9  }
0x3b: {  	s24 =	sor.u32 s1, s2;
	v11 =	vmul.f32 v11, v24  }
0x3c: {  	s0 =	sshll.u32 s28, $0x3;
	v10 =	vadd.f32 v16, v10;
	v12 =	vld.idx.msk [tilespmem:v28+s12+$0x0], $0xffff;
	[tilespmem:v0+s24+$0x0] =	vst.idx.msk $0xffff, v9  }
0x3d: {  	s21 =	sshll.u32 s4, $0x3;
	s31 =	sor.u32 s0, s2;
	v9 =	vadd.f32 v18, v11;
	v11 =	vld.idx.msk [tilespmem:v23+s13+$0x0], $0xffff  }
0x3e: {  	s29 =	sor.u32 s21, s2;
	[tilespmem:v0+s31+$0x0] =	vst.idx.msk $0xffff, v10;
	v10 =	vcvt.s32.f32 v17  }
0x3f: {  	v13 =	vld.idx.msk [tilespmem:v21+s13+$0x0], $0xffff;
	[tilespmem:v0+s29+$0x0] =	vst.idx.msk $0xffff, v9  }
0x40: {  	v27 =	vsub.f32 v8, v10;
	v9 =	vld.idx.msk [tilespmem:v25+s13+$0x0], $0xffff  }
0x41: {  	v8 =	vshll.u32 v12, $0x10  }
0x42: {  	v8 =	vmul.f32 v8, v27;
	v10 =	vshll.u32 v11, $0x10  }
0x43: {  	v10 =	vmul.f32 v10, v22  }
0x44: {  	s22 =	sshll.u32 s7, $0x3;
	v14 =	vshll.u32 v13, $0x10;
	v8 =	vadd.f32 v12, v8  }
0x45: {  	s30 =	sor.u32 s22, s2;
	v12 =	vmul.f32 v14, v29;
	v14 =	vshll.u32 v9, $0x10;
	v10 =	vadd.f32 v11, v10  }
0x46: {  	[tilespmem:v0+s30+$0x0] =	vst.idx.msk $0xffff, v8;
	v11 =	vmul.f32 v14, v24  }
0x47: {  	s23 =	simm.s32 $0x4;
	v8 =	vadd.f32 v13, v12;
	v12 =	vld.idx.msk [tilespmem:v28+s13+$0x0], $0xffff;
	[tilespmem:v1+s24+$0x0] =	vst.idx.msk $0xffff, v10  }
0x48: {  	s25 =	sand.u32 $0xC, s23;
	s0 =	sand.u32 $0xF0, s23;
	v9 =	vadd.f32 v9, v11;
	v10 =	vld.idx.msk [tilespmem:v23+s26+$0x0], $0xffff  }
0x49: {  	s28 =	sor.u32 $0x3, s25;
	v11 =	vld [tilespmem:s0+$0xA80]  }
0x4a: {  	s3 =	sor.u32 $0x1, s25;
	s0 =	sshll.u32 s28, $0x1;
	[tilespmem:v1+s29+$0x0] =	vst.idx.msk $0xffff, v9  }
0x4b: {  	s10 =	sshll.u32 s3, $0x1;
	[tilespmem:v1+s31+$0x0] =	vst.idx.msk $0xffff, v8;
	s1 =	sadd.s32 $0x4, s0;
	v9 =	vld.idx.msk [tilespmem:v25+s26+$0x0], $0xffff  }
0x4c: {  	s6 =	sor.u32 $0x4, s10;
	v8 =	vld.idx.msk [tilespmem:v21+s26+$0x0], $0xffff;
	s1 =	scvt.s32.f32 s1;
	v13 =	vshll.u32 v12, $0x10  }
0x4d: {  	s9 =	sshll.u32 s25, $0x1;
	s6 =	scvt.s32.f32 s6;
	v13 =	vmul.f32 v13, v27;
	v14 =	vshll.u32 v10, $0x10  }
0x4e: {  	s5 =	sor.u32 $0x4, s9;
	v17 =	vmul.f32 s1, v11;
	v14 =	vmul.f32 v14, v22  }
0x4f: {  	s5 =	scvt.s32.f32 s5;
	v12 =	vadd.f32 v12, v13;
	v13 =	vmul.f32 s6, v11  }
0x50: {  	s11 =	sor.u32 $0x2, s25;
	v18 =	vtrunc.f32 v17;
	v16 =	vshll.u32 v9, $0x10;
	v10 =	vadd.f32 v10, v14  }
0x51: {  	s19 =	sshll.u32 s11, $0x1;
	s20 =	sadd.s32 $0x7, s25;
	v15 =	vshll.u32 v8, $0x10;
	v14 =	vmul.f32 v16, v24;
	v16 =	vmul.f32 s5, v11  }
0x52: {  	s6 =	smul.u32 s20, s28;
	v15 =	vmul.f32 v15, v29;
	v18 =	vcvt.f32.s32 v18;
	s5 =	sadd.s32 $0x4, s19;
	[tilespmem:v2+s24+$0x0] =	vst.idx.msk $0xffff, v10  }
0x53: {  	s21 =	sadd.s32 $0x4, s25;
	[tilespmem:v1+s30+$0x0] =	vst.idx.msk $0xffff, v12;
	v19 =	vtrunc.f32 v13;
	s5 =	scvt.s32.f32 s5;
	v10 =	vtrunc.f32 v16;
	v12 =	vld.idx.msk [tilespmem:v23+s14+$0x0], $0xffff  }
0x54: {  	s8 =	sadd.s32 $0x5, s25;
	s7 =	smul.u32 s25, s21;
	v26 =	vld.idx.msk [tilespmem:v28+s26+$0x0], $0xffff;
	v8 =	vadd.f32 v8, v15;
	v30 =	vadd.s32 s6, v18;
	v20 =	vcvt.f32.s32 v10  }
0x55: {  	s8 =	smul.u32 s8, s3;
	v15 =	vcvt.f32.s32 v19;
	v9 =	vadd.f32 v9, v14;
	v19 =	vmul.f32 s5, v11  }
0x56: {  	[tilespmem:v2+s31+$0x0] =	vst.idx.msk $0xffff, v8;
	v31 =	vadd.s32 s7, v20  }
0x57: {  	s22 =	sadd.s32 $0x6, s25;
	v10 =	vadd.s32 s8, v15;
	v14 =	vld.idx.msk [tilespmem:v21+s14+$0x0], $0xffff;
	[tilespmem:v2+s29+$0x0] =	vst.idx.msk $0xffff, v9;
	v8 =	vtrunc.f32 v19  }
0x58: {  	s5 =	smul.u32 s22, s11;
	v33 =	vld.idx.msk [tilespmem:v25+s14+$0x0], $0xffff;
	v32 =	vcvt.f32.s32 v8;
	v8 =	vshll.u32 v12, $0x10  }
0x59: {  	v9 =	vshll.u32 v26, $0x10;
	v20 =	vcvt.s32.f32 v20;
	v35 =	vld.idx.msk [tilespmem:v30+s12+$0x0], $0xffff;
	v8 =	vmul.f32 v8, v22  }
0x5a: {  	v18 =	vcvt.s32.f32 v18;
	v34 =	vmul.f32 v9, v27;
	v11 =	vadd.s32 s5, v32  }
0x5b: {  	v15 =	vcvt.s32.f32 v15;
	v9 =	vsub.f32 v16, v20;
	v36 =	vld.idx.msk [tilespmem:v31+s12+$0x0], $0xffff;
	v12 =	vadd.f32 v12, v8  }
0x5c: {  	v16 =	vld.idx.msk [tilespmem:v10+s12+$0x0], $0xffff;
	v20 =	vshll.u32 v14, $0x10;
	v26 =	vadd.f32 v26, v34;
	v34 =	vsub.f32 v17, v18  }
0x5d: {  	s23 =	simm.s32 $0x0;
	v8 =	vsub.f32 v13, v15;
	v13 =	vmul.f32 v20, v29;
	v15 =	vshll.u32 v33, $0x10;
	[tilespmem:v3+s24+$0x0] =	vst.idx.msk $0xffff, v12  }
0x5e: {  	s5 =	smul.u32 $0x2200, s23;
	v18 =	vshll.u32 v35, $0x10;
	v15 =	vmul.f32 v15, v24;
	v17 =	vld.idx.msk [tilespmem:v23+s15+$0x0], $0xffff  }
0x5f: {  	[tilespmem:v2+s30+$0x0] =	vst.idx.msk $0xffff, v26;
	v18 =	vmul.f32 v18, v34;
	v13 =	vadd.f32 v14, v13;
	v14 =	vld.idx.msk [tilespmem:v11+s12+$0x0], $0xffff  }
0x60: {  	s5 =	sshra.s32 s5, $0x2;
	v26 =	vld.idx.msk [tilespmem:v28+s14+$0x0], $0xffff;
	v12 =	vcvt.s32.f32 v32;
	v15 =	vadd.f32 v33, v15;
	v20 =	vshll.u32 v36, $0x10  }
0x61: {  	s4 =	sshll.u32 s28, $0x3;
	s5 =	sadd.s32 $0xC80, s5;
	v46 =	vshll.u32 v16, $0x10;
	[tilespmem:v3+s31+$0x0] =	vst.idx.msk $0xffff, v13;
	v13 =	vadd.f32 v35, v18;
	v20 =	vmul.f32 v20, v9  }
0x62: {  	s20 =	sor.u32 s4, s5;
	v18 =	vmul.f32 v46, v8;
	v12 =	vsub.f32 v19, v12;
	v19 =	vld.idx.msk [tilespmem:v21+s15+$0x0], $0xffff;
	[tilespmem:v3+s29+$0x0] =	vst.idx.msk $0xffff, v15  }
0x63: {  	s2 =	sshll.u32 s25, $0x3;
	[tilespmem:v0+s20+$0x0] =	vst.idx.msk $0xffff, v13;
	v15 =	vadd.f32 v36, v20;
	v20 =	vld.idx.msk [tilespmem:v25+s15+$0x0], $0xffff;
	v47 =	vshll.u32 v17, $0x10  }
0x64: {  	s25 =	sshll.u32 s3, $0x3;
	s0 =	sor.u32 s2, s5;
	v13 =	vadd.f32 v16, v18;
	v16 =	vshll.u32 v14, $0x10;
	v48 =	vld.idx.msk [tilespmem:v30+s13+$0x0], $0xffff;
	v18 =	vmul.f32 v47, v22  }
0x65: {  	s4 =	sor.u32 s25, s5;
	[tilespmem:v0+s0+$0x0] =	vst.idx.msk $0xffff, v15;
	v15 =	vmul.f32 v16, v12;
	v16 =	vshll.u32 v26, $0x10  }
0x66: {  	[tilespmem:v0+s4+$0x0] =	vst.idx.msk $0xffff, v13;
	v49 =	vld.idx.msk [tilespmem:v31+s13+$0x0], $0xffff;
	v13 =	vmul.f32 v16, v27;
	v16 =	vadd.f32 v17, v18  }
0x67: {  	s1 =	sshll.u32 s11, $0x3;
	s28 =	simm.s32 $0x8;
	v17 =	vld.idx.msk [tilespmem:v10+s13+$0x0], $0xffff;
	v18 =	vshll.u32 v19, $0x10;
	v14 =	vadd.f32 v14, v15  }
0x68: {  	s2 =	sor.u32 s1, s5;
	s5 =	sand.u32 $0xF0, s28;
	v15 =	vmul.f32 v18, v29;
	v18 =	vshll.u32 v20, $0x10;
	[tilespmem:v4+s24+$0x0] =	vst.idx.msk $0xffff, v16  }
0x69: {  	s1 =	sand.u32 $0xC, s28;
	v52 =	vld [tilespmem:s5+$0xA80];
	v13 =	vadd.f32 v26, v13;
	[tilespmem:v0+s2+$0x0] =	vst.idx.msk $0xffff, v14;
	v14 =	vmul.f32 v18, v24;
	v18 =	vshll.u32 v48, $0x10  }
0x6a: {  	s9 =	sor.u32 $0x2, s1;
	v16 =	vld.idx.msk [tilespmem:v23+s16+$0x0], $0xffff;
	v15 =	vadd.f32 v19, v15;
	v18 =	vmul.f32 v18, v34  }
0x6b: {  	s5 =	sor.u32 $0x3, s1;
	s10 =	sshll.u32 s9, $0x1;
	v19 =	vld.idx.msk [tilespmem:v11+s13+$0x0], $0xffff;
	[tilespmem:v3+s30+$0x0] =	vst.idx.msk $0xffff, v13;
	v26 =	vshll.u32 v49, $0x10;
	v13 =	vadd.f32 v20, v14  }
0x6c: {  	s11 =	sshll.u32 s1, $0x1;
	s19 =	sshll.u32 s5, $0x1;
	s10 =	sadd.s32 $0x4, s10;
	v14 =	vmul.f32 v26, v9;
	v20 =	vshll.u32 v17, $0x10;
	[tilespmem:v4+s31+$0x0] =	vst.idx.msk $0xffff, v15;
	v18 =	vadd.f32 v48, v18  }
0x6d: {  	s11 =	sor.u32 $0x4, s11;
	s7 =	sadd.s32 $0x4, s19;
	s10 =	scvt.s32.f32 s10;
	v15 =	vld.idx.msk [tilespmem:v28+s15+$0x0], $0xffff;
	v20 =	vmul.f32 v20, v8;
	[tilespmem:v4+s29+$0x0] =	vst.idx.msk $0xffff, v13  }
0x6e: {  	s11 =	scvt.s32.f32 s11;
	s7 =	scvt.s32.f32 s7;
	v26 =	vld.idx.msk [tilespmem:v21+s16+$0x0], $0xffff;
	v13 =	vadd.f32 v49, v14;
	[tilespmem:v1+s20+$0x0] =	vst.idx.msk $0xffff, v18  }
0x6f: {  	v35 =	vmul.f32 s10, v52;
	v17 =	vadd.f32 v17, v20;
	v18 =	vld.idx.msk [tilespmem:v30+s26+$0x0], $0xffff  }
0x70: {  	v39 =	vmul.f32 s7, v52;
	v55 =	vmul.f32 s11, v52;
	v14 =	vld.idx.msk [tilespmem:v25+s16+$0x0], $0xffff;
	[tilespmem:v1+s0+$0x0] =	vst.idx.msk $0xffff, v13;
	v13 =	vshll.u32 v16, $0x10  }
0x71: {  	v43 =	vtrunc.f32 v35;
	v20 =	vld.idx.msk [tilespmem:v31+s26+$0x0], $0xffff;
	[tilespmem:v1+s4+$0x0] =	vst.idx.msk $0xffff, v17;
	v17 =	vshll.u32 v19, $0x10;
	v13 =	vmul.f32 v13, v22  }
0x72: {  	s8 =	sor.u32 $0x1, s1;
	v43 =	vcvt.f32.s32 v43;
	v17 =	vmul.f32 v17, v12  }
0x73: {  	s3 =	sshll.u32 s8, $0x1;
	v51 =	vshll.u32 v15, $0x10;
	v50 =	vld.idx.msk [tilespmem:v10+s26+$0x0], $0xffff;
	v53 =	vshll.u32 v26, $0x10;
	v13 =	vadd.f32 v16, v13  }
0x74: {  	s6 =	sor.u32 $0x4, s3;
	v33 =	vmul.f32 v51, v27;
	v16 =	vadd.f32 v19, v17;
	v19 =	vshll.u32 v18, $0x10  }
0x75: {  	s6 =	scvt.s32.f32 s6;
	v54 =	vshll.u32 v14, $0x10;
	v17 =	vmul.f32 v53, v29;
	[tilespmem:v5+s24+$0x0] =	vst.idx.msk $0xffff, v13;
	v13 =	vmul.f32 v19, v34  }
0x76: {  	v36 =	vmul.f32 v54, v24;
	v15 =	vadd.f32 v15, v33;
	v19 =	vshll.u32 v20, $0x10;
	v37 =	vld.idx.msk [tilespmem:v23+s17+$0x0], $0xffff  }
0x77: {  	[tilespmem:v1+s2+$0x0] =	vst.idx.msk $0xffff, v16;
	v16 =	vmul.f32 s6, v52;
	v17 =	vadd.f32 v26, v17;
	v13 =	vadd.f32 v18, v13  }
0x78: {  	[tilespmem:v4+s30+$0x0] =	vst.idx.msk $0xffff, v15;
	v14 =	vadd.f32 v14, v36;
	v19 =	vmul.f32 v19, v9;
	v38 =	vshll.u32 v50, $0x10  }
0x79: {  	s21 =	sadd.s32 $0x7, s1;
	v56 =	vld.idx.msk [tilespmem:v11+s26+$0x0], $0xffff;
	v18 =	vmul.f32 v38, v8;
	[tilespmem:v2+s20+$0x0] =	vst.idx.msk $0xffff, v13;
	v13 =	vtrunc.f32 v39  }
0x7a: {  	s23 =	sadd.s32 $0x5, s1;
	s6 =	smul.u32 s21, s5;
	v40 =	vtrunc.f32 v16;
	[tilespmem:v5+s31+$0x0] =	vst.idx.msk $0xffff, v17;
	v19 =	vadd.f32 v20, v19;
	v15 =	vld.idx.msk [tilespmem:v30+s14+$0x0], $0xffff;
	v20 =	vcvt.f32.s32 v13  }
0x7b: {  	s22 =	sadd.s32 $0x4, s1;
	s10 =	smul.u32 s23, s8;
	v58 =	vld.idx.msk [tilespmem:v28+s16+$0x0], $0xffff;
	[tilespmem:v5+s29+$0x0] =	vst.idx.msk $0xffff, v14;
	v57 =	vcvt.f32.s32 v40;
	v13 =	vtrunc.f32 v55;
	v17 =	vadd.f32 v50, v18  }
0x7c: {  	s25 =	sadd.s32 $0x6, s1;
	s7 =	smul.u32 s1, s22;
	v26 =	vshll.u32 v37, $0x10;
	[tilespmem:v2+s0+$0x0] =	vst.idx.msk $0xffff, v19;
	v41 =	vcvt.f32.s32 v13;
	v19 =	vadd.s32 s6, v20  }
0x7d: {  	v45 =	vld.idx.msk [tilespmem:v25+s17+$0x0], $0xffff;
	v32 =	vcvt.s32.f32 v57;
	v18 =	vmul.f32 v26, v22;
	[tilespmem:v2+s4+$0x0] =	vst.idx.msk $0xffff, v17;
	v17 =	vadd.s32 s10, v57;
	s6 =	smul.u32 s25, s9  }
0x7e: {  	v42 =	vld.idx.msk [tilespmem:v31+s14+$0x0], $0xffff;
	v63 =	vshll.u32 v56, $0x10;
	v20 =	vcvt.s32.f32 v20;
	v13 =	vadd.s32 s7, v41  }
0x7f: {  	v48 =	vld.idx.msk [tilespmem:v10+s14+$0x0], $0xffff;
	v37 =	vadd.f32 v37, v18;
	v18 =	vadd.s32 s6, v43;
	v44 =	vshll.u32 v15, $0x10  }
0x80: {  	v26 =	vld.idx.msk [tilespmem:v21+s17+$0x0], $0xffff;
	v61 =	vshll.u32 v58, $0x10;
	v40 =	vmul.f32 v63, v12;
	v44 =	vmul.f32 v44, v34  }
0x81: {  	v16 =	vsub.f32 v16, v32;
	v20 =	vsub.f32 v39, v20;
	v39 =	vmul.f32 v61, v27;
	v49 =	vld.idx.msk [tilespmem:v19+s12+$0x0], $0xffff  }
0x82: {  	v38 =	vadd.f32 v56, v40;
	v52 =	vld.idx.msk [tilespmem:v17+s12+$0x0], $0xffff;
	v15 =	vadd.f32 v15, v44  }
0x83: {  	v14 =	vcvt.s32.f32 v41;
	[tilespmem:v6+s24+$0x0] =	vst.idx.msk $0xffff, v37;
	v36 =	vadd.f32 v58, v39;
	v46 =	vshll.u32 v42, $0x10;
	v50 =	vld.idx.msk [tilespmem:v13+s12+$0x0], $0xffff  }
0x84: {  	v46 =	vmul.f32 v46, v9;
	v59 =	vshll.u32 v48, $0x10;
	v62 =	vld.idx.msk [tilespmem:v18+s12+$0x0], $0xffff;
	[tilespmem:v3+s20+$0x0] =	vst.idx.msk $0xffff, v15  }
0x85: {  	s28 =	simm.s32 $0x0;
	v14 =	vsub.f32 v55, v14;
	[tilespmem:v5+s30+$0x0] =	vst.idx.msk $0xffff, v36;
	v32 =	vmul.f32 v59, v8;
	v60 =	vld.idx.msk [tilespmem:v30+s15+$0x0], $0xffff  }
0x86: {  	s6 =	smul.u32 $0x2200, s28;
	[tilespmem:v2+s2+$0x0] =	vst.idx.msk $0xffff, v38;
	v42 =	vadd.f32 v42, v46;
	v46 =	vld.idx.msk [tilespmem:v28+s17+$0x0], $0xffff;
	v53 =	vshll.u32 v49, $0x10  }
0x87: {  	v41 =	vadd.f32 v48, v32;
	v32 =	vld.idx.msk [tilespmem:v23+s18+$0x0], $0xffff;
	v47 =	vshll.u32 v52, $0x10;
	v37 =	vmul.f32 v53, v20  }
0x88: {  	v51 =	vcvt.s32.f32 v43;
	s6 =	sshra.s32 s6, $0x2;
	[tilespmem:v3+s0+$0x0] =	vst.idx.msk $0xffff, v42;
	v42 =	vld.idx.msk [tilespmem:v11+s14+$0x0], $0xffff;
	v54 =	vshll.u32 v50, $0x10;
	v57 =	vmul.f32 v47, v16  }
0x89: {  	s5 =	sshll.u32 s5, $0x3;
	s6 =	sadd.s32 $0xC80, s6;
	v55 =	vld.idx.msk [tilespmem:v31+s15+$0x0], $0xffff;
	[tilespmem:v3+s4+$0x0] =	vst.idx.msk $0xffff, v41;
	v56 =	vmul.f32 v54, v14;
	v23 =	vadd.f32 v49, v37  }
0x8a: {  	s3 =	sshll.u32 s8, $0x3;
	s22 =	sor.u32 s5, s6;
	v15 =	vsub.f32 v35, v51;
	v58 =	vld.idx.msk [tilespmem:v10+s15+$0x0], $0xffff;
	v33 =	vadd.f32 v52, v57;
	v63 =	vshll.u32 v60, $0x10  }
0x8b: {  	s1 =	sshll.u32 s1, $0x3;
	s8 =	sor.u32 s3, s6;
	v49 =	vshll.u32 v62, $0x10;
	v48 =	vadd.f32 v50, v56;
	[tilespmem:v0+s22+$0x0] =	vst.idx.msk $0xffff, v23;
	v23 =	vmul.f32 v63, v34  }
0x8c: {  	s7 =	sor.u32 s1, s6;
	v50 =	vmul.f32 v49, v15;
	[tilespmem:v0+s8+$0x0] =	vst.idx.msk $0xffff, v33;
	v40 =	vld.idx.msk [tilespmem:v19+s13+$0x0], $0xffff  }
0x8d: {  	v59 =	vshll.u32 v26, $0x10;
	v51 =	vshll.u32 v42, $0x10;
	[tilespmem:v0+s7+$0x0] =	vst.idx.msk $0xffff, v48;
	v63 =	vld.idx.msk [tilespmem:v17+s13+$0x0], $0xffff;
	v23 =	vadd.f32 v60, v23  }
0x8e: {  	s23 =	simm.s32 $0xC;
	s5 =	sshll.u32 s9, $0x3;
	v52 =	vshll.u32 v55, $0x10;
	v44 =	vmul.f32 v51, v12;
	v53 =	vld.idx.msk [tilespmem:v13+s13+$0x0], $0xffff;
	v60 =	vadd.f32 v62, v50  }
0x8f: {  	s9 =	sor.u32 s5, s6;
	s6 =	sand.u32 $0xF0, s23;
	v61 =	vmul.f32 v52, v9;
	v62 =	vmul.f32 v59, v29;
	v50 =	vshll.u32 v32, $0x10;
	[tilespmem:v4+s20+$0x0] =	vst.idx.msk $0xffff, v23  }
0x90: {  	s11 =	sand.u32 $0xC, s23;
	v38 =	vld [tilespmem:s6+$0xA80];
	v42 =	vadd.f32 v42, v44;
	v43 =	vmul.f32 v50, v22;
	v23 =	vshll.u32 v58, $0x10;
	[tilespmem:v0+s9+$0x0] =	vst.idx.msk $0xffff, v60  }
0x91: {  	s25 =	sor.u32 $0x3, s11;
	v48 =	vadd.f32 v55, v61;
	v55 =	vshll.u32 v45, $0x10;
	v49 =	vld.idx.msk [tilespmem:v30+s16+$0x0], $0xffff;
	v23 =	vmul.f32 v23, v8  }
0x92: {  	s10 =	sshll.u32 s25, $0x1;
	v51 =	vld.idx.msk [tilespmem:v18+s13+$0x0], $0xffff;
	[tilespmem:v3+s2+$0x0] =	vst.idx.msk $0xffff, v42;
	v22 =	vmul.f32 v55, v24;
	v54 =	vshll.u32 v40, $0x10  }
0x93: {  	s21 =	sor.u32 $0x1, s11;
	s1 =	sadd.s32 $0x4, s10;
	[tilespmem:v4+s0+$0x0] =	vst.idx.msk $0xffff, v48;
	v59 =	vshll.u32 v63, $0x10;
	v42 =	vmul.f32 v54, v20;
	v23 =	vadd.f32 v58, v23  }
0x94: {  	s19 =	sshll.u32 s21, $0x1;
	s1 =	scvt.s32.f32 s1;
	v56 =	vld.idx.msk [tilespmem:v11+s15+$0x0], $0xffff;
	v57 =	vshll.u32 v53, $0x10;
	v39 =	vmul.f32 v59, v16;
	v22 =	vadd.f32 v45, v22  }
0x95: {  	s5 =	sor.u32 $0x4, s19;
	v36 =	vld.idx.msk [tilespmem:v31+s16+$0x0], $0xffff;
	v58 =	vmul.f32 v57, v14;
	v40 =	vadd.f32 v40, v42;
	[tilespmem:v4+s4+$0x0] =	vst.idx.msk $0xffff, v23  }
0x96: {  	s19 =	sor.u32 $0x2, s11;
	s5 =	scvt.s32.f32 s5;
	v44 =	vmul.f32 s1, v38;
	v26 =	vadd.f32 v26, v62;
	v63 =	vadd.f32 v63, v39;
	[tilespmem:v6+s29+$0x0] =	vst.idx.msk $0xffff, v22  }
0x97: {  	s28 =	sshll.u32 s11, $0x1;
	s3 =	sshll.u32 s19, $0x1;
	v32 =	vadd.f32 v32, v43;
	v23 =	vshll.u32 v49, $0x10;
	v37 =	vadd.f32 v53, v58;
	[tilespmem:v1+s22+$0x0] =	vst.idx.msk $0xffff, v40  }
0x98: {  	s1 =	sor.u32 $0x4, s28;
	v48 =	vmul.f32 s5, v38;
	s5 =	sadd.s32 $0x4, s3;
	v42 =	vld.idx.msk [tilespmem:v10+s16+$0x0], $0xffff;
	v60 =	vshll.u32 v51, $0x10;
	v23 =	vmul.f32 v23, v34;
	[tilespmem:v1+s8+$0x0] =	vst.idx.msk $0xffff, v63  }
0x99: {  	s1 =	scvt.s32.f32 s1;
	s5 =	scvt.s32.f32 s5;
	v22 =	vtrunc.f32 v44;
	v62 =	vmul.f32 v60, v15;
	v52 =	vshll.u32 v56, $0x10;
	v61 =	vld.idx.msk [tilespmem:v19+s26+$0x0], $0xffff;
	[tilespmem:v1+s7+$0x0] =	vst.idx.msk $0xffff, v37  }
0x9a: {  	v53 =	vshll.u32 v36, $0x10;
	v39 =	vmul.f32 v52, v12;
	v23 =	vadd.f32 v49, v23;
	v40 =	vld.idx.msk [tilespmem:v13+s26+$0x0], $0xffff  }
0x9b: {  	[tilespmem:v6+s31+$0x0] =	vst.idx.msk $0xffff, v26;
	v37 =	vadd.f32 v51, v62;
	v49 =	vld.idx.msk [tilespmem:v17+s26+$0x0], $0xffff;
	v51 =	vmul.f32 s1, v38;
	v38 =	vmul.f32 s5, v38  }
0x9c: {  	v33 =	vadd.f32 v56, v39;
	v56 =	vshll.u32 v46, $0x10;
	[tilespmem:v5+s20+$0x0] =	vst.idx.msk $0xffff, v23;
	v23 =	vmul.f32 v53, v9  }
0x9d: {  	s6 =	sadd.s32 $0x7, s11;
	v54 =	vshll.u32 v42, $0x10;
	[tilespmem:v1+s9+$0x0] =	vst.idx.msk $0xffff, v37;
	v37 =	vcvt.f32.s32 v22;
	v22 =	vtrunc.f32 v51;
	v55 =	vld.idx.msk [tilespmem:v30+s17+$0x0], $0xffff  }
0x9e: {  	v35 =	vld.idx.msk [tilespmem:v21+s18+$0x0], $0xffff;
	[tilespmem:v7+s24+$0x0] =	vst.idx.msk $0xffff, v32;
	s1 =	smul.u32 s6, s25;
	v52 =	vtrunc.f32 v38;
	v39 =	vmul.f32 v56, v27;
	v57 =	vshll.u32 v61, $0x10  }
0x9f: {  	[tilespmem:v4+s2+$0x0] =	vst.idx.msk $0xffff, v33;
	v23 =	vadd.f32 v36, v23;
	v50 =	vmul.f32 v57, v20;
	v58 =	vshll.u32 v40, $0x10  }
0xa0: {  	v47 =	vld.idx.msk [tilespmem:v18+s26+$0x0], $0xffff;
	v26 =	vadd.s32 s1, v37;
	v39 =	vadd.f32 v46, v39;
	v59 =	vmul.f32 v58, v14  }
0xa1: {  	[tilespmem:v5+s0+$0x0] =	vst.idx.msk $0xffff, v23;
	v60 =	vadd.f32 v61, v50;
	v61 =	vcvt.f32.s32 v22;
	v22 =	vshll.u32 v49, $0x10;
	v50 =	vld.idx.msk [tilespmem:v11+s16+$0x0], $0xffff  }
0xa2: {  	v52 =	vcvt.f32.s32 v52;
	[tilespmem:v6+s30+$0x0] =	vst.idx.msk $0xffff, v39;
	v53 =	vld.idx.msk [tilespmem:v31+s17+$0x0], $0xffff;
	v21 =	vshll.u32 v55, $0x10;
	v63 =	vmul.f32 v22, v16  }
0xa3: {  	s10 =	sadd.s32 $0x4, s11;
	v32 =	vld.idx.msk [tilespmem:v28+s18+$0x0], $0xffff;
	v36 =	vadd.f32 v40, v59;
	v21 =	vmul.f32 v21, v34;
	[tilespmem:v2+s22+$0x0] =	vst.idx.msk $0xffff, v60  }
0xa4: {  	s28 =	sadd.s32 $0x5, s11;
	s5 =	smul.u32 s11, s10;
	v41 =	vmul.f32 v54, v8;
	v23 =	vtrunc.f32 v48;
	v40 =	vld.idx.msk [tilespmem:v19+s14+$0x0], $0xffff;
	v33 =	vadd.f32 v49, v63  }
0xa5: {  	s3 =	sadd.s32 $0x6, s11;
	s1 =	smul.u32 s28, s21;
	v62 =	vcvt.f32.s32 v23;
	v28 =	vcvt.s32.f32 v52;
	[tilespmem:v2+s7+$0x0] =	vst.idx.msk $0xffff, v36;
	v49 =	vld.idx.msk [tilespmem:v26+s12+$0x0], $0xffff;
	v21 =	vadd.f32 v55, v21  }
0xa6: {  	s6 =	smul.u32 s3, s19;
	v37 =	vcvt.s32.f32 v37;
	v41 =	vadd.f32 v42, v41;
	v23 =	vadd.s32 s5, v61;
	v57 =	vld.idx.msk [tilespmem:v13+s14+$0x0], $0xffff;
	[tilespmem:v2+s8+$0x0] =	vst.idx.msk $0xffff, v33  }
0xa7: {  	v22 =	vadd.s32 s1, v62;
	v28 =	vsub.f32 v38, v28;
	v58 =	vshll.u32 v50, $0x10;
	v33 =	vld.idx.msk [tilespmem:v25+s18+$0x0], $0xffff;
	[tilespmem:v6+s20+$0x0] =	vst.idx.msk $0xffff, v21  }
0xa8: {  	[tilespmem:v5+s4+$0x0] =	vst.idx.msk $0xffff, v41;
	v25 =	vcvt.s32.f32 v62;
	v21 =	vadd.s32 s6, v52;
	v56 =	vld.idx.msk [tilespmem:v30+s18+$0x0], $0xffff;
	v30 =	vshll.u32 v35, $0x10  }
0xa9: {  	v46 =	vld.idx.msk [tilespmem:v10+s17+$0x0], $0xffff;
	v39 =	vmul.f32 v58, v12;
	v43 =	vmul.f32 v30, v29;
	v60 =	vshll.u32 v40, $0x10  }
0xaa: {  	v59 =	vld.idx.msk [tilespmem:v17+s14+$0x0], $0xffff;
	v29 =	vshll.u32 v47, $0x10;
	v30 =	vcvt.s32.f32 v61;
	v61 =	vmul.f32 v60, v20  }
0xab: {  	v39 =	vadd.f32 v50, v39;
	v29 =	vmul.f32 v29, v15;
	v63 =	vshll.u32 v57, $0x10  }
0xac: {  	v25 =	vsub.f32 v48, v25;
	v38 =	vld.idx.msk [tilespmem:v22+s12+$0x0], $0xffff;
	v52 =	vmul.f32 v63, v14;
	v40 =	vadd.f32 v40, v61  }
0xad: {  	v58 =	vshll.u32 v49, $0x10;
	[tilespmem:v5+s2+$0x0] =	vst.idx.msk $0xffff, v39;
	v29 =	vadd.f32 v47, v29;
	v47 =	vld.idx.msk [tilespmem:v23+s12+$0x0], $0xffff;
	v62 =	vshll.u32 v56, $0x10  }
0xae: {  	v60 =	vshll.u32 v46, $0x10;
	v30 =	vsub.f32 v51, v30;
	v34 =	vmul.f32 v62, v34;
	[tilespmem:v3+s22+$0x0] =	vst.idx.msk $0xffff, v40  }
0xaf: {  	v54 =	vshll.u32 v59, $0x10;
	v55 =	vadd.f32 v57, v52;
	v57 =	vshll.u32 v53, $0x10;
	[tilespmem:v2+s9+$0x0] =	vst.idx.msk $0xffff, v29  }
0xb0: {  	s10 =	simm.s32 $0x0;
	v29 =	vsub.f32 v44, v37;
	v62 =	vmul.f32 v57, v9;
	v41 =	vld.idx.msk [tilespmem:v19+s15+$0x0], $0xffff;
	v34 =	vadd.f32 v56, v34  }
0xb1: {  	s1 =	smul.u32 $0x2200, s10;
	v37 =	vmul.f32 v60, v8;
	[tilespmem:v3+s7+$0x0] =	vst.idx.msk $0xffff, v55;
	v40 =	vld.idx.msk [tilespmem:v18+s14+$0x0], $0xffff;
	v56 =	vmul.f32 v54, v16  }
0xb2: {  	v52 =	vshll.u32 v38, $0x10;
	v44 =	vmul.f32 v58, v29;
	v61 =	vshll.u32 v47, $0x10;
	[tilespmem:v7+s20+$0x0] =	vst.idx.msk $0xffff, v34;
	v34 =	vld.idx.msk [tilespmem:v21+s12+$0x0], $0xffff  }
0xb3: {  	s1 =	sshra.s32 s1, $0x2;
	v45 =	vld.idx.msk [tilespmem:v13+s15+$0x0], $0xffff;
	v51 =	vadd.f32 v53, v62;
	v59 =	vadd.f32 v59, v56;
	v63 =	vmul.f32 v61, v30  }
0xb4: {  	s1 =	sadd.s32 $0xC80, s1;
	v48 =	vmul.f32 v52, v25;
	v52 =	vadd.f32 v46, v37;
	v44 =	vadd.f32 v49, v44;
	s12 =	sshll.u32 s25, $0x3  }
0xb5: {  	v37 =	vld.idx.msk [tilespmem:v11+s17+$0x0], $0xffff;
	s24 =	sor.u32 s12, s1;
	[tilespmem:v3+s8+$0x0] =	vst.idx.msk $0xffff, v59;
	v54 =	vshll.u32 v41, $0x10;
	v55 =	vadd.f32 v47, v63  }
0xb6: {  	s20 =	sshll.u32 s11, $0x3;
	[tilespmem:v0+s24+$0x0] =	vst.idx.msk $0xffff, v44;
	v58 =	vshll.u32 v40, $0x10;
	v49 =	vld.idx.msk [tilespmem:v17+s15+$0x0], $0xffff;
	v57 =	vmul.f32 v54, v20  }
0xb7: {  	v38 =	vadd.f32 v38, v48;
	s25 =	sshll.u32 s21, $0x3;
	s21 =	sor.u32 s20, s1;
	v44 =	vld.idx.msk [tilespmem:v26+s13+$0x0], $0xffff;
	v47 =	vmul.f32 v58, v15;
	v56 =	vshll.u32 v34, $0x10  }
0xb8: {  	s20 =	sor.u32 s25, s1;
	v59 =	vshll.u32 v45, $0x10;
	[tilespmem:v0+s21+$0x0] =	vst.idx.msk $0xffff, v55;
	v41 =	vadd.f32 v41, v57;
	v39 =	vmul.f32 v56, v28  }
0xb9: {  	[tilespmem:v0+s20+$0x0] =	vst.idx.msk $0xffff, v38;
	v36 =	vmul.f32 v59, v14;
	v60 =	vld.idx.msk [tilespmem:v23+s13+$0x0], $0xffff;
	v40 =	vadd.f32 v40, v47  }
0xba: {  	s28 =	sshll.u32 s19, $0x3;
	v61 =	vshll.u32 v33, $0x10;
	v48 =	vld.idx.msk [tilespmem:v22+s13+$0x0], $0xffff;
	[tilespmem:v4+s22+$0x0] =	vst.idx.msk $0xffff, v41;
	v34 =	vadd.f32 v34, v39  }
0xbb: {  	s25 =	sor.u32 s28, s1;
	v63 =	vadd.f32 v45, v36;
	v36 =	vmul.f32 v61, v24;
	[tilespmem:v3+s9+$0x0] =	vst.idx.msk $0xffff, v40;
	v62 =	vshll.u32 v49, $0x10  }
0xbc: {  	v45 =	vld.idx.msk [tilespmem:v19+s16+$0x0], $0xffff;
	v53 =	vshll.u32 v44, $0x10;
	v39 =	vmul.f32 v62, v16;
	[tilespmem:v0+s25+$0x0] =	vst.idx.msk $0xffff, v34  }
0xbd: {  	v24 =	vshll.u32 v32, $0x10;
	[tilespmem:v4+s7+$0x0] =	vst.idx.msk $0xffff, v63;
	v55 =	vmul.f32 v53, v29;
	v50 =	vld.idx.msk [tilespmem:v21+s13+$0x0], $0xffff  }
0xbe: {  	v40 =	vld.idx.msk [tilespmem:v18+s15+$0x0], $0xffff;
	v34 =	vmul.f32 v24, v27;
	v24 =	vshll.u32 v60, $0x10;
	v54 =	vadd.f32 v49, v39  }
0xbf: {  	[tilespmem:v6+s0+$0x0] =	vst.idx.msk $0xffff, v51;
	v39 =	vld.idx.msk [tilespmem:v13+s16+$0x0], $0xffff;
	v56 =	vmul.f32 v24, v30;
	v24 =	vshll.u32 v48, $0x10  }
0xc0: {  	v57 =	vadd.f32 v44, v55;
	v58 =	vmul.f32 v24, v25;
	v24 =	vld.idx.msk [tilespmem:v31+s18+$0x0], $0xffff;
	[tilespmem:v4+s8+$0x0] =	vst.idx.msk $0xffff, v54  }
0xc1: {  	[tilespmem:v6+s4+$0x0] =	vst.idx.msk $0xffff, v52;
	v27 =	vadd.f32 v35, v43;
	v59 =	vshll.u32 v45, $0x10;
	v35 =	vld.idx.msk [tilespmem:v17+s16+$0x0], $0xffff  }
0xc2: {  	v31 =	vadd.f32 v60, v56;
	[tilespmem:v1+s24+$0x0] =	vst.idx.msk $0xffff, v57;
	v61 =	vmul.f32 v59, v20;
	v60 =	vshll.u32 v50, $0x10  }
0xc3: {  	v63 =	vshll.u32 v40, $0x10;
	v44 =	vadd.f32 v48, v58;
	v41 =	vld.idx.msk [tilespmem:v26+s26+$0x0], $0xffff;
	v62 =	vmul.f32 v60, v28  }
0xc4: {  	v42 =	vmul.f32 v63, v15;
	[tilespmem:v1+s21+$0x0] =	vst.idx.msk $0xffff, v31;
	v31 =	vshll.u32 v39, $0x10;
	v43 =	vadd.f32 v45, v61  }
0xc5: {  	v38 =	vld.idx.msk [tilespmem:v23+s26+$0x0], $0xffff;
	[tilespmem:v1+s20+$0x0] =	vst.idx.msk $0xffff, v44;
	v31 =	vmul.f32 v31, v14;
	v44 =	vadd.f32 v50, v62  }
.LBB2_3:
0xc6: {  	s23 =	sadd.s32 $0x4, s23;
	v45 =	vld.idx.msk [tilespmem:v22+s26+$0x0], $0xffff;
	v46 =	vshll.u32 v35, $0x10;
	v40 =	vadd.f32 v40, v42;
	[tilespmem:v5+s22+$0x0] =	vst.idx.msk $0xffff, v43;
	v42 =	vshll.u32 v37, $0x10  }
0xc7: {  	s10 =	sand.u32 $0xC, s23;
	s1 =	sand.u32 $0xF0, s23;
	p1 =	slt.u32 s23, $0x8C;
	[tilespmem:v1+s25+$0x0] =	vst.idx.msk $0xffff, v44;
	v49 =	vadd.f32 v39, v31;
	v39 =	vmul.f32 v46, v16;
	v43 =	vld.idx.msk [tilespmem:v19+s17+$0x0], $0xffff  }
0xc8: {  	v42 =	vmul.f32 v42, v12;
	v46 =	vadd.f32 v33, v36;
	v44 =	vld [tilespmem:s1+$0xA80];
	s28 =	sor.u32 $0x1, s10;
	s6 =	sor.u32 $0x2, s10;
	s11 =	sor.u32 $0x3, s10;
	[tilespmem:v4+s9+$0x0] =	vst.idx.msk $0xffff, v40;
	v40 =	vshll.u32 v24, $0x10  }
0xc9: {  	v31 =	vmov v12;
	v33 =	vshll.u32 v41, $0x10;
	s3 =	sadd.s32 $0x4, s10;
	s1 =	sshll.u32 s28, $0x1;
	s5 =	sshll.u32 s6, $0x1;
	[tilespmem:v5+s7+$0x0] =	vst.idx.msk $0xffff, v49  }
0xca: {  	s19 =	sshll.u32 s11, $0x1;
	v47 =	vld.idx.msk [tilespmem:v21+s26+$0x0], $0xffff;
	v48 =	vadd.f32 v35, v39;
	s26 =	sshll.u32 s10, $0x1;
	v12 =	vmul.f32 v33, v29;
	v35 =	vmul.f32 v40, v9;
	s3 =	smul.u32 s10, s3  }
0xcb: {  	v37 =	vadd.f32 v37, v42;
	v40 =	vadd.f32 v32, v34;
	s1 =	sor.u32 $0x4, s1;
	s19 =	sadd.s32 $0x4, s19;
	v39 =	vld.idx.msk [tilespmem:v18+s16+$0x0], $0xffff;
	s26 =	sor.u32 $0x4, s26;
	v33 =	vshll.u32 v38, $0x10  }
0xcc: {  	v9 =	vmov v14;
	s5 =	sadd.s32 $0x4, s5;
	s19 =	scvt.s32.f32 s19;
	v36 =	vld.idx.msk [tilespmem:v13+s17+$0x0], $0xffff;
	[tilespmem:v5+s8+$0x0] =	vst.idx.msk $0xffff, v48;
	s1 =	scvt.s32.f32 s1;
	v32 =	vmul.f32 v33, v30;
	v33 =	vshll.u32 v45, $0x10  }
0xcd: {  	v14 =	vmov v30;
	s12 =	scvt.s32.f32 s5;
	v12 =	vadd.f32 v41, v12;
	s5 =	scvt.s32.f32 s26;
	s26 =	sadd.s32 $0x5, s10;
	v34 =	vld.idx.msk [tilespmem:v17+s17+$0x0], $0xffff;
	v30 =	vmul.f32 v33, v25  }
0xce: {  	s13 =	sadd.s32 $0x6, s10;
	v42 =	vshll.u32 v43, $0x10;
	s26 =	smul.u32 s26, s28;
	v41 =	vmul.f32 s19, v44;
	v33 =	vld.idx.msk [tilespmem:v10+s18+$0x0], $0xffff;
	[tilespmem:v6+s2+$0x0] =	vst.idx.msk $0xffff, v37;
	v37 =	vmul.f32 s1, v44  }
0xcf: {  	s1 =	sshll.u32 s28, $0x3;
	s19 =	sshll.u32 s6, $0x3;
	v32 =	vadd.f32 v38, v32;
	s6 =	smul.u32 s13, s6;
	[tilespmem:v2+s24+$0x0] =	vst.idx.msk $0xffff, v12;
	v12 =	vmul.f32 v42, v20;
	v42 =	vmul.f32 s5, v44  }
0xd0: {  	v10 =	vmovc v17;
	s5 =	sshll.u32 s10, $0x3;
	s10 =	sadd.s32 $0x7, s10;
	v48 =	vshll.u32 v47, $0x10;
	v38 =	vtrunc.f32 v41;
	v49 =	vld.idx.msk [tilespmem:v26+s14+$0x0], $0xffff;
	[tilespmem:v7+s31+$0x0] =	vst.idx.msk $0xffff, v27;
	v27 =	vmul.f32 s12, v44;
	s12 =	simm.s32 $0x0  }
0xd1: {  	s10 =	smul.u32 s10, s11;
	s31 =	smov.u32 s0;
	s0 =	smov.u32 s7;
	v44 =	vcvt.f32.s32 v38;
	[tilespmem:v2+s21+$0x0] =	vst.idx.msk $0xffff, v32;
	v12 =	vadd.f32 v43, v12;
	v32 =	vld.idx.msk [tilespmem:v11+s18+$0x0], $0xffff  }
0xd2: {  	s13 =	simm.s32 $0x148;
	v30 =	vadd.f32 v45, v30;
	s7 =	smov.u32 s21;
	v51 =	vtrunc.f32 v42;
	v38 =	vtrunc.f32 v37;
	v43 =	vld.idx.msk [tilespmem:v23+s14+$0x0], $0xffff;
	[tilespmem:v7+s29+$0x0] =	vst.idx.msk $0xffff, v46;
	s29 =	smov.u32 s4  }
0xd3: {  	v17 =	vmovc v22;
	v11 =	vmovc v18;
	v45 =	vcvt.f32.s32 v51;
	v46 =	vtrunc.f32 v27;
	s4 =	smov.u32 s8;
	s8 =	smov.u32 s20;
	v50 =	vadd.s32 s10, v44;
	[tilespmem:v6+s22+$0x0] =	vst.idx.msk $0xffff, v12  }
0xd4: {  	v53 =	vcvt.f32.s32 v38;
	v51 =	vshll.u32 v39, $0x10;
	v46 =	vcvt.f32.s32 v46;
	[tilespmem:v2+s8+$0x0] =	vst.idx.msk $0xffff, v30;
	v52 =	vld.idx.msk [tilespmem:v19+s18+$0x0], $0xffff;
	v19 =	vmovc v26  }
0xd5: {  	v48 =	vmul.f32 v48, v28;
	v30 =	vcvt.s32.f32 v45;
	v38 =	vadd.s32 s3, v45;
	v45 =	vld.idx.msk [tilespmem:v22+s14+$0x0], $0xffff;
	[tilespmem:v7+s30+$0x0] =	vst.idx.msk $0xffff, v40;
	s30 =	smov.u32 s2;
	s2 =	smov.u32 s9;
	s9 =	smov.u32 s25  }
0xd6: {  	v18 =	vmovc v21;
	v26 =	vmovc v50;
	v22 =	vadd.s32 s26, v53;
	s26 =	simm.s32 $0x290;
	v40 =	vshll.u32 v49, $0x10;
	v21 =	vadd.s32 s6, v46  }
0xd7: {  	v12 =	vmovc v15;
	v15 =	vmovc v28;
	v30 =	vsub.f32 v42, v30;
	v42 =	vcvt.s32.f32 v53;
	v40 =	vmul.f32 v40, v29  }
0xd8: {  	v47 =	vadd.f32 v47, v48;
	v28 =	vcvt.s32.f32 v46;
	v46 =	vld.idx.msk [tilespmem:v50+s12+$0x0], $0xffff;
	v50 =	vshll.u32 v43, $0x10  }
0xd9: {  	v42 =	vsub.f32 v37, v42;
	v40 =	vadd.f32 v49, v40;
	v37 =	vmul.f32 v50, v14  }
0xda: {  	v28 =	vsub.f32 v27, v28;
	v27 =	vshll.u32 v36, $0x10;
	v48 =	vld.idx.msk [tilespmem:v38+s12+$0x0], $0xffff;
	[tilespmem:v2+s9+$0x0] =	vst.idx.msk $0xffff, v47;
	v47 =	vshll.u32 v52, $0x10  }
0xdb: {  	v44 =	vcvt.s32.f32 v44;
	v50 =	vshll.u32 v45, $0x10;
	v49 =	vld.idx.msk [tilespmem:v22+s12+$0x0], $0xffff;
	[tilespmem:v3+s24+$0x0] =	vst.idx.msk $0xffff, v40;
	v53 =	vmul.f32 v47, v20  }
0xdc: {  	v37 =	vadd.f32 v43, v37;
	v40 =	vmul.f32 v50, v25;
	v47 =	vmul.f32 v51, v12;
	v43 =	vld.idx.msk [tilespmem:v19+s15+$0x0], $0xffff  }
0xdd: {  	s3 =	sshrl.u32 s23, $0x4;
	v51 =	vshll.u32 v34, $0x10;
	v20 =	vmovc v29;
	v29 =	vsub.f32 v41, v44;
	v50 =	vld.idx.msk [tilespmem:v21+s12+$0x0], $0xffff;
	v52 =	vadd.f32 v52, v53  }
0xde: {  	s3 =	smul.u32 $0x2200, s3;
	v44 =	vshll.u32 v33, $0x10;
	v41 =	vshll.u32 v46, $0x10;
	[tilespmem:v3+s7+$0x0] =	vst.idx.msk $0xffff, v37;
	v37 =	vadd.f32 v45, v40;
	v40 =	vld.idx.msk [tilespmem:v18+s14+$0x0], $0xffff  }
0xdf: {  	v39 =	vadd.f32 v39, v47;
	v41 =	vmul.f32 v41, v29;
	v45 =	vld.idx.msk [tilespmem:v23+s15+$0x0], $0xffff;
	[tilespmem:v7+s22+$0x0] =	vst.idx.msk $0xffff, v52;
	s22 =	smov.u32 s24  }
0xe0: {  	s3 =	sshra.s32 s3, $0x2;
	v27 =	vmul.f32 v27, v9;
	v47 =	vshll.u32 v48, $0x10;
	[tilespmem:v3+s8+$0x0] =	vst.idx.msk $0xffff, v37;
	v37 =	vmul.f32 v51, v16  }
0xe1: {  	s6 =	sshll.u32 s11, $0x3;
	s3 =	sadd.s32 $0xC80, s3;
	v47 =	vmul.f32 v47, v30;
	v51 =	vshll.u32 v49, $0x10;
	v41 =	vadd.f32 v46, v41;
	v46 =	vld.idx.msk [tilespmem:v17+s15+$0x0], $0xffff  }
0xe2: {  	s21 =	sor.u32 s5, s3;
	s20 =	sor.u32 s1, s3;
	v27 =	vadd.f32 v36, v27;
	s24 =	sor.u32 s6, s3;
	v51 =	vmul.f32 v51, v42;
	v52 =	vshll.u32 v43, $0x10;
	[tilespmem:v5+s2+$0x0] =	vst.idx.msk $0xffff, v39  }
0xe3: {  	s25 =	sor.u32 s19, s3;
	v36 =	vadd.f32 v48, v47;
	v39 =	vshll.u32 v50, $0x10;
	[tilespmem:v0+s24+$0x0] =	vst.idx.msk $0xffff, v41;
	v41 =	vmul.f32 v52, v20  }
0xe4: {  	v47 =	vadd.f32 v49, v51;
	v39 =	vmul.f32 v39, v28;
	v49 =	vshll.u32 v40, $0x10;
	v48 =	vld.idx.msk [tilespmem:v26+s13+$0x0], $0xffff  }
0xe5: {  	v49 =	vmul.f32 v49, v15;
	[tilespmem:v0+s21+$0x0] =	vst.idx.msk $0xffff, v36;
	v36 =	vshll.u32 v45, $0x10;
	v41 =	vadd.f32 v43, v41  }
0xe6: {  	v39 =	vadd.f32 v50, v39;
	v43 =	vld.idx.msk [tilespmem:v38+s13+$0x0], $0xffff;
	[tilespmem:v0+s20+$0x0] =	vst.idx.msk $0xffff, v47;
	v36 =	vmul.f32 v36, v14  }
0xe7: {  	v50 =	vshll.u32 v46, $0x10;
	v40 =	vadd.f32 v40, v49;
	v47 =	vld.idx.msk [tilespmem:v22+s13+$0x0], $0xffff;
	[tilespmem:v4+s22+$0x0] =	vst.idx.msk $0xffff, v41;
	v41 =	vshll.u32 v32, $0x10  }
0xe8: {  	[tilespmem:v0+s25+$0x0] =	vst.idx.msk $0xffff, v39;
	v39 =	vadd.f32 v45, v36;
	v45 =	vmul.f32 v50, v25;
	v49 =	vld.idx.msk [tilespmem:v19+s16+$0x0], $0xffff  }
0xe9: {  	v51 =	vadd.f32 v34, v37;
	v36 =	vmul.f32 v44, v8;
	v50 =	vld.idx.msk [tilespmem:v21+s13+$0x0], $0xffff;
	[tilespmem:v3+s9+$0x0] =	vst.idx.msk $0xffff, v40  }
0xea: {  	v8 =	vmov v16;
	v34 =	vshll.u32 v48, $0x10;
	[tilespmem:v4+s7+$0x0] =	vst.idx.msk $0xffff, v39;
	v37 =	vadd.f32 v46, v45;
	v40 =	vld.idx.msk [tilespmem:v18+s15+$0x0], $0xffff  }
0xeb: {  	v44 =	vmul.f32 v34, v29;
	v34 =	vmul.f32 v41, v31;
	v39 =	vld.idx.msk [tilespmem:v23+s16+$0x0], $0xffff;
	[tilespmem:v6+s0+$0x0] =	vst.idx.msk $0xffff, v27  }
0xec: {  	v16 =	vmov v25;
	v31 =	vshll.u32 v43, $0x10;
	v27 =	vadd.f32 v24, v35;
	[tilespmem:v4+s8+$0x0] =	vst.idx.msk $0xffff, v37;
	v37 =	vld.idx.msk [tilespmem:v11+s17+$0x0], $0xffff  }
0xed: {  	v25 =	vmovc v42;
	v31 =	vmul.f32 v31, v30;
	v24 =	vshll.u32 v47, $0x10;
	v41 =	vadd.f32 v48, v44;
	v35 =	vld.idx.msk [tilespmem:v17+s16+$0x0], $0xffff  }
.Ltmp4:
0xee: {  	v42 =	vmul.f32 v24, v25;
	v44 =	vshll.u32 v49, $0x10;
	v24 =	vld.idx.msk [tilespmem:v13+s18+$0x0], $0xffff;
	[tilespmem:v6+s4+$0x0] =	vst.idx.msk $0xffff, v51;
	v13 =	vmov v23;
	(pc) =	sbr.rel @p1 .LBB2_3-.Ltmp4, $4  }
0xef: {  	v31 =	vadd.f32 v43, v31;
	v46 =	vshll.u32 v50, $0x10;
	v43 =	vmul.f32 v44, v20;
	[tilespmem:v1+s24+$0x0] =	vst.idx.msk $0xffff, v41  }
0xf0: {  	v23 =	vmovc v38;
	v44 =	vadd.f32 v47, v42;
	v45 =	vmul.f32 v46, v28;
	v42 =	vshll.u32 v40, $0x10;
	v41 =	vld.idx.msk [tilespmem:v26+s26+$0x0], $0xffff  }
0xf1: {  	v42 =	vmul.f32 v42, v15;
	v43 =	vadd.f32 v49, v43;
	[tilespmem:v1+s21+$0x0] =	vst.idx.msk $0xffff, v31;
	v31 =	vshll.u32 v39, $0x10  }
0xf2: {  	v38 =	vld.idx.msk [tilespmem:v38+s26+$0x0], $0xffff;
	[tilespmem:v1+s20+$0x0] =	vst.idx.msk $0xffff, v44;
	v44 =	vadd.f32 v50, v45;
	v31 =	vmul.f32 v31, v14  }
0xf3: {  	_ =	sdelay $0x3  }
0xf4: {  	v45 =	vld.idx.msk [tilespmem:v22+s26+$0x0], $0xffff;
	v55 =	vshll.u32 v41, $0x10  }
0xf5: {  	[tilespmem:v1+s25+$0x0] =	vst.idx.msk $0xffff, v44;
	v44 =	vmul.f32 v55, v29;
	_ =	sdelay $0x1  }
0xf6: {  	v46 =	vld.idx.msk [tilespmem:v21+s26+$0x0], $0xffff;
	v56 =	vadd.f32 v41, v44  }
0xf7: {  	v57 =	vshll.u32 v38, $0x10  }
0xf8: {  	v44 =	vmul.f32 v57, v30;
	v47 =	vshll.u32 v45, $0x10;
	[tilespmem:v2+s24+$0x0] =	vst.idx.msk $0xffff, v56  }
0xf9: {  	v58 =	vmul.f32 v47, v25;
	v48 =	vld.idx.msk [tilespmem:v26+s14+$0x0], $0xffff  }
0xfa: {  	v60 =	vadd.f32 v38, v44  }
0xfb: {  	v59 =	vshll.u32 v46, $0x10;
	v41 =	vadd.f32 v45, v58  }
0xfc: {  	v61 =	vmul.f32 v59, v28;
	[tilespmem:v2+s21+$0x0] =	vst.idx.msk $0xffff, v60  }
0xfd: {  	v63 =	vld.idx.msk [tilespmem:v23+s14+$0x0], $0xffff;
	[tilespmem:v2+s20+$0x0] =	vst.idx.msk $0xffff, v41  }
0xfe: {  	v62 =	vadd.f32 v46, v61;
	v41 =	vld.idx.msk [tilespmem:v22+s14+$0x0], $0xffff;
	v52 =	vshll.u32 v48, $0x10  }
0xff: {  	v53 =	vmul.f32 v52, v29  }
0x100: {  	[tilespmem:v2+s25+$0x0] =	vst.idx.msk $0xffff, v62  }
0x101: {  	v54 =	vld.idx.msk [tilespmem:v21+s14+$0x0], $0xffff;
	v38 =	vadd.f32 v48, v53  }
0x102: {  	v55 =	vshll.u32 v63, $0x10  }
0x103: {  	v46 =	vmul.f32 v55, v30;
	v56 =	vshll.u32 v41, $0x10;
	[tilespmem:v3+s24+$0x0] =	vst.idx.msk $0xffff, v38  }
0x104: {  	v57 =	vmul.f32 v56, v25;
	v58 =	vld.idx.msk [tilespmem:v26+s15+$0x0], $0xffff  }
0x105: {  	v44 =	vadd.f32 v63, v46  }
0x106: {  	v59 =	vshll.u32 v54, $0x10;
	v38 =	vadd.f32 v41, v57  }
0x107: {  	v60 =	vmul.f32 v59, v28;
	[tilespmem:v3+s21+$0x0] =	vst.idx.msk $0xffff, v44  }
0x108: {  	v44 =	vld.idx.msk [tilespmem:v23+s15+$0x0], $0xffff;
	[tilespmem:v3+s20+$0x0] =	vst.idx.msk $0xffff, v38  }
0x109: {  	v61 =	vadd.f32 v54, v60;
	v38 =	vld.idx.msk [tilespmem:v22+s15+$0x0], $0xffff;
	v62 =	vshll.u32 v58, $0x10  }
0x10a: {  	v63 =	vmul.f32 v62, v29  }
0x10b: {  	v40 =	vadd.f32 v40, v42;
	[tilespmem:v3+s25+$0x0] =	vst.idx.msk $0xffff, v61  }
0x10c: {  	[tilespmem:v5+s22+$0x0] =	vst.idx.msk $0xffff, v43;
	v48 =	vld.idx.msk [tilespmem:v21+s15+$0x0], $0xffff;
	v41 =	vadd.f32 v58, v63  }
0x10d: {  	v33 =	vadd.f32 v33, v36;
	v43 =	vld.idx.msk [tilespmem:v19+s17+$0x0], $0xffff;
	[tilespmem:v4+s9+$0x0] =	vst.idx.msk $0xffff, v40;
	v49 =	vshll.u32 v44, $0x10  }
0x10e: {  	v40 =	vld.idx.msk [tilespmem:v18+s16+$0x0], $0xffff;
	v50 =	vmul.f32 v49, v30;
	v51 =	vshll.u32 v38, $0x10;
	[tilespmem:v4+s24+$0x0] =	vst.idx.msk $0xffff, v41  }
0x10f: {  	[tilespmem:v7+s31+$0x0] =	vst.idx.msk $0xffff, v27;
	v32 =	vadd.f32 v32, v34;
	v52 =	vmul.f32 v51, v25;
	v41 =	vld.idx.msk [tilespmem:v26+s16+$0x0], $0xffff  }
0x110: {  	v31 =	vadd.f32 v39, v31;
	[tilespmem:v7+s29+$0x0] =	vst.idx.msk $0xffff, v33;
	v55 =	vshll.u32 v37, $0x10;
	v42 =	vadd.f32 v44, v50  }
0x111: {  	[tilespmem:v7+s30+$0x0] =	vst.idx.msk $0xffff, v32;
	v39 =	vmul.f32 v55, v12;
	v53 =	vshll.u32 v48, $0x10;
	v38 =	vadd.f32 v38, v52  }
0x112: {  	v46 =	vmul.f32 v53, v28;
	[tilespmem:v4+s21+$0x0] =	vst.idx.msk $0xffff, v42  }
0x113: {  	v56 =	vshll.u32 v43, $0x10;
	v63 =	vadd.f32 v37, v39;
	v39 =	vshll.u32 v40, $0x10;
	v57 =	vld.idx.msk [tilespmem:v23+s16+$0x0], $0xffff;
	[tilespmem:v4+s20+$0x0] =	vst.idx.msk $0xffff, v38  }
0x114: {  	v42 =	vmul.f32 v56, v20;
	v45 =	vadd.f32 v48, v46;
	v38 =	vld.idx.msk [tilespmem:v22+s16+$0x0], $0xffff;
	v59 =	vshll.u32 v41, $0x10  }
0x115: {  	[tilespmem:v5+s7+$0x0] =	vst.idx.msk $0xffff, v31;
	v54 =	vshll.u32 v35, $0x10;
	v31 =	vmul.f32 v39, v15;
	v61 =	vmul.f32 v59, v29  }
0x116: {  	v44 =	vmul.f32 v54, v16;
	v60 =	vadd.f32 v43, v42;
	[tilespmem:v4+s25+$0x0] =	vst.idx.msk $0xffff, v45;
	v45 =	vld.idx.msk [tilespmem:v13+s17+$0x0], $0xffff  }
0x117: {  	[tilespmem:v6+s2+$0x0] =	vst.idx.msk $0xffff, v63;
	v62 =	vld.idx.msk [tilespmem:v21+s16+$0x0], $0xffff;
	v42 =	vadd.f32 v41, v61  }
0x118: {  	v31 =	vadd.f32 v40, v31;
	v58 =	vadd.f32 v35, v44;
	[tilespmem:v6+s22+$0x0] =	vst.idx.msk $0xffff, v60;
	v44 =	vshll.u32 v57, $0x10  }
0x119: {  	v19 =	vld.idx.msk [tilespmem:v19+s18+$0x0], $0xffff;
	v36 =	vmul.f32 v44, v30;
	v47 =	vshll.u32 v38, $0x10;
	[tilespmem:v5+s24+$0x0] =	vst.idx.msk $0xffff, v42  }
0x11a: {  	[tilespmem:v5+s9+$0x0] =	vst.idx.msk $0xffff, v31;
	v48 =	vmul.f32 v47, v25;
	v49 =	vld.idx.msk [tilespmem:v26+s17+$0x0], $0xffff  }
0x11b: {  	[tilespmem:v5+s8+$0x0] =	vst.idx.msk $0xffff, v58;
	v56 =	vld.idx.msk [tilespmem:v18+s17+$0x0], $0xffff;
	v44 =	vshll.u32 v24, $0x10;
	v58 =	vshll.u32 v45, $0x10;
	v51 =	vadd.f32 v57, v36  }
0x11c: {  	v53 =	vld.idx.msk [tilespmem:v17+s17+$0x0], $0xffff;
	v9 =	vmul.f32 v44, v9;
	v50 =	vshll.u32 v62, $0x10;
	v54 =	vadd.f32 v38, v48  }
0x11d: {  	v10 =	vld.idx.msk [tilespmem:v10+s18+$0x0], $0xffff;
	v61 =	vmul.f32 v58, v14;
	v52 =	vmul.f32 v50, v28;
	[tilespmem:v5+s21+$0x0] =	vst.idx.msk $0xffff, v51  }
0x11e: {  	v55 =	vshll.u32 v19, $0x10;
	v9 =	vadd.f32 v24, v9;
	v60 =	vld.idx.msk [tilespmem:v23+s17+$0x0], $0xffff;
	[tilespmem:v5+s20+$0x0] =	vst.idx.msk $0xffff, v54  }
0x11f: {  	v59 =	vmul.f32 v55, v20;
	v57 =	vadd.f32 v62, v52;
	v62 =	vld.idx.msk [tilespmem:v22+s17+$0x0], $0xffff;
	v63 =	vshll.u32 v49, $0x10  }
0x120: {  	v43 =	vshll.u32 v56, $0x10;
	v31 =	vadd.f32 v45, v61;
	[tilespmem:v7+s0+$0x0] =	vst.idx.msk $0xffff, v9;
	v40 =	vmul.f32 v63, v29  }
0x121: {  	v41 =	vshll.u32 v53, $0x10;
	v45 =	vmul.f32 v43, v15;
	v19 =	vadd.f32 v19, v59;
	[tilespmem:v5+s25+$0x0] =	vst.idx.msk $0xffff, v57  }
0x122: {  	v42 =	vmul.f32 v41, v16;
	[tilespmem:v6+s7+$0x0] =	vst.idx.msk $0xffff, v31;
	v27 =	vld.idx.msk [tilespmem:v21+s17+$0x0], $0xffff;
	v20 =	vadd.f32 v49, v40  }
0x123: {  	v11 =	vld.idx.msk [tilespmem:v11+s18+$0x0], $0xffff;
	v31 =	vadd.f32 v56, v45;
	[tilespmem:v7+s22+$0x0] =	vst.idx.msk $0xffff, v19;
	v46 =	vshll.u32 v60, $0x10  }
0x124: {  	v19 =	vadd.f32 v53, v42;
	v47 =	vshll.u32 v62, $0x10;
	v32 =	vmul.f32 v46, v30;
	[tilespmem:v6+s24+$0x0] =	vst.idx.msk $0xffff, v20  }
0x125: {  	[tilespmem:v6+s9+$0x0] =	vst.idx.msk $0xffff, v31;
	v20 =	vmul.f32 v47, v25;
	v48 =	vld.idx.msk [tilespmem:v26+s18+$0x0], $0xffff  }
0x126: {  	v13 =	vld.idx.msk [tilespmem:v13+s18+$0x0], $0xffff;
	v53 =	vshll.u32 v10, $0x10;
	[tilespmem:v6+s8+$0x0] =	vst.idx.msk $0xffff, v19;
	v50 =	vadd.f32 v60, v32  }
0x127: {  	v8 =	vmul.f32 v53, v8;
	v52 =	vld.idx.msk [tilespmem:v17+s18+$0x0], $0xffff;
	v49 =	vshll.u32 v27, $0x10;
	v20 =	vadd.f32 v62, v20  }
0x128: {  	v55 =	vld.idx.msk [tilespmem:v18+s18+$0x0], $0xffff;
	v51 =	vmul.f32 v49, v28;
	[tilespmem:v6+s21+$0x0] =	vst.idx.msk $0xffff, v50  }
0x129: {  	v54 =	vshll.u32 v11, $0x10;
	v8 =	vadd.f32 v10, v8;
	v57 =	vld.idx.msk [tilespmem:v23+s18+$0x0], $0xffff;
	[tilespmem:v6+s20+$0x0] =	vst.idx.msk $0xffff, v20  }
0x12a: {  	v12 =	vmul.f32 v54, v12;
	v56 =	vadd.f32 v27, v51;
	v59 =	vld.idx.msk [tilespmem:v22+s18+$0x0], $0xffff;
	v58 =	vshll.u32 v48, $0x10  }
0x12b: {  	v60 =	vshll.u32 v13, $0x10;
	[tilespmem:v7+s4+$0x0] =	vst.idx.msk $0xffff, v8;
	v10 =	vmul.f32 v58, v29  }
0x12c: {  	v11 =	vadd.f32 v11, v12;
	v14 =	vmul.f32 v60, v14;
	v9 =	vshll.u32 v52, $0x10;
	[tilespmem:v6+s25+$0x0] =	vst.idx.msk $0xffff, v56  }
0x12d: {  	v9 =	vmul.f32 v9, v16;
	v61 =	vld.idx.msk [tilespmem:v21+s18+$0x0], $0xffff;
	v8 =	vadd.f32 v48, v10;
	v10 =	vshll.u32 v55, $0x10  }
0x12e: {  	[tilespmem:v7+s2+$0x0] =	vst.idx.msk $0xffff, v11;
	v11 =	vadd.f32 v13, v14;
	v12 =	vshll.u32 v57, $0x10;
	v10 =	vmul.f32 v10, v15  }
0x12f: {  	[tilespmem:v7+s24+$0x0] =	vst.idx.msk $0xffff, v8;
	v8 =	vadd.f32 v52, v9;
	v9 =	vmul.f32 v12, v30;
	v12 =	vshll.u32 v59, $0x10  }
0x130: {  	[tilespmem:v7+s7+$0x0] =	vst.idx.msk $0xffff, v11;
	v10 =	vadd.f32 v55, v10;
	v12 =	vmul.f32 v12, v25  }
0x131: {  	[tilespmem:v7+s8+$0x0] =	vst.idx.msk $0xffff, v8;
	v9 =	vadd.f32 v57, v9  }
0x132: {  	v11 =	vshll.u32 v61, $0x10;
	[tilespmem:v7+s9+$0x0] =	vst.idx.msk $0xffff, v10;
	v10 =	vadd.f32 v59, v12  }
0x133: {  	v8 =	vmul.f32 v11, v28;
	[tilespmem:v7+s21+$0x0] =	vst.idx.msk $0xffff, v9  }
0x134: {  	[tilespmem:v7+s20+$0x0] =	vst.idx.msk $0xffff, v10  }
0x135: {  	v8 =	vadd.f32 v61, v8;
	s3 =	rddreg [dreg:$0x9]  }
0x136: {  	p1 =	seq.s32 s3, $0x0  }
0x137: {  	[tilespmem:v7+s25+$0x0] =	vst.idx.msk $0xffff, v8;
	s0 =	simm.s32 @!p1 $0x1  }
0x138: {  	_ =	swait.ge @!p1 [sflag:s0], $0x4800  }
0x139: {  	[sflag:s0] =	ssyncset.done @!p1 $0x0  }
0x13a: {  	s1 =	simm.s32 $0xD08;
	[sflag:s0] =	ssyncadd.s32 @!p1 $0xFFFFB800  }
0x13b: {  	v8 =	vld [tilespmem:s1+$0x0]  }
0x13c: {  	v9 =	vld [tilespmem:s1+$0x10]  }
0x13d: {  	v10 =	vld [tilespmem:s1+$0x70]  }
0x13e: {  	v12 =	vld [tilespmem:s1+$0x20]  }
0x13f: {  	v13 =	vld [tilespmem:s1+$0x30]  }
0x140: {  	v14 =	vld [tilespmem:s1+$0x40]  }
0x141: {  	s0 =	simm.s32 $0x5980;
	v15 =	vld [tilespmem:s1+$0x50]  }
0x142: {  	v62 =	vld [tilespmem:s1+$0x60];
	[tilespmem:s0+$0x70] =	vst v10  }
0x143: {  	v63 =	vld [tilespmem:s1+$0xFFFFFF88];
	[tilespmem:s0+$0x0] =	vst v8  }
0x144: {  	v11 =	vld [tilespmem:s1+$0xFFFFFFA8];
	[tilespmem:s0+$0x10] =	vst v9  }
0x145: {  	v10 =	vld [tilespmem:s1+$0xFFFFFF98];
	[tilespmem:s0+$0x20] =	vst v12  }
0x146: {  	v12 =	vld [tilespmem:s1+$0xFFFFFFB8];
	[tilespmem:s0+$0x30] =	vst v13  }
0x147: {  	v13 =	vld [tilespmem:s1+$0xFFFFFFC8];
	[tilespmem:s0+$0x40] =	vst v14  }
0x148: {  	v8 =	vld [tilespmem:s1+$0xFFFFFFD8];
	[tilespmem:s0+$0x50] =	vst v15  }
0x149: {  	v9 =	vld [tilespmem:s1+$0xFFFFFFE8];
	[tilespmem:s0+$0x60] =	vst v62  }
0x14a: {  	s2 =	simm.s32 $0x0;
	s4 =	simm.s32 $0xE18;
	v14 =	vld [tilespmem:s1+$0xFFFFFF78];
	s1 =	sshll.u32 s3, $0x1;
	[tilespmem:s0+$0xFFFFFF90] =	vst v63  }
.LBB2_5:
0x14b: {  	v15 =	vld [tilespmem:s4+$0x0];
	[tilespmem:s0+$0xFFFFFFA0] =	vst v10  }
0x14c: {  	v16 =	vld [tilespmem:s4+$0x10];
	[tilespmem:s0+$0xFFFFFFB0] =	vst v11  }
0x14d: {  	s2 =	sadd.s32 $0x2, s2;
	v10 =	vld [tilespmem:s4+$0x70];
	[tilespmem:s0+$0xFFFFFFC0] =	vst v12  }
0x14e: {  	p2 =	slt.u32 s2, $0x8E;
	v12 =	vld [tilespmem:s4+$0x20];
	[tilespmem:s0+$0xFFFFFFD0] =	vst v13  }
0x14f: {  	v13 =	vld [tilespmem:s4+$0x30];
	[tilespmem:s0+$0xFFFFFF80] =	vst v14  }
0x150: {  	v14 =	vld [tilespmem:s4+$0x40];
	[tilespmem:s0+$0xFFFFFFE0] =	vst v8  }
0x151: {  	v17 =	vld [tilespmem:s4+$0x50];
	[tilespmem:s0+$0xFFFFFFF0] =	vst v9;
	s0 =	sadd.s32 $0x100, s0  }
0x152: {  	v18 =	vld [tilespmem:s4+$0x60];
	[tilespmem:s0+$0x70] =	vst v10  }
0x153: {  	v19 =	vld [tilespmem:s4+$0xFFFFFF88];
	[tilespmem:s0+$0x0] =	vst v15  }
0x154: {  	v10 =	vld [tilespmem:s4+$0xFFFFFF98];
	[tilespmem:s0+$0x10] =	vst v16  }
0x155: {  	v11 =	vld [tilespmem:s4+$0xFFFFFFA8];
	[tilespmem:s0+$0x20] =	vst v12  }
.Ltmp5:
0x156: {  	v12 =	vld [tilespmem:s4+$0xFFFFFFB8];
	[tilespmem:s0+$0x30] =	vst v13;
	(pc) =	sbr.rel @p2 .LBB2_5-.Ltmp5, $4  }
0x157: {  	v13 =	vld [tilespmem:s4+$0xFFFFFFC8];
	[tilespmem:s0+$0x40] =	vst v14  }
0x158: {  	v8 =	vld [tilespmem:s4+$0xFFFFFFD8];
	[tilespmem:s0+$0x50] =	vst v17  }
0x159: {  	v9 =	vld [tilespmem:s4+$0xFFFFFFE8];
	[tilespmem:s0+$0x60] =	vst v18  }
0x15a: {  	v14 =	vld [tilespmem:s4+$0xFFFFFF78];
	[tilespmem:s0+$0xFFFFFF90] =	vst v19;
	s4 =	sadd.s32 $0x110, s4  }
0x15b: {  	[tilespmem:s0+$0xFFFFFFA0] =	vst v10  }
0x15c: {  	[tilespmem:s0+$0xFFFFFFB0] =	vst v11  }
0x15d: {  	[tilespmem:s0+$0xFFFFFFC0] =	vst v12  }
0x15e: {  	[tilespmem:s0+$0xFFFFFFD0] =	vst v13  }
0x15f: {  	[tilespmem:s0+$0xFFFFFFE0] =	vst v8  }
0x160: {  	[tilespmem:s0+$0xFFFFFF80] =	vst v14  }
0x161: {  	s2 =	rddreg [dreg:$0xa];
	[tilespmem:s0+$0xFFFFFFF0] =	vst v9  }
0x162: {  	s2 =	sshll.u32 s2, $0x4;
	s0 =	rddreg [dreg:$0x3]  }
0x163: {  	s31 =	simm.s32 $0x5900;
	s0 =	sadd.s32 s0, s2  }
0x164: {  	[hbm4b:s0+s12] =	stream.linear.scatter [tilespmem:s31], [sflag:$0x1], $0x4800, $0x38;
	[tilespmem:$0xE900] =	vst v63  }
0x165: {  	s0 =	sor.u32 $0x1, s1  }
0x166: {  	p2 =	sgt.u32 s0, $0xD8  }
.Ltmp6:
0x167: {  	_ = 	snop;
	(pc) =	sbr.rel @p2 .LBB2_12-.Ltmp6, $1  }
0x168: {  	_ =	sdelay $0x3  }
0x169: {  	s0 =	smul.u32 $0x90, s0  }
0x16a: {  	s1 =	rddreg [dreg:$0x4]  }
0x16b: {  	s21 =	rddreg [dreg:$0x0];
	s0 =	sadd.s32 s1, s0  }
0x16c: {  	[dreg:$0xb] =	wrdreg s0;
	s0 =	sshrl.u32 s0, $0x3  }
0x16d: {  	s22 =	simm.s32 $0xB80;
	s23 =	simm.s32 $0x3;
	s0 =	sadd.s32 s21, s0  }
0x16e: {  	[tilespmem:s22], [sflag:$0x3] =	stream.linear.gather [hbm4b:s0+s12], $0x90, $0x38;
	[tilespmem:$0xE900] =	vst v63  }
0x16f: {  	_ =	swait.ge [sflag:s23], $0x90  }
0x170: {  	s24 =	simm.s32 $0x0;
	[sflag:s23] =	ssyncset.done $0x0  }
0x171: {  	s25 =	sand.u32 $0xC, s24;
	s1 =	sand.u32 $0xF0, s24;
	[sflag:s23] =	ssyncadd.s32 $0xFFFFFF70  }
0x172: {  	s28 =	sor.u32 $0x3, s25;
	v8 =	vld [tilespmem:s1+$0xB80]  }
0x173: {  	s2 =	sshll.u32 s28, $0x1  }
0x174: {  	s2 =	sadd.s32 $0x4, s2  }
0x175: {  	s3 =	sor.u32 $0x1, s25;
	s4 =	sshll.u32 s25, $0x1;
	s2 =	scvt.s32.f32 s2  }
0x176: {  	s5 =	sshll.u32 s3, $0x1;
	s4 =	sor.u32 $0x4, s4  }
0x177: {  	s5 =	sor.u32 $0x4, s5;
	s4 =	scvt.s32.f32 s4;
	v9 =	vmul.f32 s2, v8  }
0x178: {  	s5 =	scvt.s32.f32 s5  }
0x179: {  	s6 =	sadd.s32 $0x7, s25;
	v10 =	vmul.f32 s4, v8;
	v12 =	vtrunc.f32 v9  }
0x17a: {  	v11 =	vmul.f32 s5, v8;
	s2 =	smul.u32 s6, s28;
	v12 =	vcvt.f32.s32 v12  }
0x17b: {  	s7 =	sadd.s32 $0x4, s25;
	v13 =	vtrunc.f32 v10  }
0x17c: {  	s8 =	sadd.s32 $0x5, s25;
	s4 =	smul.u32 s25, s7;
	s6 =	sor.u32 $0x2, s25;
	v14 =	vtrunc.f32 v11;
	v13 =	vcvt.f32.s32 v13;
	v23 =	vadd.s32 s2, v12  }
0x17d: {  	s5 =	smul.u32 s8, s3;
	s9 =	sshll.u32 s6, $0x1;
	v14 =	vcvt.f32.s32 v14  }
0x17e: {  	v21 =	vadd.s32 s4, v13;
	s2 =	sadd.s32 $0x4, s9  }
0x17f: {  	v25 =	vadd.s32 s5, v14;
	s2 =	scvt.s32.f32 s2;
	_ =	sdelay $0x1  }
0x180: {  	v8 =	vmul.f32 s2, v8;
	v15 =	vld.idx.msk [tilespmem:v23+s12+$0x0], $0xffff;
	_ =	sdelay $0x1  }
0x181: {  	s10 =	sadd.s32 $0x6, s25;
	v12 =	vcvt.s32.f32 v12;
	v16 =	vld.idx.msk [tilespmem:v21+s12+$0x0], $0xffff;
	v17 =	vtrunc.f32 v8  }
0x182: {  	s2 =	smul.u32 s10, s6;
	v18 =	vld.idx.msk [tilespmem:v25+s12+$0x0], $0xffff;
	v17 =	vcvt.f32.s32 v17  }
0x183: {  	s11 =	simm.s32 $0x0;
	v13 =	vcvt.s32.f32 v13;
	v22 =	vsub.f32 v9, v12  }
0x184: {  	s19 =	smul.u32 $0x2200, s11;
	v14 =	vcvt.s32.f32 v14;
	v28 =	vadd.s32 s2, v17;
	v9 =	vshll.u32 v15, $0x10  }
0x185: {  	v29 =	vsub.f32 v10, v13;
	v9 =	vmul.f32 v9, v22  }
0x186: {  	v24 =	vsub.f32 v11, v14;
	s2 =	sshra.s32 s19, $0x2;
	v10 =	vshll.u32 v16, $0x10  }
0x187: {  	s1 =	sshll.u32 s28, $0x3;
	s2 =	sadd.s32 $0xC80, s2;
	v11 =	vshll.u32 v18, $0x10;
	v10 =	vmul.f32 v10, v29;
	v9 =	vadd.f32 v15, v9  }
0x188: {  	s24 =	sor.u32 s1, s2;
	v11 =	vmul.f32 v11, v24  }
0x189: {  	s0 =	sshll.u32 s25, $0x3;
	v10 =	vadd.f32 v16, v10;
	v12 =	vld.idx.msk [tilespmem:v28+s12+$0x0], $0xffff;
	[tilespmem:v0+s24+$0x0] =	vst.idx.msk $0xffff, v9  }
0x18a: {  	s20 =	sshll.u32 s3, $0x3;
	s31 =	sor.u32 s0, s2;
	v9 =	vadd.f32 v18, v11;
	v11 =	vld.idx.msk [tilespmem:v23+s13+$0x0], $0xffff  }
0x18b: {  	s29 =	sor.u32 s20, s2;
	[tilespmem:v0+s31+$0x0] =	vst.idx.msk $0xffff, v10;
	v10 =	vcvt.s32.f32 v17  }
0x18c: {  	v13 =	vld.idx.msk [tilespmem:v21+s13+$0x0], $0xffff;
	[tilespmem:v0+s29+$0x0] =	vst.idx.msk $0xffff, v9  }
0x18d: {  	v27 =	vsub.f32 v8, v10;
	v9 =	vld.idx.msk [tilespmem:v25+s13+$0x0], $0xffff  }
0x18e: {  	v8 =	vshll.u32 v12, $0x10  }
0x18f: {  	v8 =	vmul.f32 v8, v27;
	v10 =	vshll.u32 v11, $0x10  }
0x190: {  	v10 =	vmul.f32 v10, v22  }
0x191: {  	s21 =	sshll.u32 s6, $0x3;
	v14 =	vshll.u32 v13, $0x10;
	v8 =	vadd.f32 v12, v8  }
0x192: {  	s30 =	sor.u32 s21, s2;
	v12 =	vmul.f32 v14, v29;
	v14 =	vshll.u32 v9, $0x10;
	v10 =	vadd.f32 v11, v10  }
0x193: {  	[tilespmem:v0+s30+$0x0] =	vst.idx.msk $0xffff, v8;
	v11 =	vmul.f32 v14, v24  }
0x194: {  	s22 =	simm.s32 $0x4;
	v8 =	vadd.f32 v13, v12;
	v12 =	vld.idx.msk [tilespmem:v28+s13+$0x0], $0xffff;
	[tilespmem:v1+s24+$0x0] =	vst.idx.msk $0xffff, v10  }
0x195: {  	s2 =	sand.u32 $0xC, s22;
	s0 =	sand.u32 $0xF0, s22;
	v9 =	vadd.f32 v9, v11;
	v10 =	vld.idx.msk [tilespmem:v23+s26+$0x0], $0xffff  }
0x196: {  	s23 =	sor.u32 $0x3, s2;
	v11 =	vld [tilespmem:s0+$0xB80]  }
0x197: {  	s28 =	sor.u32 $0x1, s2;
	s25 =	sshll.u32 s23, $0x1;
	[tilespmem:v1+s29+$0x0] =	vst.idx.msk $0xffff, v9  }
0x198: {  	s9 =	sshll.u32 s28, $0x1;
	s1 =	sadd.s32 $0x4, s25;
	[tilespmem:v1+s31+$0x0] =	vst.idx.msk $0xffff, v8;
	v9 =	vld.idx.msk [tilespmem:v25+s26+$0x0], $0xffff  }
0x199: {  	s5 =	sor.u32 $0x4, s9;
	s1 =	scvt.s32.f32 s1;
	v8 =	vld.idx.msk [tilespmem:v21+s26+$0x0], $0xffff;
	v13 =	vshll.u32 v12, $0x10  }
0x19a: {  	s8 =	sshll.u32 s2, $0x1;
	s5 =	scvt.s32.f32 s5;
	v13 =	vmul.f32 v13, v27;
	v14 =	vshll.u32 v10, $0x10  }
0x19b: {  	s3 =	sor.u32 $0x4, s8;
	v17 =	vmul.f32 s1, v11;
	v14 =	vmul.f32 v14, v22  }
0x19c: {  	s3 =	scvt.s32.f32 s3;
	v12 =	vadd.f32 v12, v13;
	v13 =	vmul.f32 s5, v11  }
0x19d: {  	s10 =	sor.u32 $0x2, s2;
	v18 =	vtrunc.f32 v17;
	v16 =	vshll.u32 v9, $0x10;
	v10 =	vadd.f32 v10, v14  }
0x19e: {  	s19 =	sadd.s32 $0x7, s2;
	s11 =	sshll.u32 s10, $0x1;
	v15 =	vshll.u32 v8, $0x10;
	v14 =	vmul.f32 v16, v24;
	v16 =	vmul.f32 s3, v11  }
0x19f: {  	s5 =	smul.u32 s19, s23;
	v15 =	vmul.f32 v15, v29;
	v18 =	vcvt.f32.s32 v18;
	s3 =	sadd.s32 $0x4, s11;
	[tilespmem:v2+s24+$0x0] =	vst.idx.msk $0xffff, v10  }
0x1a0: {  	s20 =	sadd.s32 $0x4, s2;
	[tilespmem:v1+s30+$0x0] =	vst.idx.msk $0xffff, v12;
	v19 =	vtrunc.f32 v13;
	s3 =	scvt.s32.f32 s3;
	v10 =	vtrunc.f32 v16;
	v12 =	vld.idx.msk [tilespmem:v23+s14+$0x0], $0xffff  }
0x1a1: {  	s7 =	sadd.s32 $0x5, s2;
	s6 =	smul.u32 s2, s20;
	v26 =	vld.idx.msk [tilespmem:v28+s26+$0x0], $0xffff;
	v8 =	vadd.f32 v8, v15;
	v30 =	vadd.s32 s5, v18;
	v20 =	vcvt.f32.s32 v10  }
0x1a2: {  	s7 =	smul.u32 s7, s28;
	v15 =	vcvt.f32.s32 v19;
	v9 =	vadd.f32 v9, v14;
	v19 =	vmul.f32 s3, v11  }
0x1a3: {  	[tilespmem:v2+s31+$0x0] =	vst.idx.msk $0xffff, v8;
	v31 =	vadd.s32 s6, v20  }
0x1a4: {  	s21 =	sadd.s32 $0x6, s2;
	v10 =	vadd.s32 s7, v15;
	v14 =	vld.idx.msk [tilespmem:v21+s14+$0x0], $0xffff;
	[tilespmem:v2+s29+$0x0] =	vst.idx.msk $0xffff, v9;
	v8 =	vtrunc.f32 v19  }
0x1a5: {  	s3 =	smul.u32 s21, s10;
	v33 =	vld.idx.msk [tilespmem:v25+s14+$0x0], $0xffff;
	v32 =	vcvt.f32.s32 v8;
	v8 =	vshll.u32 v12, $0x10  }
0x1a6: {  	v9 =	vshll.u32 v26, $0x10;
	v20 =	vcvt.s32.f32 v20;
	v35 =	vld.idx.msk [tilespmem:v30+s12+$0x0], $0xffff;
	v8 =	vmul.f32 v8, v22  }
0x1a7: {  	v18 =	vcvt.s32.f32 v18;
	v34 =	vmul.f32 v9, v27;
	v11 =	vadd.s32 s3, v32  }
0x1a8: {  	v15 =	vcvt.s32.f32 v15;
	v9 =	vsub.f32 v16, v20;
	v36 =	vld.idx.msk [tilespmem:v31+s12+$0x0], $0xffff;
	v12 =	vadd.f32 v12, v8  }
0x1a9: {  	v16 =	vld.idx.msk [tilespmem:v10+s12+$0x0], $0xffff;
	v20 =	vshll.u32 v14, $0x10;
	v26 =	vadd.f32 v26, v34;
	v34 =	vsub.f32 v17, v18  }
0x1aa: {  	s22 =	simm.s32 $0x0;
	v8 =	vsub.f32 v13, v15;
	v13 =	vmul.f32 v20, v29;
	v15 =	vshll.u32 v33, $0x10;
	[tilespmem:v3+s24+$0x0] =	vst.idx.msk $0xffff, v12  }
0x1ab: {  	s3 =	smul.u32 $0x2200, s22;
	v18 =	vshll.u32 v35, $0x10;
	v15 =	vmul.f32 v15, v24;
	v17 =	vld.idx.msk [tilespmem:v23+s15+$0x0], $0xffff  }
0x1ac: {  	[tilespmem:v2+s30+$0x0] =	vst.idx.msk $0xffff, v26;
	v18 =	vmul.f32 v18, v34;
	v13 =	vadd.f32 v14, v13;
	v14 =	vld.idx.msk [tilespmem:v11+s12+$0x0], $0xffff  }
0x1ad: {  	s3 =	sshra.s32 s3, $0x2;
	v26 =	vld.idx.msk [tilespmem:v28+s14+$0x0], $0xffff;
	v12 =	vcvt.s32.f32 v32;
	v15 =	vadd.f32 v33, v15;
	v20 =	vshll.u32 v36, $0x10  }
0x1ae: {  	s4 =	sshll.u32 s23, $0x3;
	s3 =	sadd.s32 $0xC80, s3;
	v46 =	vshll.u32 v16, $0x10;
	[tilespmem:v3+s31+$0x0] =	vst.idx.msk $0xffff, v13;
	v13 =	vadd.f32 v35, v18;
	v20 =	vmul.f32 v20, v9  }
0x1af: {  	s20 =	sor.u32 s4, s3;
	v18 =	vmul.f32 v46, v8;
	v12 =	vsub.f32 v19, v12;
	v19 =	vld.idx.msk [tilespmem:v21+s15+$0x0], $0xffff;
	[tilespmem:v3+s29+$0x0] =	vst.idx.msk $0xffff, v15  }
0x1b0: {  	s2 =	sshll.u32 s2, $0x3;
	[tilespmem:v0+s20+$0x0] =	vst.idx.msk $0xffff, v13;
	v15 =	vadd.f32 v36, v20;
	v20 =	vld.idx.msk [tilespmem:v25+s15+$0x0], $0xffff;
	v47 =	vshll.u32 v17, $0x10  }
0x1b1: {  	s23 =	sshll.u32 s28, $0x3;
	s0 =	sor.u32 s2, s3;
	v13 =	vadd.f32 v16, v18;
	v16 =	vshll.u32 v14, $0x10;
	v48 =	vld.idx.msk [tilespmem:v30+s13+$0x0], $0xffff;
	v18 =	vmul.f32 v47, v22  }
0x1b2: {  	s4 =	sor.u32 s23, s3;
	[tilespmem:v0+s0+$0x0] =	vst.idx.msk $0xffff, v15;
	v15 =	vmul.f32 v16, v12;
	v16 =	vshll.u32 v26, $0x10  }
0x1b3: {  	[tilespmem:v0+s4+$0x0] =	vst.idx.msk $0xffff, v13;
	v49 =	vld.idx.msk [tilespmem:v31+s13+$0x0], $0xffff;
	v13 =	vmul.f32 v16, v27;
	v16 =	vadd.f32 v17, v18  }
0x1b4: {  	s25 =	simm.s32 $0x8;
	s1 =	sshll.u32 s10, $0x3;
	v17 =	vld.idx.msk [tilespmem:v10+s13+$0x0], $0xffff;
	v18 =	vshll.u32 v19, $0x10;
	v14 =	vadd.f32 v14, v15  }
0x1b5: {  	s2 =	sor.u32 s1, s3;
	s3 =	sand.u32 $0xF0, s25;
	v15 =	vmul.f32 v18, v29;
	v18 =	vshll.u32 v20, $0x10;
	[tilespmem:v4+s24+$0x0] =	vst.idx.msk $0xffff, v16  }
0x1b6: {  	s1 =	sand.u32 $0xC, s25;
	v52 =	vld [tilespmem:s3+$0xB80];
	v13 =	vadd.f32 v26, v13;
	[tilespmem:v0+s2+$0x0] =	vst.idx.msk $0xffff, v14;
	v14 =	vmul.f32 v18, v24;
	v18 =	vshll.u32 v48, $0x10  }
0x1b7: {  	s5 =	sor.u32 $0x3, s1;
	s9 =	sor.u32 $0x2, s1;
	v16 =	vld.idx.msk [tilespmem:v23+s16+$0x0], $0xffff;
	v15 =	vadd.f32 v19, v15;
	v18 =	vmul.f32 v18, v34  }
0x1b8: {  	s7 =	sshll.u32 s5, $0x1;
	s11 =	sshll.u32 s9, $0x1;
	v19 =	vld.idx.msk [tilespmem:v11+s13+$0x0], $0xffff;
	[tilespmem:v3+s30+$0x0] =	vst.idx.msk $0xffff, v13;
	v26 =	vshll.u32 v49, $0x10;
	v13 =	vadd.f32 v20, v14  }
0x1b9: {  	s10 =	sshll.u32 s1, $0x1;
	s6 =	sadd.s32 $0x4, s7;
	s7 =	sadd.s32 $0x4, s11;
	v14 =	vmul.f32 v26, v9;
	v20 =	vshll.u32 v17, $0x10;
	[tilespmem:v4+s31+$0x0] =	vst.idx.msk $0xffff, v15;
	v18 =	vadd.f32 v48, v18  }
0x1ba: {  	s10 =	sor.u32 $0x4, s10;
	s7 =	scvt.s32.f32 s7;
	v15 =	vld.idx.msk [tilespmem:v28+s15+$0x0], $0xffff;
	v20 =	vmul.f32 v20, v8;
	[tilespmem:v4+s29+$0x0] =	vst.idx.msk $0xffff, v13  }
0x1bb: {  	s10 =	scvt.s32.f32 s10;
	s6 =	scvt.s32.f32 s6;
	v26 =	vld.idx.msk [tilespmem:v21+s16+$0x0], $0xffff;
	v13 =	vadd.f32 v49, v14;
	[tilespmem:v1+s20+$0x0] =	vst.idx.msk $0xffff, v18  }
0x1bc: {  	v35 =	vmul.f32 s7, v52;
	v17 =	vadd.f32 v17, v20;
	v18 =	vld.idx.msk [tilespmem:v30+s26+$0x0], $0xffff  }
0x1bd: {  	v39 =	vmul.f32 s6, v52;
	v55 =	vmul.f32 s10, v52;
	v14 =	vld.idx.msk [tilespmem:v25+s16+$0x0], $0xffff;
	[tilespmem:v1+s0+$0x0] =	vst.idx.msk $0xffff, v13;
	v13 =	vshll.u32 v16, $0x10  }
0x1be: {  	v43 =	vtrunc.f32 v35;
	v20 =	vld.idx.msk [tilespmem:v31+s26+$0x0], $0xffff;
	[tilespmem:v1+s4+$0x0] =	vst.idx.msk $0xffff, v17;
	v17 =	vshll.u32 v19, $0x10;
	v13 =	vmul.f32 v13, v22  }
0x1bf: {  	s8 =	sor.u32 $0x1, s1;
	v43 =	vcvt.f32.s32 v43;
	v17 =	vmul.f32 v17, v12  }
0x1c0: {  	s28 =	sshll.u32 s8, $0x1;
	v51 =	vshll.u32 v15, $0x10;
	v50 =	vld.idx.msk [tilespmem:v10+s26+$0x0], $0xffff;
	v53 =	vshll.u32 v26, $0x10;
	v13 =	vadd.f32 v16, v13  }
0x1c1: {  	s3 =	sor.u32 $0x4, s28;
	v33 =	vmul.f32 v51, v27;
	v16 =	vadd.f32 v19, v17;
	v19 =	vshll.u32 v18, $0x10  }
0x1c2: {  	s3 =	scvt.s32.f32 s3;
	v54 =	vshll.u32 v14, $0x10;
	v17 =	vmul.f32 v53, v29;
	[tilespmem:v5+s24+$0x0] =	vst.idx.msk $0xffff, v13;
	v13 =	vmul.f32 v19, v34  }
0x1c3: {  	v36 =	vmul.f32 v54, v24;
	v15 =	vadd.f32 v15, v33;
	v19 =	vshll.u32 v20, $0x10;
	v37 =	vld.idx.msk [tilespmem:v23+s17+$0x0], $0xffff  }
0x1c4: {  	[tilespmem:v1+s2+$0x0] =	vst.idx.msk $0xffff, v16;
	v16 =	vmul.f32 s3, v52;
	v17 =	vadd.f32 v26, v17;
	v13 =	vadd.f32 v18, v13  }
0x1c5: {  	[tilespmem:v4+s30+$0x0] =	vst.idx.msk $0xffff, v15;
	v14 =	vadd.f32 v14, v36;
	v19 =	vmul.f32 v19, v9;
	v38 =	vshll.u32 v50, $0x10  }
0x1c6: {  	s19 =	sadd.s32 $0x7, s1;
	v56 =	vld.idx.msk [tilespmem:v11+s26+$0x0], $0xffff;
	v18 =	vmul.f32 v38, v8;
	[tilespmem:v2+s20+$0x0] =	vst.idx.msk $0xffff, v13;
	v13 =	vtrunc.f32 v39  }
0x1c7: {  	s22 =	sadd.s32 $0x5, s1;
	s3 =	smul.u32 s19, s5;
	v40 =	vtrunc.f32 v16;
	[tilespmem:v5+s31+$0x0] =	vst.idx.msk $0xffff, v17;
	v19 =	vadd.f32 v20, v19;
	v15 =	vld.idx.msk [tilespmem:v30+s14+$0x0], $0xffff;
	v20 =	vcvt.f32.s32 v13  }
0x1c8: {  	s21 =	sadd.s32 $0x4, s1;
	s7 =	smul.u32 s22, s8;
	v58 =	vld.idx.msk [tilespmem:v28+s16+$0x0], $0xffff;
	[tilespmem:v5+s29+$0x0] =	vst.idx.msk $0xffff, v14;
	v57 =	vcvt.f32.s32 v40;
	v13 =	vtrunc.f32 v55;
	v17 =	vadd.f32 v50, v18  }
0x1c9: {  	s23 =	sadd.s32 $0x6, s1;
	s6 =	smul.u32 s1, s21;
	v26 =	vshll.u32 v37, $0x10;
	[tilespmem:v2+s0+$0x0] =	vst.idx.msk $0xffff, v19;
	v41 =	vcvt.f32.s32 v13;
	v19 =	vadd.s32 s3, v20  }
0x1ca: {  	v45 =	vld.idx.msk [tilespmem:v25+s17+$0x0], $0xffff;
	v32 =	vcvt.s32.f32 v57;
	v18 =	vmul.f32 v26, v22;
	[tilespmem:v2+s4+$0x0] =	vst.idx.msk $0xffff, v17;
	v17 =	vadd.s32 s7, v57;
	s3 =	smul.u32 s23, s9  }
0x1cb: {  	v42 =	vld.idx.msk [tilespmem:v31+s14+$0x0], $0xffff;
	v63 =	vshll.u32 v56, $0x10;
	v20 =	vcvt.s32.f32 v20;
	v13 =	vadd.s32 s6, v41  }
0x1cc: {  	v48 =	vld.idx.msk [tilespmem:v10+s14+$0x0], $0xffff;
	v37 =	vadd.f32 v37, v18;
	v18 =	vadd.s32 s3, v43;
	v44 =	vshll.u32 v15, $0x10  }
0x1cd: {  	v26 =	vld.idx.msk [tilespmem:v21+s17+$0x0], $0xffff;
	v61 =	vshll.u32 v58, $0x10;
	v40 =	vmul.f32 v63, v12;
	v44 =	vmul.f32 v44, v34  }
0x1ce: {  	v16 =	vsub.f32 v16, v32;
	v20 =	vsub.f32 v39, v20;
	v39 =	vmul.f32 v61, v27;
	v49 =	vld.idx.msk [tilespmem:v19+s12+$0x0], $0xffff  }
0x1cf: {  	v38 =	vadd.f32 v56, v40;
	v52 =	vld.idx.msk [tilespmem:v17+s12+$0x0], $0xffff;
	v15 =	vadd.f32 v15, v44  }
0x1d0: {  	v14 =	vcvt.s32.f32 v41;
	[tilespmem:v6+s24+$0x0] =	vst.idx.msk $0xffff, v37;
	v36 =	vadd.f32 v58, v39;
	v46 =	vshll.u32 v42, $0x10;
	v50 =	vld.idx.msk [tilespmem:v13+s12+$0x0], $0xffff  }
0x1d1: {  	v46 =	vmul.f32 v46, v9;
	v59 =	vshll.u32 v48, $0x10;
	v62 =	vld.idx.msk [tilespmem:v18+s12+$0x0], $0xffff;
	[tilespmem:v3+s20+$0x0] =	vst.idx.msk $0xffff, v15  }
0x1d2: {  	s25 =	simm.s32 $0x0;
	v14 =	vsub.f32 v55, v14;
	[tilespmem:v5+s30+$0x0] =	vst.idx.msk $0xffff, v36;
	v32 =	vmul.f32 v59, v8;
	v60 =	vld.idx.msk [tilespmem:v30+s15+$0x0], $0xffff  }
0x1d3: {  	s3 =	smul.u32 $0x2200, s25;
	[tilespmem:v2+s2+$0x0] =	vst.idx.msk $0xffff, v38;
	v42 =	vadd.f32 v42, v46;
	v46 =	vld.idx.msk [tilespmem:v28+s17+$0x0], $0xffff;
	v53 =	vshll.u32 v49, $0x10  }
0x1d4: {  	v41 =	vadd.f32 v48, v32;
	v32 =	vld.idx.msk [tilespmem:v23+s18+$0x0], $0xffff;
	v47 =	vshll.u32 v52, $0x10;
	v37 =	vmul.f32 v53, v20  }
0x1d5: {  	v51 =	vcvt.s32.f32 v43;
	s3 =	sshra.s32 s3, $0x2;
	[tilespmem:v3+s0+$0x0] =	vst.idx.msk $0xffff, v42;
	v42 =	vld.idx.msk [tilespmem:v11+s14+$0x0], $0xffff;
	v54 =	vshll.u32 v50, $0x10;
	v57 =	vmul.f32 v47, v16  }
0x1d6: {  	s5 =	sshll.u32 s5, $0x3;
	s3 =	sadd.s32 $0xC80, s3;
	v55 =	vld.idx.msk [tilespmem:v31+s15+$0x0], $0xffff;
	[tilespmem:v3+s4+$0x0] =	vst.idx.msk $0xffff, v41;
	v56 =	vmul.f32 v54, v14;
	v23 =	vadd.f32 v49, v37  }
0x1d7: {  	s28 =	sshll.u32 s8, $0x3;
	s22 =	sor.u32 s5, s3;
	v15 =	vsub.f32 v35, v51;
	v58 =	vld.idx.msk [tilespmem:v10+s15+$0x0], $0xffff;
	v33 =	vadd.f32 v52, v57;
	v63 =	vshll.u32 v60, $0x10  }
0x1d8: {  	s1 =	sshll.u32 s1, $0x3;
	s8 =	sor.u32 s28, s3;
	v49 =	vshll.u32 v62, $0x10;
	v48 =	vadd.f32 v50, v56;
	[tilespmem:v0+s22+$0x0] =	vst.idx.msk $0xffff, v23;
	v23 =	vmul.f32 v63, v34  }
0x1d9: {  	s7 =	sor.u32 s1, s3;
	v50 =	vmul.f32 v49, v15;
	[tilespmem:v0+s8+$0x0] =	vst.idx.msk $0xffff, v33;
	v40 =	vld.idx.msk [tilespmem:v19+s13+$0x0], $0xffff  }
0x1da: {  	v59 =	vshll.u32 v26, $0x10;
	v51 =	vshll.u32 v42, $0x10;
	[tilespmem:v0+s7+$0x0] =	vst.idx.msk $0xffff, v48;
	v63 =	vld.idx.msk [tilespmem:v17+s13+$0x0], $0xffff;
	v23 =	vadd.f32 v60, v23  }
0x1db: {  	s23 =	simm.s32 $0xC;
	s5 =	sshll.u32 s9, $0x3;
	v52 =	vshll.u32 v55, $0x10;
	v44 =	vmul.f32 v51, v12;
	v53 =	vld.idx.msk [tilespmem:v13+s13+$0x0], $0xffff;
	v60 =	vadd.f32 v62, v50  }
0x1dc: {  	s6 =	sand.u32 $0xF0, s23;
	s9 =	sor.u32 s5, s3;
	v61 =	vmul.f32 v52, v9;
	v62 =	vmul.f32 v59, v29;
	v50 =	vshll.u32 v32, $0x10;
	[tilespmem:v4+s20+$0x0] =	vst.idx.msk $0xffff, v23  }
0x1dd: {  	s11 =	sand.u32 $0xC, s23;
	v38 =	vld [tilespmem:s6+$0xB80];
	v42 =	vadd.f32 v42, v44;
	v43 =	vmul.f32 v50, v22;
	v23 =	vshll.u32 v58, $0x10;
	[tilespmem:v0+s9+$0x0] =	vst.idx.msk $0xffff, v60  }
0x1de: {  	s25 =	sor.u32 $0x3, s11;
	v48 =	vadd.f32 v55, v61;
	v55 =	vshll.u32 v45, $0x10;
	v49 =	vld.idx.msk [tilespmem:v30+s16+$0x0], $0xffff;
	v23 =	vmul.f32 v23, v8  }
0x1df: {  	s10 =	sshll.u32 s25, $0x1;
	v51 =	vld.idx.msk [tilespmem:v18+s13+$0x0], $0xffff;
	[tilespmem:v3+s2+$0x0] =	vst.idx.msk $0xffff, v42;
	v22 =	vmul.f32 v55, v24;
	v54 =	vshll.u32 v40, $0x10  }
0x1e0: {  	s21 =	sor.u32 $0x1, s11;
	s1 =	sadd.s32 $0x4, s10;
	[tilespmem:v4+s0+$0x0] =	vst.idx.msk $0xffff, v48;
	v59 =	vshll.u32 v63, $0x10;
	v42 =	vmul.f32 v54, v20;
	v23 =	vadd.f32 v58, v23  }
0x1e1: {  	s19 =	sshll.u32 s21, $0x1;
	s1 =	scvt.s32.f32 s1;
	v56 =	vld.idx.msk [tilespmem:v11+s15+$0x0], $0xffff;
	v57 =	vshll.u32 v53, $0x10;
	v39 =	vmul.f32 v59, v16;
	v22 =	vadd.f32 v45, v22  }
0x1e2: {  	s3 =	sor.u32 $0x4, s19;
	v36 =	vld.idx.msk [tilespmem:v31+s16+$0x0], $0xffff;
	v58 =	vmul.f32 v57, v14;
	v40 =	vadd.f32 v40, v42;
	[tilespmem:v4+s4+$0x0] =	vst.idx.msk $0xffff, v23  }
0x1e3: {  	s19 =	sor.u32 $0x2, s11;
	s3 =	scvt.s32.f32 s3;
	v44 =	vmul.f32 s1, v38;
	v26 =	vadd.f32 v26, v62;
	v63 =	vadd.f32 v63, v39;
	[tilespmem:v6+s29+$0x0] =	vst.idx.msk $0xffff, v22  }
0x1e4: {  	s28 =	sshll.u32 s11, $0x1;
	s5 =	sshll.u32 s19, $0x1;
	v32 =	vadd.f32 v32, v43;
	v23 =	vshll.u32 v49, $0x10;
	v37 =	vadd.f32 v53, v58;
	[tilespmem:v1+s22+$0x0] =	vst.idx.msk $0xffff, v40  }
0x1e5: {  	s1 =	sor.u32 $0x4, s28;
	v48 =	vmul.f32 s3, v38;
	s3 =	sadd.s32 $0x4, s5;
	v42 =	vld.idx.msk [tilespmem:v10+s16+$0x0], $0xffff;
	v60 =	vshll.u32 v51, $0x10;
	v23 =	vmul.f32 v23, v34;
	[tilespmem:v1+s8+$0x0] =	vst.idx.msk $0xffff, v63  }
0x1e6: {  	s1 =	scvt.s32.f32 s1;
	s3 =	scvt.s32.f32 s3;
	v22 =	vtrunc.f32 v44;
	v62 =	vmul.f32 v60, v15;
	v52 =	vshll.u32 v56, $0x10;
	v61 =	vld.idx.msk [tilespmem:v19+s26+$0x0], $0xffff;
	[tilespmem:v1+s7+$0x0] =	vst.idx.msk $0xffff, v37  }
0x1e7: {  	v53 =	vshll.u32 v36, $0x10;
	v39 =	vmul.f32 v52, v12;
	v23 =	vadd.f32 v49, v23;
	v40 =	vld.idx.msk [tilespmem:v13+s26+$0x0], $0xffff  }
0x1e8: {  	[tilespmem:v6+s31+$0x0] =	vst.idx.msk $0xffff, v26;
	v37 =	vadd.f32 v51, v62;
	v49 =	vld.idx.msk [tilespmem:v17+s26+$0x0], $0xffff;
	v51 =	vmul.f32 s1, v38;
	v38 =	vmul.f32 s3, v38  }
0x1e9: {  	v33 =	vadd.f32 v56, v39;
	v56 =	vshll.u32 v46, $0x10;
	[tilespmem:v5+s20+$0x0] =	vst.idx.msk $0xffff, v23;
	v23 =	vmul.f32 v53, v9  }
0x1ea: {  	s6 =	sadd.s32 $0x7, s11;
	v54 =	vshll.u32 v42, $0x10;
	[tilespmem:v1+s9+$0x0] =	vst.idx.msk $0xffff, v37;
	v37 =	vcvt.f32.s32 v22;
	v22 =	vtrunc.f32 v51;
	v55 =	vld.idx.msk [tilespmem:v30+s17+$0x0], $0xffff  }
0x1eb: {  	v35 =	vld.idx.msk [tilespmem:v21+s18+$0x0], $0xffff;
	[tilespmem:v7+s24+$0x0] =	vst.idx.msk $0xffff, v32;
	s1 =	smul.u32 s6, s25;
	v52 =	vtrunc.f32 v38;
	v39 =	vmul.f32 v56, v27;
	v57 =	vshll.u32 v61, $0x10  }
0x1ec: {  	[tilespmem:v4+s2+$0x0] =	vst.idx.msk $0xffff, v33;
	v23 =	vadd.f32 v36, v23;
	v50 =	vmul.f32 v57, v20;
	v58 =	vshll.u32 v40, $0x10  }
0x1ed: {  	v47 =	vld.idx.msk [tilespmem:v18+s26+$0x0], $0xffff;
	v26 =	vadd.s32 s1, v37;
	v39 =	vadd.f32 v46, v39;
	v59 =	vmul.f32 v58, v14  }
0x1ee: {  	[tilespmem:v5+s0+$0x0] =	vst.idx.msk $0xffff, v23;
	v60 =	vadd.f32 v61, v50;
	v61 =	vcvt.f32.s32 v22;
	v22 =	vshll.u32 v49, $0x10;
	v50 =	vld.idx.msk [tilespmem:v11+s16+$0x0], $0xffff  }
0x1ef: {  	v52 =	vcvt.f32.s32 v52;
	[tilespmem:v6+s30+$0x0] =	vst.idx.msk $0xffff, v39;
	v53 =	vld.idx.msk [tilespmem:v31+s17+$0x0], $0xffff;
	v21 =	vshll.u32 v55, $0x10;
	v63 =	vmul.f32 v22, v16  }
0x1f0: {  	s10 =	sadd.s32 $0x4, s11;
	v32 =	vld.idx.msk [tilespmem:v28+s18+$0x0], $0xffff;
	v36 =	vadd.f32 v40, v59;
	v21 =	vmul.f32 v21, v34;
	[tilespmem:v2+s22+$0x0] =	vst.idx.msk $0xffff, v60  }
0x1f1: {  	s28 =	sadd.s32 $0x5, s11;
	s3 =	smul.u32 s11, s10;
	v41 =	vmul.f32 v54, v8;
	v23 =	vtrunc.f32 v48;
	v40 =	vld.idx.msk [tilespmem:v19+s14+$0x0], $0xffff;
	v33 =	vadd.f32 v49, v63  }
0x1f2: {  	s5 =	sadd.s32 $0x6, s11;
	s1 =	smul.u32 s28, s21;
	v62 =	vcvt.f32.s32 v23;
	v28 =	vcvt.s32.f32 v52;
	[tilespmem:v2+s7+$0x0] =	vst.idx.msk $0xffff, v36;
	v49 =	vld.idx.msk [tilespmem:v26+s12+$0x0], $0xffff;
	v21 =	vadd.f32 v55, v21  }
0x1f3: {  	s6 =	smul.u32 s5, s19;
	v37 =	vcvt.s32.f32 v37;
	v41 =	vadd.f32 v42, v41;
	v23 =	vadd.s32 s3, v61;
	v57 =	vld.idx.msk [tilespmem:v13+s14+$0x0], $0xffff;
	[tilespmem:v2+s8+$0x0] =	vst.idx.msk $0xffff, v33  }
0x1f4: {  	v22 =	vadd.s32 s1, v62;
	v28 =	vsub.f32 v38, v28;
	v58 =	vshll.u32 v50, $0x10;
	v33 =	vld.idx.msk [tilespmem:v25+s18+$0x0], $0xffff;
	[tilespmem:v6+s20+$0x0] =	vst.idx.msk $0xffff, v21  }
0x1f5: {  	[tilespmem:v5+s4+$0x0] =	vst.idx.msk $0xffff, v41;
	v25 =	vcvt.s32.f32 v62;
	v21 =	vadd.s32 s6, v52;
	v56 =	vld.idx.msk [tilespmem:v30+s18+$0x0], $0xffff;
	v30 =	vshll.u32 v35, $0x10  }
0x1f6: {  	v46 =	vld.idx.msk [tilespmem:v10+s17+$0x0], $0xffff;
	v39 =	vmul.f32 v58, v12;
	v43 =	vmul.f32 v30, v29;
	v60 =	vshll.u32 v40, $0x10  }
0x1f7: {  	v59 =	vld.idx.msk [tilespmem:v17+s14+$0x0], $0xffff;
	v29 =	vshll.u32 v47, $0x10;
	v30 =	vcvt.s32.f32 v61;
	v61 =	vmul.f32 v60, v20  }
0x1f8: {  	v39 =	vadd.f32 v50, v39;
	v29 =	vmul.f32 v29, v15;
	v63 =	vshll.u32 v57, $0x10  }
0x1f9: {  	v25 =	vsub.f32 v48, v25;
	v38 =	vld.idx.msk [tilespmem:v22+s12+$0x0], $0xffff;
	v52 =	vmul.f32 v63, v14;
	v40 =	vadd.f32 v40, v61  }
0x1fa: {  	v58 =	vshll.u32 v49, $0x10;
	[tilespmem:v5+s2+$0x0] =	vst.idx.msk $0xffff, v39;
	v29 =	vadd.f32 v47, v29;
	v47 =	vld.idx.msk [tilespmem:v23+s12+$0x0], $0xffff;
	v62 =	vshll.u32 v56, $0x10  }
0x1fb: {  	v60 =	vshll.u32 v46, $0x10;
	v30 =	vsub.f32 v51, v30;
	v34 =	vmul.f32 v62, v34;
	[tilespmem:v3+s22+$0x0] =	vst.idx.msk $0xffff, v40  }
0x1fc: {  	v54 =	vshll.u32 v59, $0x10;
	v55 =	vadd.f32 v57, v52;
	v57 =	vshll.u32 v53, $0x10;
	[tilespmem:v2+s9+$0x0] =	vst.idx.msk $0xffff, v29  }
0x1fd: {  	s10 =	simm.s32 $0x0;
	v29 =	vsub.f32 v44, v37;
	v62 =	vmul.f32 v57, v9;
	v41 =	vld.idx.msk [tilespmem:v19+s15+$0x0], $0xffff;
	v34 =	vadd.f32 v56, v34  }
0x1fe: {  	s1 =	smul.u32 $0x2200, s10;
	v37 =	vmul.f32 v60, v8;
	[tilespmem:v3+s7+$0x0] =	vst.idx.msk $0xffff, v55;
	v40 =	vld.idx.msk [tilespmem:v18+s14+$0x0], $0xffff;
	v56 =	vmul.f32 v54, v16  }
0x1ff: {  	v52 =	vshll.u32 v38, $0x10;
	v44 =	vmul.f32 v58, v29;
	v61 =	vshll.u32 v47, $0x10;
	[tilespmem:v7+s20+$0x0] =	vst.idx.msk $0xffff, v34;
	v34 =	vld.idx.msk [tilespmem:v21+s12+$0x0], $0xffff  }
0x200: {  	s1 =	sshra.s32 s1, $0x2;
	v45 =	vld.idx.msk [tilespmem:v13+s15+$0x0], $0xffff;
	v51 =	vadd.f32 v53, v62;
	v59 =	vadd.f32 v59, v56;
	v63 =	vmul.f32 v61, v30  }
0x201: {  	s1 =	sadd.s32 $0xC80, s1;
	v48 =	vmul.f32 v52, v25;
	v52 =	vadd.f32 v46, v37;
	v44 =	vadd.f32 v49, v44;
	s12 =	sshll.u32 s25, $0x3  }
0x202: {  	v37 =	vld.idx.msk [tilespmem:v11+s17+$0x0], $0xffff;
	s24 =	sor.u32 s12, s1;
	[tilespmem:v3+s8+$0x0] =	vst.idx.msk $0xffff, v59;
	v54 =	vshll.u32 v41, $0x10;
	v55 =	vadd.f32 v47, v63  }
0x203: {  	s20 =	sshll.u32 s11, $0x3;
	[tilespmem:v0+s24+$0x0] =	vst.idx.msk $0xffff, v44;
	v58 =	vshll.u32 v40, $0x10;
	v49 =	vld.idx.msk [tilespmem:v17+s15+$0x0], $0xffff;
	v57 =	vmul.f32 v54, v20  }
0x204: {  	v38 =	vadd.f32 v38, v48;
	s25 =	sshll.u32 s21, $0x3;
	s21 =	sor.u32 s20, s1;
	v44 =	vld.idx.msk [tilespmem:v26+s13+$0x0], $0xffff;
	v47 =	vmul.f32 v58, v15;
	v56 =	vshll.u32 v34, $0x10  }
0x205: {  	s20 =	sor.u32 s25, s1;
	v59 =	vshll.u32 v45, $0x10;
	[tilespmem:v0+s21+$0x0] =	vst.idx.msk $0xffff, v55;
	v41 =	vadd.f32 v41, v57;
	v39 =	vmul.f32 v56, v28  }
0x206: {  	[tilespmem:v0+s20+$0x0] =	vst.idx.msk $0xffff, v38;
	v36 =	vmul.f32 v59, v14;
	v60 =	vld.idx.msk [tilespmem:v23+s13+$0x0], $0xffff;
	v40 =	vadd.f32 v40, v47  }
0x207: {  	s28 =	sshll.u32 s19, $0x3;
	v61 =	vshll.u32 v33, $0x10;
	v48 =	vld.idx.msk [tilespmem:v22+s13+$0x0], $0xffff;
	[tilespmem:v4+s22+$0x0] =	vst.idx.msk $0xffff, v41;
	v34 =	vadd.f32 v34, v39  }
0x208: {  	s25 =	sor.u32 s28, s1;
	v63 =	vadd.f32 v45, v36;
	v36 =	vmul.f32 v61, v24;
	[tilespmem:v3+s9+$0x0] =	vst.idx.msk $0xffff, v40;
	v62 =	vshll.u32 v49, $0x10  }
0x209: {  	v45 =	vld.idx.msk [tilespmem:v19+s16+$0x0], $0xffff;
	v53 =	vshll.u32 v44, $0x10;
	v39 =	vmul.f32 v62, v16;
	[tilespmem:v0+s25+$0x0] =	vst.idx.msk $0xffff, v34  }
0x20a: {  	v24 =	vshll.u32 v32, $0x10;
	[tilespmem:v4+s7+$0x0] =	vst.idx.msk $0xffff, v63;
	v55 =	vmul.f32 v53, v29;
	v50 =	vld.idx.msk [tilespmem:v21+s13+$0x0], $0xffff  }
0x20b: {  	v40 =	vld.idx.msk [tilespmem:v18+s15+$0x0], $0xffff;
	v34 =	vmul.f32 v24, v27;
	v24 =	vshll.u32 v60, $0x10;
	v54 =	vadd.f32 v49, v39  }
0x20c: {  	[tilespmem:v6+s0+$0x0] =	vst.idx.msk $0xffff, v51;
	v39 =	vld.idx.msk [tilespmem:v13+s16+$0x0], $0xffff;
	v56 =	vmul.f32 v24, v30;
	v24 =	vshll.u32 v48, $0x10  }
0x20d: {  	v57 =	vadd.f32 v44, v55;
	v58 =	vmul.f32 v24, v25;
	v24 =	vld.idx.msk [tilespmem:v31+s18+$0x0], $0xffff;
	[tilespmem:v4+s8+$0x0] =	vst.idx.msk $0xffff, v54  }
0x20e: {  	[tilespmem:v6+s4+$0x0] =	vst.idx.msk $0xffff, v52;
	v27 =	vadd.f32 v35, v43;
	v59 =	vshll.u32 v45, $0x10;
	v35 =	vld.idx.msk [tilespmem:v17+s16+$0x0], $0xffff  }
0x20f: {  	v31 =	vadd.f32 v60, v56;
	[tilespmem:v1+s24+$0x0] =	vst.idx.msk $0xffff, v57;
	v61 =	vmul.f32 v59, v20;
	v60 =	vshll.u32 v50, $0x10  }
0x210: {  	v63 =	vshll.u32 v40, $0x10;
	v44 =	vadd.f32 v48, v58;
	v41 =	vld.idx.msk [tilespmem:v26+s26+$0x0], $0xffff;
	v62 =	vmul.f32 v60, v28  }
0x211: {  	v42 =	vmul.f32 v63, v15;
	[tilespmem:v1+s21+$0x0] =	vst.idx.msk $0xffff, v31;
	v31 =	vshll.u32 v39, $0x10;
	v43 =	vadd.f32 v45, v61  }
0x212: {  	v38 =	vld.idx.msk [tilespmem:v23+s26+$0x0], $0xffff;
	[tilespmem:v1+s20+$0x0] =	vst.idx.msk $0xffff, v44;
	v31 =	vmul.f32 v31, v14;
	v44 =	vadd.f32 v50, v62  }
.LBB2_8:
0x213: {  	s23 =	sadd.s32 $0x4, s23;
	v45 =	vld.idx.msk [tilespmem:v22+s26+$0x0], $0xffff;
	v46 =	vshll.u32 v35, $0x10;
	v40 =	vadd.f32 v40, v42;
	[tilespmem:v5+s22+$0x0] =	vst.idx.msk $0xffff, v43;
	v42 =	vshll.u32 v37, $0x10  }
0x214: {  	s10 =	sand.u32 $0xC, s23;
	s1 =	sand.u32 $0xF0, s23;
	p2 =	slt.u32 s23, $0x8C;
	[tilespmem:v1+s25+$0x0] =	vst.idx.msk $0xffff, v44;
	v49 =	vadd.f32 v39, v31;
	v39 =	vmul.f32 v46, v16;
	v43 =	vld.idx.msk [tilespmem:v19+s17+$0x0], $0xffff  }
0x215: {  	v42 =	vmul.f32 v42, v12;
	v46 =	vadd.f32 v33, v36;
	v44 =	vld [tilespmem:s1+$0xB80];
	s3 =	sor.u32 $0x1, s10;
	s6 =	sor.u32 $0x2, s10;
	s11 =	sor.u32 $0x3, s10;
	[tilespmem:v4+s9+$0x0] =	vst.idx.msk $0xffff, v40;
	v40 =	vshll.u32 v24, $0x10  }
0x216: {  	v31 =	vmov v12;
	v33 =	vshll.u32 v41, $0x10;
	s13 =	sshll.u32 s10, $0x1;
	s19 =	sadd.s32 $0x4, s10;
	[tilespmem:v5+s7+$0x0] =	vst.idx.msk $0xffff, v49  }
0x217: {  	s1 =	sshll.u32 s3, $0x1;
	s5 =	sshll.u32 s6, $0x1;
	s12 =	sshll.u32 s11, $0x1;
	v47 =	vld.idx.msk [tilespmem:v21+s26+$0x0], $0xffff;
	v48 =	vadd.f32 v35, v39;
	v12 =	vmul.f32 v33, v29;
	v35 =	vmul.f32 v40, v9  }
0x218: {  	v37 =	vadd.f32 v37, v42;
	s13 =	sor.u32 $0x4, s13;
	v40 =	vadd.f32 v32, v34;
	s1 =	sor.u32 $0x4, s1;
	s12 =	sadd.s32 $0x4, s12;
	v39 =	vld.idx.msk [tilespmem:v18+s16+$0x0], $0xffff;
	v33 =	vshll.u32 v38, $0x10  }
0x219: {  	v9 =	vmov v14;
	s5 =	sadd.s32 $0x4, s5;
	s12 =	scvt.s32.f32 s12;
	v36 =	vld.idx.msk [tilespmem:v13+s17+$0x0], $0xffff;
	[tilespmem:v5+s8+$0x0] =	vst.idx.msk $0xffff, v48;
	s1 =	scvt.s32.f32 s1;
	v32 =	vmul.f32 v33, v30;
	v33 =	vshll.u32 v45, $0x10  }
0x21a: {  	s28 =	sadd.s32 $0x6, s10;
	v14 =	vmov v30;
	s26 =	scvt.s32.f32 s5;
	v12 =	vadd.f32 v41, v12;
	s5 =	scvt.s32.f32 s13;
	v34 =	vld.idx.msk [tilespmem:v17+s17+$0x0], $0xffff;
	v30 =	vmul.f32 v33, v25  }
0x21b: {  	s13 =	sadd.s32 $0x5, s10;
	v42 =	vshll.u32 v43, $0x10;
	v41 =	vmul.f32 s12, v44;
	v33 =	vld.idx.msk [tilespmem:v10+s18+$0x0], $0xffff;
	[tilespmem:v6+s2+$0x0] =	vst.idx.msk $0xffff, v37;
	s12 =	smul.u32 s10, s19;
	v37 =	vmul.f32 s1, v44;
	s1 =	sshll.u32 s3, $0x3  }
0x21c: {  	s19 =	sshll.u32 s6, $0x3;
	v32 =	vadd.f32 v38, v32;
	s3 =	smul.u32 s13, s3;
	s13 =	simm.s32 $0x148;
	[tilespmem:v2+s24+$0x0] =	vst.idx.msk $0xffff, v12;
	v12 =	vmul.f32 v42, v20;
	v42 =	vmul.f32 s5, v44  }
0x21d: {  	v10 =	vmovc v17;
	s5 =	sshll.u32 s10, $0x3;
	s10 =	sadd.s32 $0x7, s10;
	v48 =	vshll.u32 v47, $0x10;
	v38 =	vtrunc.f32 v41;
	v49 =	vld.idx.msk [tilespmem:v26+s14+$0x0], $0xffff;
	[tilespmem:v7+s31+$0x0] =	vst.idx.msk $0xffff, v27;
	v27 =	vmul.f32 s26, v44;
	s26 =	simm.s32 $0x290  }
0x21e: {  	s10 =	smul.u32 s10, s11;
	s31 =	smov.u32 s0;
	s0 =	smov.u32 s7;
	v44 =	vcvt.f32.s32 v38;
	[tilespmem:v2+s21+$0x0] =	vst.idx.msk $0xffff, v32;
	v12 =	vadd.f32 v43, v12;
	v32 =	vld.idx.msk [tilespmem:v11+s18+$0x0], $0xffff;
	v51 =	vtrunc.f32 v42  }
0x21f: {  	s6 =	smul.u32 s28, s6;
	v30 =	vadd.f32 v45, v30;
	s7 =	smov.u32 s21;
	v38 =	vtrunc.f32 v37;
	v43 =	vld.idx.msk [tilespmem:v23+s14+$0x0], $0xffff;
	[tilespmem:v7+s29+$0x0] =	vst.idx.msk $0xffff, v46;
	s29 =	smov.u32 s4;
	v45 =	vcvt.f32.s32 v51  }
0x220: {  	v17 =	vmovc v22;
	v11 =	vmovc v18;
	v46 =	vtrunc.f32 v27;
	s4 =	smov.u32 s8;
	s8 =	smov.u32 s20;
	v53 =	vcvt.f32.s32 v38;
	v50 =	vadd.s32 s10, v44;
	[tilespmem:v6+s22+$0x0] =	vst.idx.msk $0xffff, v12  }
0x221: {  	v51 =	vshll.u32 v39, $0x10;
	v46 =	vcvt.f32.s32 v46;
	[tilespmem:v2+s8+$0x0] =	vst.idx.msk $0xffff, v30;
	v52 =	vld.idx.msk [tilespmem:v19+s18+$0x0], $0xffff;
	v19 =	vmovc v26;
	v38 =	vadd.s32 s12, v45;
	s12 =	simm.s32 $0x0  }
0x222: {  	v48 =	vmul.f32 v48, v28;
	v30 =	vcvt.s32.f32 v45;
	v45 =	vld.idx.msk [tilespmem:v22+s14+$0x0], $0xffff;
	[tilespmem:v7+s30+$0x0] =	vst.idx.msk $0xffff, v40;
	s30 =	smov.u32 s2;
	s2 =	smov.u32 s9;
	s9 =	smov.u32 s25  }
0x223: {  	v18 =	vmovc v21;
	v26 =	vmovc v50;
	v22 =	vadd.s32 s3, v53;
	v40 =	vshll.u32 v49, $0x10;
	v21 =	vadd.s32 s6, v46  }
0x224: {  	v12 =	vmovc v15;
	v15 =	vmovc v28;
	v30 =	vsub.f32 v42, v30;
	v42 =	vcvt.s32.f32 v53;
	v40 =	vmul.f32 v40, v29  }
0x225: {  	v47 =	vadd.f32 v47, v48;
	v28 =	vcvt.s32.f32 v46;
	v46 =	vld.idx.msk [tilespmem:v50+s12+$0x0], $0xffff;
	v50 =	vshll.u32 v43, $0x10  }
0x226: {  	v42 =	vsub.f32 v37, v42;
	v40 =	vadd.f32 v49, v40;
	v37 =	vmul.f32 v50, v14  }
0x227: {  	v28 =	vsub.f32 v27, v28;
	v27 =	vshll.u32 v36, $0x10;
	v48 =	vld.idx.msk [tilespmem:v38+s12+$0x0], $0xffff;
	[tilespmem:v2+s9+$0x0] =	vst.idx.msk $0xffff, v47;
	v47 =	vshll.u32 v52, $0x10  }
0x228: {  	v44 =	vcvt.s32.f32 v44;
	v50 =	vshll.u32 v45, $0x10;
	v49 =	vld.idx.msk [tilespmem:v22+s12+$0x0], $0xffff;
	[tilespmem:v3+s24+$0x0] =	vst.idx.msk $0xffff, v40;
	v53 =	vmul.f32 v47, v20  }
0x229: {  	v37 =	vadd.f32 v43, v37;
	v40 =	vmul.f32 v50, v25;
	v47 =	vmul.f32 v51, v12;
	v43 =	vld.idx.msk [tilespmem:v19+s15+$0x0], $0xffff  }
0x22a: {  	s3 =	sshrl.u32 s23, $0x4;
	v51 =	vshll.u32 v34, $0x10;
	v20 =	vmovc v29;
	v29 =	vsub.f32 v41, v44;
	v50 =	vld.idx.msk [tilespmem:v21+s12+$0x0], $0xffff;
	v52 =	vadd.f32 v52, v53  }
0x22b: {  	s3 =	smul.u32 $0x2200, s3;
	v44 =	vshll.u32 v33, $0x10;
	v41 =	vshll.u32 v46, $0x10;
	[tilespmem:v3+s7+$0x0] =	vst.idx.msk $0xffff, v37;
	v37 =	vadd.f32 v45, v40;
	v40 =	vld.idx.msk [tilespmem:v18+s14+$0x0], $0xffff  }
0x22c: {  	v39 =	vadd.f32 v39, v47;
	v41 =	vmul.f32 v41, v29;
	v45 =	vld.idx.msk [tilespmem:v23+s15+$0x0], $0xffff;
	[tilespmem:v7+s22+$0x0] =	vst.idx.msk $0xffff, v52;
	s22 =	smov.u32 s24  }
0x22d: {  	s3 =	sshra.s32 s3, $0x2;
	v27 =	vmul.f32 v27, v9;
	v47 =	vshll.u32 v48, $0x10;
	[tilespmem:v3+s8+$0x0] =	vst.idx.msk $0xffff, v37;
	v37 =	vmul.f32 v51, v16  }
0x22e: {  	s6 =	sshll.u32 s11, $0x3;
	s3 =	sadd.s32 $0xC80, s3;
	v47 =	vmul.f32 v47, v30;
	v51 =	vshll.u32 v49, $0x10;
	v41 =	vadd.f32 v46, v41;
	v46 =	vld.idx.msk [tilespmem:v17+s15+$0x0], $0xffff  }
0x22f: {  	s21 =	sor.u32 s5, s3;
	s20 =	sor.u32 s1, s3;
	v27 =	vadd.f32 v36, v27;
	s24 =	sor.u32 s6, s3;
	v51 =	vmul.f32 v51, v42;
	v52 =	vshll.u32 v43, $0x10;
	[tilespmem:v5+s2+$0x0] =	vst.idx.msk $0xffff, v39  }
0x230: {  	s25 =	sor.u32 s19, s3;
	v36 =	vadd.f32 v48, v47;
	v39 =	vshll.u32 v50, $0x10;
	[tilespmem:v0+s24+$0x0] =	vst.idx.msk $0xffff, v41;
	v41 =	vmul.f32 v52, v20  }
0x231: {  	v47 =	vadd.f32 v49, v51;
	v39 =	vmul.f32 v39, v28;
	v49 =	vshll.u32 v40, $0x10;
	v48 =	vld.idx.msk [tilespmem:v26+s13+$0x0], $0xffff  }
0x232: {  	v49 =	vmul.f32 v49, v15;
	[tilespmem:v0+s21+$0x0] =	vst.idx.msk $0xffff, v36;
	v36 =	vshll.u32 v45, $0x10;
	v41 =	vadd.f32 v43, v41  }
0x233: {  	v39 =	vadd.f32 v50, v39;
	v43 =	vld.idx.msk [tilespmem:v38+s13+$0x0], $0xffff;
	[tilespmem:v0+s20+$0x0] =	vst.idx.msk $0xffff, v47;
	v36 =	vmul.f32 v36, v14  }
0x234: {  	v50 =	vshll.u32 v46, $0x10;
	v40 =	vadd.f32 v40, v49;
	v47 =	vld.idx.msk [tilespmem:v22+s13+$0x0], $0xffff;
	[tilespmem:v4+s22+$0x0] =	vst.idx.msk $0xffff, v41;
	v41 =	vshll.u32 v32, $0x10  }
0x235: {  	[tilespmem:v0+s25+$0x0] =	vst.idx.msk $0xffff, v39;
	v39 =	vadd.f32 v45, v36;
	v45 =	vmul.f32 v50, v25;
	v49 =	vld.idx.msk [tilespmem:v19+s16+$0x0], $0xffff  }
0x236: {  	v51 =	vadd.f32 v34, v37;
	v36 =	vmul.f32 v44, v8;
	v50 =	vld.idx.msk [tilespmem:v21+s13+$0x0], $0xffff;
	[tilespmem:v3+s9+$0x0] =	vst.idx.msk $0xffff, v40  }
0x237: {  	v8 =	vmov v16;
	v34 =	vshll.u32 v48, $0x10;
	[tilespmem:v4+s7+$0x0] =	vst.idx.msk $0xffff, v39;
	v37 =	vadd.f32 v46, v45;
	v40 =	vld.idx.msk [tilespmem:v18+s15+$0x0], $0xffff  }
0x238: {  	v44 =	vmul.f32 v34, v29;
	v34 =	vmul.f32 v41, v31;
	v39 =	vld.idx.msk [tilespmem:v23+s16+$0x0], $0xffff;
	[tilespmem:v6+s0+$0x0] =	vst.idx.msk $0xffff, v27  }
0x239: {  	v16 =	vmov v25;
	v31 =	vshll.u32 v43, $0x10;
	v27 =	vadd.f32 v24, v35;
	[tilespmem:v4+s8+$0x0] =	vst.idx.msk $0xffff, v37;
	v37 =	vld.idx.msk [tilespmem:v11+s17+$0x0], $0xffff  }
0x23a: {  	v25 =	vmovc v42;
	v31 =	vmul.f32 v31, v30;
	v24 =	vshll.u32 v47, $0x10;
	v41 =	vadd.f32 v48, v44;
	v35 =	vld.idx.msk [tilespmem:v17+s16+$0x0], $0xffff  }
.Ltmp7:
0x23b: {  	v42 =	vmul.f32 v24, v25;
	v44 =	vshll.u32 v49, $0x10;
	v24 =	vld.idx.msk [tilespmem:v13+s18+$0x0], $0xffff;
	[tilespmem:v6+s4+$0x0] =	vst.idx.msk $0xffff, v51;
	v13 =	vmov v23;
	(pc) =	sbr.rel @p2 .LBB2_8-.Ltmp7, $4  }
0x23c: {  	v31 =	vadd.f32 v43, v31;
	v46 =	vshll.u32 v50, $0x10;
	v43 =	vmul.f32 v44, v20;
	[tilespmem:v1+s24+$0x0] =	vst.idx.msk $0xffff, v41  }
0x23d: {  	v23 =	vmovc v38;
	v44 =	vadd.f32 v47, v42;
	v45 =	vmul.f32 v46, v28;
	v42 =	vshll.u32 v40, $0x10;
	v41 =	vld.idx.msk [tilespmem:v26+s26+$0x0], $0xffff  }
0x23e: {  	v42 =	vmul.f32 v42, v15;
	v43 =	vadd.f32 v49, v43;
	[tilespmem:v1+s21+$0x0] =	vst.idx.msk $0xffff, v31;
	v31 =	vshll.u32 v39, $0x10  }
0x23f: {  	v38 =	vld.idx.msk [tilespmem:v38+s26+$0x0], $0xffff;
	[tilespmem:v1+s20+$0x0] =	vst.idx.msk $0xffff, v44;
	v44 =	vadd.f32 v50, v45;
	v31 =	vmul.f32 v31, v14  }
0x240: {  	_ =	sdelay $0x3  }
0x241: {  	v45 =	vld.idx.msk [tilespmem:v22+s26+$0x0], $0xffff;
	[tilespmem:v1+s25+$0x0] =	vst.idx.msk $0xffff, v44;
	v55 =	vshll.u32 v41, $0x10  }
0x242: {  	v46 =	vld.idx.msk [tilespmem:v21+s26+$0x0], $0xffff;
	v44 =	vmul.f32 v55, v29;
	_ =	sdelay $0x1  }
0x243: {  	v56 =	vadd.f32 v41, v44  }
0x244: {  	v57 =	vshll.u32 v38, $0x10  }
0x245: {  	v44 =	vmul.f32 v57, v30;
	v47 =	vshll.u32 v45, $0x10;
	[tilespmem:v2+s24+$0x0] =	vst.idx.msk $0xffff, v56  }
0x246: {  	v58 =	vmul.f32 v47, v25;
	v59 =	vshll.u32 v46, $0x10;
	v48 =	vld.idx.msk [tilespmem:v26+s14+$0x0], $0xffff  }
0x247: {  	v60 =	vadd.f32 v38, v44;
	v61 =	vmul.f32 v59, v28  }
0x248: {  	v41 =	vadd.f32 v45, v58  }
0x249: {  	[tilespmem:v2+s21+$0x0] =	vst.idx.msk $0xffff, v60;
	v62 =	vadd.f32 v46, v61  }
0x24a: {  	v63 =	vld.idx.msk [tilespmem:v23+s14+$0x0], $0xffff;
	[tilespmem:v2+s20+$0x0] =	vst.idx.msk $0xffff, v41  }
0x24b: {  	v41 =	vld.idx.msk [tilespmem:v22+s14+$0x0], $0xffff;
	[tilespmem:v2+s25+$0x0] =	vst.idx.msk $0xffff, v62;
	v52 =	vshll.u32 v48, $0x10  }
0x24c: {  	v54 =	vld.idx.msk [tilespmem:v21+s14+$0x0], $0xffff;
	v53 =	vmul.f32 v52, v29;
	_ =	sdelay $0x1  }
0x24d: {  	v38 =	vadd.f32 v48, v53  }
0x24e: {  	v55 =	vshll.u32 v63, $0x10  }
0x24f: {  	v46 =	vmul.f32 v55, v30;
	v56 =	vshll.u32 v41, $0x10;
	[tilespmem:v3+s24+$0x0] =	vst.idx.msk $0xffff, v38  }
0x250: {  	v57 =	vmul.f32 v56, v25;
	v59 =	vshll.u32 v54, $0x10;
	v58 =	vld.idx.msk [tilespmem:v26+s15+$0x0], $0xffff  }
0x251: {  	v44 =	vadd.f32 v63, v46;
	v60 =	vmul.f32 v59, v28  }
0x252: {  	v38 =	vadd.f32 v41, v57  }
0x253: {  	[tilespmem:v3+s21+$0x0] =	vst.idx.msk $0xffff, v44;
	v61 =	vadd.f32 v54, v60  }
0x254: {  	v44 =	vld.idx.msk [tilespmem:v23+s15+$0x0], $0xffff;
	[tilespmem:v3+s20+$0x0] =	vst.idx.msk $0xffff, v38  }
0x255: {  	v38 =	vld.idx.msk [tilespmem:v22+s15+$0x0], $0xffff;
	[tilespmem:v3+s25+$0x0] =	vst.idx.msk $0xffff, v61;
	v62 =	vshll.u32 v58, $0x10  }
0x256: {  	v48 =	vld.idx.msk [tilespmem:v21+s15+$0x0], $0xffff;
	v63 =	vmul.f32 v62, v29  }
0x257: {  	v40 =	vadd.f32 v40, v42  }
0x258: {  	[tilespmem:v5+s22+$0x0] =	vst.idx.msk $0xffff, v43;
	v41 =	vadd.f32 v58, v63  }
0x259: {  	v43 =	vld.idx.msk [tilespmem:v19+s17+$0x0], $0xffff;
	[tilespmem:v4+s9+$0x0] =	vst.idx.msk $0xffff, v40;
	v49 =	vshll.u32 v44, $0x10  }
0x25a: {  	v40 =	vld.idx.msk [tilespmem:v18+s16+$0x0], $0xffff;
	v50 =	vmul.f32 v49, v30;
	v51 =	vshll.u32 v38, $0x10;
	[tilespmem:v4+s24+$0x0] =	vst.idx.msk $0xffff, v41  }
0x25b: {  	v31 =	vadd.f32 v39, v31;
	v52 =	vmul.f32 v51, v25;
	v53 =	vshll.u32 v48, $0x10;
	v41 =	vld.idx.msk [tilespmem:v26+s16+$0x0], $0xffff  }
0x25c: {  	v55 =	vshll.u32 v37, $0x10;
	v42 =	vadd.f32 v44, v50;
	v46 =	vmul.f32 v53, v28  }
0x25d: {  	[tilespmem:v5+s7+$0x0] =	vst.idx.msk $0xffff, v31;
	v39 =	vmul.f32 v55, v12;
	v38 =	vadd.f32 v38, v52  }
0x25e: {  	[tilespmem:v4+s21+$0x0] =	vst.idx.msk $0xffff, v42;
	v45 =	vadd.f32 v48, v46  }
0x25f: {  	v56 =	vshll.u32 v43, $0x10;
	v63 =	vadd.f32 v37, v39;
	v57 =	vld.idx.msk [tilespmem:v23+s16+$0x0], $0xffff;
	[tilespmem:v4+s20+$0x0] =	vst.idx.msk $0xffff, v38  }
0x260: {  	v39 =	vshll.u32 v40, $0x10;
	v42 =	vmul.f32 v56, v20;
	v38 =	vld.idx.msk [tilespmem:v22+s16+$0x0], $0xffff;
	[tilespmem:v4+s25+$0x0] =	vst.idx.msk $0xffff, v45;
	v59 =	vshll.u32 v41, $0x10  }
0x261: {  	v54 =	vshll.u32 v35, $0x10;
	v31 =	vmul.f32 v39, v15;
	v62 =	vld.idx.msk [tilespmem:v21+s16+$0x0], $0xffff;
	v61 =	vmul.f32 v59, v29  }
0x262: {  	v33 =	vadd.f32 v33, v36;
	v44 =	vmul.f32 v54, v16;
	v60 =	vadd.f32 v43, v42  }
0x263: {  	[tilespmem:v7+s31+$0x0] =	vst.idx.msk $0xffff, v27;
	v31 =	vadd.f32 v40, v31;
	v42 =	vadd.f32 v41, v61  }
0x264: {  	v58 =	vadd.f32 v35, v44;
	v45 =	vld.idx.msk [tilespmem:v13+s17+$0x0], $0xffff;
	[tilespmem:v6+s22+$0x0] =	vst.idx.msk $0xffff, v60;
	v44 =	vshll.u32 v57, $0x10  }
0x265: {  	v19 =	vld.idx.msk [tilespmem:v19+s18+$0x0], $0xffff;
	v36 =	vmul.f32 v44, v30;
	v47 =	vshll.u32 v38, $0x10;
	[tilespmem:v5+s24+$0x0] =	vst.idx.msk $0xffff, v42  }
0x266: {  	[tilespmem:v5+s9+$0x0] =	vst.idx.msk $0xffff, v31;
	v48 =	vmul.f32 v47, v25;
	v50 =	vshll.u32 v62, $0x10;
	v49 =	vld.idx.msk [tilespmem:v26+s17+$0x0], $0xffff  }
0x267: {  	[tilespmem:v5+s8+$0x0] =	vst.idx.msk $0xffff, v58;
	v56 =	vld.idx.msk [tilespmem:v18+s17+$0x0], $0xffff;
	v51 =	vadd.f32 v57, v36;
	v52 =	vmul.f32 v50, v28  }
0x268: {  	v32 =	vadd.f32 v32, v34;
	[tilespmem:v6+s2+$0x0] =	vst.idx.msk $0xffff, v63;
	v53 =	vld.idx.msk [tilespmem:v17+s17+$0x0], $0xffff;
	v54 =	vadd.f32 v38, v48  }
0x269: {  	v10 =	vld.idx.msk [tilespmem:v10+s18+$0x0], $0xffff;
	v58 =	vshll.u32 v45, $0x10;
	[tilespmem:v5+s21+$0x0] =	vst.idx.msk $0xffff, v51;
	v57 =	vadd.f32 v62, v52  }
0x26a: {  	v61 =	vmul.f32 v58, v14;
	v55 =	vshll.u32 v19, $0x10;
	v60 =	vld.idx.msk [tilespmem:v23+s17+$0x0], $0xffff;
	[tilespmem:v5+s20+$0x0] =	vst.idx.msk $0xffff, v54  }
0x26b: {  	v59 =	vmul.f32 v55, v20;
	v62 =	vld.idx.msk [tilespmem:v22+s17+$0x0], $0xffff;
	[tilespmem:v5+s25+$0x0] =	vst.idx.msk $0xffff, v57;
	v63 =	vshll.u32 v49, $0x10  }
0x26c: {  	[tilespmem:v7+s29+$0x0] =	vst.idx.msk $0xffff, v33;
	v31 =	vadd.f32 v45, v61;
	v27 =	vld.idx.msk [tilespmem:v21+s17+$0x0], $0xffff;
	v40 =	vmul.f32 v63, v29  }
0x26d: {  	[tilespmem:v7+s30+$0x0] =	vst.idx.msk $0xffff, v32;
	v11 =	vld.idx.msk [tilespmem:v11+s18+$0x0], $0xffff;
	v43 =	vshll.u32 v56, $0x10;
	v41 =	vshll.u32 v53, $0x10;
	v19 =	vadd.f32 v19, v59  }
0x26e: {  	v44 =	vshll.u32 v24, $0x10;
	v42 =	vmul.f32 v41, v16;
	[tilespmem:v6+s7+$0x0] =	vst.idx.msk $0xffff, v31;
	v20 =	vadd.f32 v49, v40  }
0x26f: {  	v9 =	vmul.f32 v44, v9;
	v45 =	vmul.f32 v43, v15;
	[tilespmem:v7+s22+$0x0] =	vst.idx.msk $0xffff, v19;
	v46 =	vshll.u32 v60, $0x10  }
0x270: {  	v19 =	vadd.f32 v53, v42;
	v47 =	vshll.u32 v62, $0x10;
	v32 =	vmul.f32 v46, v30;
	[tilespmem:v6+s24+$0x0] =	vst.idx.msk $0xffff, v20  }
0x271: {  	v31 =	vadd.f32 v56, v45;
	v20 =	vmul.f32 v47, v25;
	v49 =	vshll.u32 v27, $0x10;
	v48 =	vld.idx.msk [tilespmem:v26+s18+$0x0], $0xffff  }
0x272: {  	v13 =	vld.idx.msk [tilespmem:v13+s18+$0x0], $0xffff;
	[tilespmem:v6+s8+$0x0] =	vst.idx.msk $0xffff, v19;
	v50 =	vadd.f32 v60, v32;
	v51 =	vmul.f32 v49, v28  }
0x273: {  	v9 =	vadd.f32 v24, v9;
	[tilespmem:v6+s9+$0x0] =	vst.idx.msk $0xffff, v31;
	v52 =	vld.idx.msk [tilespmem:v17+s18+$0x0], $0xffff;
	v20 =	vadd.f32 v62, v20  }
0x274: {  	v53 =	vshll.u32 v10, $0x10;
	v55 =	vld.idx.msk [tilespmem:v18+s18+$0x0], $0xffff;
	[tilespmem:v6+s21+$0x0] =	vst.idx.msk $0xffff, v50;
	v56 =	vadd.f32 v27, v51  }
0x275: {  	v54 =	vshll.u32 v11, $0x10;
	v8 =	vmul.f32 v53, v8;
	v57 =	vld.idx.msk [tilespmem:v23+s18+$0x0], $0xffff;
	[tilespmem:v6+s20+$0x0] =	vst.idx.msk $0xffff, v20  }
0x276: {  	v12 =	vmul.f32 v54, v12;
	v59 =	vld.idx.msk [tilespmem:v22+s18+$0x0], $0xffff;
	[tilespmem:v6+s25+$0x0] =	vst.idx.msk $0xffff, v56;
	v58 =	vshll.u32 v48, $0x10  }
0x277: {  	v8 =	vadd.f32 v10, v8;
	v60 =	vshll.u32 v13, $0x10;
	v61 =	vld.idx.msk [tilespmem:v21+s18+$0x0], $0xffff;
	v10 =	vmul.f32 v58, v29  }
0x278: {  	[tilespmem:v7+s0+$0x0] =	vst.idx.msk $0xffff, v9;
	v11 =	vadd.f32 v11, v12;
	v14 =	vmul.f32 v60, v14;
	v9 =	vshll.u32 v52, $0x10  }
0x279: {  	[tilespmem:v7+s4+$0x0] =	vst.idx.msk $0xffff, v8;
	v9 =	vmul.f32 v9, v16;
	v8 =	vadd.f32 v48, v10;
	v10 =	vshll.u32 v55, $0x10  }
0x27a: {  	[tilespmem:v7+s2+$0x0] =	vst.idx.msk $0xffff, v11;
	v11 =	vadd.f32 v13, v14;
	v12 =	vshll.u32 v57, $0x10;
	v10 =	vmul.f32 v10, v15  }
0x27b: {  	[tilespmem:v7+s24+$0x0] =	vst.idx.msk $0xffff, v8;
	v8 =	vadd.f32 v52, v9;
	v9 =	vmul.f32 v12, v30;
	v12 =	vshll.u32 v59, $0x10  }
0x27c: {  	[tilespmem:v7+s7+$0x0] =	vst.idx.msk $0xffff, v11;
	v11 =	vshll.u32 v61, $0x10;
	v10 =	vadd.f32 v55, v10;
	v12 =	vmul.f32 v12, v25  }
0x27d: {  	[tilespmem:v7+s8+$0x0] =	vst.idx.msk $0xffff, v8;
	v8 =	vmul.f32 v11, v28;
	v9 =	vadd.f32 v57, v9  }
0x27e: {  	[tilespmem:v7+s9+$0x0] =	vst.idx.msk $0xffff, v10;
	v10 =	vadd.f32 v59, v12  }
0x27f: {  	v8 =	vadd.f32 v61, v8;
	[tilespmem:v7+s21+$0x0] =	vst.idx.msk $0xffff, v9  }
0x280: {  	[tilespmem:v7+s20+$0x0] =	vst.idx.msk $0xffff, v10  }
0x281: {  	s0 =	simm.s32 @!p1 $0x2;
	[tilespmem:v7+s25+$0x0] =	vst.idx.msk $0xffff, v8  }
0x282: {  	_ =	swait.ge @!p1 [sflag:s0], $0x4800  }
0x283: {  	[sflag:s0] =	ssyncset.done @!p1 $0x0  }
0x284: {  	s1 =	simm.s32 $0xD08;
	[sflag:s0] =	ssyncadd.s32 @!p1 $0xFFFFB800  }
0x285: {  	v8 =	vld [tilespmem:s1+$0x0]  }
0x286: {  	v9 =	vld [tilespmem:s1+$0x10]  }
0x287: {  	v10 =	vld [tilespmem:s1+$0x70]  }
0x288: {  	v12 =	vld [tilespmem:s1+$0x20]  }
0x289: {  	v13 =	vld [tilespmem:s1+$0x30]  }
0x28a: {  	v14 =	vld [tilespmem:s1+$0x40]  }
0x28b: {  	s0 =	simm.s32 $0xA180;
	v15 =	vld [tilespmem:s1+$0x50]  }
0x28c: {  	v62 =	vld [tilespmem:s1+$0x60];
	[tilespmem:s0+$0x70] =	vst v10  }
0x28d: {  	v63 =	vld [tilespmem:s1+$0xFFFFFF88];
	[tilespmem:s0+$0x0] =	vst v8  }
0x28e: {  	v11 =	vld [tilespmem:s1+$0xFFFFFFA8];
	[tilespmem:s0+$0x10] =	vst v9  }
0x28f: {  	v10 =	vld [tilespmem:s1+$0xFFFFFF98];
	[tilespmem:s0+$0x20] =	vst v12  }
0x290: {  	v12 =	vld [tilespmem:s1+$0xFFFFFFB8];
	[tilespmem:s0+$0x30] =	vst v13  }
0x291: {  	v13 =	vld [tilespmem:s1+$0xFFFFFFC8];
	[tilespmem:s0+$0x40] =	vst v14  }
0x292: {  	v8 =	vld [tilespmem:s1+$0xFFFFFFD8];
	[tilespmem:s0+$0x50] =	vst v15  }
0x293: {  	v9 =	vld [tilespmem:s1+$0xFFFFFFE8];
	[tilespmem:s0+$0x60] =	vst v62  }
0x294: {  	s2 =	simm.s32 $0xE18;
	v14 =	vld [tilespmem:s1+$0xFFFFFF78];
	s1 =	simm.s32 $0x0;
	[tilespmem:s0+$0xFFFFFF90] =	vst v63  }
.LBB2_10:
0x295: {  	v15 =	vld [tilespmem:s2+$0x0];
	[tilespmem:s0+$0xFFFFFFA0] =	vst v10  }
0x296: {  	v16 =	vld [tilespmem:s2+$0x10];
	[tilespmem:s0+$0xFFFFFFB0] =	vst v11  }
0x297: {  	s1 =	sadd.s32 $0x2, s1;
	v10 =	vld [tilespmem:s2+$0x70];
	[tilespmem:s0+$0xFFFFFFC0] =	vst v12  }
0x298: {  	p1 =	slt.u32 s1, $0x8E;
	v12 =	vld [tilespmem:s2+$0x20];
	[tilespmem:s0+$0xFFFFFFD0] =	vst v13  }
0x299: {  	v13 =	vld [tilespmem:s2+$0x30];
	[tilespmem:s0+$0xFFFFFF80] =	vst v14  }
0x29a: {  	v14 =	vld [tilespmem:s2+$0x40];
	[tilespmem:s0+$0xFFFFFFE0] =	vst v8  }
0x29b: {  	v17 =	vld [tilespmem:s2+$0x50];
	[tilespmem:s0+$0xFFFFFFF0] =	vst v9;
	s0 =	sadd.s32 $0x100, s0  }
0x29c: {  	v18 =	vld [tilespmem:s2+$0x60];
	[tilespmem:s0+$0x70] =	vst v10  }
0x29d: {  	v19 =	vld [tilespmem:s2+$0xFFFFFF88];
	[tilespmem:s0+$0x0] =	vst v15  }
0x29e: {  	v10 =	vld [tilespmem:s2+$0xFFFFFF98];
	[tilespmem:s0+$0x10] =	vst v16  }
0x29f: {  	v11 =	vld [tilespmem:s2+$0xFFFFFFA8];
	[tilespmem:s0+$0x20] =	vst v12  }
.Ltmp8:
0x2a0: {  	v12 =	vld [tilespmem:s2+$0xFFFFFFB8];
	[tilespmem:s0+$0x30] =	vst v13;
	(pc) =	sbr.rel @p1 .LBB2_10-.Ltmp8, $4  }
0x2a1: {  	v13 =	vld [tilespmem:s2+$0xFFFFFFC8];
	[tilespmem:s0+$0x40] =	vst v14  }
0x2a2: {  	v8 =	vld [tilespmem:s2+$0xFFFFFFD8];
	[tilespmem:s0+$0x50] =	vst v17  }
0x2a3: {  	v9 =	vld [tilespmem:s2+$0xFFFFFFE8];
	[tilespmem:s0+$0x60] =	vst v18  }
0x2a4: {  	v14 =	vld [tilespmem:s2+$0xFFFFFF78];
	[tilespmem:s0+$0xFFFFFF90] =	vst v19;
	s2 =	sadd.s32 $0x110, s2  }
0x2a5: {  	[tilespmem:s0+$0xFFFFFFA0] =	vst v10  }
0x2a6: {  	[tilespmem:s0+$0xFFFFFFB0] =	vst v11  }
0x2a7: {  	[tilespmem:s0+$0xFFFFFFC0] =	vst v12  }
0x2a8: {  	[tilespmem:s0+$0xFFFFFFD0] =	vst v13  }
0x2a9: {  	[tilespmem:s0+$0xFFFFFFE0] =	vst v8  }
.Ltmp9:
0x2aa: {  	[tilespmem:s0+$0xFFFFFF80] =	vst v14;
	(pc) =	sbr.rel .LBB2_12-.Ltmp9, $4  }
0x2ab: {  	s1 =	rddreg [dreg:$0xb];
	[tilespmem:s0+$0xFFFFFFF0] =	vst v9  }
0x2ac: {  	s1 =	sshll.u32 s1, $0x4;
	s0 =	rddreg [dreg:$0x3]  }
0x2ad: {  	s31 =	simm.s32 $0xA100;
	s3 =	rddreg [dreg:$0x9];
	s0 =	sadd.s32 s0, s1  }
0x2ae: {  	[hbm4b:s0+s12] =	stream.linear.scatter [tilespmem:s31], [sflag:$0x2], $0x4800, $0x38;
	[tilespmem:$0xE900] =	vst v63  }
.LBB2_13:
0x2af: {  	s0 =	simm.s32 $0x1  }
0x2b0: {  	_ =	swait.ge [sflag:s0], $0x4800  }
.Ltmp10:
0x2b1: {  	[sflag:s0] =	ssyncset.done $0x0;
	(pc) =	sbr.rel @p0 .LBB2_17-.Ltmp10, $4  }
0x2b2: {  	s31 =	simm.s32 $0x2;
	[sflag:s0] =	ssyncadd.s32 $0xFFFFB800  }
0x2b3: {  	_ =	swait.ge [sflag:s31], $0x4800  }
0x2b4: {  	[sflag:s31] =	ssyncset.done $0x0  }
0x2b5: {  	s1 =	rddreg [dreg:$0x8];
	[sflag:s31] =	ssyncadd.s32 $0xFFFFB800  }
0x2b6: {  	s0 =	rddreg [dreg:$0x5];
	s1 =	simm.s32 $0xA80;
	s5 =	simm.s32 $0x3  }
0x2b7: {  	[tilespmem:s1], [sflag:$0x3] =	stream.linear.gather [hbm4b:s0+s12], $0x10, $0x38;
	[tilespmem:$0xE900] =	vst v63  }
0x2b8: {  	_ =	swait.ge [sflag:s5], $0x10  }
0x2b9: {  	[sflag:s5] =	ssyncset.done $0x0  }
0x2ba: {  	[sflag:s5] =	ssyncadd.s32 $0xFFFFFFF0  }
0x2bb: {  	v8 =	vld [tilespmem:$0xA80];
	_ =	sdelay $0x4  }
0x2bc: {  	v9 =	vmul.f32 $4.000000000e+00, v8;
	_ =	sdelay $0x1  }
0x2bd: {  	v10 =	vtrunc.f32 v9  }
0x2be: {  	v10 =	vcvt.f32.s32 v10;
	_ =	sdelay $0x5  }
0x2bf: {  	v11 =	vld.idx.msk [tilespmem:v10+s12+$0x0], $0xffff;
	_ =	sdelay $0x1  }
0x2c0: {  	v12 =	vcvt.s32.f32 v10;
	_ =	sdelay $0x1  }
0x2c1: {  	v9 =	vsub.f32 v9, v12  }
0x2c2: {  	v12 =	vshll.u32 v11, $0x10  }
0x2c3: {  	v12 =	vmul.f32 v12, v9;
	_ =	sdelay $0x1  }
0x2c4: {  	v11 =	vadd.f32 v11, v12  }
0x2c5: {  	s6 =	simm.s32 $0xC80  }
0x2c6: {  	[tilespmem:v0+s6+$0x0] =	vst.idx.msk $0xffff, v11  }
0x2c7: {  	v11 =	vld.idx.msk [tilespmem:v10+s13+$0x0], $0xffff;
	_ =	sdelay $0x4  }
0x2c8: {  	v12 =	vshll.u32 v11, $0x10  }
0x2c9: {  	v12 =	vmul.f32 v12, v9;
	_ =	sdelay $0x1  }
0x2ca: {  	v11 =	vadd.f32 v11, v12;
	_ =	sdelay $0x1  }
0x2cb: {  	[tilespmem:v1+s6+$0x0] =	vst.idx.msk $0xffff, v11  }
0x2cc: {  	v11 =	vld.idx.msk [tilespmem:v10+s26+$0x0], $0xffff;
	_ =	sdelay $0x4  }
0x2cd: {  	v12 =	vshll.u32 v11, $0x10  }
0x2ce: {  	v12 =	vmul.f32 v12, v9;
	_ =	sdelay $0x1  }
0x2cf: {  	v11 =	vadd.f32 v11, v12;
	_ =	sdelay $0x1  }
0x2d0: {  	[tilespmem:v2+s6+$0x0] =	vst.idx.msk $0xffff, v11  }
0x2d1: {  	v11 =	vld.idx.msk [tilespmem:v10+s14+$0x0], $0xffff;
	_ =	sdelay $0x4  }
0x2d2: {  	v12 =	vshll.u32 v11, $0x10  }
0x2d3: {  	v12 =	vmul.f32 v12, v9;
	_ =	sdelay $0x1  }
0x2d4: {  	v11 =	vadd.f32 v11, v12;
	_ =	sdelay $0x1  }
0x2d5: {  	[tilespmem:v3+s6+$0x0] =	vst.idx.msk $0xffff, v11  }
0x2d6: {  	v11 =	vld.idx.msk [tilespmem:v10+s15+$0x0], $0xffff;
	_ =	sdelay $0x4  }
0x2d7: {  	v12 =	vshll.u32 v11, $0x10  }
0x2d8: {  	v12 =	vmul.f32 v12, v9;
	_ =	sdelay $0x1  }
0x2d9: {  	v11 =	vadd.f32 v11, v12;
	_ =	sdelay $0x1  }
0x2da: {  	[tilespmem:v4+s6+$0x0] =	vst.idx.msk $0xffff, v11  }
0x2db: {  	v11 =	vld.idx.msk [tilespmem:v10+s16+$0x0], $0xffff;
	_ =	sdelay $0x4  }
0x2dc: {  	v12 =	vshll.u32 v11, $0x10  }
0x2dd: {  	v12 =	vmul.f32 v12, v9;
	_ =	sdelay $0x1  }
0x2de: {  	v11 =	vadd.f32 v11, v12;
	_ =	sdelay $0x1  }
0x2df: {  	[tilespmem:v5+s6+$0x0] =	vst.idx.msk $0xffff, v11  }
0x2e0: {  	v11 =	vld.idx.msk [tilespmem:v10+s17+$0x0], $0xffff;
	_ =	sdelay $0x4  }
0x2e1: {  	v12 =	vshll.u32 v11, $0x10  }
0x2e2: {  	v12 =	vmul.f32 v12, v9;
	_ =	sdelay $0x1  }
0x2e3: {  	v11 =	vadd.f32 v11, v12;
	_ =	sdelay $0x1  }
0x2e4: {  	[tilespmem:v6+s6+$0x0] =	vst.idx.msk $0xffff, v11  }
0x2e5: {  	v10 =	vld.idx.msk [tilespmem:v10+s18+$0x0], $0xffff  }
0x2e6: {  	v11 =	vmul.f32 $6.000000000e+00, v8;
	_ =	sdelay $0x1  }
0x2e7: {  	v12 =	vtrunc.f32 v11  }
0x2e8: {  	v12 =	vcvt.f32.s32 v12  }
0x2e9: {  	v13 =	vshll.u32 v10, $0x10  }
0x2ea: {  	v9 =	vmul.f32 v13, v9;
	v13 =	vadd.s32 $0x5, v12;
	_ =	sdelay $0x1  }
0x2eb: {  	v9 =	vadd.f32 v10, v9;
	_ =	sdelay $0x1  }
0x2ec: {  	[tilespmem:v7+s6+$0x0] =	vst.idx.msk $0xffff, v9  }
0x2ed: {  	v9 =	vld.idx.msk [tilespmem:v13+s12+$0x0], $0xffff;
	_ =	sdelay $0x1  }
0x2ee: {  	v10 =	vcvt.s32.f32 v12;
	_ =	sdelay $0x1  }
0x2ef: {  	v10 =	vsub.f32 v11, v10  }
0x2f0: {  	v11 =	vshll.u32 v9, $0x10  }
0x2f1: {  	v11 =	vmul.f32 v11, v10;
	_ =	sdelay $0x1  }
0x2f2: {  	v9 =	vadd.f32 v9, v11  }
0x2f3: {  	s7 =	simm.s32 $0xC88  }
0x2f4: {  	[tilespmem:v0+s7+$0x0] =	vst.idx.msk $0xffff, v9  }
0x2f5: {  	v9 =	vld.idx.msk [tilespmem:v13+s13+$0x0], $0xffff;
	_ =	sdelay $0x4  }
0x2f6: {  	v11 =	vshll.u32 v9, $0x10  }
0x2f7: {  	v11 =	vmul.f32 v11, v10;
	_ =	sdelay $0x1  }
0x2f8: {  	v9 =	vadd.f32 v9, v11;
	_ =	sdelay $0x1  }
0x2f9: {  	[tilespmem:v1+s7+$0x0] =	vst.idx.msk $0xffff, v9  }
0x2fa: {  	v9 =	vld.idx.msk [tilespmem:v13+s26+$0x0], $0xffff;
	_ =	sdelay $0x4  }
0x2fb: {  	v11 =	vshll.u32 v9, $0x10  }
0x2fc: {  	v11 =	vmul.f32 v11, v10;
	_ =	sdelay $0x1  }
0x2fd: {  	v9 =	vadd.f32 v9, v11;
	_ =	sdelay $0x1  }
0x2fe: {  	[tilespmem:v2+s7+$0x0] =	vst.idx.msk $0xffff, v9  }
0x2ff: {  	v9 =	vld.idx.msk [tilespmem:v13+s14+$0x0], $0xffff;
	_ =	sdelay $0x4  }
0x300: {  	v11 =	vshll.u32 v9, $0x10  }
0x301: {  	v11 =	vmul.f32 v11, v10;
	_ =	sdelay $0x1  }
0x302: {  	v9 =	vadd.f32 v9, v11;
	_ =	sdelay $0x1  }
0x303: {  	[tilespmem:v3+s7+$0x0] =	vst.idx.msk $0xffff, v9  }
0x304: {  	v9 =	vld.idx.msk [tilespmem:v13+s15+$0x0], $0xffff;
	_ =	sdelay $0x4  }
0x305: {  	v11 =	vshll.u32 v9, $0x10  }
0x306: {  	v11 =	vmul.f32 v11, v10;
	_ =	sdelay $0x1  }
0x307: {  	v9 =	vadd.f32 v9, v11;
	_ =	sdelay $0x1  }
0x308: {  	[tilespmem:v4+s7+$0x0] =	vst.idx.msk $0xffff, v9  }
0x309: {  	v9 =	vld.idx.msk [tilespmem:v13+s16+$0x0], $0xffff;
	_ =	sdelay $0x4  }
0x30a: {  	v11 =	vshll.u32 v9, $0x10  }
0x30b: {  	v11 =	vmul.f32 v11, v10;
	_ =	sdelay $0x1  }
0x30c: {  	v9 =	vadd.f32 v9, v11;
	_ =	sdelay $0x1  }
0x30d: {  	[tilespmem:v5+s7+$0x0] =	vst.idx.msk $0xffff, v9  }
0x30e: {  	v9 =	vld.idx.msk [tilespmem:v13+s17+$0x0], $0xffff;
	_ =	sdelay $0x4  }
0x30f: {  	v11 =	vshll.u32 v9, $0x10  }
0x310: {  	v11 =	vmul.f32 v11, v10;
	_ =	sdelay $0x1  }
0x311: {  	v9 =	vadd.f32 v9, v11;
	_ =	sdelay $0x1  }
0x312: {  	[tilespmem:v6+s7+$0x0] =	vst.idx.msk $0xffff, v9  }
0x313: {  	v9 =	vld.idx.msk [tilespmem:v13+s18+$0x0], $0xffff  }
0x314: {  	v11 =	vmul.f32 $8.000000000e+00, v8;
	_ =	sdelay $0x1  }
0x315: {  	v12 =	vtrunc.f32 v11  }
0x316: {  	v12 =	vcvt.f32.s32 v12  }
0x317: {  	v13 =	vshll.u32 v9, $0x10  }
0x318: {  	v10 =	vmul.f32 v13, v10;
	v13 =	vadd.s32 $0xC, v12;
	_ =	sdelay $0x1  }
0x319: {  	v9 =	vadd.f32 v9, v10;
	_ =	sdelay $0x1  }
0x31a: {  	[tilespmem:v7+s7+$0x0] =	vst.idx.msk $0xffff, v9  }
0x31b: {  	v9 =	vld.idx.msk [tilespmem:v13+s12+$0x0], $0xffff;
	_ =	sdelay $0x1  }
0x31c: {  	v10 =	vcvt.s32.f32 v12;
	_ =	sdelay $0x1  }
0x31d: {  	v10 =	vsub.f32 v11, v10  }
0x31e: {  	v11 =	vshll.u32 v9, $0x10  }
0x31f: {  	v11 =	vmul.f32 v11, v10;
	_ =	sdelay $0x1  }
0x320: {  	v9 =	vadd.f32 v9, v11  }
0x321: {  	s8 =	simm.s32 $0xC90  }
0x322: {  	[tilespmem:v0+s8+$0x0] =	vst.idx.msk $0xffff, v9  }
0x323: {  	v9 =	vld.idx.msk [tilespmem:v13+s13+$0x0], $0xffff;
	_ =	sdelay $0x4  }
0x324: {  	v11 =	vshll.u32 v9, $0x10  }
0x325: {  	v11 =	vmul.f32 v11, v10;
	_ =	sdelay $0x1  }
0x326: {  	v9 =	vadd.f32 v9, v11;
	_ =	sdelay $0x1  }
0x327: {  	[tilespmem:v1+s8+$0x0] =	vst.idx.msk $0xffff, v9  }
0x328: {  	v9 =	vld.idx.msk [tilespmem:v13+s26+$0x0], $0xffff;
	_ =	sdelay $0x4  }
0x329: {  	v11 =	vshll.u32 v9, $0x10  }
0x32a: {  	v11 =	vmul.f32 v11, v10;
	_ =	sdelay $0x1  }
0x32b: {  	v9 =	vadd.f32 v9, v11;
	_ =	sdelay $0x1  }
0x32c: {  	[tilespmem:v2+s8+$0x0] =	vst.idx.msk $0xffff, v9  }
0x32d: {  	v9 =	vld.idx.msk [tilespmem:v13+s14+$0x0], $0xffff;
	_ =	sdelay $0x4  }
0x32e: {  	v11 =	vshll.u32 v9, $0x10  }
0x32f: {  	v11 =	vmul.f32 v11, v10;
	_ =	sdelay $0x1  }
0x330: {  	v9 =	vadd.f32 v9, v11;
	_ =	sdelay $0x1  }
0x331: {  	[tilespmem:v3+s8+$0x0] =	vst.idx.msk $0xffff, v9  }
0x332: {  	v9 =	vld.idx.msk [tilespmem:v13+s15+$0x0], $0xffff;
	_ =	sdelay $0x4  }
0x333: {  	v11 =	vshll.u32 v9, $0x10  }
0x334: {  	v11 =	vmul.f32 v11, v10;
	_ =	sdelay $0x1  }
0x335: {  	v9 =	vadd.f32 v9, v11;
	_ =	sdelay $0x1  }
0x336: {  	[tilespmem:v4+s8+$0x0] =	vst.idx.msk $0xffff, v9  }
0x337: {  	v9 =	vld.idx.msk [tilespmem:v13+s16+$0x0], $0xffff;
	_ =	sdelay $0x4  }
0x338: {  	v11 =	vshll.u32 v9, $0x10  }
0x339: {  	v11 =	vmul.f32 v11, v10;
	_ =	sdelay $0x1  }
0x33a: {  	v9 =	vadd.f32 v9, v11;
	_ =	sdelay $0x1  }
0x33b: {  	[tilespmem:v5+s8+$0x0] =	vst.idx.msk $0xffff, v9  }
0x33c: {  	v9 =	vld.idx.msk [tilespmem:v13+s17+$0x0], $0xffff;
	_ =	sdelay $0x4  }
0x33d: {  	v11 =	vshll.u32 v9, $0x10  }
0x33e: {  	v11 =	vmul.f32 v11, v10;
	_ =	sdelay $0x1  }
0x33f: {  	v9 =	vadd.f32 v9, v11;
	_ =	sdelay $0x1  }
0x340: {  	[tilespmem:v6+s8+$0x0] =	vst.idx.msk $0xffff, v9  }
0x341: {  	v9 =	vld.idx.msk [tilespmem:v13+s18+$0x0], $0xffff  }
0x342: {  	v11 =	vmul.f32 $1.000000000e+01, v8;
	_ =	sdelay $0x1  }
0x343: {  	v12 =	vtrunc.f32 v11  }
0x344: {  	v12 =	vcvt.f32.s32 v12  }
0x345: {  	v13 =	vshll.u32 v9, $0x10  }
0x346: {  	v10 =	vmul.f32 v13, v10;
	v13 =	vadd.s32 $0x15, v12;
	_ =	sdelay $0x1  }
0x347: {  	v9 =	vadd.f32 v9, v10;
	_ =	sdelay $0x1  }
0x348: {  	[tilespmem:v7+s8+$0x0] =	vst.idx.msk $0xffff, v9  }
0x349: {  	v9 =	vld.idx.msk [tilespmem:v13+s12+$0x0], $0xffff;
	_ =	sdelay $0x1  }
0x34a: {  	v10 =	vcvt.s32.f32 v12;
	_ =	sdelay $0x1  }
0x34b: {  	v10 =	vsub.f32 v11, v10  }
0x34c: {  	v11 =	vshll.u32 v9, $0x10  }
0x34d: {  	v11 =	vmul.f32 v11, v10;
	_ =	sdelay $0x1  }
0x34e: {  	v9 =	vadd.f32 v9, v11  }
0x34f: {  	s9 =	simm.s32 $0xC98  }
0x350: {  	[tilespmem:v0+s9+$0x0] =	vst.idx.msk $0xffff, v9  }
0x351: {  	v9 =	vld.idx.msk [tilespmem:v13+s13+$0x0], $0xffff;
	_ =	sdelay $0x4  }
0x352: {  	v11 =	vshll.u32 v9, $0x10  }
0x353: {  	v11 =	vmul.f32 v11, v10;
	_ =	sdelay $0x1  }
0x354: {  	v9 =	vadd.f32 v9, v11;
	_ =	sdelay $0x1  }
0x355: {  	[tilespmem:v1+s9+$0x0] =	vst.idx.msk $0xffff, v9  }
0x356: {  	v9 =	vld.idx.msk [tilespmem:v13+s26+$0x0], $0xffff;
	_ =	sdelay $0x4  }
0x357: {  	v11 =	vshll.u32 v9, $0x10  }
0x358: {  	v11 =	vmul.f32 v11, v10;
	_ =	sdelay $0x1  }
0x359: {  	v9 =	vadd.f32 v9, v11;
	_ =	sdelay $0x1  }
0x35a: {  	[tilespmem:v2+s9+$0x0] =	vst.idx.msk $0xffff, v9  }
0x35b: {  	v9 =	vld.idx.msk [tilespmem:v13+s14+$0x0], $0xffff;
	_ =	sdelay $0x4  }
0x35c: {  	v11 =	vshll.u32 v9, $0x10  }
0x35d: {  	v11 =	vmul.f32 v11, v10;
	_ =	sdelay $0x1  }
0x35e: {  	v9 =	vadd.f32 v9, v11;
	_ =	sdelay $0x1  }
0x35f: {  	[tilespmem:v3+s9+$0x0] =	vst.idx.msk $0xffff, v9  }
0x360: {  	v9 =	vld.idx.msk [tilespmem:v13+s15+$0x0], $0xffff;
	_ =	sdelay $0x4  }
0x361: {  	v11 =	vshll.u32 v9, $0x10  }
0x362: {  	v11 =	vmul.f32 v11, v10;
	_ =	sdelay $0x1  }
0x363: {  	v9 =	vadd.f32 v9, v11;
	_ =	sdelay $0x1  }
0x364: {  	[tilespmem:v4+s9+$0x0] =	vst.idx.msk $0xffff, v9  }
0x365: {  	v9 =	vld.idx.msk [tilespmem:v13+s16+$0x0], $0xffff;
	_ =	sdelay $0x4  }
0x366: {  	v11 =	vshll.u32 v9, $0x10  }
0x367: {  	v11 =	vmul.f32 v11, v10;
	_ =	sdelay $0x1  }
0x368: {  	v9 =	vadd.f32 v9, v11;
	_ =	sdelay $0x1  }
0x369: {  	[tilespmem:v5+s9+$0x0] =	vst.idx.msk $0xffff, v9  }
0x36a: {  	v9 =	vld.idx.msk [tilespmem:v13+s17+$0x0], $0xffff;
	_ =	sdelay $0x4  }
0x36b: {  	v11 =	vshll.u32 v9, $0x10  }
0x36c: {  	v11 =	vmul.f32 v11, v10;
	_ =	sdelay $0x1  }
0x36d: {  	v9 =	vadd.f32 v9, v11;
	_ =	sdelay $0x1  }
0x36e: {  	[tilespmem:v6+s9+$0x0] =	vst.idx.msk $0xffff, v9  }
0x36f: {  	v9 =	vld.idx.msk [tilespmem:v13+s18+$0x0], $0xffff  }
0x370: {  	v11 =	vmul.f32 $1.200000000e+01, v8;
	_ =	sdelay $0x1  }
0x371: {  	v12 =	vtrunc.f32 v11  }
0x372: {  	v12 =	vcvt.f32.s32 v12  }
0x373: {  	v13 =	vshll.u32 v9, $0x10  }
0x374: {  	v10 =	vmul.f32 v13, v10;
	v13 =	vadd.s32 $0x20, v12;
	_ =	sdelay $0x1  }
0x375: {  	v9 =	vadd.f32 v9, v10;
	_ =	sdelay $0x1  }
0x376: {  	[tilespmem:v7+s9+$0x0] =	vst.idx.msk $0xffff, v9  }
0x377: {  	v9 =	vld.idx.msk [tilespmem:v13+s12+$0x0], $0xffff;
	_ =	sdelay $0x1  }
0x378: {  	v10 =	vcvt.s32.f32 v12;
	_ =	sdelay $0x1  }
0x379: {  	v10 =	vsub.f32 v11, v10  }
0x37a: {  	v11 =	vshll.u32 v9, $0x10  }
0x37b: {  	v11 =	vmul.f32 v11, v10;
	_ =	sdelay $0x1  }
0x37c: {  	v9 =	vadd.f32 v9, v11  }
0x37d: {  	s10 =	simm.s32 $0xCA0  }
0x37e: {  	[tilespmem:v0+s10+$0x0] =	vst.idx.msk $0xffff, v9  }
0x37f: {  	v9 =	vld.idx.msk [tilespmem:v13+s13+$0x0], $0xffff;
	_ =	sdelay $0x4  }
0x380: {  	v11 =	vshll.u32 v9, $0x10  }
0x381: {  	v11 =	vmul.f32 v11, v10;
	_ =	sdelay $0x1  }
0x382: {  	v9 =	vadd.f32 v9, v11;
	_ =	sdelay $0x1  }
0x383: {  	[tilespmem:v1+s10+$0x0] =	vst.idx.msk $0xffff, v9  }
0x384: {  	v9 =	vld.idx.msk [tilespmem:v13+s26+$0x0], $0xffff;
	_ =	sdelay $0x4  }
0x385: {  	v11 =	vshll.u32 v9, $0x10  }
0x386: {  	v11 =	vmul.f32 v11, v10;
	_ =	sdelay $0x1  }
0x387: {  	v9 =	vadd.f32 v9, v11;
	_ =	sdelay $0x1  }
0x388: {  	[tilespmem:v2+s10+$0x0] =	vst.idx.msk $0xffff, v9  }
0x389: {  	v9 =	vld.idx.msk [tilespmem:v13+s14+$0x0], $0xffff;
	_ =	sdelay $0x4  }
0x38a: {  	v11 =	vshll.u32 v9, $0x10  }
0x38b: {  	v11 =	vmul.f32 v11, v10;
	_ =	sdelay $0x1  }
0x38c: {  	v9 =	vadd.f32 v9, v11;
	_ =	sdelay $0x1  }
0x38d: {  	[tilespmem:v3+s10+$0x0] =	vst.idx.msk $0xffff, v9  }
0x38e: {  	v9 =	vld.idx.msk [tilespmem:v13+s15+$0x0], $0xffff;
	_ =	sdelay $0x4  }
0x38f: {  	v11 =	vshll.u32 v9, $0x10  }
0x390: {  	v11 =	vmul.f32 v11, v10;
	_ =	sdelay $0x1  }
0x391: {  	v9 =	vadd.f32 v9, v11;
	_ =	sdelay $0x1  }
0x392: {  	[tilespmem:v4+s10+$0x0] =	vst.idx.msk $0xffff, v9  }
0x393: {  	v9 =	vld.idx.msk [tilespmem:v13+s16+$0x0], $0xffff;
	_ =	sdelay $0x4  }
0x394: {  	v11 =	vshll.u32 v9, $0x10  }
0x395: {  	v11 =	vmul.f32 v11, v10;
	_ =	sdelay $0x1  }
0x396: {  	v9 =	vadd.f32 v9, v11;
	_ =	sdelay $0x1  }
0x397: {  	[tilespmem:v5+s10+$0x0] =	vst.idx.msk $0xffff, v9  }
0x398: {  	v9 =	vld.idx.msk [tilespmem:v13+s17+$0x0], $0xffff;
	_ =	sdelay $0x4  }
0x399: {  	v11 =	vshll.u32 v9, $0x10  }
0x39a: {  	v11 =	vmul.f32 v11, v10;
	_ =	sdelay $0x1  }
0x39b: {  	v9 =	vadd.f32 v9, v11;
	_ =	sdelay $0x1  }
0x39c: {  	[tilespmem:v6+s10+$0x0] =	vst.idx.msk $0xffff, v9  }
0x39d: {  	v9 =	vld.idx.msk [tilespmem:v13+s18+$0x0], $0xffff  }
0x39e: {  	v11 =	vmul.f32 $1.400000000e+01, v8;
	_ =	sdelay $0x1  }
0x39f: {  	v12 =	vtrunc.f32 v11  }
0x3a0: {  	v12 =	vcvt.f32.s32 v12  }
0x3a1: {  	v13 =	vshll.u32 v9, $0x10  }
0x3a2: {  	v10 =	vmul.f32 v13, v10;
	v13 =	vadd.s32 $0x2D, v12;
	_ =	sdelay $0x1  }
0x3a3: {  	v9 =	vadd.f32 v9, v10;
	_ =	sdelay $0x1  }
0x3a4: {  	[tilespmem:v7+s10+$0x0] =	vst.idx.msk $0xffff, v9  }
0x3a5: {  	v9 =	vld.idx.msk [tilespmem:v13+s12+$0x0], $0xffff;
	_ =	sdelay $0x1  }
0x3a6: {  	v10 =	vcvt.s32.f32 v12;
	_ =	sdelay $0x1  }
0x3a7: {  	v10 =	vsub.f32 v11, v10  }
0x3a8: {  	v11 =	vshll.u32 v9, $0x10  }
0x3a9: {  	v11 =	vmul.f32 v11, v10;
	_ =	sdelay $0x1  }
0x3aa: {  	v9 =	vadd.f32 v9, v11  }
0x3ab: {  	s11 =	simm.s32 $0xCA8  }
0x3ac: {  	[tilespmem:v0+s11+$0x0] =	vst.idx.msk $0xffff, v9  }
0x3ad: {  	v9 =	vld.idx.msk [tilespmem:v13+s13+$0x0], $0xffff;
	_ =	sdelay $0x4  }
0x3ae: {  	v11 =	vshll.u32 v9, $0x10  }
0x3af: {  	v11 =	vmul.f32 v11, v10;
	_ =	sdelay $0x1  }
0x3b0: {  	v9 =	vadd.f32 v9, v11;
	_ =	sdelay $0x1  }
0x3b1: {  	[tilespmem:v1+s11+$0x0] =	vst.idx.msk $0xffff, v9  }
0x3b2: {  	v9 =	vld.idx.msk [tilespmem:v13+s26+$0x0], $0xffff;
	_ =	sdelay $0x4  }
0x3b3: {  	v11 =	vshll.u32 v9, $0x10  }
0x3b4: {  	v11 =	vmul.f32 v11, v10;
	_ =	sdelay $0x1  }
0x3b5: {  	v9 =	vadd.f32 v9, v11;
	_ =	sdelay $0x1  }
0x3b6: {  	[tilespmem:v2+s11+$0x0] =	vst.idx.msk $0xffff, v9  }
0x3b7: {  	v9 =	vld.idx.msk [tilespmem:v13+s14+$0x0], $0xffff;
	_ =	sdelay $0x4  }
0x3b8: {  	v11 =	vshll.u32 v9, $0x10  }
0x3b9: {  	v11 =	vmul.f32 v11, v10;
	_ =	sdelay $0x1  }
0x3ba: {  	v9 =	vadd.f32 v9, v11;
	_ =	sdelay $0x1  }
0x3bb: {  	[tilespmem:v3+s11+$0x0] =	vst.idx.msk $0xffff, v9  }
0x3bc: {  	v9 =	vld.idx.msk [tilespmem:v13+s15+$0x0], $0xffff;
	_ =	sdelay $0x4  }
0x3bd: {  	v11 =	vshll.u32 v9, $0x10  }
0x3be: {  	v11 =	vmul.f32 v11, v10;
	_ =	sdelay $0x1  }
0x3bf: {  	v9 =	vadd.f32 v9, v11;
	_ =	sdelay $0x1  }
0x3c0: {  	[tilespmem:v4+s11+$0x0] =	vst.idx.msk $0xffff, v9  }
0x3c1: {  	v9 =	vld.idx.msk [tilespmem:v13+s16+$0x0], $0xffff;
	_ =	sdelay $0x4  }
0x3c2: {  	v11 =	vshll.u32 v9, $0x10  }
0x3c3: {  	v11 =	vmul.f32 v11, v10;
	_ =	sdelay $0x1  }
0x3c4: {  	v9 =	vadd.f32 v9, v11;
	_ =	sdelay $0x1  }
0x3c5: {  	[tilespmem:v5+s11+$0x0] =	vst.idx.msk $0xffff, v9  }
0x3c6: {  	v9 =	vld.idx.msk [tilespmem:v13+s17+$0x0], $0xffff;
	_ =	sdelay $0x4  }
0x3c7: {  	v11 =	vshll.u32 v9, $0x10  }
0x3c8: {  	v11 =	vmul.f32 v11, v10;
	_ =	sdelay $0x1  }
0x3c9: {  	v9 =	vadd.f32 v9, v11;
	_ =	sdelay $0x1  }
0x3ca: {  	[tilespmem:v6+s11+$0x0] =	vst.idx.msk $0xffff, v9  }
0x3cb: {  	v9 =	vld.idx.msk [tilespmem:v13+s18+$0x0], $0xffff  }
0x3cc: {  	v11 =	vmul.f32 $1.600000000e+01, v8;
	_ =	sdelay $0x1  }
0x3cd: {  	v12 =	vtrunc.f32 v11  }
0x3ce: {  	v12 =	vcvt.f32.s32 v12  }
0x3cf: {  	v13 =	vshll.u32 v9, $0x10  }
0x3d0: {  	v10 =	vmul.f32 v13, v10;
	v13 =	vadd.s32 $0x3C, v12;
	_ =	sdelay $0x1  }
0x3d1: {  	v9 =	vadd.f32 v9, v10;
	_ =	sdelay $0x1  }
0x3d2: {  	[tilespmem:v7+s11+$0x0] =	vst.idx.msk $0xffff, v9  }
0x3d3: {  	v9 =	vld.idx.msk [tilespmem:v13+s12+$0x0], $0xffff;
	_ =	sdelay $0x1  }
0x3d4: {  	v10 =	vcvt.s32.f32 v12;
	_ =	sdelay $0x1  }
0x3d5: {  	v10 =	vsub.f32 v11, v10  }
0x3d6: {  	v11 =	vshll.u32 v9, $0x10  }
0x3d7: {  	v11 =	vmul.f32 v11, v10;
	_ =	sdelay $0x1  }
0x3d8: {  	v9 =	vadd.f32 v9, v11  }
0x3d9: {  	s19 =	simm.s32 $0xCB0  }
0x3da: {  	[tilespmem:v0+s19+$0x0] =	vst.idx.msk $0xffff, v9  }
0x3db: {  	v9 =	vld.idx.msk [tilespmem:v13+s13+$0x0], $0xffff;
	_ =	sdelay $0x4  }
0x3dc: {  	v11 =	vshll.u32 v9, $0x10  }
0x3dd: {  	v11 =	vmul.f32 v11, v10;
	_ =	sdelay $0x1  }
0x3de: {  	v9 =	vadd.f32 v9, v11;
	_ =	sdelay $0x1  }
0x3df: {  	[tilespmem:v1+s19+$0x0] =	vst.idx.msk $0xffff, v9  }
0x3e0: {  	v9 =	vld.idx.msk [tilespmem:v13+s26+$0x0], $0xffff;
	_ =	sdelay $0x4  }
0x3e1: {  	v11 =	vshll.u32 v9, $0x10  }
0x3e2: {  	v11 =	vmul.f32 v11, v10;
	_ =	sdelay $0x1  }
0x3e3: {  	v9 =	vadd.f32 v9, v11;
	_ =	sdelay $0x1  }
0x3e4: {  	[tilespmem:v2+s19+$0x0] =	vst.idx.msk $0xffff, v9  }
0x3e5: {  	v9 =	vld.idx.msk [tilespmem:v13+s14+$0x0], $0xffff;
	_ =	sdelay $0x4  }
0x3e6: {  	v11 =	vshll.u32 v9, $0x10  }
0x3e7: {  	v11 =	vmul.f32 v11, v10;
	_ =	sdelay $0x1  }
0x3e8: {  	v9 =	vadd.f32 v9, v11;
	_ =	sdelay $0x1  }
0x3e9: {  	[tilespmem:v3+s19+$0x0] =	vst.idx.msk $0xffff, v9  }
0x3ea: {  	v9 =	vld.idx.msk [tilespmem:v13+s15+$0x0], $0xffff;
	_ =	sdelay $0x4  }
0x3eb: {  	v11 =	vshll.u32 v9, $0x10  }
0x3ec: {  	v11 =	vmul.f32 v11, v10;
	_ =	sdelay $0x1  }
0x3ed: {  	v9 =	vadd.f32 v9, v11;
	_ =	sdelay $0x1  }
0x3ee: {  	[tilespmem:v4+s19+$0x0] =	vst.idx.msk $0xffff, v9  }
0x3ef: {  	v9 =	vld.idx.msk [tilespmem:v13+s16+$0x0], $0xffff;
	_ =	sdelay $0x4  }
0x3f0: {  	v11 =	vshll.u32 v9, $0x10  }
0x3f1: {  	v11 =	vmul.f32 v11, v10;
	_ =	sdelay $0x1  }
0x3f2: {  	v9 =	vadd.f32 v9, v11;
	_ =	sdelay $0x1  }
0x3f3: {  	[tilespmem:v5+s19+$0x0] =	vst.idx.msk $0xffff, v9  }
0x3f4: {  	v9 =	vld.idx.msk [tilespmem:v13+s17+$0x0], $0xffff;
	_ =	sdelay $0x4  }
0x3f5: {  	v11 =	vshll.u32 v9, $0x10  }
0x3f6: {  	v11 =	vmul.f32 v11, v10;
	_ =	sdelay $0x1  }
0x3f7: {  	v9 =	vadd.f32 v9, v11;
	_ =	sdelay $0x1  }
0x3f8: {  	[tilespmem:v6+s19+$0x0] =	vst.idx.msk $0xffff, v9  }
0x3f9: {  	v9 =	vld.idx.msk [tilespmem:v13+s18+$0x0], $0xffff  }
0x3fa: {  	v11 =	vmul.f32 $1.800000000e+01, v8;
	_ =	sdelay $0x1  }
0x3fb: {  	v12 =	vtrunc.f32 v11  }
0x3fc: {  	v12 =	vcvt.f32.s32 v12  }
0x3fd: {  	v13 =	vshll.u32 v9, $0x10  }
0x3fe: {  	v10 =	vmul.f32 v13, v10;
	v13 =	vadd.s32 $0x4D, v12;
	_ =	sdelay $0x1  }
0x3ff: {  	v9 =	vadd.f32 v9, v10;
	_ =	sdelay $0x1  }
0x400: {  	[tilespmem:v7+s19+$0x0] =	vst.idx.msk $0xffff, v9  }
0x401: {  	v9 =	vld.idx.msk [tilespmem:v13+s12+$0x0], $0xffff;
	_ =	sdelay $0x1  }
0x402: {  	v10 =	vcvt.s32.f32 v12;
	_ =	sdelay $0x1  }
0x403: {  	v10 =	vsub.f32 v11, v10  }
0x404: {  	v11 =	vshll.u32 v9, $0x10  }
0x405: {  	v11 =	vmul.f32 v11, v10;
	_ =	sdelay $0x1  }
0x406: {  	v9 =	vadd.f32 v9, v11  }
0x407: {  	s20 =	simm.s32 $0xCB8  }
0x408: {  	[tilespmem:v0+s20+$0x0] =	vst.idx.msk $0xffff, v9  }
0x409: {  	v9 =	vld.idx.msk [tilespmem:v13+s13+$0x0], $0xffff;
	_ =	sdelay $0x4  }
0x40a: {  	v11 =	vshll.u32 v9, $0x10  }
0x40b: {  	v11 =	vmul.f32 v11, v10;
	_ =	sdelay $0x1  }
0x40c: {  	v9 =	vadd.f32 v9, v11;
	_ =	sdelay $0x1  }
0x40d: {  	[tilespmem:v1+s20+$0x0] =	vst.idx.msk $0xffff, v9  }
0x40e: {  	v9 =	vld.idx.msk [tilespmem:v13+s26+$0x0], $0xffff;
	_ =	sdelay $0x4  }
0x40f: {  	v11 =	vshll.u32 v9, $0x10  }
0x410: {  	v11 =	vmul.f32 v11, v10;
	_ =	sdelay $0x1  }
0x411: {  	v9 =	vadd.f32 v9, v11;
	_ =	sdelay $0x1  }
0x412: {  	[tilespmem:v2+s20+$0x0] =	vst.idx.msk $0xffff, v9  }
0x413: {  	v9 =	vld.idx.msk [tilespmem:v13+s14+$0x0], $0xffff;
	_ =	sdelay $0x4  }
0x414: {  	v11 =	vshll.u32 v9, $0x10  }
0x415: {  	v11 =	vmul.f32 v11, v10;
	_ =	sdelay $0x1  }
0x416: {  	v9 =	vadd.f32 v9, v11;
	_ =	sdelay $0x1  }
0x417: {  	[tilespmem:v3+s20+$0x0] =	vst.idx.msk $0xffff, v9  }
0x418: {  	v9 =	vld.idx.msk [tilespmem:v13+s15+$0x0], $0xffff;
	_ =	sdelay $0x4  }
0x419: {  	v11 =	vshll.u32 v9, $0x10  }
0x41a: {  	v11 =	vmul.f32 v11, v10;
	_ =	sdelay $0x1  }
0x41b: {  	v9 =	vadd.f32 v9, v11;
	_ =	sdelay $0x1  }
0x41c: {  	[tilespmem:v4+s20+$0x0] =	vst.idx.msk $0xffff, v9  }
0x41d: {  	v9 =	vld.idx.msk [tilespmem:v13+s16+$0x0], $0xffff;
	_ =	sdelay $0x4  }
0x41e: {  	v11 =	vshll.u32 v9, $0x10  }
0x41f: {  	v11 =	vmul.f32 v11, v10;
	_ =	sdelay $0x1  }
0x420: {  	v9 =	vadd.f32 v9, v11;
	_ =	sdelay $0x1  }
0x421: {  	[tilespmem:v5+s20+$0x0] =	vst.idx.msk $0xffff, v9  }
0x422: {  	v9 =	vld.idx.msk [tilespmem:v13+s17+$0x0], $0xffff;
	_ =	sdelay $0x4  }
0x423: {  	v11 =	vshll.u32 v9, $0x10  }
0x424: {  	v11 =	vmul.f32 v11, v10;
	_ =	sdelay $0x1  }
0x425: {  	v9 =	vadd.f32 v9, v11;
	_ =	sdelay $0x1  }
0x426: {  	[tilespmem:v6+s20+$0x0] =	vst.idx.msk $0xffff, v9  }
0x427: {  	v9 =	vld.idx.msk [tilespmem:v13+s18+$0x0], $0xffff  }
0x428: {  	v11 =	vmul.f32 $2.000000000e+01, v8;
	_ =	sdelay $0x1  }
0x429: {  	v12 =	vtrunc.f32 v11  }
0x42a: {  	v12 =	vcvt.f32.s32 v12  }
0x42b: {  	v13 =	vshll.u32 v9, $0x10  }
0x42c: {  	v10 =	vmul.f32 v13, v10;
	v13 =	vadd.s32 $0x60, v12;
	_ =	sdelay $0x1  }
0x42d: {  	v9 =	vadd.f32 v9, v10;
	_ =	sdelay $0x1  }
0x42e: {  	[tilespmem:v7+s20+$0x0] =	vst.idx.msk $0xffff, v9  }
0x42f: {  	v9 =	vld.idx.msk [tilespmem:v13+s12+$0x0], $0xffff;
	_ =	sdelay $0x1  }
0x430: {  	v10 =	vcvt.s32.f32 v12;
	_ =	sdelay $0x1  }
0x431: {  	v10 =	vsub.f32 v11, v10  }
0x432: {  	v11 =	vshll.u32 v9, $0x10  }
0x433: {  	v11 =	vmul.f32 v11, v10;
	_ =	sdelay $0x1  }
0x434: {  	v9 =	vadd.f32 v9, v11  }
0x435: {  	s21 =	simm.s32 $0xCC0  }
0x436: {  	[tilespmem:v0+s21+$0x0] =	vst.idx.msk $0xffff, v9  }
0x437: {  	v9 =	vld.idx.msk [tilespmem:v13+s13+$0x0], $0xffff;
	_ =	sdelay $0x4  }
0x438: {  	v11 =	vshll.u32 v9, $0x10  }
0x439: {  	v11 =	vmul.f32 v11, v10;
	_ =	sdelay $0x1  }
0x43a: {  	v9 =	vadd.f32 v9, v11;
	_ =	sdelay $0x1  }
0x43b: {  	[tilespmem:v1+s21+$0x0] =	vst.idx.msk $0xffff, v9  }
0x43c: {  	v9 =	vld.idx.msk [tilespmem:v13+s26+$0x0], $0xffff;
	_ =	sdelay $0x4  }
0x43d: {  	v11 =	vshll.u32 v9, $0x10  }
0x43e: {  	v11 =	vmul.f32 v11, v10;
	_ =	sdelay $0x1  }
0x43f: {  	v9 =	vadd.f32 v9, v11;
	_ =	sdelay $0x1  }
0x440: {  	[tilespmem:v2+s21+$0x0] =	vst.idx.msk $0xffff, v9  }
0x441: {  	v9 =	vld.idx.msk [tilespmem:v13+s14+$0x0], $0xffff;
	_ =	sdelay $0x4  }
0x442: {  	v11 =	vshll.u32 v9, $0x10  }
0x443: {  	v11 =	vmul.f32 v11, v10;
	_ =	sdelay $0x1  }
0x444: {  	v9 =	vadd.f32 v9, v11;
	_ =	sdelay $0x1  }
0x445: {  	[tilespmem:v3+s21+$0x0] =	vst.idx.msk $0xffff, v9  }
0x446: {  	v9 =	vld.idx.msk [tilespmem:v13+s15+$0x0], $0xffff;
	_ =	sdelay $0x4  }
0x447: {  	v11 =	vshll.u32 v9, $0x10  }
0x448: {  	v11 =	vmul.f32 v11, v10;
	_ =	sdelay $0x1  }
0x449: {  	v9 =	vadd.f32 v9, v11;
	_ =	sdelay $0x1  }
0x44a: {  	[tilespmem:v4+s21+$0x0] =	vst.idx.msk $0xffff, v9  }
0x44b: {  	v9 =	vld.idx.msk [tilespmem:v13+s16+$0x0], $0xffff;
	_ =	sdelay $0x4  }
0x44c: {  	v11 =	vshll.u32 v9, $0x10  }
0x44d: {  	v11 =	vmul.f32 v11, v10;
	_ =	sdelay $0x1  }
0x44e: {  	v9 =	vadd.f32 v9, v11;
	_ =	sdelay $0x1  }
0x44f: {  	[tilespmem:v5+s21+$0x0] =	vst.idx.msk $0xffff, v9  }
0x450: {  	v9 =	vld.idx.msk [tilespmem:v13+s17+$0x0], $0xffff;
	_ =	sdelay $0x4  }
0x451: {  	v11 =	vshll.u32 v9, $0x10  }
0x452: {  	v11 =	vmul.f32 v11, v10;
	_ =	sdelay $0x1  }
0x453: {  	v9 =	vadd.f32 v9, v11;
	_ =	sdelay $0x1  }
0x454: {  	[tilespmem:v6+s21+$0x0] =	vst.idx.msk $0xffff, v9  }
0x455: {  	v9 =	vld.idx.msk [tilespmem:v13+s18+$0x0], $0xffff  }
0x456: {  	v11 =	vmul.f32 $2.200000000e+01, v8;
	_ =	sdelay $0x1  }
0x457: {  	v12 =	vtrunc.f32 v11  }
0x458: {  	v12 =	vcvt.f32.s32 v12  }
0x459: {  	v13 =	vshll.u32 v9, $0x10  }
0x45a: {  	v10 =	vmul.f32 v13, v10;
	v13 =	vadd.s32 $0x75, v12;
	_ =	sdelay $0x1  }
0x45b: {  	v9 =	vadd.f32 v9, v10;
	_ =	sdelay $0x1  }
0x45c: {  	[tilespmem:v7+s21+$0x0] =	vst.idx.msk $0xffff, v9  }
0x45d: {  	v9 =	vld.idx.msk [tilespmem:v13+s12+$0x0], $0xffff;
	_ =	sdelay $0x1  }
0x45e: {  	v10 =	vcvt.s32.f32 v12;
	_ =	sdelay $0x1  }
0x45f: {  	v10 =	vsub.f32 v11, v10  }
0x460: {  	v11 =	vshll.u32 v9, $0x10  }
0x461: {  	v11 =	vmul.f32 v11, v10;
	_ =	sdelay $0x1  }
0x462: {  	v9 =	vadd.f32 v9, v11  }
0x463: {  	s22 =	simm.s32 $0xCC8  }
0x464: {  	[tilespmem:v0+s22+$0x0] =	vst.idx.msk $0xffff, v9  }
0x465: {  	v9 =	vld.idx.msk [tilespmem:v13+s13+$0x0], $0xffff;
	_ =	sdelay $0x4  }
0x466: {  	v11 =	vshll.u32 v9, $0x10  }
0x467: {  	v11 =	vmul.f32 v11, v10;
	_ =	sdelay $0x1  }
0x468: {  	v9 =	vadd.f32 v9, v11;
	_ =	sdelay $0x1  }
0x469: {  	[tilespmem:v1+s22+$0x0] =	vst.idx.msk $0xffff, v9  }
0x46a: {  	v9 =	vld.idx.msk [tilespmem:v13+s26+$0x0], $0xffff;
	_ =	sdelay $0x4  }
0x46b: {  	v11 =	vshll.u32 v9, $0x10  }
0x46c: {  	v11 =	vmul.f32 v11, v10;
	_ =	sdelay $0x1  }
0x46d: {  	v9 =	vadd.f32 v9, v11;
	_ =	sdelay $0x1  }
0x46e: {  	[tilespmem:v2+s22+$0x0] =	vst.idx.msk $0xffff, v9  }
0x46f: {  	v9 =	vld.idx.msk [tilespmem:v13+s14+$0x0], $0xffff;
	_ =	sdelay $0x4  }
0x470: {  	v11 =	vshll.u32 v9, $0x10  }
0x471: {  	v11 =	vmul.f32 v11, v10;
	_ =	sdelay $0x1  }
0x472: {  	v9 =	vadd.f32 v9, v11;
	_ =	sdelay $0x1  }
0x473: {  	[tilespmem:v3+s22+$0x0] =	vst.idx.msk $0xffff, v9  }
0x474: {  	v9 =	vld.idx.msk [tilespmem:v13+s15+$0x0], $0xffff;
	_ =	sdelay $0x4  }
0x475: {  	v11 =	vshll.u32 v9, $0x10  }
0x476: {  	v11 =	vmul.f32 v11, v10;
	_ =	sdelay $0x1  }
0x477: {  	v9 =	vadd.f32 v9, v11;
	_ =	sdelay $0x1  }
0x478: {  	[tilespmem:v4+s22+$0x0] =	vst.idx.msk $0xffff, v9  }
0x479: {  	v9 =	vld.idx.msk [tilespmem:v13+s16+$0x0], $0xffff;
	_ =	sdelay $0x4  }
0x47a: {  	v11 =	vshll.u32 v9, $0x10  }
0x47b: {  	v11 =	vmul.f32 v11, v10;
	_ =	sdelay $0x1  }
0x47c: {  	v9 =	vadd.f32 v9, v11;
	_ =	sdelay $0x1  }
0x47d: {  	[tilespmem:v5+s22+$0x0] =	vst.idx.msk $0xffff, v9  }
0x47e: {  	v9 =	vld.idx.msk [tilespmem:v13+s17+$0x0], $0xffff;
	_ =	sdelay $0x4  }
0x47f: {  	v11 =	vshll.u32 v9, $0x10  }
0x480: {  	v11 =	vmul.f32 v11, v10;
	_ =	sdelay $0x1  }
0x481: {  	v9 =	vadd.f32 v9, v11;
	_ =	sdelay $0x1  }
0x482: {  	[tilespmem:v6+s22+$0x0] =	vst.idx.msk $0xffff, v9  }
0x483: {  	v9 =	vld.idx.msk [tilespmem:v13+s18+$0x0], $0xffff  }
0x484: {  	v11 =	vmul.f32 $2.400000000e+01, v8;
	_ =	sdelay $0x1  }
0x485: {  	v12 =	vtrunc.f32 v11  }
0x486: {  	v12 =	vcvt.f32.s32 v12  }
0x487: {  	v13 =	vshll.u32 v9, $0x10  }
0x488: {  	v10 =	vmul.f32 v13, v10;
	v13 =	vadd.s32 $0x8C, v12;
	_ =	sdelay $0x1  }
0x489: {  	v9 =	vadd.f32 v9, v10;
	_ =	sdelay $0x1  }
0x48a: {  	[tilespmem:v7+s22+$0x0] =	vst.idx.msk $0xffff, v9  }
0x48b: {  	v9 =	vld.idx.msk [tilespmem:v13+s12+$0x0], $0xffff;
	_ =	sdelay $0x1  }
0x48c: {  	v10 =	vcvt.s32.f32 v12;
	_ =	sdelay $0x1  }
0x48d: {  	v10 =	vsub.f32 v11, v10  }
0x48e: {  	v11 =	vshll.u32 v9, $0x10  }
0x48f: {  	v11 =	vmul.f32 v11, v10;
	_ =	sdelay $0x1  }
0x490: {  	v9 =	vadd.f32 v9, v11  }
0x491: {  	s23 =	simm.s32 $0xCD0  }
0x492: {  	[tilespmem:v0+s23+$0x0] =	vst.idx.msk $0xffff, v9  }
0x493: {  	v9 =	vld.idx.msk [tilespmem:v13+s13+$0x0], $0xffff;
	_ =	sdelay $0x4  }
0x494: {  	v11 =	vshll.u32 v9, $0x10  }
0x495: {  	v11 =	vmul.f32 v11, v10;
	_ =	sdelay $0x1  }
0x496: {  	v9 =	vadd.f32 v9, v11;
	_ =	sdelay $0x1  }
0x497: {  	[tilespmem:v1+s23+$0x0] =	vst.idx.msk $0xffff, v9  }
0x498: {  	v9 =	vld.idx.msk [tilespmem:v13+s26+$0x0], $0xffff;
	_ =	sdelay $0x4  }
0x499: {  	v11 =	vshll.u32 v9, $0x10  }
0x49a: {  	v11 =	vmul.f32 v11, v10;
	_ =	sdelay $0x1  }
0x49b: {  	v9 =	vadd.f32 v9, v11;
	_ =	sdelay $0x1  }
0x49c: {  	[tilespmem:v2+s23+$0x0] =	vst.idx.msk $0xffff, v9  }
0x49d: {  	v9 =	vld.idx.msk [tilespmem:v13+s14+$0x0], $0xffff;
	_ =	sdelay $0x4  }
0x49e: {  	v11 =	vshll.u32 v9, $0x10  }
0x49f: {  	v11 =	vmul.f32 v11, v10;
	_ =	sdelay $0x1  }
0x4a0: {  	v9 =	vadd.f32 v9, v11;
	_ =	sdelay $0x1  }
0x4a1: {  	[tilespmem:v3+s23+$0x0] =	vst.idx.msk $0xffff, v9  }
0x4a2: {  	v9 =	vld.idx.msk [tilespmem:v13+s15+$0x0], $0xffff;
	_ =	sdelay $0x4  }
0x4a3: {  	v11 =	vshll.u32 v9, $0x10  }
0x4a4: {  	v11 =	vmul.f32 v11, v10;
	_ =	sdelay $0x1  }
0x4a5: {  	v9 =	vadd.f32 v9, v11;
	_ =	sdelay $0x1  }
0x4a6: {  	[tilespmem:v4+s23+$0x0] =	vst.idx.msk $0xffff, v9  }
0x4a7: {  	v9 =	vld.idx.msk [tilespmem:v13+s16+$0x0], $0xffff;
	_ =	sdelay $0x4  }
0x4a8: {  	v11 =	vshll.u32 v9, $0x10  }
0x4a9: {  	v11 =	vmul.f32 v11, v10;
	_ =	sdelay $0x1  }
0x4aa: {  	v9 =	vadd.f32 v9, v11;
	_ =	sdelay $0x1  }
0x4ab: {  	[tilespmem:v5+s23+$0x0] =	vst.idx.msk $0xffff, v9  }
0x4ac: {  	v9 =	vld.idx.msk [tilespmem:v13+s17+$0x0], $0xffff;
	_ =	sdelay $0x4  }
0x4ad: {  	v11 =	vshll.u32 v9, $0x10  }
0x4ae: {  	v11 =	vmul.f32 v11, v10;
	_ =	sdelay $0x1  }
0x4af: {  	v9 =	vadd.f32 v9, v11;
	_ =	sdelay $0x1  }
0x4b0: {  	[tilespmem:v6+s23+$0x0] =	vst.idx.msk $0xffff, v9  }
0x4b1: {  	v9 =	vld.idx.msk [tilespmem:v13+s18+$0x0], $0xffff  }
0x4b2: {  	v11 =	vmul.f32 $2.600000000e+01, v8;
	_ =	sdelay $0x1  }
0x4b3: {  	v12 =	vtrunc.f32 v11  }
0x4b4: {  	v12 =	vcvt.f32.s32 v12  }
0x4b5: {  	v13 =	vshll.u32 v9, $0x10  }
0x4b6: {  	v10 =	vmul.f32 v13, v10;
	v13 =	vadd.s32 $0xA5, v12;
	_ =	sdelay $0x1  }
0x4b7: {  	v9 =	vadd.f32 v9, v10;
	_ =	sdelay $0x1  }
0x4b8: {  	[tilespmem:v7+s23+$0x0] =	vst.idx.msk $0xffff, v9  }
0x4b9: {  	v9 =	vld.idx.msk [tilespmem:v13+s12+$0x0], $0xffff;
	_ =	sdelay $0x1  }
0x4ba: {  	v10 =	vcvt.s32.f32 v12;
	_ =	sdelay $0x1  }
0x4bb: {  	v10 =	vsub.f32 v11, v10  }
0x4bc: {  	v11 =	vshll.u32 v9, $0x10  }
0x4bd: {  	v11 =	vmul.f32 v11, v10;
	_ =	sdelay $0x1  }
0x4be: {  	v9 =	vadd.f32 v9, v11  }
0x4bf: {  	s24 =	simm.s32 $0xCD8  }
0x4c0: {  	[tilespmem:v0+s24+$0x0] =	vst.idx.msk $0xffff, v9  }
0x4c1: {  	v9 =	vld.idx.msk [tilespmem:v13+s13+$0x0], $0xffff;
	_ =	sdelay $0x4  }
0x4c2: {  	v11 =	vshll.u32 v9, $0x10  }
0x4c3: {  	v11 =	vmul.f32 v11, v10;
	_ =	sdelay $0x1  }
0x4c4: {  	v9 =	vadd.f32 v9, v11;
	_ =	sdelay $0x1  }
0x4c5: {  	[tilespmem:v1+s24+$0x0] =	vst.idx.msk $0xffff, v9  }
0x4c6: {  	v9 =	vld.idx.msk [tilespmem:v13+s26+$0x0], $0xffff;
	_ =	sdelay $0x4  }
0x4c7: {  	v11 =	vshll.u32 v9, $0x10  }
0x4c8: {  	v11 =	vmul.f32 v11, v10;
	_ =	sdelay $0x1  }
0x4c9: {  	v9 =	vadd.f32 v9, v11;
	_ =	sdelay $0x1  }
0x4ca: {  	[tilespmem:v2+s24+$0x0] =	vst.idx.msk $0xffff, v9  }
0x4cb: {  	v9 =	vld.idx.msk [tilespmem:v13+s14+$0x0], $0xffff;
	_ =	sdelay $0x4  }
0x4cc: {  	v11 =	vshll.u32 v9, $0x10  }
0x4cd: {  	v11 =	vmul.f32 v11, v10;
	_ =	sdelay $0x1  }
0x4ce: {  	v9 =	vadd.f32 v9, v11;
	_ =	sdelay $0x1  }
0x4cf: {  	[tilespmem:v3+s24+$0x0] =	vst.idx.msk $0xffff, v9  }
0x4d0: {  	v9 =	vld.idx.msk [tilespmem:v13+s15+$0x0], $0xffff;
	_ =	sdelay $0x4  }
0x4d1: {  	v11 =	vshll.u32 v9, $0x10  }
0x4d2: {  	v11 =	vmul.f32 v11, v10;
	_ =	sdelay $0x1  }
0x4d3: {  	v9 =	vadd.f32 v9, v11;
	_ =	sdelay $0x1  }
0x4d4: {  	[tilespmem:v4+s24+$0x0] =	vst.idx.msk $0xffff, v9  }
0x4d5: {  	v9 =	vld.idx.msk [tilespmem:v13+s16+$0x0], $0xffff;
	_ =	sdelay $0x4  }
0x4d6: {  	v11 =	vshll.u32 v9, $0x10  }
0x4d7: {  	v11 =	vmul.f32 v11, v10;
	_ =	sdelay $0x1  }
0x4d8: {  	v9 =	vadd.f32 v9, v11;
	_ =	sdelay $0x1  }
0x4d9: {  	[tilespmem:v5+s24+$0x0] =	vst.idx.msk $0xffff, v9  }
0x4da: {  	v9 =	vld.idx.msk [tilespmem:v13+s17+$0x0], $0xffff;
	_ =	sdelay $0x4  }
0x4db: {  	v11 =	vshll.u32 v9, $0x10  }
0x4dc: {  	v11 =	vmul.f32 v11, v10;
	_ =	sdelay $0x1  }
0x4dd: {  	v9 =	vadd.f32 v9, v11;
	_ =	sdelay $0x1  }
0x4de: {  	[tilespmem:v6+s24+$0x0] =	vst.idx.msk $0xffff, v9  }
0x4df: {  	v9 =	vld.idx.msk [tilespmem:v13+s18+$0x0], $0xffff  }
0x4e0: {  	v11 =	vmul.f32 $2.800000000e+01, v8;
	_ =	sdelay $0x1  }
0x4e1: {  	v12 =	vtrunc.f32 v11  }
0x4e2: {  	v12 =	vcvt.f32.s32 v12  }
0x4e3: {  	v13 =	vshll.u32 v9, $0x10  }
0x4e4: {  	v10 =	vmul.f32 v13, v10;
	v13 =	vadd.s32 $0xC0, v12;
	_ =	sdelay $0x1  }
0x4e5: {  	v9 =	vadd.f32 v9, v10;
	_ =	sdelay $0x1  }
0x4e6: {  	[tilespmem:v7+s24+$0x0] =	vst.idx.msk $0xffff, v9  }
0x4e7: {  	v9 =	vld.idx.msk [tilespmem:v13+s12+$0x0], $0xffff;
	_ =	sdelay $0x1  }
0x4e8: {  	v10 =	vcvt.s32.f32 v12;
	_ =	sdelay $0x1  }
0x4e9: {  	v10 =	vsub.f32 v11, v10  }
0x4ea: {  	v11 =	vshll.u32 v9, $0x10  }
0x4eb: {  	v11 =	vmul.f32 v11, v10;
	_ =	sdelay $0x1  }
0x4ec: {  	v9 =	vadd.f32 v9, v11  }
0x4ed: {  	s25 =	simm.s32 $0xCE0  }
0x4ee: {  	[tilespmem:v0+s25+$0x0] =	vst.idx.msk $0xffff, v9  }
0x4ef: {  	v9 =	vld.idx.msk [tilespmem:v13+s13+$0x0], $0xffff;
	_ =	sdelay $0x4  }
0x4f0: {  	v11 =	vshll.u32 v9, $0x10  }
0x4f1: {  	v11 =	vmul.f32 v11, v10;
	_ =	sdelay $0x1  }
0x4f2: {  	v9 =	vadd.f32 v9, v11;
	_ =	sdelay $0x1  }
0x4f3: {  	[tilespmem:v1+s25+$0x0] =	vst.idx.msk $0xffff, v9  }
0x4f4: {  	v9 =	vld.idx.msk [tilespmem:v13+s26+$0x0], $0xffff;
	_ =	sdelay $0x4  }
0x4f5: {  	v11 =	vshll.u32 v9, $0x10  }
0x4f6: {  	v11 =	vmul.f32 v11, v10;
	_ =	sdelay $0x1  }
0x4f7: {  	v9 =	vadd.f32 v9, v11;
	_ =	sdelay $0x1  }
0x4f8: {  	[tilespmem:v2+s25+$0x0] =	vst.idx.msk $0xffff, v9  }
0x4f9: {  	v9 =	vld.idx.msk [tilespmem:v13+s14+$0x0], $0xffff;
	_ =	sdelay $0x4  }
0x4fa: {  	v11 =	vshll.u32 v9, $0x10  }
0x4fb: {  	v11 =	vmul.f32 v11, v10;
	_ =	sdelay $0x1  }
0x4fc: {  	v9 =	vadd.f32 v9, v11;
	_ =	sdelay $0x1  }
0x4fd: {  	[tilespmem:v3+s25+$0x0] =	vst.idx.msk $0xffff, v9  }
0x4fe: {  	v9 =	vld.idx.msk [tilespmem:v13+s15+$0x0], $0xffff;
	_ =	sdelay $0x4  }
0x4ff: {  	v11 =	vshll.u32 v9, $0x10  }
0x500: {  	v11 =	vmul.f32 v11, v10;
	_ =	sdelay $0x1  }
0x501: {  	v9 =	vadd.f32 v9, v11;
	_ =	sdelay $0x1  }
0x502: {  	[tilespmem:v4+s25+$0x0] =	vst.idx.msk $0xffff, v9  }
0x503: {  	v9 =	vld.idx.msk [tilespmem:v13+s16+$0x0], $0xffff;
	_ =	sdelay $0x4  }
0x504: {  	v11 =	vshll.u32 v9, $0x10  }
0x505: {  	v11 =	vmul.f32 v11, v10;
	_ =	sdelay $0x1  }
0x506: {  	v9 =	vadd.f32 v9, v11;
	_ =	sdelay $0x1  }
0x507: {  	[tilespmem:v5+s25+$0x0] =	vst.idx.msk $0xffff, v9  }
0x508: {  	v9 =	vld.idx.msk [tilespmem:v13+s17+$0x0], $0xffff;
	_ =	sdelay $0x4  }
0x509: {  	v11 =	vshll.u32 v9, $0x10  }
0x50a: {  	v11 =	vmul.f32 v11, v10;
	_ =	sdelay $0x1  }
0x50b: {  	v9 =	vadd.f32 v9, v11;
	_ =	sdelay $0x1  }
0x50c: {  	[tilespmem:v6+s25+$0x0] =	vst.idx.msk $0xffff, v9  }
0x50d: {  	v9 =	vld.idx.msk [tilespmem:v13+s18+$0x0], $0xffff  }
0x50e: {  	v11 =	vmul.f32 $3.000000000e+01, v8;
	_ =	sdelay $0x1  }
0x50f: {  	v12 =	vtrunc.f32 v11  }
0x510: {  	v12 =	vcvt.f32.s32 v12  }
0x511: {  	v13 =	vshll.u32 v9, $0x10  }
0x512: {  	v10 =	vmul.f32 v13, v10;
	v13 =	vadd.s32 $0xDD, v12;
	_ =	sdelay $0x1  }
0x513: {  	v9 =	vadd.f32 v9, v10;
	_ =	sdelay $0x1  }
0x514: {  	[tilespmem:v7+s25+$0x0] =	vst.idx.msk $0xffff, v9  }
0x515: {  	v9 =	vld.idx.msk [tilespmem:v13+s12+$0x0], $0xffff;
	_ =	sdelay $0x1  }
0x516: {  	v10 =	vcvt.s32.f32 v12;
	_ =	sdelay $0x1  }
0x517: {  	v10 =	vsub.f32 v11, v10  }
0x518: {  	v11 =	vshll.u32 v9, $0x10  }
0x519: {  	v11 =	vmul.f32 v11, v10;
	_ =	sdelay $0x1  }
0x51a: {  	v9 =	vadd.f32 v9, v11  }
0x51b: {  	s28 =	simm.s32 $0xCE8  }
0x51c: {  	[tilespmem:v0+s28+$0x0] =	vst.idx.msk $0xffff, v9  }
0x51d: {  	v9 =	vld.idx.msk [tilespmem:v13+s13+$0x0], $0xffff;
	_ =	sdelay $0x4  }
0x51e: {  	v11 =	vshll.u32 v9, $0x10  }
0x51f: {  	v11 =	vmul.f32 v11, v10;
	_ =	sdelay $0x1  }
0x520: {  	v9 =	vadd.f32 v9, v11;
	_ =	sdelay $0x1  }
0x521: {  	[tilespmem:v1+s28+$0x0] =	vst.idx.msk $0xffff, v9  }
0x522: {  	v9 =	vld.idx.msk [tilespmem:v13+s26+$0x0], $0xffff;
	_ =	sdelay $0x4  }
0x523: {  	v11 =	vshll.u32 v9, $0x10  }
0x524: {  	v11 =	vmul.f32 v11, v10;
	_ =	sdelay $0x1  }
0x525: {  	v9 =	vadd.f32 v9, v11;
	_ =	sdelay $0x1  }
0x526: {  	[tilespmem:v2+s28+$0x0] =	vst.idx.msk $0xffff, v9  }
0x527: {  	v9 =	vld.idx.msk [tilespmem:v13+s14+$0x0], $0xffff;
	_ =	sdelay $0x4  }
0x528: {  	v11 =	vshll.u32 v9, $0x10  }
0x529: {  	v11 =	vmul.f32 v11, v10;
	_ =	sdelay $0x1  }
0x52a: {  	v9 =	vadd.f32 v9, v11;
	_ =	sdelay $0x1  }
0x52b: {  	[tilespmem:v3+s28+$0x0] =	vst.idx.msk $0xffff, v9  }
0x52c: {  	v9 =	vld.idx.msk [tilespmem:v13+s15+$0x0], $0xffff;
	_ =	sdelay $0x4  }
0x52d: {  	v11 =	vshll.u32 v9, $0x10  }
0x52e: {  	v11 =	vmul.f32 v11, v10;
	_ =	sdelay $0x1  }
0x52f: {  	v9 =	vadd.f32 v9, v11;
	_ =	sdelay $0x1  }
0x530: {  	[tilespmem:v4+s28+$0x0] =	vst.idx.msk $0xffff, v9  }
0x531: {  	v9 =	vld.idx.msk [tilespmem:v13+s16+$0x0], $0xffff;
	_ =	sdelay $0x4  }
0x532: {  	v11 =	vshll.u32 v9, $0x10  }
0x533: {  	v11 =	vmul.f32 v11, v10;
	_ =	sdelay $0x1  }
0x534: {  	v9 =	vadd.f32 v9, v11;
	_ =	sdelay $0x1  }
0x535: {  	[tilespmem:v5+s28+$0x0] =	vst.idx.msk $0xffff, v9  }
0x536: {  	v9 =	vld.idx.msk [tilespmem:v13+s17+$0x0], $0xffff;
	_ =	sdelay $0x4  }
0x537: {  	v11 =	vshll.u32 v9, $0x10  }
0x538: {  	v11 =	vmul.f32 v11, v10;
	_ =	sdelay $0x1  }
0x539: {  	v9 =	vadd.f32 v9, v11;
	_ =	sdelay $0x1  }
0x53a: {  	[tilespmem:v6+s28+$0x0] =	vst.idx.msk $0xffff, v9  }
0x53b: {  	v9 =	vld.idx.msk [tilespmem:v13+s18+$0x0], $0xffff  }
0x53c: {  	v11 =	vmul.f32 $3.200000000e+01, v8;
	_ =	sdelay $0x1  }
0x53d: {  	v12 =	vtrunc.f32 v11  }
0x53e: {  	v12 =	vcvt.f32.s32 v12  }
0x53f: {  	v13 =	vshll.u32 v9, $0x10  }
0x540: {  	v10 =	vmul.f32 v13, v10;
	v13 =	vadd.s32 $0xFC, v12;
	_ =	sdelay $0x1  }
0x541: {  	v9 =	vadd.f32 v9, v10;
	_ =	sdelay $0x1  }
0x542: {  	[tilespmem:v7+s28+$0x0] =	vst.idx.msk $0xffff, v9  }
0x543: {  	v9 =	vld.idx.msk [tilespmem:v13+s12+$0x0], $0xffff;
	_ =	sdelay $0x1  }
0x544: {  	v10 =	vcvt.s32.f32 v12;
	_ =	sdelay $0x1  }
0x545: {  	v10 =	vsub.f32 v11, v10  }
0x546: {  	v11 =	vshll.u32 v9, $0x10  }
0x547: {  	v11 =	vmul.f32 v11, v10;
	_ =	sdelay $0x1  }
0x548: {  	v9 =	vadd.f32 v9, v11  }
0x549: {  	s29 =	simm.s32 $0xCF0  }
0x54a: {  	[tilespmem:v0+s29+$0x0] =	vst.idx.msk $0xffff, v9  }
0x54b: {  	v9 =	vld.idx.msk [tilespmem:v13+s13+$0x0], $0xffff;
	_ =	sdelay $0x4  }
0x54c: {  	v11 =	vshll.u32 v9, $0x10  }
0x54d: {  	v11 =	vmul.f32 v11, v10;
	_ =	sdelay $0x1  }
0x54e: {  	v9 =	vadd.f32 v9, v11;
	_ =	sdelay $0x1  }
0x54f: {  	[tilespmem:v1+s29+$0x0] =	vst.idx.msk $0xffff, v9  }
0x550: {  	v9 =	vld.idx.msk [tilespmem:v13+s26+$0x0], $0xffff;
	_ =	sdelay $0x4  }
0x551: {  	v11 =	vshll.u32 v9, $0x10  }
0x552: {  	v11 =	vmul.f32 v11, v10;
	_ =	sdelay $0x1  }
0x553: {  	v9 =	vadd.f32 v9, v11;
	_ =	sdelay $0x1  }
0x554: {  	[tilespmem:v2+s29+$0x0] =	vst.idx.msk $0xffff, v9  }
0x555: {  	v9 =	vld.idx.msk [tilespmem:v13+s14+$0x0], $0xffff;
	_ =	sdelay $0x4  }
0x556: {  	v11 =	vshll.u32 v9, $0x10  }
0x557: {  	v11 =	vmul.f32 v11, v10;
	_ =	sdelay $0x1  }
0x558: {  	v9 =	vadd.f32 v9, v11;
	_ =	sdelay $0x1  }
0x559: {  	[tilespmem:v3+s29+$0x0] =	vst.idx.msk $0xffff, v9  }
0x55a: {  	v9 =	vld.idx.msk [tilespmem:v13+s15+$0x0], $0xffff;
	_ =	sdelay $0x4  }
0x55b: {  	v11 =	vshll.u32 v9, $0x10  }
0x55c: {  	v11 =	vmul.f32 v11, v10;
	_ =	sdelay $0x1  }
0x55d: {  	v9 =	vadd.f32 v9, v11;
	_ =	sdelay $0x1  }
0x55e: {  	[tilespmem:v4+s29+$0x0] =	vst.idx.msk $0xffff, v9  }
0x55f: {  	v9 =	vld.idx.msk [tilespmem:v13+s16+$0x0], $0xffff;
	_ =	sdelay $0x4  }
0x560: {  	v11 =	vshll.u32 v9, $0x10  }
0x561: {  	v11 =	vmul.f32 v11, v10;
	_ =	sdelay $0x1  }
0x562: {  	v9 =	vadd.f32 v9, v11;
	_ =	sdelay $0x1  }
0x563: {  	[tilespmem:v5+s29+$0x0] =	vst.idx.msk $0xffff, v9  }
0x564: {  	v9 =	vld.idx.msk [tilespmem:v13+s17+$0x0], $0xffff;
	_ =	sdelay $0x4  }
0x565: {  	v11 =	vshll.u32 v9, $0x10  }
0x566: {  	v11 =	vmul.f32 v11, v10;
	_ =	sdelay $0x1  }
0x567: {  	v9 =	vadd.f32 v9, v11;
	_ =	sdelay $0x1  }
0x568: {  	[tilespmem:v6+s29+$0x0] =	vst.idx.msk $0xffff, v9  }
0x569: {  	v9 =	vld.idx.msk [tilespmem:v13+s18+$0x0], $0xffff  }
0x56a: {  	v8 =	vmul.f32 $3.400000000e+01, v8;
	_ =	sdelay $0x1  }
0x56b: {  	v11 =	vtrunc.f32 v8  }
0x56c: {  	v11 =	vcvt.f32.s32 v11  }
0x56d: {  	v12 =	vshll.u32 v9, $0x10  }
0x56e: {  	v10 =	vmul.f32 v12, v10;
	v12 =	vadd.s32 $0x11D, v11;
	_ =	sdelay $0x1  }
0x56f: {  	v9 =	vadd.f32 v9, v10;
	_ =	sdelay $0x1  }
0x570: {  	[tilespmem:v7+s29+$0x0] =	vst.idx.msk $0xffff, v9  }
0x571: {  	v9 =	vld.idx.msk [tilespmem:v12+s12+$0x0], $0xffff;
	_ =	sdelay $0x1  }
0x572: {  	v10 =	vcvt.s32.f32 v11;
	_ =	sdelay $0x1  }
0x573: {  	v8 =	vsub.f32 v8, v10  }
0x574: {  	v10 =	vshll.u32 v9, $0x10  }
0x575: {  	v10 =	vmul.f32 v10, v8;
	_ =	sdelay $0x1  }
0x576: {  	v9 =	vadd.f32 v9, v10  }
0x577: {  	s30 =	simm.s32 $0xCF8  }
0x578: {  	[tilespmem:v0+s30+$0x0] =	vst.idx.msk $0xffff, v9  }
0x579: {  	v9 =	vld.idx.msk [tilespmem:v12+s13+$0x0], $0xffff;
	_ =	sdelay $0x4  }
0x57a: {  	v10 =	vshll.u32 v9, $0x10  }
0x57b: {  	v10 =	vmul.f32 v10, v8;
	_ =	sdelay $0x1  }
0x57c: {  	v9 =	vadd.f32 v9, v10;
	_ =	sdelay $0x1  }
0x57d: {  	[tilespmem:v1+s30+$0x0] =	vst.idx.msk $0xffff, v9  }
0x57e: {  	v9 =	vld.idx.msk [tilespmem:v12+s26+$0x0], $0xffff;
	_ =	sdelay $0x4  }
0x57f: {  	v10 =	vshll.u32 v9, $0x10  }
0x580: {  	v10 =	vmul.f32 v10, v8;
	_ =	sdelay $0x1  }
0x581: {  	v9 =	vadd.f32 v9, v10;
	_ =	sdelay $0x1  }
0x582: {  	[tilespmem:v2+s30+$0x0] =	vst.idx.msk $0xffff, v9  }
0x583: {  	v9 =	vld.idx.msk [tilespmem:v12+s14+$0x0], $0xffff;
	_ =	sdelay $0x4  }
0x584: {  	v10 =	vshll.u32 v9, $0x10  }
0x585: {  	v10 =	vmul.f32 v10, v8;
	_ =	sdelay $0x1  }
0x586: {  	v9 =	vadd.f32 v9, v10;
	_ =	sdelay $0x1  }
0x587: {  	[tilespmem:v3+s30+$0x0] =	vst.idx.msk $0xffff, v9  }
0x588: {  	v9 =	vld.idx.msk [tilespmem:v12+s15+$0x0], $0xffff;
	_ =	sdelay $0x4  }
0x589: {  	v10 =	vshll.u32 v9, $0x10  }
0x58a: {  	v10 =	vmul.f32 v10, v8;
	_ =	sdelay $0x1  }
0x58b: {  	v9 =	vadd.f32 v9, v10;
	_ =	sdelay $0x1  }
0x58c: {  	[tilespmem:v4+s30+$0x0] =	vst.idx.msk $0xffff, v9  }
0x58d: {  	v9 =	vld.idx.msk [tilespmem:v12+s16+$0x0], $0xffff;
	_ =	sdelay $0x4  }
0x58e: {  	v10 =	vshll.u32 v9, $0x10  }
0x58f: {  	v10 =	vmul.f32 v10, v8;
	_ =	sdelay $0x1  }
0x590: {  	v9 =	vadd.f32 v9, v10;
	_ =	sdelay $0x1  }
0x591: {  	[tilespmem:v5+s30+$0x0] =	vst.idx.msk $0xffff, v9  }
0x592: {  	v9 =	vld.idx.msk [tilespmem:v12+s17+$0x0], $0xffff;
	_ =	sdelay $0x4  }
0x593: {  	v10 =	vshll.u32 v9, $0x10  }
0x594: {  	v10 =	vmul.f32 v10, v8;
	_ =	sdelay $0x1  }
0x595: {  	v9 =	vadd.f32 v9, v10;
	_ =	sdelay $0x1  }
0x596: {  	[tilespmem:v6+s30+$0x0] =	vst.idx.msk $0xffff, v9  }
0x597: {  	v9 =	vld.idx.msk [tilespmem:v12+s18+$0x0], $0xffff;
	_ =	sdelay $0x4  }
0x598: {  	v10 =	vshll.u32 v9, $0x10  }
0x599: {  	v8 =	vmul.f32 v10, v8;
	_ =	sdelay $0x1  }
0x59a: {  	v8 =	vadd.f32 v9, v8;
	_ =	sdelay $0x1  }
0x59b: {  	s31 =	simm.s32 $0xD08;
	[tilespmem:v7+s30+$0x0] =	vst.idx.msk $0xffff, v8  }
0x59c: {  	v8 =	vld [tilespmem:s31+$0x0]  }
0x59d: {  	v9 =	vld [tilespmem:s31+$0x10]  }
0x59e: {  	v10 =	vld [tilespmem:s31+$0x70]  }
0x59f: {  	v12 =	vld [tilespmem:s31+$0x20]  }
0x5a0: {  	v13 =	vld [tilespmem:s31+$0x30]  }
0x5a1: {  	v14 =	vld [tilespmem:s31+$0x40]  }
0x5a2: {  	s0 =	simm.s32 $0x5980;
	v15 =	vld [tilespmem:s31+$0x50]  }
0x5a3: {  	v16 =	vld [tilespmem:s31+$0x60];
	[tilespmem:s0+$0x70] =	vst v10  }
0x5a4: {  	v17 =	vld [tilespmem:s31+$0xFFFFFF88];
	[tilespmem:s0+$0x0] =	vst v8  }
0x5a5: {  	v11 =	vld [tilespmem:s31+$0xFFFFFFA8];
	[tilespmem:s0+$0x10] =	vst v9  }
0x5a6: {  	v10 =	vld [tilespmem:s31+$0xFFFFFF98];
	[tilespmem:s0+$0x20] =	vst v12  }
0x5a7: {  	v12 =	vld [tilespmem:s31+$0xFFFFFFB8];
	[tilespmem:s0+$0x30] =	vst v13  }
0x5a8: {  	v13 =	vld [tilespmem:s31+$0xFFFFFFC8];
	[tilespmem:s0+$0x40] =	vst v14  }
0x5a9: {  	v8 =	vld [tilespmem:s31+$0xFFFFFFD8];
	[tilespmem:s0+$0x50] =	vst v15  }
0x5aa: {  	v9 =	vld [tilespmem:s31+$0xFFFFFFE8];
	[tilespmem:s0+$0x60] =	vst v16  }
0x5ab: {  	s2 =	simm.s32 $0xE18;
	s1 =	simm.s32 $0x0;
	v14 =	vld [tilespmem:s31+$0xFFFFFF78];
	[tilespmem:s0+$0xFFFFFF90] =	vst v17  }
.LBB2_15:
0x5ac: {  	v15 =	vld [tilespmem:s2+$0x0];
	[tilespmem:s0+$0xFFFFFFA0] =	vst v10  }
0x5ad: {  	v16 =	vld [tilespmem:s2+$0x10];
	[tilespmem:s0+$0xFFFFFFB0] =	vst v11  }
0x5ae: {  	s1 =	sadd.s32 $0x2, s1;
	v10 =	vld [tilespmem:s2+$0x70];
	[tilespmem:s0+$0xFFFFFFC0] =	vst v12  }
0x5af: {  	p1 =	slt.u32 s1, $0xE;
	v12 =	vld [tilespmem:s2+$0x20];
	[tilespmem:s0+$0xFFFFFFD0] =	vst v13  }
0x5b0: {  	v13 =	vld [tilespmem:s2+$0x30];
	[tilespmem:s0+$0xFFFFFF80] =	vst v14  }
0x5b1: {  	v14 =	vld [tilespmem:s2+$0x40];
	[tilespmem:s0+$0xFFFFFFE0] =	vst v8  }
0x5b2: {  	v17 =	vld [tilespmem:s2+$0x50];
	[tilespmem:s0+$0xFFFFFFF0] =	vst v9;
	s0 =	sadd.s32 $0x100, s0  }
0x5b3: {  	v18 =	vld [tilespmem:s2+$0x60];
	[tilespmem:s0+$0x70] =	vst v10  }
0x5b4: {  	v19 =	vld [tilespmem:s2+$0xFFFFFF88];
	[tilespmem:s0+$0x0] =	vst v15  }
0x5b5: {  	v10 =	vld [tilespmem:s2+$0xFFFFFF98];
	[tilespmem:s0+$0x10] =	vst v16  }
0x5b6: {  	v11 =	vld [tilespmem:s2+$0xFFFFFFA8];
	[tilespmem:s0+$0x20] =	vst v12  }
.Ltmp11:
0x5b7: {  	v12 =	vld [tilespmem:s2+$0xFFFFFFB8];
	[tilespmem:s0+$0x30] =	vst v13;
	(pc) =	sbr.rel @p1 .LBB2_15-.Ltmp11, $4  }
0x5b8: {  	v13 =	vld [tilespmem:s2+$0xFFFFFFC8];
	[tilespmem:s0+$0x40] =	vst v14  }
0x5b9: {  	v8 =	vld [tilespmem:s2+$0xFFFFFFD8];
	[tilespmem:s0+$0x50] =	vst v17  }
0x5ba: {  	v9 =	vld [tilespmem:s2+$0xFFFFFFE8];
	[tilespmem:s0+$0x60] =	vst v18  }
0x5bb: {  	v14 =	vld [tilespmem:s2+$0xFFFFFF78];
	[tilespmem:s0+$0xFFFFFF90] =	vst v19;
	s2 =	sadd.s32 $0x110, s2  }
0x5bc: {  	[tilespmem:s0+$0xFFFFFFA0] =	vst v10  }
0x5bd: {  	[tilespmem:s0+$0xFFFFFFB0] =	vst v11  }
0x5be: {  	[tilespmem:s0+$0xFFFFFFC0] =	vst v12  }
0x5bf: {  	[tilespmem:s0+$0xFFFFFFD0] =	vst v13  }
0x5c0: {  	[tilespmem:s0+$0xFFFFFFE0] =	vst v8  }
0x5c1: {  	[tilespmem:s0+$0xFFFFFFF0] =	vst v9  }
0x5c2: {  	s1 =	simm.s32 $0x5900;
	[tilespmem:s0+$0xFFFFFF80] =	vst v14  }
.Ltmp12:
0x5c3: {  	s31 =	simm.s32 $0x3;
	s0 =	rddreg [dreg:$0x6];
	(pc) =	sbr.rel .LBB2_17-.Ltmp12, $4  }
0x5c4: {  	[hbm4b:s0+s12] =	stream.linear.scatter [tilespmem:s1], [sflag:$0x3], $0x800, $0x38;
	[tilespmem:$0xE900] =	vst v63  }
0x5c5: {  	_ =	swait.ge [sflag:s31], $0x800  }
0x5c6: {  	[sflag:s31] =	ssyncset.done $0x0  }
0x5c7: {  	s1 =	rddreg [dreg:$0x8];
	[sflag:s31] =	ssyncadd.s32 $0xFFFFF800  }
.LBB2_18:
0x5c8: {  	_ =	sfence.sel $0x180000  }
0x5c9: {  	[bflag:$0x0] =	sbarrier.arrive $0xFFFF  }
0x5ca: {  	_ =	strace $0x90000047  }
0x5cb: {  	s0 =	stileid.u32;
	[bflag:$0x2] =	sbarrier.arrive $0xFFFF  }
0x5cc: {  	p0 =	sne.s32 s0, $0x0;
	s0 =	rddreg [dreg:$0x2]  }
0x5cd: {  	s0 =	sadd.s32 @!p0 $0x100000, s0  }
0x5ce: {  	[sflag:s0] =	ssyncadd.tile.s32 @!p0 $0x1;
	_ =	shalt  }
.Lfunc_end2:
_tile_overlayer_lowered:
.L_overlay_start_2:
0x5cf: {  	(tag) =	ssettag $0x2  }
0x5d0: {  	s0 =	rddreg [dreg:$0x0];
	s2 =	stileid.u32  }
0x5d1: {  	s1 =	rddreg [dreg:$0x1];
	p0 =	sne.s32 s2, $0x0  }
0x5d2: {  	s3 =	rddreg [dreg:$0x2];
	[bflag:$0x3] =	sbarrier.arrive $0xFFFF;
	s2 =	simm.s32 @!p0 $0x1C03  }
0x5d3: {  	[timem:s3], [sflag:s2] =	dma.local @!p0 [hbm:s0], s1  }
0x5d4: {  	s0 =	simm.s32 @!p0 $0x3  }
0x5d5: {  	_ =	swait.ge @!p0 [sflag:s0], s1  }
0x5d6: {  	s1 =	ssub.s32 @!p0 $0x0, s1;
	[sflag:s0] =	ssyncset.done @!p0 $0x0  }
0x5d7: {  	[sflag:s0] =	ssyncadd.s32 @!p0 s1  }
0x5d8: {  	[bflag:$0x3] =	sbarrier.arrive $0xFFFF  }
0x5d9: {  	_ =	shalt  }

</sc_bundles>
